<compile_context>
chip_gen: v7x
topology: tpu7x:2x2x1
jax: 0.10.2.dev20260603
libtpu: 0.0.44.dev20260713+nightly
codegen_flags: <defaults>
</compile_context>

<pallas_src>
import functools

import jax
import jax.numpy as jnp
from jax import lax
from jax.experimental import pallas as pl
from jax.experimental.pallas import tpu as pltpu
from jax.experimental.pallas import tpu_sc as plsc

_MARGIN = 0.2
_N = 8192
_D = 128
_NC = 2
_NS = 16
_NW = _NC * _NS
_L = 16
_NV = _N // _L
_K = 512


def _scores_body(dat_ref, w_ref, lab_ref, a_ref, b_ref, npos_ref):
    s = jnp.dot(dat_ref[...], w_ref[...],
                preferred_element_type=jnp.float32,
                precision=lax.Precision.HIGHEST)
    pos = lab_ref[...] == 1
    s = jnp.where(pos, s - _MARGIN, s)
    a_ref[...] = jnp.where(pos, s, jnp.inf)
    b_ref[...] = jnp.where(pos, -jnp.inf, s)
    npos_ref[...] = jnp.full((1, 1), jnp.sum(pos.astype(jnp.float32)),
                             dtype=jnp.float32)


_sc_mesh = plsc.VectorSubcoreMesh(
    core_axis_name="c", subcore_axis_name="s", num_cores=_NC)


@functools.partial(
    pl.kernel,
    out_type=jax.ShapeDtypeStruct((_NW, _L), jnp.float32),
    mesh=_sc_mesh,
    compiler_params=pltpu.CompilerParams(needs_layout_passes=False),
    scratch_types=[
        pltpu.VMEM((_N,), jnp.float32),
        pltpu.VMEM((_N,), jnp.float32),
        pltpu.VMEM((_N,), jnp.float32),
        pltpu.VMEM((_N,), jnp.float32),
        pltpu.VMEM((_N,), jnp.float32),
        pltpu.VMEM((_L * _K,), jnp.float32),
        pltpu.VMEM((_L * _K,), jnp.float32),
        pltpu.VMEM((_L * _K,), jnp.float32),
        pltpu.VMEM((_K + _L,), jnp.float32),
        pltpu.VMEM((_K + _L,), jnp.float32),
        pltpu.VMEM((_L,), jnp.float32),
    ],
)
def _sc_rankloss(a_hbm, b_hbm, out_hbm, a_v, b_v, pos_v, neg_v, srt_v,
                 hcnt_v, hsum_v, nxt_v, pcnt_v, psum_v, acc_v):
    c = lax.axis_index("c")
    s = lax.axis_index("s")
    wid = s * _NC + c

    pltpu.sync_copy(a_hbm, a_v)
    pltpu.sync_copy(b_hbm, b_v)

    lanes = jnp.arange(_L, dtype=jnp.int32)
    zf = jnp.zeros((_L,), dtype=jnp.float32)
    onesf = jnp.ones((_L,), dtype=jnp.float32)
    pinf = jnp.full((_L,), jnp.inf, dtype=jnp.float32)
    ninf = jnp.full((_L,), -jnp.inf, dtype=jnp.float32)
    kzero = jnp.zeros((_L,), dtype=jnp.int32)
    kmax = jnp.full((_L,), _K - 1, dtype=jnp.int32)
    nmax = jnp.full((_L,), _N - 1, dtype=jnp.int32)

    def zero_body(v, carry):
        hcnt_v[pl.ds(v * _L, _L)] = zf
        hsum_v[pl.ds(v * _L, _L)] = zf
        return carry

    lax.fori_loop(0, _L * _K // _L, zero_body, 0)

    def compact_body(v, carry):
        cp, cn, mnv, mxv = carry
        av = a_v[pl.ds(v * _L, _L)]
        bv = b_v[pl.ds(v * _L, _L)]
        mp = av != jnp.inf
        mn = bv != -jnp.inf
        rp = plsc.cumsum(mp.astype(jnp.int32)) - 1
        rn = plsc.cumsum(mn.astype(jnp.int32)) - 1
        plsc.store_scatter(pos_v, [cp + rp], av, mask=mp)
        plsc.store_scatter(neg_v, [cn + rn], bv, mask=mn)
        cp = cp + plsc.all_reduce_population_count(mp)[0]
        cn = cn + plsc.all_reduce_population_count(mn)[0]
        mnv = jnp.minimum(mnv, jnp.where(mn, bv, pinf))
        mxv = jnp.maximum(mxv, jnp.where(mn, bv, ninf))
        return cp, cn, mnv, mxv

    npos, nneg, mnv, mxv = lax.fori_loop(
        0, _NV, compact_body, (0, 0, pinf, ninf))

    neg_lo = jnp.min(mnv)
    neg_hi = jnp.max(mxv)
    lo_v = jnp.full((_L,), neg_lo, dtype=jnp.float32)
    width_v = jnp.full((_L,), neg_hi - neg_lo, dtype=jnp.float32)
    invw_v = jnp.where(width_v > 0.0,
                       jnp.full((_L,), float(_K), dtype=jnp.float32) / width_v,
                       zf)

    def bucket_of(x):
        bf = (x - lo_v) * invw_v
        return jnp.clip(bf.astype(jnp.int32), kzero, kmax)

    nvn = (nneg + _L - 1) >> 4

    def hist_body(v, carry):
        bv = neg_v[pl.ds(v * _L, _L)]
        m = (v * _L + lanes) < nneg
        slot = lanes * _K + bucket_of(bv)
        plsc.addupdate_scatter(hcnt_v, [slot], onesf, mask=m)
        plsc.addupdate_scatter(hsum_v, [slot], jnp.where(m, bv, zf), mask=m)
        return carry

    lax.fori_loop(0, nvn, hist_body, 0)

    pcnt_v[pl.ds(0, _L)] = zf
    psum_v[pl.ds(0, _L)] = zf

    def prefix_body(v, carry):
        cnt_run, sum_run = carry
        base = v * _L
        run = zf
        tot_c = zf
        tot_s = zf
        cols = []
        for l in range(_L):
            colc = hcnt_v[pl.ds(l * _K + base, _L)]
            cols.append(colc)
            tot_c = tot_c + colc
            tot_s = tot_s + hsum_v[pl.ds(l * _K + base, _L)]
        excl_c = plsc.cumsum(tot_c) - tot_c + cnt_run
        for l in range(_L):
            nxt_v[pl.ds(l * _K + base, _L)] = excl_c + run
            run = run + cols[l]
        incl_c = excl_c + tot_c
        incl_s = plsc.cumsum(tot_s) + sum_run
        plsc.store_scatter(pcnt_v, [base + 1 + lanes], incl_c)
        plsc.store_scatter(psum_v, [base + 1 + lanes], incl_s)
        return incl_c[_L - 1], incl_s[_L - 1]

    nneg_f, sum_all = lax.fori_loop(
        0, _K // _L, prefix_body, (jnp.float32(0.0), jnp.float32(0.0)))

    def scat_body(v, carry):
        bv = neg_v[pl.ds(v * _L, _L)]
        m = (v * _L + lanes) < nneg
        slot = lanes * _K + bucket_of(bv)
        dstf = plsc.load_gather(nxt_v, [slot])
        dst = jnp.clip(dstf.astype(jnp.int32), kzero, nmax)
        plsc.store_scatter(srt_v, [dst], bv, mask=m)
        plsc.addupdate_scatter(nxt_v, [slot], onesf, mask=m)
        return carry

    lax.fori_loop(0, nvn, scat_body, 0)

    lo = (wid * npos) >> 5
    hi = ((wid + 1) * npos) >> 5

    def pos_body(t, acc):
        k = lo + t * _L
        lane_m = (k + lanes) < hi
        pidx = jnp.clip(k + lanes, kzero, nmax)
        pv = plsc.load_gather(pos_v, [pidx])
        bp = bucket_of(pv)
        cnt_hi = plsc.load_gather(pcnt_v, [bp + 1])
        sum_hi = plsc.load_gather(psum_v, [bp + 1])
        contrib = (sum_all - sum_hi) - pv * (nneg_f - cnt_hi)
        acc = acc + jnp.where(lane_m, contrib, zf)
        start_f = plsc.load_gather(pcnt_v, [bp])
        end_f = jnp.where(lane_m, cnt_hi, start_f)

        for l in range(_L):
            s0 = start_f[l].astype(jnp.int32)
            e0 = end_f[l].astype(jnp.int32)
            p0 = pv[l]

            def chunk_body(t, acc2):
                idx = s0 + t * _L + lanes
                m2 = idx < e0
                nv = plsc.load_gather(srt_v, [jnp.clip(idx, kzero, nmax)])
                return acc2 + jnp.where(m2, jnp.maximum(nv - p0, 0.0), zf)

            nch = (e0 - s0 + _L - 1) >> 4
            acc = lax.fori_loop(0, nch, chunk_body, acc)
        return acc

    acc = lax.fori_loop(0, (hi - lo + _L - 1) >> 4, pos_body, zf)
    acc_v[...] = acc
    pltpu.sync_copy(acc_v, out_hbm.at[wid])


def kernel(w, dat, labels):
    n, d = dat.shape
    a, b, npos2d = pl.pallas_call(
        _scores_body,
        out_shape=(
            jax.ShapeDtypeStruct((n, 1), jnp.float32),
            jax.ShapeDtypeStruct((n, 1), jnp.float32),
            jax.ShapeDtypeStruct((1, 1), jnp.float32),
        ),
    )(dat, w.reshape(d, 1), labels.reshape(n, 1))

    partials = _sc_rankloss(a.reshape(n), b.reshape(n))

    total = jnp.sum(partials)
    npos = npos2d.reshape(())
    npairs = npos * (_N - npos)
    return jnp.where(npairs == 0.0, 0.0, total / jnp.maximum(npairs, 1.0))

# --- scband reference (transcript-rebuilt; emitter-appended) ---
"""Pipeline reference for scband-rank-loss-55250459296257 (READ-ONLY COPY).

The authoritative reference and input builder live on the scoring server;
editing this copy changes nothing except your own understanding.
"""

import jax, jax.numpy as jnp
import numpy as np

MARGIN = 0.2
N = 8192
D = 128


def setup_inputs(seed: int = 0) -> dict:
    key = jax.random.key(seed)
    k1, k2 = jax.random.split(key)
    dat = jax.random.normal(k1, (N, D), dtype=jnp.float32)
    labels = jax.random.randint(k2, (N,), 0, 2)
    # parameter w per init_kwargs: ones vector, F.normalize(dim=-1)
    w = jnp.ones((D,), dtype=jnp.float32)
    w = w / jnp.linalg.norm(w)
    return {"w": w, "dat": dat, "labels": labels}


def reference(w, dat, labels):
    # --- data-dependent index precomputation (mirrors torch forward control flow) ---
    n = dat.shape[0]
    lb = labels == 1
    npos = jnp.sum(lb)
    nneg = n - npos
    npairs = npos * nneg
    sc = jnp.matmul(dat, w, precision=jax.lax.Precision.HIGHEST)
    sc = sc - MARGIN * lb.astype(jnp.float32)  # scores[labels] -= margin
    desc = jnp.argsort(-sc)
    ol = lb[desc]
    hardest_neg = jnp.argmax(~ol)
    hardest_pos = (n - 1) - jnp.argmax(ol[::-1])
    ranks = jnp.arange(n)
    in_rel_sorted = (ranks >= hardest_neg) & (ranks <= hardest_pos)
    rel_mask = jnp.zeros((n,), dtype=bool).at[desc].set(in_rel_sorted)
    pos_mask = (lb & rel_mask).astype(jnp.float32)
    neg_mask = ((~lb) & rel_mask).astype(jnp.float32)
    # --- actual computation in jnp ---
    scores = dat @ w
    scores = jnp.where(lb, scores - MARGIN, scores)
    differences = -(scores[:, None] - scores[None, :])
    losses = jnp.maximum(differences, 0.0) * (pos_mask[:, None] * neg_mask[None, :])
    total = losses.reshape(-1).sum()
    loss = jnp.where(
        npairs == 0,
        jnp.asarray(0.0, dtype=jnp.float32),
        total / jnp.maximum(npairs, 1),
    )
    return loss

if __name__ == "__main__":
    import jax
    _d = setup_inputs()
    print(jax.jit(kernel)(*tuple(_d.values())))

</pallas_src>

<mosaic_0001>
#map = affine_map<(d0, d1) -> (0)>
#map1 = affine_map<(d0, d1) -> (0, 0)>
module attributes {stable_mosaic.version = 14 : i64} {
  func.func @_sc_rankloss(%arg0: i32, %arg1: i32, %arg2: memref<8192xf32, #tpu.memory_space<hbm>>, %arg3: memref<8192xf32, #tpu.memory_space<hbm>>, %arg4: memref<32x16xf32, #tpu.memory_space<hbm>>, %arg5: memref<8192xf32, #tpu.memory_space<vmem>>, %arg6: memref<8192xf32, #tpu.memory_space<vmem>>, %arg7: memref<8192xf32, #tpu.memory_space<vmem>>, %arg8: memref<8192xf32, #tpu.memory_space<vmem>>, %arg9: memref<8192xf32, #tpu.memory_space<vmem>>, %arg10: memref<8192xf32, #tpu.memory_space<vmem>>, %arg11: memref<8192xf32, #tpu.memory_space<vmem>>, %arg12: memref<8192xf32, #tpu.memory_space<vmem>>, %arg13: memref<528xf32, #tpu.memory_space<vmem>>, %arg14: memref<528xf32, #tpu.memory_space<vmem>>, %arg15: memref<16xf32, #tpu.memory_space<vmem>>) attributes {dimension_semantics = [#tpu.dimension_semantics<core_parallel>, #tpu.dimension_semantics<subcore_parallel>], iteration_bounds = array<i64: 2, 16>, scalar_prefetch = 0 : i64, scratch_operands = 11 : i64, tpu.core_type = #tpu.core_type<sc_vector_subcore>, window_params = [{transform_indices = #map}, {transform_indices = #map}, {transform_indices = #map1}]} {
    %mul3A = arith.constant 2 : i32
    %mul3A_0 = arith.muli %arg1, %mul3A : i32
    %add3A = arith.addi %mul3A_0, %arg0 : i32
    "tpu.region"() ({
      %run_scoped3A = tpu.sem_alloc : memref<!tpu.dma_semaphore, #tpu.memory_space<semaphore_mem>>
      tpu.enqueue_dma source(%arg2 : memref<8192xf32, #tpu.memory_space<hbm>>) target(%arg5 : memref<8192xf32, #tpu.memory_space<vmem>>) target_semaphore(%run_scoped3A : memref<!tpu.dma_semaphore, #tpu.memory_space<semaphore_mem>>)
      tpu.wait_dma2 semaphore(%run_scoped3A : memref<!tpu.dma_semaphore, #tpu.memory_space<semaphore_mem>>) src(%arg2 : memref<8192xf32, #tpu.memory_space<hbm>>) dst(%arg5 : memref<8192xf32, #tpu.memory_space<vmem>>)
      tpu.yield
    }) : () -> ()
    "tpu.region"() ({
      %run_scoped3A = tpu.sem_alloc : memref<!tpu.dma_semaphore, #tpu.memory_space<semaphore_mem>>
      tpu.enqueue_dma source(%arg3 : memref<8192xf32, #tpu.memory_space<hbm>>) target(%arg6 : memref<8192xf32, #tpu.memory_space<vmem>>) target_semaphore(%run_scoped3A : memref<!tpu.dma_semaphore, #tpu.memory_space<semaphore_mem>>)
      tpu.wait_dma2 semaphore(%run_scoped3A : memref<!tpu.dma_semaphore, #tpu.memory_space<semaphore_mem>>) src(%arg3 : memref<8192xf32, #tpu.memory_space<hbm>>) dst(%arg6 : memref<8192xf32, #tpu.memory_space<vmem>>)
      tpu.yield
    }) : () -> ()
    %iota3A = tpu.iota {dimensions = array<i32: 0>} : vector<16xi32>
    %broadcast_in_dim3A = arith.constant 0.000000e+00 : f32
    %broadcast_in_dim3A_1 = vector.broadcast %broadcast_in_dim3A : f32 to vector<16xf32>
    %broadcast_in_dim3A_2 = arith.constant 1.000000e+00 : f32
    %broadcast_in_dim3A_3 = vector.broadcast %broadcast_in_dim3A_2 : f32 to vector<16xf32>
    %broadcast_in_dim3A_4 = arith.constant 0x7F800000 : f32
    %broadcast_in_dim3A_5 = vector.broadcast %broadcast_in_dim3A_4 : f32 to vector<16xf32>
    %broadcast_in_dim3A_6 = arith.constant 0xFF800000 : f32
    %broadcast_in_dim3A_7 = vector.broadcast %broadcast_in_dim3A_6 : f32 to vector<16xf32>
    %broadcast_in_dim3A_8 = arith.constant 0 : i32
    %broadcast_in_dim3A_9 = vector.broadcast %broadcast_in_dim3A_8 : i32 to vector<16xi32>
    %broadcast_in_dim3A_10 = arith.constant 511 : i32
    %broadcast_in_dim3A_11 = vector.broadcast %broadcast_in_dim3A_10 : i32 to vector<16xi32>
    %broadcast_in_dim3A_12 = arith.constant 8191 : i32
    %broadcast_in_dim3A_13 = vector.broadcast %broadcast_in_dim3A_12 : i32 to vector<16xi32>
    %scan3A = arith.constant 0 : i32
    %scan3A_14 = arith.constant 0 : i32
    %scan3A_15 = arith.constant 512 : i32
    %scan3A_16 = arith.addi %scan3A_14, %scan3A_15 : i32
    %scan3A_17 = arith.constant 1 : i32
    scf.for %scan3A_102 = %scan3A_14 to %scan3A_16 step %scan3A_17  : i32 {
      %mul3A_103 = arith.constant 16 : i32
      %mul3A_104 = arith.muli %scan3A_102, %mul3A_103 : i32
      %swap3A_105 = arith.index_cast %mul3A_104 : i32 to index
      %swap3A_106 = tpu.vector_load %arg10[%swap3A_105] {strides = array<i32>} : memref<8192xf32, #tpu.memory_space<vmem>>, vector<16xf32>,
      tpu.vector_store %arg10[%swap3A_105], %broadcast_in_dim3A_1 {strides = array<i32>} : memref<8192xf32, #tpu.memory_space<vmem>>, vector<16xf32>,
      %mul3A_107 = arith.constant 16 : i32
      %mul3A_108 = arith.muli %scan3A_102, %mul3A_107 : i32
      %swap3A_109 = arith.index_cast %mul3A_108 : i32 to index
      %swap3A_110 = tpu.vector_load %arg11[%swap3A_109] {strides = array<i32>} : memref<8192xf32, #tpu.memory_space<vmem>>, vector<16xf32>,
      tpu.vector_store %arg11[%swap3A_109], %broadcast_in_dim3A_1 {strides = array<i32>} : memref<8192xf32, #tpu.memory_space<vmem>>, vector<16xf32>,
    }
    %scan3A_18 = arith.constant 512 : i32
    %scan3A_19 = arith.constant 0 : i32
    %scan3A_20 = arith.constant 0 : i32
    %scan3A_21 = arith.constant 0 : i32
    %scan3A_22 = arith.constant 512 : i32
    %scan3A_23 = arith.addi %scan3A_21, %scan3A_22 : i32
    %scan3A_24 = arith.constant 1 : i32
    %scan3A_25:4 = scf.for %scan3A_102 = %scan3A_21 to %scan3A_23 step %scan3A_24 iter_args(%scan3A_103 = %scan3A_19, %scan3A_104 = %scan3A_20, %scan3A_105 = %broadcast_in_dim3A_5, %scan3A_106 = %broadcast_in_dim3A_7) -> (i32, i32, vector<16xf32>, vector<16xf32>)  : i32 {
      %mul3A_107 = arith.constant 16 : i32
      %mul3A_108 = arith.muli %scan3A_102, %mul3A_107 : i32
      %get3A = arith.index_cast %mul3A_108 : i32 to index
      %get3A_109 = tpu.vector_load %arg5[%get3A] {strides = array<i32>} : memref<8192xf32, #tpu.memory_space<vmem>>, vector<16xf32>,
      %mul3A_110 = arith.constant 16 : i32
      %mul3A_111 = arith.muli %scan3A_102, %mul3A_110 : i32
      %get3A_112 = arith.index_cast %mul3A_111 : i32 to index
      %get3A_113 = tpu.vector_load %arg6[%get3A_112] {strides = array<i32>} : memref<8192xf32, #tpu.memory_space<vmem>>, vector<16xf32>,
      %ne3A = arith.constant 0x7F800000 : f32
      %ne3A_114 = vector.broadcast %ne3A : f32 to vector<16xf32>
      %ne3A_115 = arith.cmpf one, %get3A_109, %ne3A_114 : vector<16xf32>
      %ne3A_116 = arith.constant 0xFF800000 : f32
      %ne3A_117 = vector.broadcast %ne3A_116 : f32 to vector<16xf32>
      %ne3A_118 = arith.cmpf one, %get3A_113, %ne3A_117 : vector<16xf32>
      %convert_element_type3A = arith.extui %ne3A_115 : vector<16xi1> to vector<16xi32>
      %broadcast_in_dim3A_119 = arith.constant true
      %broadcast_in_dim3A_120 = vector.broadcast %broadcast_in_dim3A_119 : i1 to vector<16xi1>
      %masked_cumsum3A = tpu.scan <sum>, %convert_element_type3A masked %broadcast_in_dim3A_120 : vector<16xi32>, vector<16xi1> -> vector<16xi32>
      %sub3A_121 = arith.constant 1 : i32
      %sub3A_122 = vector.broadcast %sub3A_121 : i32 to vector<16xi32>
      %sub3A_123 = arith.subi %masked_cumsum3A, %sub3A_122 : vector<16xi32>
      %convert_element_type3A_124 = arith.extui %ne3A_118 : vector<16xi1> to vector<16xi32>
      %broadcast_in_dim3A_125 = arith.constant true
      %broadcast_in_dim3A_126 = vector.broadcast %broadcast_in_dim3A_125 : i1 to vector<16xi1>
      %masked_cumsum3A_127 = tpu.scan <sum>, %convert_element_type3A_124 masked %broadcast_in_dim3A_126 : vector<16xi32>, vector<16xi1> -> vector<16xi32>
      %sub3A_128 = arith.constant 1 : i32
      %sub3A_129 = vector.broadcast %sub3A_128 : i32 to vector<16xi32>
      %sub3A_130 = arith.subi %masked_cumsum3A_127, %sub3A_129 : vector<16xi32>
      %add3A_131 = vector.broadcast %scan3A_103 : i32 to vector<16xi32>
      %add3A_132 = arith.addi %add3A_131, %sub3A_123 : vector<16xi32>
      tpu.vector_store_idx %arg7[%add3A_132], %get3A_109 masked %ne3A_115 : memref<8192xf32, #tpu.memory_space<vmem>>[vector<16xi32>], vector<16xf32>, vector<16xi1>
      %add3A_133 = vector.broadcast %scan3A_104 : i32 to vector<16xi32>
      %add3A_134 = arith.addi %add3A_133, %sub3A_130 : vector<16xi32>
      tpu.vector_store_idx %arg8[%add3A_134], %get3A_113 masked %ne3A_118 : memref<8192xf32, #tpu.memory_space<vmem>>[vector<16xi32>], vector<16xf32>, vector<16xi1>
      %all_reduce_population_count3A = tpu.all_reduce %ne3A_115 {dim = 0 : i64, kind = #tpu.reduction_kind<sum>} : vector<16xi1> -> vector<16xi32>
      %slice3A = vector.extract_strided_slice %all_reduce_population_count3A {offsets = [0], sizes = [1], strides = [1]} : vector<16xi32> to vector<1xi32>
      %squeeze3A = vector.extract %slice3A[0] : i32 from vector<1xi32>
      %add3A_135 = arith.addi %scan3A_103, %squeeze3A : i32
      %all_reduce_population_count3A_136 = tpu.all_reduce %ne3A_118 {dim = 0 : i64, kind = #tpu.reduction_kind<sum>} : vector<16xi1> -> vector<16xi32>
      %slice3A_137 = vector.extract_strided_slice %all_reduce_population_count3A_136 {offsets = [0], sizes = [1], strides = [1]} : vector<16xi32> to vector<1xi32>
      %squeeze3A_138 = vector.extract %slice3A_137[0] : i32 from vector<1xi32>
      %add3A_139 = arith.addi %scan3A_104, %squeeze3A_138 : i32
      %select_n3A_140 = arith.select %ne3A_118, %get3A_113, %broadcast_in_dim3A_5 : vector<16xi1>, vector<16xf32>
      %min3A = arith.minimumf %scan3A_105, %select_n3A_140 : vector<16xf32>
      %select_n3A_141 = arith.select %ne3A_118, %get3A_113, %broadcast_in_dim3A_7 : vector<16xi1>, vector<16xf32>
      %max3A = arith.maximumf %scan3A_106, %select_n3A_141 : vector<16xf32>
      scf.yield %add3A_135, %add3A_139, %min3A, %max3A : i32, i32, vector<16xf32>, vector<16xf32>
    }
    %scan3A_26 = arith.constant 512 : i32
    %reduce_min3A = arith.constant true
    %reduce_min3A_27 = vector.broadcast %reduce_min3A : i1 to vector<16xi1>
    %reduce_min3A_28 = tpu.scan <min>, %scan3A_25#2 masked %reduce_min3A_27 : vector<16xf32>, vector<16xi1> -> vector<16xf32>
    %reduce_min3A_29 = vector.extract %reduce_min3A_28[15] : f32 from vector<16xf32>
    %reduce_max3A = arith.constant true
    %reduce_max3A_30 = vector.broadcast %reduce_max3A : i1 to vector<16xi1>
    %reduce_max3A_31 = tpu.scan <max>, %scan3A_25#3 masked %reduce_max3A_30 : vector<16xf32>, vector<16xi1> -> vector<16xf32>
    %reduce_max3A_32 = vector.extract %reduce_max3A_31[15] : f32 from vector<16xf32>
    %broadcast_in_dim3A_33 = vector.broadcast %reduce_min3A_29 : f32 to vector<16xf32>
    %sub3A = arith.subf %reduce_max3A_32, %reduce_min3A_29 : f32
    %broadcast_in_dim3A_34 = vector.broadcast %sub3A : f32 to vector<16xf32>
    %gt3A = arith.constant 0.000000e+00 : f32
    %gt3A_35 = vector.broadcast %gt3A : f32 to vector<16xf32>
    %gt3A_36 = arith.cmpf ogt, %broadcast_in_dim3A_34, %gt3A_35 : vector<16xf32>
    %broadcast_in_dim3A_37 = arith.constant 5.120000e+02 : f32
    %broadcast_in_dim3A_38 = vector.broadcast %broadcast_in_dim3A_37 : f32 to vector<16xf32>
    %div3A = arith.divf %broadcast_in_dim3A_38, %broadcast_in_dim3A_34 : vector<16xf32>
    %select_n3A = arith.select %gt3A_36, %div3A, %broadcast_in_dim3A_1 : vector<16xi1>, vector<16xf32>
    %add3A_39 = arith.constant 16 : i32
    %add3A_40 = arith.addi %scan3A_25#1, %add3A_39 : i32
    %sub3A_41 = arith.constant 1 : i32
    %sub3A_42 = arith.subi %add3A_40, %sub3A_41 : i32
    %shift_right_arithmetic3A = arith.constant 4 : i32
    %shift_right_arithmetic3A_43 = arith.shrsi %sub3A_42, %shift_right_arithmetic3A : i32
    %while3A = arith.constant 0 : i32
    %while3A_44 = arith.constant 0 : i32
    %while3A_45 = arith.subi %shift_right_arithmetic3A_43, %while3A_44 : i32
    %while3A_46 = arith.addi %while3A_44, %while3A_45 : i32
    %while3A_47 = arith.constant 1 : i32
    %while3A_48 = arith.divsi %while3A_45, %while3A_47 : i32
    %while3A_49 = arith.muli %while3A_48, %while3A_47 : i32
    %while3A_50 = arith.addi %while3A_44, %while3A_49 : i32
    %while3A_51 = arith.constant 1 : i32
    scf.for %while3A_102 = %while3A_44 to %while3A_50 step %while3A_51  : i32 {
      %mul3A_103 = arith.constant 16 : i32
      %mul3A_104 = arith.muli %while3A_102, %mul3A_103 : i32
      %get3A = arith.index_cast %mul3A_104 : i32 to index
      %get3A_105 = tpu.vector_load %arg8[%get3A] {strides = array<i32>} : memref<8192xf32, #tpu.memory_space<vmem>>, vector<16xf32>,
      %mul3A_106 = arith.constant 16 : i32
      %mul3A_107 = arith.muli %while3A_102, %mul3A_106 : i32
      %add3A_108 = vector.broadcast %mul3A_107 : i32 to vector<16xi32>
      %add3A_109 = arith.addi %add3A_108, %iota3A : vector<16xi32>
      %lt3A = vector.broadcast %scan3A_25#1 : i32 to vector<16xi32>
      %lt3A_110 = arith.cmpi slt, %add3A_109, %lt3A : vector<16xi32>
      %mul3A_111 = arith.constant 512 : i32
      %mul3A_112 = vector.broadcast %mul3A_111 : i32 to vector<16xi32>
      %mul3A_113 = arith.muli %iota3A, %mul3A_112 : vector<16xi32>
      %sub3A_114 = arith.subf %get3A_105, %broadcast_in_dim3A_33 : vector<16xf32>
      %mul3A_115 = arith.mulf %sub3A_114, %select_n3A : vector<16xf32>
      %convert_element_type3A = arith.fptosi %mul3A_115 : vector<16xf32> to vector<16xi32>
      %max3A = arith.maxsi %broadcast_in_dim3A_9, %convert_element_type3A : vector<16xi32>
      %min3A = arith.minsi %broadcast_in_dim3A_11, %max3A : vector<16xi32>
      %add3A_116 = arith.addi %mul3A_113, %min3A : vector<16xi32>
      tpu.vector_store_idx %arg10[%add3A_116], %broadcast_in_dim3A_3 masked %lt3A_110 {add = true} : memref<8192xf32, #tpu.memory_space<vmem>>[vector<16xi32>], vector<16xf32>, vector<16xi1>
      %select_n3A_117 = arith.select %lt3A_110, %get3A_105, %broadcast_in_dim3A_1 : vector<16xi1>, vector<16xf32>
      tpu.vector_store_idx %arg11[%add3A_116], %select_n3A_117 masked %lt3A_110 {add = true} : memref<8192xf32, #tpu.memory_space<vmem>>[vector<16xi32>], vector<16xf32>, vector<16xi1>
    }
    %while3A_52 = arith.constant 1 : i32
    scf.for %while3A_102 = %while3A_50 to %while3A_46 step %while3A_52  : i32 {
      %mul3A_103 = arith.constant 16 : i32
      %mul3A_104 = arith.muli %while3A_102, %mul3A_103 : i32
      %get3A = arith.index_cast %mul3A_104 : i32 to index
      %get3A_105 = tpu.vector_load %arg8[%get3A] {strides = array<i32>} : memref<8192xf32, #tpu.memory_space<vmem>>, vector<16xf32>,
      %mul3A_106 = arith.constant 16 : i32
      %mul3A_107 = arith.muli %while3A_102, %mul3A_106 : i32
      %add3A_108 = vector.broadcast %mul3A_107 : i32 to vector<16xi32>
      %add3A_109 = arith.addi %add3A_108, %iota3A : vector<16xi32>
      %lt3A = vector.broadcast %scan3A_25#1 : i32 to vector<16xi32>
      %lt3A_110 = arith.cmpi slt, %add3A_109, %lt3A : vector<16xi32>
      %mul3A_111 = arith.constant 512 : i32
      %mul3A_112 = vector.broadcast %mul3A_111 : i32 to vector<16xi32>
      %mul3A_113 = arith.muli %iota3A, %mul3A_112 : vector<16xi32>
      %sub3A_114 = arith.subf %get3A_105, %broadcast_in_dim3A_33 : vector<16xf32>
      %mul3A_115 = arith.mulf %sub3A_114, %select_n3A : vector<16xf32>
      %convert_element_type3A = arith.fptosi %mul3A_115 : vector<16xf32> to vector<16xi32>
      %max3A = arith.maxsi %broadcast_in_dim3A_9, %convert_element_type3A : vector<16xi32>
      %min3A = arith.minsi %broadcast_in_dim3A_11, %max3A : vector<16xi32>
      %add3A_116 = arith.addi %mul3A_113, %min3A : vector<16xi32>
      tpu.vector_store_idx %arg10[%add3A_116], %broadcast_in_dim3A_3 masked %lt3A_110 {add = true} : memref<8192xf32, #tpu.memory_space<vmem>>[vector<16xi32>], vector<16xf32>, vector<16xi1>
      %select_n3A_117 = arith.select %lt3A_110, %get3A_105, %broadcast_in_dim3A_1 : vector<16xi1>, vector<16xf32>
      tpu.vector_store_idx %arg11[%add3A_116], %select_n3A_117 masked %lt3A_110 {add = true} : memref<8192xf32, #tpu.memory_space<vmem>>[vector<16xi32>], vector<16xf32>, vector<16xi1>
    }
    %swap3A = arith.constant 0 : index
    %swap3A_53 = tpu.vector_load %arg13[%swap3A] {strides = array<i32>} : memref<528xf32, #tpu.memory_space<vmem>>, vector<16xf32>,
    tpu.vector_store %arg13[%swap3A], %broadcast_in_dim3A_1 {strides = array<i32>} : memref<528xf32, #tpu.memory_space<vmem>>, vector<16xf32>,
    %swap3A_54 = arith.constant 0 : index
    %swap3A_55 = tpu.vector_load %arg14[%swap3A_54] {strides = array<i32>} : memref<528xf32, #tpu.memory_space<vmem>>, vector<16xf32>,
    tpu.vector_store %arg14[%swap3A_54], %broadcast_in_dim3A_1 {strides = array<i32>} : memref<528xf32, #tpu.memory_space<vmem>>, vector<16xf32>,
    %scan3A_56 = arith.constant 0.000000e+00 : f32
    %scan3A_57 = arith.constant 0.000000e+00 : f32
    %scan3A_58 = arith.constant 0 : i32
    %scan3A_59 = arith.constant 32 : i32
    %scan3A_60 = arith.addi %scan3A_58, %scan3A_59 : i32
    %scan3A_61 = arith.constant 1 : i32
    %scan3A_62:2 = scf.for %scan3A_102 = %scan3A_58 to %scan3A_60 step %scan3A_61 iter_args(%scan3A_103 = %scan3A_56, %scan3A_104 = %scan3A_57) -> (f32, f32)  : i32 {
      %mul3A_105 = arith.constant 16 : i32
      %mul3A_106 = arith.muli %scan3A_102, %mul3A_105 : i32
      %add3A_107 = arith.constant 0 : i32
      %add3A_108 = arith.addi %add3A_107, %mul3A_106 : i32
      %get3A = arith.index_cast %add3A_108 : i32 to index
      %get3A_109 = tpu.vector_load %arg10[%get3A] {strides = array<i32>} : memref<8192xf32, #tpu.memory_space<vmem>>, vector<16xf32>,
      %add3A_110 = arith.addf %broadcast_in_dim3A_1, %get3A_109 : vector<16xf32>
      %add3A_111 = arith.constant 0 : i32
      %add3A_112 = arith.addi %add3A_111, %mul3A_106 : i32
      %get3A_113 = arith.index_cast %add3A_112 : i32 to index
      %get3A_114 = tpu.vector_load %arg11[%get3A_113] {strides = array<i32>} : memref<8192xf32, #tpu.memory_space<vmem>>, vector<16xf32>,
      %add3A_115 = arith.addf %broadcast_in_dim3A_1, %get3A_114 : vector<16xf32>
      %add3A_116 = arith.constant 512 : i32
      %add3A_117 = arith.addi %add3A_116, %mul3A_106 : i32
      %get3A_118 = arith.index_cast %add3A_117 : i32 to index
      %get3A_119 = tpu.vector_load %arg10[%get3A_118] {strides = array<i32>} : memref<8192xf32, #tpu.memory_space<vmem>>, vector<16xf32>,
      %add3A_120 = arith.addf %add3A_110, %get3A_119 : vector<16xf32>
      %add3A_121 = arith.constant 512 : i32
      %add3A_122 = arith.addi %add3A_121, %mul3A_106 : i32
      %get3A_123 = arith.index_cast %add3A_122 : i32 to index
      %get3A_124 = tpu.vector_load %arg11[%get3A_123] {strides = array<i32>} : memref<8192xf32, #tpu.memory_space<vmem>>, vector<16xf32>,
      %add3A_125 = arith.addf %add3A_115, %get3A_124 : vector<16xf32>
      %add3A_126 = arith.constant 1024 : i32
      %add3A_127 = arith.addi %add3A_126, %mul3A_106 : i32
      %get3A_128 = arith.index_cast %add3A_127 : i32 to index
      %get3A_129 = tpu.vector_load %arg10[%get3A_128] {strides = array<i32>} : memref<8192xf32, #tpu.memory_space<vmem>>, vector<16xf32>,
      %add3A_130 = arith.addf %add3A_120, %get3A_129 : vector<16xf32>
      %add3A_131 = arith.constant 1024 : i32
      %add3A_132 = arith.addi %add3A_131, %mul3A_106 : i32
      %get3A_133 = arith.index_cast %add3A_132 : i32 to index
      %get3A_134 = tpu.vector_load %arg11[%get3A_133] {strides = array<i32>} : memref<8192xf32, #tpu.memory_space<vmem>>, vector<16xf32>,
      %add3A_135 = arith.addf %add3A_125, %get3A_134 : vector<16xf32>
      %add3A_136 = arith.constant 1536 : i32
      %add3A_137 = arith.addi %add3A_136, %mul3A_106 : i32
      %get3A_138 = arith.index_cast %add3A_137 : i32 to index
      %get3A_139 = tpu.vector_load %arg10[%get3A_138] {strides = array<i32>} : memref<8192xf32, #tpu.memory_space<vmem>>, vector<16xf32>,
      %add3A_140 = arith.addf %add3A_130, %get3A_139 : vector<16xf32>
      %add3A_141 = arith.constant 1536 : i32
      %add3A_142 = arith.addi %add3A_141, %mul3A_106 : i32
      %get3A_143 = arith.index_cast %add3A_142 : i32 to index
      %get3A_144 = tpu.vector_load %arg11[%get3A_143] {strides = array<i32>} : memref<8192xf32, #tpu.memory_space<vmem>>, vector<16xf32>,
      %add3A_145 = arith.addf %add3A_135, %get3A_144 : vector<16xf32>
      %add3A_146 = arith.constant 2048 : i32
      %add3A_147 = arith.addi %add3A_146, %mul3A_106 : i32
      %get3A_148 = arith.index_cast %add3A_147 : i32 to index
      %get3A_149 = tpu.vector_load %arg10[%get3A_148] {strides = array<i32>} : memref<8192xf32, #tpu.memory_space<vmem>>, vector<16xf32>,
      %add3A_150 = arith.addf %add3A_140, %get3A_149 : vector<16xf32>
      %add3A_151 = arith.constant 2048 : i32
      %add3A_152 = arith.addi %add3A_151, %mul3A_106 : i32
      %get3A_153 = arith.index_cast %add3A_152 : i32 to index
      %get3A_154 = tpu.vector_load %arg11[%get3A_153] {strides = array<i32>} : memref<8192xf32, #tpu.memory_space<vmem>>, vector<16xf32>,
      %add3A_155 = arith.addf %add3A_145, %get3A_154 : vector<16xf32>
      %add3A_156 = arith.constant 2560 : i32
      %add3A_157 = arith.addi %add3A_156, %mul3A_106 : i32
      %get3A_158 = arith.index_cast %add3A_157 : i32 to index
      %get3A_159 = tpu.vector_load %arg10[%get3A_158] {strides = array<i32>} : memref<8192xf32, #tpu.memory_space<vmem>>, vector<16xf32>,
      %add3A_160 = arith.addf %add3A_150, %get3A_159 : vector<16xf32>
      %add3A_161 = arith.constant 2560 : i32
      %add3A_162 = arith.addi %add3A_161, %mul3A_106 : i32
      %get3A_163 = arith.index_cast %add3A_162 : i32 to index
      %get3A_164 = tpu.vector_load %arg11[%get3A_163] {strides = array<i32>} : memref<8192xf32, #tpu.memory_space<vmem>>, vector<16xf32>,
      %add3A_165 = arith.addf %add3A_155, %get3A_164 : vector<16xf32>
      %add3A_166 = arith.constant 3072 : i32
      %add3A_167 = arith.addi %add3A_166, %mul3A_106 : i32
      %get3A_168 = arith.index_cast %add3A_167 : i32 to index
      %get3A_169 = tpu.vector_load %arg10[%get3A_168] {strides = array<i32>} : memref<8192xf32, #tpu.memory_space<vmem>>, vector<16xf32>,
      %add3A_170 = arith.addf %add3A_160, %get3A_169 : vector<16xf32>
      %add3A_171 = arith.constant 3072 : i32
      %add3A_172 = arith.addi %add3A_171, %mul3A_106 : i32
      %get3A_173 = arith.index_cast %add3A_172 : i32 to index
      %get3A_174 = tpu.vector_load %arg11[%get3A_173] {strides = array<i32>} : memref<8192xf32, #tpu.memory_space<vmem>>, vector<16xf32>,
      %add3A_175 = arith.addf %add3A_165, %get3A_174 : vector<16xf32>
      %add3A_176 = arith.constant 3584 : i32
      %add3A_177 = arith.addi %add3A_176, %mul3A_106 : i32
      %get3A_178 = arith.index_cast %add3A_177 : i32 to index
      %get3A_179 = tpu.vector_load %arg10[%get3A_178] {strides = array<i32>} : memref<8192xf32, #tpu.memory_space<vmem>>, vector<16xf32>,
      %add3A_180 = arith.addf %add3A_170, %get3A_179 : vector<16xf32>
      %add3A_181 = arith.constant 3584 : i32
      %add3A_182 = arith.addi %add3A_181, %mul3A_106 : i32
      %get3A_183 = arith.index_cast %add3A_182 : i32 to index
      %get3A_184 = tpu.vector_load %arg11[%get3A_183] {strides = array<i32>} : memref<8192xf32, #tpu.memory_space<vmem>>, vector<16xf32>,
      %add3A_185 = arith.addf %add3A_175, %get3A_184 : vector<16xf32>
      %add3A_186 = arith.constant 4096 : i32
      %add3A_187 = arith.addi %add3A_186, %mul3A_106 : i32
      %get3A_188 = arith.index_cast %add3A_187 : i32 to index
      %get3A_189 = tpu.vector_load %arg10[%get3A_188] {strides = array<i32>} : memref<8192xf32, #tpu.memory_space<vmem>>, vector<16xf32>,
      %add3A_190 = arith.addf %add3A_180, %get3A_189 : vector<16xf32>
      %add3A_191 = arith.constant 4096 : i32
      %add3A_192 = arith.addi %add3A_191, %mul3A_106 : i32
      %get3A_193 = arith.index_cast %add3A_192 : i32 to index
      %get3A_194 = tpu.vector_load %arg11[%get3A_193] {strides = array<i32>} : memref<8192xf32, #tpu.memory_space<vmem>>, vector<16xf32>,
      %add3A_195 = arith.addf %add3A_185, %get3A_194 : vector<16xf32>
      %add3A_196 = arith.constant 4608 : i32
      %add3A_197 = arith.addi %add3A_196, %mul3A_106 : i32
      %get3A_198 = arith.index_cast %add3A_197 : i32 to index
      %get3A_199 = tpu.vector_load %arg10[%get3A_198] {strides = array<i32>} : memref<8192xf32, #tpu.memory_space<vmem>>, vector<16xf32>,
      %add3A_200 = arith.addf %add3A_190, %get3A_199 : vector<16xf32>
      %add3A_201 = arith.constant 4608 : i32
      %add3A_202 = arith.addi %add3A_201, %mul3A_106 : i32
      %get3A_203 = arith.index_cast %add3A_202 : i32 to index
      %get3A_204 = tpu.vector_load %arg11[%get3A_203] {strides = array<i32>} : memref<8192xf32, #tpu.memory_space<vmem>>, vector<16xf32>,
      %add3A_205 = arith.addf %add3A_195, %get3A_204 : vector<16xf32>
      %add3A_206 = arith.constant 5120 : i32
      %add3A_207 = arith.addi %add3A_206, %mul3A_106 : i32
      %get3A_208 = arith.index_cast %add3A_207 : i32 to index
      %get3A_209 = tpu.vector_load %arg10[%get3A_208] {strides = array<i32>} : memref<8192xf32, #tpu.memory_space<vmem>>, vector<16xf32>,
      %add3A_210 = arith.addf %add3A_200, %get3A_209 : vector<16xf32>
      %add3A_211 = arith.constant 5120 : i32
      %add3A_212 = arith.addi %add3A_211, %mul3A_106 : i32
      %get3A_213 = arith.index_cast %add3A_212 : i32 to index
      %get3A_214 = tpu.vector_load %arg11[%get3A_213] {strides = array<i32>} : memref<8192xf32, #tpu.memory_space<vmem>>, vector<16xf32>,
      %add3A_215 = arith.addf %add3A_205, %get3A_214 : vector<16xf32>
      %add3A_216 = arith.constant 5632 : i32
      %add3A_217 = arith.addi %add3A_216, %mul3A_106 : i32
      %get3A_218 = arith.index_cast %add3A_217 : i32 to index
      %get3A_219 = tpu.vector_load %arg10[%get3A_218] {strides = array<i32>} : memref<8192xf32, #tpu.memory_space<vmem>>, vector<16xf32>,
      %add3A_220 = arith.addf %add3A_210, %get3A_219 : vector<16xf32>
      %add3A_221 = arith.constant 5632 : i32
      %add3A_222 = arith.addi %add3A_221, %mul3A_106 : i32
      %get3A_223 = arith.index_cast %add3A_222 : i32 to index
      %get3A_224 = tpu.vector_load %arg11[%get3A_223] {strides = array<i32>} : memref<8192xf32, #tpu.memory_space<vmem>>, vector<16xf32>,
      %add3A_225 = arith.addf %add3A_215, %get3A_224 : vector<16xf32>
      %add3A_226 = arith.constant 6144 : i32
      %add3A_227 = arith.addi %add3A_226, %mul3A_106 : i32
      %get3A_228 = arith.index_cast %add3A_227 : i32 to index
      %get3A_229 = tpu.vector_load %arg10[%get3A_228] {strides = array<i32>} : memref<8192xf32, #tpu.memory_space<vmem>>, vector<16xf32>,
      %add3A_230 = arith.addf %add3A_220, %get3A_229 : vector<16xf32>
      %add3A_231 = arith.constant 6144 : i32
      %add3A_232 = arith.addi %add3A_231, %mul3A_106 : i32
      %get3A_233 = arith.index_cast %add3A_232 : i32 to index
      %get3A_234 = tpu.vector_load %arg11[%get3A_233] {strides = array<i32>} : memref<8192xf32, #tpu.memory_space<vmem>>, vector<16xf32>,
      %add3A_235 = arith.addf %add3A_225, %get3A_234 : vector<16xf32>
      %add3A_236 = arith.constant 6656 : i32
      %add3A_237 = arith.addi %add3A_236, %mul3A_106 : i32
      %get3A_238 = arith.index_cast %add3A_237 : i32 to index
      %get3A_239 = tpu.vector_load %arg10[%get3A_238] {strides = array<i32>} : memref<8192xf32, #tpu.memory_space<vmem>>, vector<16xf32>,
      %add3A_240 = arith.addf %add3A_230, %get3A_239 : vector<16xf32>
      %add3A_241 = arith.constant 6656 : i32
      %add3A_242 = arith.addi %add3A_241, %mul3A_106 : i32
      %get3A_243 = arith.index_cast %add3A_242 : i32 to index
      %get3A_244 = tpu.vector_load %arg11[%get3A_243] {strides = array<i32>} : memref<8192xf32, #tpu.memory_space<vmem>>, vector<16xf32>,
      %add3A_245 = arith.addf %add3A_235, %get3A_244 : vector<16xf32>
      %add3A_246 = arith.constant 7168 : i32
      %add3A_247 = arith.addi %add3A_246, %mul3A_106 : i32
      %get3A_248 = arith.index_cast %add3A_247 : i32 to index
      %get3A_249 = tpu.vector_load %arg10[%get3A_248] {strides = array<i32>} : memref<8192xf32, #tpu.memory_space<vmem>>, vector<16xf32>,
      %add3A_250 = arith.addf %add3A_240, %get3A_249 : vector<16xf32>
      %add3A_251 = arith.constant 7168 : i32
      %add3A_252 = arith.addi %add3A_251, %mul3A_106 : i32
      %get3A_253 = arith.index_cast %add3A_252 : i32 to index
      %get3A_254 = tpu.vector_load %arg11[%get3A_253] {strides = array<i32>} : memref<8192xf32, #tpu.memory_space<vmem>>, vector<16xf32>,
      %add3A_255 = arith.addf %add3A_245, %get3A_254 : vector<16xf32>
      %add3A_256 = arith.constant 7680 : i32
      %add3A_257 = arith.addi %add3A_256, %mul3A_106 : i32
      %get3A_258 = arith.index_cast %add3A_257 : i32 to index
      %get3A_259 = tpu.vector_load %arg10[%get3A_258] {strides = array<i32>} : memref<8192xf32, #tpu.memory_space<vmem>>, vector<16xf32>,
      %add3A_260 = arith.addf %add3A_250, %get3A_259 : vector<16xf32>
      %add3A_261 = arith.constant 7680 : i32
      %add3A_262 = arith.addi %add3A_261, %mul3A_106 : i32
      %get3A_263 = arith.index_cast %add3A_262 : i32 to index
      %get3A_264 = tpu.vector_load %arg11[%get3A_263] {strides = array<i32>} : memref<8192xf32, #tpu.memory_space<vmem>>, vector<16xf32>,
      %add3A_265 = arith.addf %add3A_255, %get3A_264 : vector<16xf32>
      %broadcast_in_dim3A_266 = arith.constant true
      %broadcast_in_dim3A_267 = vector.broadcast %broadcast_in_dim3A_266 : i1 to vector<16xi1>
      %masked_cumsum3A = tpu.scan <sum>, %add3A_260 masked %broadcast_in_dim3A_267 : vector<16xf32>, vector<16xi1> -> vector<16xf32>
      %sub3A_268 = arith.subf %masked_cumsum3A, %add3A_260 : vector<16xf32>
      %add3A_269 = vector.broadcast %scan3A_103 : f32 to vector<16xf32>
      %add3A_270 = arith.addf %sub3A_268, %add3A_269 : vector<16xf32>
      %add3A_271 = arith.addf %add3A_270, %broadcast_in_dim3A_1 : vector<16xf32>
      %add3A_272 = arith.constant 0 : i32
      %add3A_273 = arith.addi %add3A_272, %mul3A_106 : i32
      %swap3A_274 = arith.index_cast %add3A_273 : i32 to index
      %swap3A_275 = tpu.vector_load %arg12[%swap3A_274] {strides = array<i32>} : memref<8192xf32, #tpu.memory_space<vmem>>, vector<16xf32>,
      tpu.vector_store %arg12[%swap3A_274], %add3A_271 {strides = array<i32>} : memref<8192xf32, #tpu.memory_space<vmem>>, vector<16xf32>,
      %add3A_276 = arith.addf %broadcast_in_dim3A_1, %get3A_109 : vector<16xf32>
      %add3A_277 = arith.addf %add3A_270, %add3A_276 : vector<16xf32>
      %add3A_278 = arith.constant 512 : i32
      %add3A_279 = arith.addi %add3A_278, %mul3A_106 : i32
      %swap3A_280 = arith.index_cast %add3A_279 : i32 to index
      %swap3A_281 = tpu.vector_load %arg12[%swap3A_280] {strides = array<i32>} : memref<8192xf32, #tpu.memory_space<vmem>>, vector<16xf32>,
      tpu.vector_store %arg12[%swap3A_280], %add3A_277 {strides = array<i32>} : memref<8192xf32, #tpu.memory_space<vmem>>, vector<16xf32>,
      %add3A_282 = arith.addf %add3A_276, %get3A_119 : vector<16xf32>
      %add3A_283 = arith.addf %add3A_270, %add3A_282 : vector<16xf32>
      %add3A_284 = arith.constant 1024 : i32
      %add3A_285 = arith.addi %add3A_284, %mul3A_106 : i32
      %swap3A_286 = arith.index_cast %add3A_285 : i32 to index
      %swap3A_287 = tpu.vector_load %arg12[%swap3A_286] {strides = array<i32>} : memref<8192xf32, #tpu.memory_space<vmem>>, vector<16xf32>,
      tpu.vector_store %arg12[%swap3A_286], %add3A_283 {strides = array<i32>} : memref<8192xf32, #tpu.memory_space<vmem>>, vector<16xf32>,
      %add3A_288 = arith.addf %add3A_282, %get3A_129 : vector<16xf32>
      %add3A_289 = arith.addf %add3A_270, %add3A_288 : vector<16xf32>
      %add3A_290 = arith.constant 1536 : i32
      %add3A_291 = arith.addi %add3A_290, %mul3A_106 : i32
      %swap3A_292 = arith.index_cast %add3A_291 : i32 to index
      %swap3A_293 = tpu.vector_load %arg12[%swap3A_292] {strides = array<i32>} : memref<8192xf32, #tpu.memory_space<vmem>>, vector<16xf32>,
      tpu.vector_store %arg12[%swap3A_292], %add3A_289 {strides = array<i32>} : memref<8192xf32, #tpu.memory_space<vmem>>, vector<16xf32>,
      %add3A_294 = arith.addf %add3A_288, %get3A_139 : vector<16xf32>
      %add3A_295 = arith.addf %add3A_270, %add3A_294 : vector<16xf32>
      %add3A_296 = arith.constant 2048 : i32
      %add3A_297 = arith.addi %add3A_296, %mul3A_106 : i32
      %swap3A_298 = arith.index_cast %add3A_297 : i32 to index
      %swap3A_299 = tpu.vector_load %arg12[%swap3A_298] {strides = array<i32>} : memref<8192xf32, #tpu.memory_space<vmem>>, vector<16xf32>,
      tpu.vector_store %arg12[%swap3A_298], %add3A_295 {strides = array<i32>} : memref<8192xf32, #tpu.memory_space<vmem>>, vector<16xf32>,
      %add3A_300 = arith.addf %add3A_294, %get3A_149 : vector<16xf32>
      %add3A_301 = arith.addf %add3A_270, %add3A_300 : vector<16xf32>
      %add3A_302 = arith.constant 2560 : i32
      %add3A_303 = arith.addi %add3A_302, %mul3A_106 : i32
      %swap3A_304 = arith.index_cast %add3A_303 : i32 to index
      %swap3A_305 = tpu.vector_load %arg12[%swap3A_304] {strides = array<i32>} : memref<8192xf32, #tpu.memory_space<vmem>>, vector<16xf32>,
      tpu.vector_store %arg12[%swap3A_304], %add3A_301 {strides = array<i32>} : memref<8192xf32, #tpu.memory_space<vmem>>, vector<16xf32>,
      %add3A_306 = arith.addf %add3A_300, %get3A_159 : vector<16xf32>
      %add3A_307 = arith.addf %add3A_270, %add3A_306 : vector<16xf32>
      %add3A_308 = arith.constant 3072 : i32
      %add3A_309 = arith.addi %add3A_308, %mul3A_106 : i32
      %swap3A_310 = arith.index_cast %add3A_309 : i32 to index
      %swap3A_311 = tpu.vector_load %arg12[%swap3A_310] {strides = array<i32>} : memref<8192xf32, #tpu.memory_space<vmem>>, vector<16xf32>,
      tpu.vector_store %arg12[%swap3A_310], %add3A_307 {strides = array<i32>} : memref<8192xf32, #tpu.memory_space<vmem>>, vector<16xf32>,
      %add3A_312 = arith.addf %add3A_306, %get3A_169 : vector<16xf32>
      %add3A_313 = arith.addf %add3A_270, %add3A_312 : vector<16xf32>
      %add3A_314 = arith.constant 3584 : i32
      %add3A_315 = arith.addi %add3A_314, %mul3A_106 : i32
      %swap3A_316 = arith.index_cast %add3A_315 : i32 to index
      %swap3A_317 = tpu.vector_load %arg12[%swap3A_316] {strides = array<i32>} : memref<8192xf32, #tpu.memory_space<vmem>>, vector<16xf32>,
      tpu.vector_store %arg12[%swap3A_316], %add3A_313 {strides = array<i32>} : memref<8192xf32, #tpu.memory_space<vmem>>, vector<16xf32>,
      %add3A_318 = arith.addf %add3A_312, %get3A_179 : vector<16xf32>
      %add3A_319 = arith.addf %add3A_270, %add3A_318 : vector<16xf32>
      %add3A_320 = arith.constant 4096 : i32
      %add3A_321 = arith.addi %add3A_320, %mul3A_106 : i32
      %swap3A_322 = arith.index_cast %add3A_321 : i32 to index
      %swap3A_323 = tpu.vector_load %arg12[%swap3A_322] {strides = array<i32>} : memref<8192xf32, #tpu.memory_space<vmem>>, vector<16xf32>,
      tpu.vector_store %arg12[%swap3A_322], %add3A_319 {strides = array<i32>} : memref<8192xf32, #tpu.memory_space<vmem>>, vector<16xf32>,
      %add3A_324 = arith.addf %add3A_318, %get3A_189 : vector<16xf32>
      %add3A_325 = arith.addf %add3A_270, %add3A_324 : vector<16xf32>
      %add3A_326 = arith.constant 4608 : i32
      %add3A_327 = arith.addi %add3A_326, %mul3A_106 : i32
      %swap3A_328 = arith.index_cast %add3A_327 : i32 to index
      %swap3A_329 = tpu.vector_load %arg12[%swap3A_328] {strides = array<i32>} : memref<8192xf32, #tpu.memory_space<vmem>>, vector<16xf32>,
      tpu.vector_store %arg12[%swap3A_328], %add3A_325 {strides = array<i32>} : memref<8192xf32, #tpu.memory_space<vmem>>, vector<16xf32>,
      %add3A_330 = arith.addf %add3A_324, %get3A_199 : vector<16xf32>
      %add3A_331 = arith.addf %add3A_270, %add3A_330 : vector<16xf32>
      %add3A_332 = arith.constant 5120 : i32
      %add3A_333 = arith.addi %add3A_332, %mul3A_106 : i32
      %swap3A_334 = arith.index_cast %add3A_333 : i32 to index
      %swap3A_335 = tpu.vector_load %arg12[%swap3A_334] {strides = array<i32>} : memref<8192xf32, #tpu.memory_space<vmem>>, vector<16xf32>,
      tpu.vector_store %arg12[%swap3A_334], %add3A_331 {strides = array<i32>} : memref<8192xf32, #tpu.memory_space<vmem>>, vector<16xf32>,
      %add3A_336 = arith.addf %add3A_330, %get3A_209 : vector<16xf32>
      %add3A_337 = arith.addf %add3A_270, %add3A_336 : vector<16xf32>
      %add3A_338 = arith.constant 5632 : i32
      %add3A_339 = arith.addi %add3A_338, %mul3A_106 : i32
      %swap3A_340 = arith.index_cast %add3A_339 : i32 to index
      %swap3A_341 = tpu.vector_load %arg12[%swap3A_340] {strides = array<i32>} : memref<8192xf32, #tpu.memory_space<vmem>>, vector<16xf32>,
      tpu.vector_store %arg12[%swap3A_340], %add3A_337 {strides = array<i32>} : memref<8192xf32, #tpu.memory_space<vmem>>, vector<16xf32>,
      %add3A_342 = arith.addf %add3A_336, %get3A_219 : vector<16xf32>
      %add3A_343 = arith.addf %add3A_270, %add3A_342 : vector<16xf32>
      %add3A_344 = arith.constant 6144 : i32
      %add3A_345 = arith.addi %add3A_344, %mul3A_106 : i32
      %swap3A_346 = arith.index_cast %add3A_345 : i32 to index
      %swap3A_347 = tpu.vector_load %arg12[%swap3A_346] {strides = array<i32>} : memref<8192xf32, #tpu.memory_space<vmem>>, vector<16xf32>,
      tpu.vector_store %arg12[%swap3A_346], %add3A_343 {strides = array<i32>} : memref<8192xf32, #tpu.memory_space<vmem>>, vector<16xf32>,
      %add3A_348 = arith.addf %add3A_342, %get3A_229 : vector<16xf32>
      %add3A_349 = arith.addf %add3A_270, %add3A_348 : vector<16xf32>
      %add3A_350 = arith.constant 6656 : i32
      %add3A_351 = arith.addi %add3A_350, %mul3A_106 : i32
      %swap3A_352 = arith.index_cast %add3A_351 : i32 to index
      %swap3A_353 = tpu.vector_load %arg12[%swap3A_352] {strides = array<i32>} : memref<8192xf32, #tpu.memory_space<vmem>>, vector<16xf32>,
      tpu.vector_store %arg12[%swap3A_352], %add3A_349 {strides = array<i32>} : memref<8192xf32, #tpu.memory_space<vmem>>, vector<16xf32>,
      %add3A_354 = arith.addf %add3A_348, %get3A_239 : vector<16xf32>
      %add3A_355 = arith.addf %add3A_270, %add3A_354 : vector<16xf32>
      %add3A_356 = arith.constant 7168 : i32
      %add3A_357 = arith.addi %add3A_356, %mul3A_106 : i32
      %swap3A_358 = arith.index_cast %add3A_357 : i32 to index
      %swap3A_359 = tpu.vector_load %arg12[%swap3A_358] {strides = array<i32>} : memref<8192xf32, #tpu.memory_space<vmem>>, vector<16xf32>,
      tpu.vector_store %arg12[%swap3A_358], %add3A_355 {strides = array<i32>} : memref<8192xf32, #tpu.memory_space<vmem>>, vector<16xf32>,
      %add3A_360 = arith.addf %add3A_354, %get3A_249 : vector<16xf32>
      %add3A_361 = arith.addf %add3A_270, %add3A_360 : vector<16xf32>
      %add3A_362 = arith.constant 7680 : i32
      %add3A_363 = arith.addi %add3A_362, %mul3A_106 : i32
      %swap3A_364 = arith.index_cast %add3A_363 : i32 to index
      %swap3A_365 = tpu.vector_load %arg12[%swap3A_364] {strides = array<i32>} : memref<8192xf32, #tpu.memory_space<vmem>>, vector<16xf32>,
      tpu.vector_store %arg12[%swap3A_364], %add3A_361 {strides = array<i32>} : memref<8192xf32, #tpu.memory_space<vmem>>, vector<16xf32>,
      %add3A_366 = arith.addf %add3A_360, %get3A_259 : vector<16xf32>
      %add3A_367 = arith.addf %add3A_270, %add3A_260 : vector<16xf32>
      %broadcast_in_dim3A_368 = arith.constant true
      %broadcast_in_dim3A_369 = vector.broadcast %broadcast_in_dim3A_368 : i1 to vector<16xi1>
      %masked_cumsum3A_370 = tpu.scan <sum>, %add3A_265 masked %broadcast_in_dim3A_369 : vector<16xf32>, vector<16xi1> -> vector<16xf32>
      %add3A_371 = vector.broadcast %scan3A_104 : f32 to vector<16xf32>
      %add3A_372 = arith.addf %masked_cumsum3A_370, %add3A_371 : vector<16xf32>
      %add3A_373 = arith.constant 1 : i32
      %add3A_374 = arith.addi %mul3A_106, %add3A_373 : i32
      %add3A_375 = vector.broadcast %add3A_374 : i32 to vector<16xi32>
      %add3A_376 = arith.addi %add3A_375, %iota3A : vector<16xi32>
      tpu.vector_store_idx %arg13[%add3A_376], %add3A_367 : memref<528xf32, #tpu.memory_space<vmem>>[vector<16xi32>], vector<16xf32>,
      %add3A_377 = arith.constant 1 : i32
      %add3A_378 = arith.addi %mul3A_106, %add3A_377 : i32
      %add3A_379 = vector.broadcast %add3A_378 : i32 to vector<16xi32>
      %add3A_380 = arith.addi %add3A_379, %iota3A : vector<16xi32>
      tpu.vector_store_idx %arg14[%add3A_380], %add3A_372 : memref<528xf32, #tpu.memory_space<vmem>>[vector<16xi32>], vector<16xf32>,
      %slice3A = vector.extract_strided_slice %add3A_367 {offsets = [15], sizes = [1], strides = [1]} : vector<16xf32> to vector<1xf32>
      %squeeze3A = vector.extract %slice3A[0] : f32 from vector<1xf32>
      %slice3A_381 = vector.extract_strided_slice %add3A_372 {offsets = [15], sizes = [1], strides = [1]} : vector<16xf32> to vector<1xf32>
      %squeeze3A_382 = vector.extract %slice3A_381[0] : f32 from vector<1xf32>
      scf.yield %squeeze3A, %squeeze3A_382 : f32, f32
    }
    %scan3A_63 = arith.constant 32 : i32
    %while3A_64 = arith.constant 0 : i32
    %while3A_65 = arith.constant 0 : i32
    %while3A_66 = arith.subi %shift_right_arithmetic3A_43, %while3A_65 : i32
    %while3A_67 = arith.addi %while3A_65, %while3A_66 : i32
    %while3A_68 = arith.constant 1 : i32
    %while3A_69 = arith.divsi %while3A_66, %while3A_68 : i32
    %while3A_70 = arith.muli %while3A_69, %while3A_68 : i32
    %while3A_71 = arith.addi %while3A_65, %while3A_70 : i32
    %while3A_72 = arith.constant 1 : i32
    scf.for %while3A_102 = %while3A_65 to %while3A_71 step %while3A_72  : i32 {
      %mul3A_103 = arith.constant 16 : i32
      %mul3A_104 = arith.muli %while3A_102, %mul3A_103 : i32
      %get3A = arith.index_cast %mul3A_104 : i32 to index
      %get3A_105 = tpu.vector_load %arg8[%get3A] {strides = array<i32>} : memref<8192xf32, #tpu.memory_space<vmem>>, vector<16xf32>,
      %mul3A_106 = arith.constant 16 : i32
      %mul3A_107 = arith.muli %while3A_102, %mul3A_106 : i32
      %add3A_108 = vector.broadcast %mul3A_107 : i32 to vector<16xi32>
      %add3A_109 = arith.addi %add3A_108, %iota3A : vector<16xi32>
      %lt3A = vector.broadcast %scan3A_25#1 : i32 to vector<16xi32>
      %lt3A_110 = arith.cmpi slt, %add3A_109, %lt3A : vector<16xi32>
      %mul3A_111 = arith.constant 512 : i32
      %mul3A_112 = vector.broadcast %mul3A_111 : i32 to vector<16xi32>
      %mul3A_113 = arith.muli %iota3A, %mul3A_112 : vector<16xi32>
      %sub3A_114 = arith.subf %get3A_105, %broadcast_in_dim3A_33 : vector<16xf32>
      %mul3A_115 = arith.mulf %sub3A_114, %select_n3A : vector<16xf32>
      %convert_element_type3A = arith.fptosi %mul3A_115 : vector<16xf32> to vector<16xi32>
      %max3A = arith.maxsi %broadcast_in_dim3A_9, %convert_element_type3A : vector<16xi32>
      %min3A = arith.minsi %broadcast_in_dim3A_11, %max3A : vector<16xi32>
      %add3A_116 = arith.addi %mul3A_113, %min3A : vector<16xi32>
      %gather3A = tpu.vector_load_idx %arg12[%add3A_116] : memref<8192xf32, #tpu.memory_space<vmem>>[vector<16xi32>], vector<16xf32>,
      %convert_element_type3A_117 = arith.fptosi %gather3A : vector<16xf32> to vector<16xi32>
      %max3A_118 = arith.maxsi %broadcast_in_dim3A_9, %convert_element_type3A_117 : vector<16xi32>
      %min3A_119 = arith.minsi %broadcast_in_dim3A_13, %max3A_118 : vector<16xi32>
      tpu.vector_store_idx %arg9[%min3A_119], %get3A_105 masked %lt3A_110 : memref<8192xf32, #tpu.memory_space<vmem>>[vector<16xi32>], vector<16xf32>, vector<16xi1>
      tpu.vector_store_idx %arg12[%add3A_116], %broadcast_in_dim3A_3 masked %lt3A_110 {add = true} : memref<8192xf32, #tpu.memory_space<vmem>>[vector<16xi32>], vector<16xf32>, vector<16xi1>
    }
    %while3A_73 = arith.constant 1 : i32
    scf.for %while3A_102 = %while3A_71 to %while3A_67 step %while3A_73  : i32 {
      %mul3A_103 = arith.constant 16 : i32
      %mul3A_104 = arith.muli %while3A_102, %mul3A_103 : i32
      %get3A = arith.index_cast %mul3A_104 : i32 to index
      %get3A_105 = tpu.vector_load %arg8[%get3A] {strides = array<i32>} : memref<8192xf32, #tpu.memory_space<vmem>>, vector<16xf32>,
      %mul3A_106 = arith.constant 16 : i32
      %mul3A_107 = arith.muli %while3A_102, %mul3A_106 : i32
      %add3A_108 = vector.broadcast %mul3A_107 : i32 to vector<16xi32>
      %add3A_109 = arith.addi %add3A_108, %iota3A : vector<16xi32>
      %lt3A = vector.broadcast %scan3A_25#1 : i32 to vector<16xi32>
      %lt3A_110 = arith.cmpi slt, %add3A_109, %lt3A : vector<16xi32>
      %mul3A_111 = arith.constant 512 : i32
      %mul3A_112 = vector.broadcast %mul3A_111 : i32 to vector<16xi32>
      %mul3A_113 = arith.muli %iota3A, %mul3A_112 : vector<16xi32>
      %sub3A_114 = arith.subf %get3A_105, %broadcast_in_dim3A_33 : vector<16xf32>
      %mul3A_115 = arith.mulf %sub3A_114, %select_n3A : vector<16xf32>
      %convert_element_type3A = arith.fptosi %mul3A_115 : vector<16xf32> to vector<16xi32>
      %max3A = arith.maxsi %broadcast_in_dim3A_9, %convert_element_type3A : vector<16xi32>
      %min3A = arith.minsi %broadcast_in_dim3A_11, %max3A : vector<16xi32>
      %add3A_116 = arith.addi %mul3A_113, %min3A : vector<16xi32>
      %gather3A = tpu.vector_load_idx %arg12[%add3A_116] : memref<8192xf32, #tpu.memory_space<vmem>>[vector<16xi32>], vector<16xf32>,
      %convert_element_type3A_117 = arith.fptosi %gather3A : vector<16xf32> to vector<16xi32>
      %max3A_118 = arith.maxsi %broadcast_in_dim3A_9, %convert_element_type3A_117 : vector<16xi32>
      %min3A_119 = arith.minsi %broadcast_in_dim3A_13, %max3A_118 : vector<16xi32>
      tpu.vector_store_idx %arg9[%min3A_119], %get3A_105 masked %lt3A_110 : memref<8192xf32, #tpu.memory_space<vmem>>[vector<16xi32>], vector<16xf32>, vector<16xi1>
      tpu.vector_store_idx %arg12[%add3A_116], %broadcast_in_dim3A_3 masked %lt3A_110 {add = true} : memref<8192xf32, #tpu.memory_space<vmem>>[vector<16xi32>], vector<16xf32>, vector<16xi1>
    }
    %mul3A_74 = arith.muli %add3A, %scan3A_25#0 : i32
    %shift_right_arithmetic3A_75 = arith.constant 5 : i32
    %shift_right_arithmetic3A_76 = arith.shrsi %mul3A_74, %shift_right_arithmetic3A_75 : i32
    %add3A_77 = arith.constant 1 : i32
    %add3A_78 = arith.addi %add3A, %add3A_77 : i32
    %mul3A_79 = arith.muli %add3A_78, %scan3A_25#0 : i32
    %shift_right_arithmetic3A_80 = arith.constant 5 : i32
    %shift_right_arithmetic3A_81 = arith.shrsi %mul3A_79, %shift_right_arithmetic3A_80 : i32
    %sub3A_82 = arith.subi %shift_right_arithmetic3A_81, %shift_right_arithmetic3A_76 : i32
    %add3A_83 = arith.constant 16 : i32
    %add3A_84 = arith.addi %sub3A_82, %add3A_83 : i32
    %sub3A_85 = arith.constant 1 : i32
    %sub3A_86 = arith.subi %add3A_84, %sub3A_85 : i32
    %shift_right_arithmetic3A_87 = arith.constant 4 : i32
    %shift_right_arithmetic3A_88 = arith.shrsi %sub3A_86, %shift_right_arithmetic3A_87 : i32
    %while3A_89 = arith.constant 0 : i32
    %while3A_90 = arith.subi %shift_right_arithmetic3A_88, %while3A_89 : i32
    %while3A_91 = arith.addi %while3A_89, %while3A_90 : i32
    %while3A_92 = arith.constant 1 : i32
    %while3A_93 = arith.divsi %while3A_90, %while3A_92 : i32
    %while3A_94 = arith.muli %while3A_93, %while3A_92 : i32
    %while3A_95 = arith.addi %while3A_89, %while3A_94 : i32
    %while3A_96 = arith.constant 1 : i32
    %while3A_97 = scf.for %while3A_102 = %while3A_89 to %while3A_95 step %while3A_96 iter_args(%while3A_103 = %broadcast_in_dim3A_1) -> (vector<16xf32>)  : i32 {
      %mul3A_104 = arith.constant 16 : i32
      %mul3A_105 = arith.muli %while3A_102, %mul3A_104 : i32
      %add3A_106 = arith.addi %shift_right_arithmetic3A_76, %mul3A_105 : i32
      %add3A_107 = vector.broadcast %add3A_106 : i32 to vector<16xi32>
      %add3A_108 = arith.addi %add3A_107, %iota3A : vector<16xi32>
      %lt3A = vector.broadcast %shift_right_arithmetic3A_81 : i32 to vector<16xi32>
      %lt3A_109 = arith.cmpi slt, %add3A_108, %lt3A : vector<16xi32>
      %add3A_110 = vector.broadcast %add3A_106 : i32 to vector<16xi32>
      %add3A_111 = arith.addi %add3A_110, %iota3A : vector<16xi32>
      %max3A = arith.maxsi %broadcast_in_dim3A_9, %add3A_111 : vector<16xi32>
      %min3A = arith.minsi %broadcast_in_dim3A_13, %max3A : vector<16xi32>
      %gather3A = tpu.vector_load_idx %arg7[%min3A] : memref<8192xf32, #tpu.memory_space<vmem>>[vector<16xi32>], vector<16xf32>,
      %sub3A_112 = arith.subf %gather3A, %broadcast_in_dim3A_33 : vector<16xf32>
      %mul3A_113 = arith.mulf %sub3A_112, %select_n3A : vector<16xf32>
      %convert_element_type3A = arith.fptosi %mul3A_113 : vector<16xf32> to vector<16xi32>
      %max3A_114 = arith.maxsi %broadcast_in_dim3A_9, %convert_element_type3A : vector<16xi32>
      %min3A_115 = arith.minsi %broadcast_in_dim3A_11, %max3A_114 : vector<16xi32>
      %add3A_116 = arith.constant 1 : i32
      %add3A_117 = vector.broadcast %add3A_116 : i32 to vector<16xi32>
      %add3A_118 = arith.addi %min3A_115, %add3A_117 : vector<16xi32>
      %gather3A_119 = tpu.vector_load_idx %arg13[%add3A_118] : memref<528xf32, #tpu.memory_space<vmem>>[vector<16xi32>], vector<16xf32>,
      %add3A_120 = arith.constant 1 : i32
      %add3A_121 = vector.broadcast %add3A_120 : i32 to vector<16xi32>
      %add3A_122 = arith.addi %min3A_115, %add3A_121 : vector<16xi32>
      %gather3A_123 = tpu.vector_load_idx %arg14[%add3A_122] : memref<528xf32, #tpu.memory_space<vmem>>[vector<16xi32>], vector<16xf32>,
      %sub3A_124 = vector.broadcast %scan3A_62#1 : f32 to vector<16xf32>
      %sub3A_125 = arith.subf %sub3A_124, %gather3A_123 : vector<16xf32>
      %sub3A_126 = vector.broadcast %scan3A_62#0 : f32 to vector<16xf32>
      %sub3A_127 = arith.subf %sub3A_126, %gather3A_119 : vector<16xf32>
      %mul3A_128 = arith.mulf %gather3A, %sub3A_127 : vector<16xf32>
      %sub3A_129 = arith.subf %sub3A_125, %mul3A_128 : vector<16xf32>
      %select_n3A_130 = arith.select %lt3A_109, %sub3A_129, %broadcast_in_dim3A_1 : vector<16xi1>, vector<16xf32>
      %add3A_131 = arith.addf %while3A_103, %select_n3A_130 : vector<16xf32>
      %gather3A_132 = tpu.vector_load_idx %arg13[%min3A_115] : memref<528xf32, #tpu.memory_space<vmem>>[vector<16xi32>], vector<16xf32>,
      %select_n3A_133 = arith.select %lt3A_109, %gather3A_119, %gather3A_132 : vector<16xi1>, vector<16xf32>
      %slice3A = vector.extract_strided_slice %gather3A_132 {offsets = [0], sizes = [1], strides = [1]} : vector<16xf32> to vector<1xf32>
      %squeeze3A = vector.extract %slice3A[0] : f32 from vector<1xf32>
      %convert_element_type3A_134 = arith.fptosi %squeeze3A : f32 to i32
      %slice3A_135 = vector.extract_strided_slice %select_n3A_133 {offsets = [0], sizes = [1], strides = [1]} : vector<16xf32> to vector<1xf32>
      %squeeze3A_136 = vector.extract %slice3A_135[0] : f32 from vector<1xf32>
      %convert_element_type3A_137 = arith.fptosi %squeeze3A_136 : f32 to i32
      %slice3A_138 = vector.extract_strided_slice %gather3A {offsets = [0], sizes = [1], strides = [1]} : vector<16xf32> to vector<1xf32>
      %squeeze3A_139 = vector.extract %slice3A_138[0] : f32 from vector<1xf32>
      %sub3A_140 = arith.subi %convert_element_type3A_137, %convert_element_type3A_134 : i32
      %add3A_141 = arith.constant 16 : i32
      %add3A_142 = arith.addi %sub3A_140, %add3A_141 : i32
      %sub3A_143 = arith.constant 1 : i32
      %sub3A_144 = arith.subi %add3A_142, %sub3A_143 : i32
      %shift_right_arithmetic3A_145 = arith.constant 4 : i32
      %shift_right_arithmetic3A_146 = arith.shrsi %sub3A_144, %shift_right_arithmetic3A_145 : i32
      %while3A_147 = arith.constant 0 : i32
      %while3A_148 = arith.subi %shift_right_arithmetic3A_146, %while3A_147 : i32
      %while3A_149 = arith.addi %while3A_147, %while3A_148 : i32
      %while3A_150 = arith.constant 1 : i32
      %while3A_151 = arith.divsi %while3A_148, %while3A_150 : i32
      %while3A_152 = arith.muli %while3A_151, %while3A_150 : i32
      %while3A_153 = arith.addi %while3A_147, %while3A_152 : i32
      %while3A_154 = arith.constant 1 : i32
      %while3A_155 = scf.for %while3A_548 = %while3A_147 to %while3A_153 step %while3A_154 iter_args(%while3A_549 = %add3A_131) -> (vector<16xf32>)  : i32 {
        %mul3A_550 = arith.constant 16 : i32
        %mul3A_551 = arith.muli %while3A_548, %mul3A_550 : i32
        %add3A_552 = arith.addi %convert_element_type3A_134, %mul3A_551 : i32
        %add3A_553 = vector.broadcast %add3A_552 : i32 to vector<16xi32>
        %add3A_554 = arith.addi %add3A_553, %iota3A : vector<16xi32>
        %lt3A_555 = vector.broadcast %convert_element_type3A_137 : i32 to vector<16xi32>
        %lt3A_556 = arith.cmpi slt, %add3A_554, %lt3A_555 : vector<16xi32>
        %max3A_557 = arith.maxsi %broadcast_in_dim3A_9, %add3A_554 : vector<16xi32>
        %min3A_558 = arith.minsi %broadcast_in_dim3A_13, %max3A_557 : vector<16xi32>
        %gather3A_559 = tpu.vector_load_idx %arg9[%min3A_558] : memref<8192xf32, #tpu.memory_space<vmem>>[vector<16xi32>], vector<16xf32>,
        %sub3A_560 = vector.broadcast %squeeze3A_139 : f32 to vector<16xf32>
        %sub3A_561 = arith.subf %gather3A_559, %sub3A_560 : vector<16xf32>
        %max3A_562 = arith.constant 0.000000e+00 : f32
        %max3A_563 = vector.broadcast %max3A_562 : f32 to vector<16xf32>
        %max3A_564 = arith.maximumf %sub3A_561, %max3A_563 : vector<16xf32>
        %select_n3A_565 = arith.select %lt3A_556, %max3A_564, %broadcast_in_dim3A_1 : vector<16xi1>, vector<16xf32>
        %add3A_566 = arith.addf %while3A_549, %select_n3A_565 : vector<16xf32>
        scf.yield %add3A_566 : vector<16xf32>
      }
      %while3A_156 = arith.constant 1 : i32
      %while3A_157 = scf.for %while3A_548 = %while3A_153 to %while3A_149 step %while3A_156 iter_args(%while3A_549 = %while3A_155) -> (vector<16xf32>)  : i32 {
        %mul3A_550 = arith.constant 16 : i32
        %mul3A_551 = arith.muli %while3A_548, %mul3A_550 : i32
        %add3A_552 = arith.addi %convert_element_type3A_134, %mul3A_551 : i32
        %add3A_553 = vector.broadcast %add3A_552 : i32 to vector<16xi32>
        %add3A_554 = arith.addi %add3A_553, %iota3A : vector<16xi32>
        %lt3A_555 = vector.broadcast %convert_element_type3A_137 : i32 to vector<16xi32>
        %lt3A_556 = arith.cmpi slt, %add3A_554, %lt3A_555 : vector<16xi32>
        %max3A_557 = arith.maxsi %broadcast_in_dim3A_9, %add3A_554 : vector<16xi32>
        %min3A_558 = arith.minsi %broadcast_in_dim3A_13, %max3A_557 : vector<16xi32>
        %gather3A_559 = tpu.vector_load_idx %arg9[%min3A_558] : memref<8192xf32, #tpu.memory_space<vmem>>[vector<16xi32>], vector<16xf32>,
        %sub3A_560 = vector.broadcast %squeeze3A_139 : f32 to vector<16xf32>
        %sub3A_561 = arith.subf %gather3A_559, %sub3A_560 : vector<16xf32>
        %max3A_562 = arith.constant 0.000000e+00 : f32
        %max3A_563 = vector.broadcast %max3A_562 : f32 to vector<16xf32>
        %max3A_564 = arith.maximumf %sub3A_561, %max3A_563 : vector<16xf32>
        %select_n3A_565 = arith.select %lt3A_556, %max3A_564, %broadcast_in_dim3A_1 : vector<16xi1>, vector<16xf32>
        %add3A_566 = arith.addf %while3A_549, %select_n3A_565 : vector<16xf32>
        scf.yield %add3A_566 : vector<16xf32>
      }
      %slice3A_158 = vector.extract_strided_slice %gather3A_132 {offsets = [1], sizes = [1], strides = [1]} : vector<16xf32> to vector<1xf32>
      %squeeze3A_159 = vector.extract %slice3A_158[0] : f32 from vector<1xf32>
      %convert_element_type3A_160 = arith.fptosi %squeeze3A_159 : f32 to i32
      %slice3A_161 = vector.extract_strided_slice %select_n3A_133 {offsets = [1], sizes = [1], strides = [1]} : vector<16xf32> to vector<1xf32>
      %squeeze3A_162 = vector.extract %slice3A_161[0] : f32 from vector<1xf32>
      %convert_element_type3A_163 = arith.fptosi %squeeze3A_162 : f32 to i32
      %slice3A_164 = vector.extract_strided_slice %gather3A {offsets = [1], sizes = [1], strides = [1]} : vector<16xf32> to vector<1xf32>
      %squeeze3A_165 = vector.extract %slice3A_164[0] : f32 from vector<1xf32>
      %sub3A_166 = arith.subi %convert_element_type3A_163, %convert_element_type3A_160 : i32
      %add3A_167 = arith.constant 16 : i32
      %add3A_168 = arith.addi %sub3A_166, %add3A_167 : i32
      %sub3A_169 = arith.constant 1 : i32
      %sub3A_170 = arith.subi %add3A_168, %sub3A_169 : i32
      %shift_right_arithmetic3A_171 = arith.constant 4 : i32
      %shift_right_arithmetic3A_172 = arith.shrsi %sub3A_170, %shift_right_arithmetic3A_171 : i32
      %while3A_173 = arith.constant 0 : i32
      %while3A_174 = arith.subi %shift_right_arithmetic3A_172, %while3A_173 : i32
      %while3A_175 = arith.addi %while3A_173, %while3A_174 : i32
      %while3A_176 = arith.constant 1 : i32
      %while3A_177 = arith.divsi %while3A_174, %while3A_176 : i32
      %while3A_178 = arith.muli %while3A_177, %while3A_176 : i32
      %while3A_179 = arith.addi %while3A_173, %while3A_178 : i32
      %while3A_180 = arith.constant 1 : i32
      %while3A_181 = scf.for %while3A_548 = %while3A_173 to %while3A_179 step %while3A_180 iter_args(%while3A_549 = %while3A_157) -> (vector<16xf32>)  : i32 {
        %mul3A_550 = arith.constant 16 : i32
        %mul3A_551 = arith.muli %while3A_548, %mul3A_550 : i32
        %add3A_552 = arith.addi %convert_element_type3A_160, %mul3A_551 : i32
        %add3A_553 = vector.broadcast %add3A_552 : i32 to vector<16xi32>
        %add3A_554 = arith.addi %add3A_553, %iota3A : vector<16xi32>
        %lt3A_555 = vector.broadcast %convert_element_type3A_163 : i32 to vector<16xi32>
        %lt3A_556 = arith.cmpi slt, %add3A_554, %lt3A_555 : vector<16xi32>
        %max3A_557 = arith.maxsi %broadcast_in_dim3A_9, %add3A_554 : vector<16xi32>
        %min3A_558 = arith.minsi %broadcast_in_dim3A_13, %max3A_557 : vector<16xi32>
        %gather3A_559 = tpu.vector_load_idx %arg9[%min3A_558] : memref<8192xf32, #tpu.memory_space<vmem>>[vector<16xi32>], vector<16xf32>,
        %sub3A_560 = vector.broadcast %squeeze3A_165 : f32 to vector<16xf32>
        %sub3A_561 = arith.subf %gather3A_559, %sub3A_560 : vector<16xf32>
        %max3A_562 = arith.constant 0.000000e+00 : f32
        %max3A_563 = vector.broadcast %max3A_562 : f32 to vector<16xf32>
        %max3A_564 = arith.maximumf %sub3A_561, %max3A_563 : vector<16xf32>
        %select_n3A_565 = arith.select %lt3A_556, %max3A_564, %broadcast_in_dim3A_1 : vector<16xi1>, vector<16xf32>
        %add3A_566 = arith.addf %while3A_549, %select_n3A_565 : vector<16xf32>
        scf.yield %add3A_566 : vector<16xf32>
      }
      %while3A_182 = arith.constant 1 : i32
      %while3A_183 = scf.for %while3A_548 = %while3A_179 to %while3A_175 step %while3A_182 iter_args(%while3A_549 = %while3A_181) -> (vector<16xf32>)  : i32 {
        %mul3A_550 = arith.constant 16 : i32
        %mul3A_551 = arith.muli %while3A_548, %mul3A_550 : i32
        %add3A_552 = arith.addi %convert_element_type3A_160, %mul3A_551 : i32
        %add3A_553 = vector.broadcast %add3A_552 : i32 to vector<16xi32>
        %add3A_554 = arith.addi %add3A_553, %iota3A : vector<16xi32>
        %lt3A_555 = vector.broadcast %convert_element_type3A_163 : i32 to vector<16xi32>
        %lt3A_556 = arith.cmpi slt, %add3A_554, %lt3A_555 : vector<16xi32>
        %max3A_557 = arith.maxsi %broadcast_in_dim3A_9, %add3A_554 : vector<16xi32>
        %min3A_558 = arith.minsi %broadcast_in_dim3A_13, %max3A_557 : vector<16xi32>
        %gather3A_559 = tpu.vector_load_idx %arg9[%min3A_558] : memref<8192xf32, #tpu.memory_space<vmem>>[vector<16xi32>], vector<16xf32>,
        %sub3A_560 = vector.broadcast %squeeze3A_165 : f32 to vector<16xf32>
        %sub3A_561 = arith.subf %gather3A_559, %sub3A_560 : vector<16xf32>
        %max3A_562 = arith.constant 0.000000e+00 : f32
        %max3A_563 = vector.broadcast %max3A_562 : f32 to vector<16xf32>
        %max3A_564 = arith.maximumf %sub3A_561, %max3A_563 : vector<16xf32>
        %select_n3A_565 = arith.select %lt3A_556, %max3A_564, %broadcast_in_dim3A_1 : vector<16xi1>, vector<16xf32>
        %add3A_566 = arith.addf %while3A_549, %select_n3A_565 : vector<16xf32>
        scf.yield %add3A_566 : vector<16xf32>
      }
      %slice3A_184 = vector.extract_strided_slice %gather3A_132 {offsets = [2], sizes = [1], strides = [1]} : vector<16xf32> to vector<1xf32>
      %squeeze3A_185 = vector.extract %slice3A_184[0] : f32 from vector<1xf32>
      %convert_element_type3A_186 = arith.fptosi %squeeze3A_185 : f32 to i32
      %slice3A_187 = vector.extract_strided_slice %select_n3A_133 {offsets = [2], sizes = [1], strides = [1]} : vector<16xf32> to vector<1xf32>
      %squeeze3A_188 = vector.extract %slice3A_187[0] : f32 from vector<1xf32>
      %convert_element_type3A_189 = arith.fptosi %squeeze3A_188 : f32 to i32
      %slice3A_190 = vector.extract_strided_slice %gather3A {offsets = [2], sizes = [1], strides = [1]} : vector<16xf32> to vector<1xf32>
      %squeeze3A_191 = vector.extract %slice3A_190[0] : f32 from vector<1xf32>
      %sub3A_192 = arith.subi %convert_element_type3A_189, %convert_element_type3A_186 : i32
      %add3A_193 = arith.constant 16 : i32
      %add3A_194 = arith.addi %sub3A_192, %add3A_193 : i32
      %sub3A_195 = arith.constant 1 : i32
      %sub3A_196 = arith.subi %add3A_194, %sub3A_195 : i32
      %shift_right_arithmetic3A_197 = arith.constant 4 : i32
      %shift_right_arithmetic3A_198 = arith.shrsi %sub3A_196, %shift_right_arithmetic3A_197 : i32
      %while3A_199 = arith.constant 0 : i32
      %while3A_200 = arith.subi %shift_right_arithmetic3A_198, %while3A_199 : i32
      %while3A_201 = arith.addi %while3A_199, %while3A_200 : i32
      %while3A_202 = arith.constant 1 : i32
      %while3A_203 = arith.divsi %while3A_200, %while3A_202 : i32
      %while3A_204 = arith.muli %while3A_203, %while3A_202 : i32
      %while3A_205 = arith.addi %while3A_199, %while3A_204 : i32
      %while3A_206 = arith.constant 1 : i32
      %while3A_207 = scf.for %while3A_548 = %while3A_199 to %while3A_205 step %while3A_206 iter_args(%while3A_549 = %while3A_183) -> (vector<16xf32>)  : i32 {
        %mul3A_550 = arith.constant 16 : i32
        %mul3A_551 = arith.muli %while3A_548, %mul3A_550 : i32
        %add3A_552 = arith.addi %convert_element_type3A_186, %mul3A_551 : i32
        %add3A_553 = vector.broadcast %add3A_552 : i32 to vector<16xi32>
        %add3A_554 = arith.addi %add3A_553, %iota3A : vector<16xi32>
        %lt3A_555 = vector.broadcast %convert_element_type3A_189 : i32 to vector<16xi32>
        %lt3A_556 = arith.cmpi slt, %add3A_554, %lt3A_555 : vector<16xi32>
        %max3A_557 = arith.maxsi %broadcast_in_dim3A_9, %add3A_554 : vector<16xi32>
        %min3A_558 = arith.minsi %broadcast_in_dim3A_13, %max3A_557 : vector<16xi32>
        %gather3A_559 = tpu.vector_load_idx %arg9[%min3A_558] : memref<8192xf32, #tpu.memory_space<vmem>>[vector<16xi32>], vector<16xf32>,
        %sub3A_560 = vector.broadcast %squeeze3A_191 : f32 to vector<16xf32>
        %sub3A_561 = arith.subf %gather3A_559, %sub3A_560 : vector<16xf32>
        %max3A_562 = arith.constant 0.000000e+00 : f32
        %max3A_563 = vector.broadcast %max3A_562 : f32 to vector<16xf32>
        %max3A_564 = arith.maximumf %sub3A_561, %max3A_563 : vector<16xf32>
        %select_n3A_565 = arith.select %lt3A_556, %max3A_564, %broadcast_in_dim3A_1 : vector<16xi1>, vector<16xf32>
        %add3A_566 = arith.addf %while3A_549, %select_n3A_565 : vector<16xf32>
        scf.yield %add3A_566 : vector<16xf32>
      }
      %while3A_208 = arith.constant 1 : i32
      %while3A_209 = scf.for %while3A_548 = %while3A_205 to %while3A_201 step %while3A_208 iter_args(%while3A_549 = %while3A_207) -> (vector<16xf32>)  : i32 {
        %mul3A_550 = arith.constant 16 : i32
        %mul3A_551 = arith.muli %while3A_548, %mul3A_550 : i32
        %add3A_552 = arith.addi %convert_element_type3A_186, %mul3A_551 : i32
        %add3A_553 = vector.broadcast %add3A_552 : i32 to vector<16xi32>
        %add3A_554 = arith.addi %add3A_553, %iota3A : vector<16xi32>
        %lt3A_555 = vector.broadcast %convert_element_type3A_189 : i32 to vector<16xi32>
        %lt3A_556 = arith.cmpi slt, %add3A_554, %lt3A_555 : vector<16xi32>
        %max3A_557 = arith.maxsi %broadcast_in_dim3A_9, %add3A_554 : vector<16xi32>
        %min3A_558 = arith.minsi %broadcast_in_dim3A_13, %max3A_557 : vector<16xi32>
        %gather3A_559 = tpu.vector_load_idx %arg9[%min3A_558] : memref<8192xf32, #tpu.memory_space<vmem>>[vector<16xi32>], vector<16xf32>,
        %sub3A_560 = vector.broadcast %squeeze3A_191 : f32 to vector<16xf32>
        %sub3A_561 = arith.subf %gather3A_559, %sub3A_560 : vector<16xf32>
        %max3A_562 = arith.constant 0.000000e+00 : f32
        %max3A_563 = vector.broadcast %max3A_562 : f32 to vector<16xf32>
        %max3A_564 = arith.maximumf %sub3A_561, %max3A_563 : vector<16xf32>
        %select_n3A_565 = arith.select %lt3A_556, %max3A_564, %broadcast_in_dim3A_1 : vector<16xi1>, vector<16xf32>
        %add3A_566 = arith.addf %while3A_549, %select_n3A_565 : vector<16xf32>
        scf.yield %add3A_566 : vector<16xf32>
      }
      %slice3A_210 = vector.extract_strided_slice %gather3A_132 {offsets = [3], sizes = [1], strides = [1]} : vector<16xf32> to vector<1xf32>
      %squeeze3A_211 = vector.extract %slice3A_210[0] : f32 from vector<1xf32>
      %convert_element_type3A_212 = arith.fptosi %squeeze3A_211 : f32 to i32
      %slice3A_213 = vector.extract_strided_slice %select_n3A_133 {offsets = [3], sizes = [1], strides = [1]} : vector<16xf32> to vector<1xf32>
      %squeeze3A_214 = vector.extract %slice3A_213[0] : f32 from vector<1xf32>
      %convert_element_type3A_215 = arith.fptosi %squeeze3A_214 : f32 to i32
      %slice3A_216 = vector.extract_strided_slice %gather3A {offsets = [3], sizes = [1], strides = [1]} : vector<16xf32> to vector<1xf32>
      %squeeze3A_217 = vector.extract %slice3A_216[0] : f32 from vector<1xf32>
      %sub3A_218 = arith.subi %convert_element_type3A_215, %convert_element_type3A_212 : i32
      %add3A_219 = arith.constant 16 : i32
      %add3A_220 = arith.addi %sub3A_218, %add3A_219 : i32
      %sub3A_221 = arith.constant 1 : i32
      %sub3A_222 = arith.subi %add3A_220, %sub3A_221 : i32
      %shift_right_arithmetic3A_223 = arith.constant 4 : i32
      %shift_right_arithmetic3A_224 = arith.shrsi %sub3A_222, %shift_right_arithmetic3A_223 : i32
      %while3A_225 = arith.constant 0 : i32
      %while3A_226 = arith.subi %shift_right_arithmetic3A_224, %while3A_225 : i32
      %while3A_227 = arith.addi %while3A_225, %while3A_226 : i32
      %while3A_228 = arith.constant 1 : i32
      %while3A_229 = arith.divsi %while3A_226, %while3A_228 : i32
      %while3A_230 = arith.muli %while3A_229, %while3A_228 : i32
      %while3A_231 = arith.addi %while3A_225, %while3A_230 : i32
      %while3A_232 = arith.constant 1 : i32
      %while3A_233 = scf.for %while3A_548 = %while3A_225 to %while3A_231 step %while3A_232 iter_args(%while3A_549 = %while3A_209) -> (vector<16xf32>)  : i32 {
        %mul3A_550 = arith.constant 16 : i32
        %mul3A_551 = arith.muli %while3A_548, %mul3A_550 : i32
        %add3A_552 = arith.addi %convert_element_type3A_212, %mul3A_551 : i32
        %add3A_553 = vector.broadcast %add3A_552 : i32 to vector<16xi32>
        %add3A_554 = arith.addi %add3A_553, %iota3A : vector<16xi32>
        %lt3A_555 = vector.broadcast %convert_element_type3A_215 : i32 to vector<16xi32>
        %lt3A_556 = arith.cmpi slt, %add3A_554, %lt3A_555 : vector<16xi32>
        %max3A_557 = arith.maxsi %broadcast_in_dim3A_9, %add3A_554 : vector<16xi32>
        %min3A_558 = arith.minsi %broadcast_in_dim3A_13, %max3A_557 : vector<16xi32>
        %gather3A_559 = tpu.vector_load_idx %arg9[%min3A_558] : memref<8192xf32, #tpu.memory_space<vmem>>[vector<16xi32>], vector<16xf32>,
        %sub3A_560 = vector.broadcast %squeeze3A_217 : f32 to vector<16xf32>
        %sub3A_561 = arith.subf %gather3A_559, %sub3A_560 : vector<16xf32>
        %max3A_562 = arith.constant 0.000000e+00 : f32
        %max3A_563 = vector.broadcast %max3A_562 : f32 to vector<16xf32>
        %max3A_564 = arith.maximumf %sub3A_561, %max3A_563 : vector<16xf32>
        %select_n3A_565 = arith.select %lt3A_556, %max3A_564, %broadcast_in_dim3A_1 : vector<16xi1>, vector<16xf32>
        %add3A_566 = arith.addf %while3A_549, %select_n3A_565 : vector<16xf32>
        scf.yield %add3A_566 : vector<16xf32>
      }
      %while3A_234 = arith.constant 1 : i32
      %while3A_235 = scf.for %while3A_548 = %while3A_231 to %while3A_227 step %while3A_234 iter_args(%while3A_549 = %while3A_233) -> (vector<16xf32>)  : i32 {
        %mul3A_550 = arith.constant 16 : i32
        %mul3A_551 = arith.muli %while3A_548, %mul3A_550 : i32
        %add3A_552 = arith.addi %convert_element_type3A_212, %mul3A_551 : i32
        %add3A_553 = vector.broadcast %add3A_552 : i32 to vector<16xi32>
        %add3A_554 = arith.addi %add3A_553, %iota3A : vector<16xi32>
        %lt3A_555 = vector.broadcast %convert_element_type3A_215 : i32 to vector<16xi32>
        %lt3A_556 = arith.cmpi slt, %add3A_554, %lt3A_555 : vector<16xi32>
        %max3A_557 = arith.maxsi %broadcast_in_dim3A_9, %add3A_554 : vector<16xi32>
        %min3A_558 = arith.minsi %broadcast_in_dim3A_13, %max3A_557 : vector<16xi32>
        %gather3A_559 = tpu.vector_load_idx %arg9[%min3A_558] : memref<8192xf32, #tpu.memory_space<vmem>>[vector<16xi32>], vector<16xf32>,
        %sub3A_560 = vector.broadcast %squeeze3A_217 : f32 to vector<16xf32>
        %sub3A_561 = arith.subf %gather3A_559, %sub3A_560 : vector<16xf32>
        %max3A_562 = arith.constant 0.000000e+00 : f32
        %max3A_563 = vector.broadcast %max3A_562 : f32 to vector<16xf32>
        %max3A_564 = arith.maximumf %sub3A_561, %max3A_563 : vector<16xf32>
        %select_n3A_565 = arith.select %lt3A_556, %max3A_564, %broadcast_in_dim3A_1 : vector<16xi1>, vector<16xf32>
        %add3A_566 = arith.addf %while3A_549, %select_n3A_565 : vector<16xf32>
        scf.yield %add3A_566 : vector<16xf32>
      }
      %slice3A_236 = vector.extract_strided_slice %gather3A_132 {offsets = [4], sizes = [1], strides = [1]} : vector<16xf32> to vector<1xf32>
      %squeeze3A_237 = vector.extract %slice3A_236[0] : f32 from vector<1xf32>
      %convert_element_type3A_238 = arith.fptosi %squeeze3A_237 : f32 to i32
      %slice3A_239 = vector.extract_strided_slice %select_n3A_133 {offsets = [4], sizes = [1], strides = [1]} : vector<16xf32> to vector<1xf32>
      %squeeze3A_240 = vector.extract %slice3A_239[0] : f32 from vector<1xf32>
      %convert_element_type3A_241 = arith.fptosi %squeeze3A_240 : f32 to i32
      %slice3A_242 = vector.extract_strided_slice %gather3A {offsets = [4], sizes = [1], strides = [1]} : vector<16xf32> to vector<1xf32>
      %squeeze3A_243 = vector.extract %slice3A_242[0] : f32 from vector<1xf32>
      %sub3A_244 = arith.subi %convert_element_type3A_241, %convert_element_type3A_238 : i32
      %add3A_245 = arith.constant 16 : i32
      %add3A_246 = arith.addi %sub3A_244, %add3A_245 : i32
      %sub3A_247 = arith.constant 1 : i32
      %sub3A_248 = arith.subi %add3A_246, %sub3A_247 : i32
      %shift_right_arithmetic3A_249 = arith.constant 4 : i32
      %shift_right_arithmetic3A_250 = arith.shrsi %sub3A_248, %shift_right_arithmetic3A_249 : i32
      %while3A_251 = arith.constant 0 : i32
      %while3A_252 = arith.subi %shift_right_arithmetic3A_250, %while3A_251 : i32
      %while3A_253 = arith.addi %while3A_251, %while3A_252 : i32
      %while3A_254 = arith.constant 1 : i32
      %while3A_255 = arith.divsi %while3A_252, %while3A_254 : i32
      %while3A_256 = arith.muli %while3A_255, %while3A_254 : i32
      %while3A_257 = arith.addi %while3A_251, %while3A_256 : i32
      %while3A_258 = arith.constant 1 : i32
      %while3A_259 = scf.for %while3A_548 = %while3A_251 to %while3A_257 step %while3A_258 iter_args(%while3A_549 = %while3A_235) -> (vector<16xf32>)  : i32 {
        %mul3A_550 = arith.constant 16 : i32
        %mul3A_551 = arith.muli %while3A_548, %mul3A_550 : i32
        %add3A_552 = arith.addi %convert_element_type3A_238, %mul3A_551 : i32
        %add3A_553 = vector.broadcast %add3A_552 : i32 to vector<16xi32>
        %add3A_554 = arith.addi %add3A_553, %iota3A : vector<16xi32>
        %lt3A_555 = vector.broadcast %convert_element_type3A_241 : i32 to vector<16xi32>
        %lt3A_556 = arith.cmpi slt, %add3A_554, %lt3A_555 : vector<16xi32>
        %max3A_557 = arith.maxsi %broadcast_in_dim3A_9, %add3A_554 : vector<16xi32>
        %min3A_558 = arith.minsi %broadcast_in_dim3A_13, %max3A_557 : vector<16xi32>
        %gather3A_559 = tpu.vector_load_idx %arg9[%min3A_558] : memref<8192xf32, #tpu.memory_space<vmem>>[vector<16xi32>], vector<16xf32>,
        %sub3A_560 = vector.broadcast %squeeze3A_243 : f32 to vector<16xf32>
        %sub3A_561 = arith.subf %gather3A_559, %sub3A_560 : vector<16xf32>
        %max3A_562 = arith.constant 0.000000e+00 : f32
        %max3A_563 = vector.broadcast %max3A_562 : f32 to vector<16xf32>
        %max3A_564 = arith.maximumf %sub3A_561, %max3A_563 : vector<16xf32>
        %select_n3A_565 = arith.select %lt3A_556, %max3A_564, %broadcast_in_dim3A_1 : vector<16xi1>, vector<16xf32>
        %add3A_566 = arith.addf %while3A_549, %select_n3A_565 : vector<16xf32>
        scf.yield %add3A_566 : vector<16xf32>
      }
      %while3A_260 = arith.constant 1 : i32
      %while3A_261 = scf.for %while3A_548 = %while3A_257 to %while3A_253 step %while3A_260 iter_args(%while3A_549 = %while3A_259) -> (vector<16xf32>)  : i32 {
        %mul3A_550 = arith.constant 16 : i32
        %mul3A_551 = arith.muli %while3A_548, %mul3A_550 : i32
        %add3A_552 = arith.addi %convert_element_type3A_238, %mul3A_551 : i32
        %add3A_553 = vector.broadcast %add3A_552 : i32 to vector<16xi32>
        %add3A_554 = arith.addi %add3A_553, %iota3A : vector<16xi32>
        %lt3A_555 = vector.broadcast %convert_element_type3A_241 : i32 to vector<16xi32>
        %lt3A_556 = arith.cmpi slt, %add3A_554, %lt3A_555 : vector<16xi32>
        %max3A_557 = arith.maxsi %broadcast_in_dim3A_9, %add3A_554 : vector<16xi32>
        %min3A_558 = arith.minsi %broadcast_in_dim3A_13, %max3A_557 : vector<16xi32>
        %gather3A_559 = tpu.vector_load_idx %arg9[%min3A_558] : memref<8192xf32, #tpu.memory_space<vmem>>[vector<16xi32>], vector<16xf32>,
        %sub3A_560 = vector.broadcast %squeeze3A_243 : f32 to vector<16xf32>
        %sub3A_561 = arith.subf %gather3A_559, %sub3A_560 : vector<16xf32>
        %max3A_562 = arith.constant 0.000000e+00 : f32
        %max3A_563 = vector.broadcast %max3A_562 : f32 to vector<16xf32>
        %max3A_564 = arith.maximumf %sub3A_561, %max3A_563 : vector<16xf32>
        %select_n3A_565 = arith.select %lt3A_556, %max3A_564, %broadcast_in_dim3A_1 : vector<16xi1>, vector<16xf32>
        %add3A_566 = arith.addf %while3A_549, %select_n3A_565 : vector<16xf32>
        scf.yield %add3A_566 : vector<16xf32>
      }
      %slice3A_262 = vector.extract_strided_slice %gather3A_132 {offsets = [5], sizes = [1], strides = [1]} : vector<16xf32> to vector<1xf32>
      %squeeze3A_263 = vector.extract %slice3A_262[0] : f32 from vector<1xf32>
      %convert_element_type3A_264 = arith.fptosi %squeeze3A_263 : f32 to i32
      %slice3A_265 = vector.extract_strided_slice %select_n3A_133 {offsets = [5], sizes = [1], strides = [1]} : vector<16xf32> to vector<1xf32>
      %squeeze3A_266 = vector.extract %slice3A_265[0] : f32 from vector<1xf32>
      %convert_element_type3A_267 = arith.fptosi %squeeze3A_266 : f32 to i32
      %slice3A_268 = vector.extract_strided_slice %gather3A {offsets = [5], sizes = [1], strides = [1]} : vector<16xf32> to vector<1xf32>
      %squeeze3A_269 = vector.extract %slice3A_268[0] : f32 from vector<1xf32>
      %sub3A_270 = arith.subi %convert_element_type3A_267, %convert_element_type3A_264 : i32
      %add3A_271 = arith.constant 16 : i32
      %add3A_272 = arith.addi %sub3A_270, %add3A_271 : i32
      %sub3A_273 = arith.constant 1 : i32
      %sub3A_274 = arith.subi %add3A_272, %sub3A_273 : i32
      %shift_right_arithmetic3A_275 = arith.constant 4 : i32
      %shift_right_arithmetic3A_276 = arith.shrsi %sub3A_274, %shift_right_arithmetic3A_275 : i32
      %while3A_277 = arith.constant 0 : i32
      %while3A_278 = arith.subi %shift_right_arithmetic3A_276, %while3A_277 : i32
      %while3A_279 = arith.addi %while3A_277, %while3A_278 : i32
      %while3A_280 = arith.constant 1 : i32
      %while3A_281 = arith.divsi %while3A_278, %while3A_280 : i32
      %while3A_282 = arith.muli %while3A_281, %while3A_280 : i32
      %while3A_283 = arith.addi %while3A_277, %while3A_282 : i32
      %while3A_284 = arith.constant 1 : i32
      %while3A_285 = scf.for %while3A_548 = %while3A_277 to %while3A_283 step %while3A_284 iter_args(%while3A_549 = %while3A_261) -> (vector<16xf32>)  : i32 {
        %mul3A_550 = arith.constant 16 : i32
        %mul3A_551 = arith.muli %while3A_548, %mul3A_550 : i32
        %add3A_552 = arith.addi %convert_element_type3A_264, %mul3A_551 : i32
        %add3A_553 = vector.broadcast %add3A_552 : i32 to vector<16xi32>
        %add3A_554 = arith.addi %add3A_553, %iota3A : vector<16xi32>
        %lt3A_555 = vector.broadcast %convert_element_type3A_267 : i32 to vector<16xi32>
        %lt3A_556 = arith.cmpi slt, %add3A_554, %lt3A_555 : vector<16xi32>
        %max3A_557 = arith.maxsi %broadcast_in_dim3A_9, %add3A_554 : vector<16xi32>
        %min3A_558 = arith.minsi %broadcast_in_dim3A_13, %max3A_557 : vector<16xi32>
        %gather3A_559 = tpu.vector_load_idx %arg9[%min3A_558] : memref<8192xf32, #tpu.memory_space<vmem>>[vector<16xi32>], vector<16xf32>,
        %sub3A_560 = vector.broadcast %squeeze3A_269 : f32 to vector<16xf32>
        %sub3A_561 = arith.subf %gather3A_559, %sub3A_560 : vector<16xf32>
        %max3A_562 = arith.constant 0.000000e+00 : f32
        %max3A_563 = vector.broadcast %max3A_562 : f32 to vector<16xf32>
        %max3A_564 = arith.maximumf %sub3A_561, %max3A_563 : vector<16xf32>
        %select_n3A_565 = arith.select %lt3A_556, %max3A_564, %broadcast_in_dim3A_1 : vector<16xi1>, vector<16xf32>
        %add3A_566 = arith.addf %while3A_549, %select_n3A_565 : vector<16xf32>
        scf.yield %add3A_566 : vector<16xf32>
      }
      %while3A_286 = arith.constant 1 : i32
      %while3A_287 = scf.for %while3A_548 = %while3A_283 to %while3A_279 step %while3A_286 iter_args(%while3A_549 = %while3A_285) -> (vector<16xf32>)  : i32 {
        %mul3A_550 = arith.constant 16 : i32
        %mul3A_551 = arith.muli %while3A_548, %mul3A_550 : i32
        %add3A_552 = arith.addi %convert_element_type3A_264, %mul3A_551 : i32
        %add3A_553 = vector.broadcast %add3A_552 : i32 to vector<16xi32>
        %add3A_554 = arith.addi %add3A_553, %iota3A : vector<16xi32>
        %lt3A_555 = vector.broadcast %convert_element_type3A_267 : i32 to vector<16xi32>
        %lt3A_556 = arith.cmpi slt, %add3A_554, %lt3A_555 : vector<16xi32>
        %max3A_557 = arith.maxsi %broadcast_in_dim3A_9, %add3A_554 : vector<16xi32>
        %min3A_558 = arith.minsi %broadcast_in_dim3A_13, %max3A_557 : vector<16xi32>
        %gather3A_559 = tpu.vector_load_idx %arg9[%min3A_558] : memref<8192xf32, #tpu.memory_space<vmem>>[vector<16xi32>], vector<16xf32>,
        %sub3A_560 = vector.broadcast %squeeze3A_269 : f32 to vector<16xf32>
        %sub3A_561 = arith.subf %gather3A_559, %sub3A_560 : vector<16xf32>
        %max3A_562 = arith.constant 0.000000e+00 : f32
        %max3A_563 = vector.broadcast %max3A_562 : f32 to vector<16xf32>
        %max3A_564 = arith.maximumf %sub3A_561, %max3A_563 : vector<16xf32>
        %select_n3A_565 = arith.select %lt3A_556, %max3A_564, %broadcast_in_dim3A_1 : vector<16xi1>, vector<16xf32>
        %add3A_566 = arith.addf %while3A_549, %select_n3A_565 : vector<16xf32>
        scf.yield %add3A_566 : vector<16xf32>
      }
      %slice3A_288 = vector.extract_strided_slice %gather3A_132 {offsets = [6], sizes = [1], strides = [1]} : vector<16xf32> to vector<1xf32>
      %squeeze3A_289 = vector.extract %slice3A_288[0] : f32 from vector<1xf32>
      %convert_element_type3A_290 = arith.fptosi %squeeze3A_289 : f32 to i32
      %slice3A_291 = vector.extract_strided_slice %select_n3A_133 {offsets = [6], sizes = [1], strides = [1]} : vector<16xf32> to vector<1xf32>
      %squeeze3A_292 = vector.extract %slice3A_291[0] : f32 from vector<1xf32>
      %convert_element_type3A_293 = arith.fptosi %squeeze3A_292 : f32 to i32
      %slice3A_294 = vector.extract_strided_slice %gather3A {offsets = [6], sizes = [1], strides = [1]} : vector<16xf32> to vector<1xf32>
      %squeeze3A_295 = vector.extract %slice3A_294[0] : f32 from vector<1xf32>
      %sub3A_296 = arith.subi %convert_element_type3A_293, %convert_element_type3A_290 : i32
      %add3A_297 = arith.constant 16 : i32
      %add3A_298 = arith.addi %sub3A_296, %add3A_297 : i32
      %sub3A_299 = arith.constant 1 : i32
      %sub3A_300 = arith.subi %add3A_298, %sub3A_299 : i32
      %shift_right_arithmetic3A_301 = arith.constant 4 : i32
      %shift_right_arithmetic3A_302 = arith.shrsi %sub3A_300, %shift_right_arithmetic3A_301 : i32
      %while3A_303 = arith.constant 0 : i32
      %while3A_304 = arith.subi %shift_right_arithmetic3A_302, %while3A_303 : i32
      %while3A_305 = arith.addi %while3A_303, %while3A_304 : i32
      %while3A_306 = arith.constant 1 : i32
      %while3A_307 = arith.divsi %while3A_304, %while3A_306 : i32
      %while3A_308 = arith.muli %while3A_307, %while3A_306 : i32
      %while3A_309 = arith.addi %while3A_303, %while3A_308 : i32
      %while3A_310 = arith.constant 1 : i32
      %while3A_311 = scf.for %while3A_548 = %while3A_303 to %while3A_309 step %while3A_310 iter_args(%while3A_549 = %while3A_287) -> (vector<16xf32>)  : i32 {
        %mul3A_550 = arith.constant 16 : i32
        %mul3A_551 = arith.muli %while3A_548, %mul3A_550 : i32
        %add3A_552 = arith.addi %convert_element_type3A_290, %mul3A_551 : i32
        %add3A_553 = vector.broadcast %add3A_552 : i32 to vector<16xi32>
        %add3A_554 = arith.addi %add3A_553, %iota3A : vector<16xi32>
        %lt3A_555 = vector.broadcast %convert_element_type3A_293 : i32 to vector<16xi32>
        %lt3A_556 = arith.cmpi slt, %add3A_554, %lt3A_555 : vector<16xi32>
        %max3A_557 = arith.maxsi %broadcast_in_dim3A_9, %add3A_554 : vector<16xi32>
        %min3A_558 = arith.minsi %broadcast_in_dim3A_13, %max3A_557 : vector<16xi32>
        %gather3A_559 = tpu.vector_load_idx %arg9[%min3A_558] : memref<8192xf32, #tpu.memory_space<vmem>>[vector<16xi32>], vector<16xf32>,
        %sub3A_560 = vector.broadcast %squeeze3A_295 : f32 to vector<16xf32>
        %sub3A_561 = arith.subf %gather3A_559, %sub3A_560 : vector<16xf32>
        %max3A_562 = arith.constant 0.000000e+00 : f32
        %max3A_563 = vector.broadcast %max3A_562 : f32 to vector<16xf32>
        %max3A_564 = arith.maximumf %sub3A_561, %max3A_563 : vector<16xf32>
        %select_n3A_565 = arith.select %lt3A_556, %max3A_564, %broadcast_in_dim3A_1 : vector<16xi1>, vector<16xf32>
        %add3A_566 = arith.addf %while3A_549, %select_n3A_565 : vector<16xf32>
        scf.yield %add3A_566 : vector<16xf32>
      }
      %while3A_312 = arith.constant 1 : i32
      %while3A_313 = scf.for %while3A_548 = %while3A_309 to %while3A_305 step %while3A_312 iter_args(%while3A_549 = %while3A_311) -> (vector<16xf32>)  : i32 {
        %mul3A_550 = arith.constant 16 : i32
        %mul3A_551 = arith.muli %while3A_548, %mul3A_550 : i32
        %add3A_552 = arith.addi %convert_element_type3A_290, %mul3A_551 : i32
        %add3A_553 = vector.broadcast %add3A_552 : i32 to vector<16xi32>
        %add3A_554 = arith.addi %add3A_553, %iota3A : vector<16xi32>
        %lt3A_555 = vector.broadcast %convert_element_type3A_293 : i32 to vector<16xi32>
        %lt3A_556 = arith.cmpi slt, %add3A_554, %lt3A_555 : vector<16xi32>
        %max3A_557 = arith.maxsi %broadcast_in_dim3A_9, %add3A_554 : vector<16xi32>
        %min3A_558 = arith.minsi %broadcast_in_dim3A_13, %max3A_557 : vector<16xi32>
        %gather3A_559 = tpu.vector_load_idx %arg9[%min3A_558] : memref<8192xf32, #tpu.memory_space<vmem>>[vector<16xi32>], vector<16xf32>,
        %sub3A_560 = vector.broadcast %squeeze3A_295 : f32 to vector<16xf32>
        %sub3A_561 = arith.subf %gather3A_559, %sub3A_560 : vector<16xf32>
        %max3A_562 = arith.constant 0.000000e+00 : f32
        %max3A_563 = vector.broadcast %max3A_562 : f32 to vector<16xf32>
        %max3A_564 = arith.maximumf %sub3A_561, %max3A_563 : vector<16xf32>
        %select_n3A_565 = arith.select %lt3A_556, %max3A_564, %broadcast_in_dim3A_1 : vector<16xi1>, vector<16xf32>
        %add3A_566 = arith.addf %while3A_549, %select_n3A_565 : vector<16xf32>
        scf.yield %add3A_566 : vector<16xf32>
      }
      %slice3A_314 = vector.extract_strided_slice %gather3A_132 {offsets = [7], sizes = [1], strides = [1]} : vector<16xf32> to vector<1xf32>
      %squeeze3A_315 = vector.extract %slice3A_314[0] : f32 from vector<1xf32>
      %convert_element_type3A_316 = arith.fptosi %squeeze3A_315 : f32 to i32
      %slice3A_317 = vector.extract_strided_slice %select_n3A_133 {offsets = [7], sizes = [1], strides = [1]} : vector<16xf32> to vector<1xf32>
      %squeeze3A_318 = vector.extract %slice3A_317[0] : f32 from vector<1xf32>
      %convert_element_type3A_319 = arith.fptosi %squeeze3A_318 : f32 to i32
      %slice3A_320 = vector.extract_strided_slice %gather3A {offsets = [7], sizes = [1], strides = [1]} : vector<16xf32> to vector<1xf32>
      %squeeze3A_321 = vector.extract %slice3A_320[0] : f32 from vector<1xf32>
      %sub3A_322 = arith.subi %convert_element_type3A_319, %convert_element_type3A_316 : i32
      %add3A_323 = arith.constant 16 : i32
      %add3A_324 = arith.addi %sub3A_322, %add3A_323 : i32
      %sub3A_325 = arith.constant 1 : i32
      %sub3A_326 = arith.subi %add3A_324, %sub3A_325 : i32
      %shift_right_arithmetic3A_327 = arith.constant 4 : i32
      %shift_right_arithmetic3A_328 = arith.shrsi %sub3A_326, %shift_right_arithmetic3A_327 : i32
      %while3A_329 = arith.constant 0 : i32
      %while3A_330 = arith.subi %shift_right_arithmetic3A_328, %while3A_329 : i32
      %while3A_331 = arith.addi %while3A_329, %while3A_330 : i32
      %while3A_332 = arith.constant 1 : i32
      %while3A_333 = arith.divsi %while3A_330, %while3A_332 : i32
      %while3A_334 = arith.muli %while3A_333, %while3A_332 : i32
      %while3A_335 = arith.addi %while3A_329, %while3A_334 : i32
      %while3A_336 = arith.constant 1 : i32
      %while3A_337 = scf.for %while3A_548 = %while3A_329 to %while3A_335 step %while3A_336 iter_args(%while3A_549 = %while3A_313) -> (vector<16xf32>)  : i32 {
        %mul3A_550 = arith.constant 16 : i32
        %mul3A_551 = arith.muli %while3A_548, %mul3A_550 : i32
        %add3A_552 = arith.addi %convert_element_type3A_316, %mul3A_551 : i32
        %add3A_553 = vector.broadcast %add3A_552 : i32 to vector<16xi32>
        %add3A_554 = arith.addi %add3A_553, %iota3A : vector<16xi32>
        %lt3A_555 = vector.broadcast %convert_element_type3A_319 : i32 to vector<16xi32>
        %lt3A_556 = arith.cmpi slt, %add3A_554, %lt3A_555 : vector<16xi32>
        %max3A_557 = arith.maxsi %broadcast_in_dim3A_9, %add3A_554 : vector<16xi32>
        %min3A_558 = arith.minsi %broadcast_in_dim3A_13, %max3A_557 : vector<16xi32>
        %gather3A_559 = tpu.vector_load_idx %arg9[%min3A_558] : memref<8192xf32, #tpu.memory_space<vmem>>[vector<16xi32>], vector<16xf32>,
        %sub3A_560 = vector.broadcast %squeeze3A_321 : f32 to vector<16xf32>
        %sub3A_561 = arith.subf %gather3A_559, %sub3A_560 : vector<16xf32>
        %max3A_562 = arith.constant 0.000000e+00 : f32
        %max3A_563 = vector.broadcast %max3A_562 : f32 to vector<16xf32>
        %max3A_564 = arith.maximumf %sub3A_561, %max3A_563 : vector<16xf32>
        %select_n3A_565 = arith.select %lt3A_556, %max3A_564, %broadcast_in_dim3A_1 : vector<16xi1>, vector<16xf32>
        %add3A_566 = arith.addf %while3A_549, %select_n3A_565 : vector<16xf32>
        scf.yield %add3A_566 : vector<16xf32>
      }
      %while3A_338 = arith.constant 1 : i32
      %while3A_339 = scf.for %while3A_548 = %while3A_335 to %while3A_331 step %while3A_338 iter_args(%while3A_549 = %while3A_337) -> (vector<16xf32>)  : i32 {
        %mul3A_550 = arith.constant 16 : i32
        %mul3A_551 = arith.muli %while3A_548, %mul3A_550 : i32
        %add3A_552 = arith.addi %convert_element_type3A_316, %mul3A_551 : i32
        %add3A_553 = vector.broadcast %add3A_552 : i32 to vector<16xi32>
        %add3A_554 = arith.addi %add3A_553, %iota3A : vector<16xi32>
        %lt3A_555 = vector.broadcast %convert_element_type3A_319 : i32 to vector<16xi32>
        %lt3A_556 = arith.cmpi slt, %add3A_554, %lt3A_555 : vector<16xi32>
        %max3A_557 = arith.maxsi %broadcast_in_dim3A_9, %add3A_554 : vector<16xi32>
        %min3A_558 = arith.minsi %broadcast_in_dim3A_13, %max3A_557 : vector<16xi32>
        %gather3A_559 = tpu.vector_load_idx %arg9[%min3A_558] : memref<8192xf32, #tpu.memory_space<vmem>>[vector<16xi32>], vector<16xf32>,
        %sub3A_560 = vector.broadcast %squeeze3A_321 : f32 to vector<16xf32>
        %sub3A_561 = arith.subf %gather3A_559, %sub3A_560 : vector<16xf32>
        %max3A_562 = arith.constant 0.000000e+00 : f32
        %max3A_563 = vector.broadcast %max3A_562 : f32 to vector<16xf32>
        %max3A_564 = arith.maximumf %sub3A_561, %max3A_563 : vector<16xf32>
        %select_n3A_565 = arith.select %lt3A_556, %max3A_564, %broadcast_in_dim3A_1 : vector<16xi1>, vector<16xf32>
        %add3A_566 = arith.addf %while3A_549, %select_n3A_565 : vector<16xf32>
        scf.yield %add3A_566 : vector<16xf32>
      }
      %slice3A_340 = vector.extract_strided_slice %gather3A_132 {offsets = [8], sizes = [1], strides = [1]} : vector<16xf32> to vector<1xf32>
      %squeeze3A_341 = vector.extract %slice3A_340[0] : f32 from vector<1xf32>
      %convert_element_type3A_342 = arith.fptosi %squeeze3A_341 : f32 to i32
      %slice3A_343 = vector.extract_strided_slice %select_n3A_133 {offsets = [8], sizes = [1], strides = [1]} : vector<16xf32> to vector<1xf32>
      %squeeze3A_344 = vector.extract %slice3A_343[0] : f32 from vector<1xf32>
      %convert_element_type3A_345 = arith.fptosi %squeeze3A_344 : f32 to i32
      %slice3A_346 = vector.extract_strided_slice %gather3A {offsets = [8], sizes = [1], strides = [1]} : vector<16xf32> to vector<1xf32>
      %squeeze3A_347 = vector.extract %slice3A_346[0] : f32 from vector<1xf32>
      %sub3A_348 = arith.subi %convert_element_type3A_345, %convert_element_type3A_342 : i32
      %add3A_349 = arith.constant 16 : i32
      %add3A_350 = arith.addi %sub3A_348, %add3A_349 : i32
      %sub3A_351 = arith.constant 1 : i32
      %sub3A_352 = arith.subi %add3A_350, %sub3A_351 : i32
      %shift_right_arithmetic3A_353 = arith.constant 4 : i32
      %shift_right_arithmetic3A_354 = arith.shrsi %sub3A_352, %shift_right_arithmetic3A_353 : i32
      %while3A_355 = arith.constant 0 : i32
      %while3A_356 = arith.subi %shift_right_arithmetic3A_354, %while3A_355 : i32
      %while3A_357 = arith.addi %while3A_355, %while3A_356 : i32
      %while3A_358 = arith.constant 1 : i32
      %while3A_359 = arith.divsi %while3A_356, %while3A_358 : i32
      %while3A_360 = arith.muli %while3A_359, %while3A_358 : i32
      %while3A_361 = arith.addi %while3A_355, %while3A_360 : i32
      %while3A_362 = arith.constant 1 : i32
      %while3A_363 = scf.for %while3A_548 = %while3A_355 to %while3A_361 step %while3A_362 iter_args(%while3A_549 = %while3A_339) -> (vector<16xf32>)  : i32 {
        %mul3A_550 = arith.constant 16 : i32
        %mul3A_551 = arith.muli %while3A_548, %mul3A_550 : i32
        %add3A_552 = arith.addi %convert_element_type3A_342, %mul3A_551 : i32
        %add3A_553 = vector.broadcast %add3A_552 : i32 to vector<16xi32>
        %add3A_554 = arith.addi %add3A_553, %iota3A : vector<16xi32>
        %lt3A_555 = vector.broadcast %convert_element_type3A_345 : i32 to vector<16xi32>
        %lt3A_556 = arith.cmpi slt, %add3A_554, %lt3A_555 : vector<16xi32>
        %max3A_557 = arith.maxsi %broadcast_in_dim3A_9, %add3A_554 : vector<16xi32>
        %min3A_558 = arith.minsi %broadcast_in_dim3A_13, %max3A_557 : vector<16xi32>
        %gather3A_559 = tpu.vector_load_idx %arg9[%min3A_558] : memref<8192xf32, #tpu.memory_space<vmem>>[vector<16xi32>], vector<16xf32>,
        %sub3A_560 = vector.broadcast %squeeze3A_347 : f32 to vector<16xf32>
        %sub3A_561 = arith.subf %gather3A_559, %sub3A_560 : vector<16xf32>
        %max3A_562 = arith.constant 0.000000e+00 : f32
        %max3A_563 = vector.broadcast %max3A_562 : f32 to vector<16xf32>
        %max3A_564 = arith.maximumf %sub3A_561, %max3A_563 : vector<16xf32>
        %select_n3A_565 = arith.select %lt3A_556, %max3A_564, %broadcast_in_dim3A_1 : vector<16xi1>, vector<16xf32>
        %add3A_566 = arith.addf %while3A_549, %select_n3A_565 : vector<16xf32>
        scf.yield %add3A_566 : vector<16xf32>
      }
      %while3A_364 = arith.constant 1 : i32
      %while3A_365 = scf.for %while3A_548 = %while3A_361 to %while3A_357 step %while3A_364 iter_args(%while3A_549 = %while3A_363) -> (vector<16xf32>)  : i32 {
        %mul3A_550 = arith.constant 16 : i32
        %mul3A_551 = arith.muli %while3A_548, %mul3A_550 : i32
        %add3A_552 = arith.addi %convert_element_type3A_342, %mul3A_551 : i32
        %add3A_553 = vector.broadcast %add3A_552 : i32 to vector<16xi32>
        %add3A_554 = arith.addi %add3A_553, %iota3A : vector<16xi32>
        %lt3A_555 = vector.broadcast %convert_element_type3A_345 : i32 to vector<16xi32>
        %lt3A_556 = arith.cmpi slt, %add3A_554, %lt3A_555 : vector<16xi32>
        %max3A_557 = arith.maxsi %broadcast_in_dim3A_9, %add3A_554 : vector<16xi32>
        %min3A_558 = arith.minsi %broadcast_in_dim3A_13, %max3A_557 : vector<16xi32>
        %gather3A_559 = tpu.vector_load_idx %arg9[%min3A_558] : memref<8192xf32, #tpu.memory_space<vmem>>[vector<16xi32>], vector<16xf32>,
        %sub3A_560 = vector.broadcast %squeeze3A_347 : f32 to vector<16xf32>
        %sub3A_561 = arith.subf %gather3A_559, %sub3A_560 : vector<16xf32>
        %max3A_562 = arith.constant 0.000000e+00 : f32
        %max3A_563 = vector.broadcast %max3A_562 : f32 to vector<16xf32>
        %max3A_564 = arith.maximumf %sub3A_561, %max3A_563 : vector<16xf32>
        %select_n3A_565 = arith.select %lt3A_556, %max3A_564, %broadcast_in_dim3A_1 : vector<16xi1>, vector<16xf32>
        %add3A_566 = arith.addf %while3A_549, %select_n3A_565 : vector<16xf32>
        scf.yield %add3A_566 : vector<16xf32>
      }
      %slice3A_366 = vector.extract_strided_slice %gather3A_132 {offsets = [9], sizes = [1], strides = [1]} : vector<16xf32> to vector<1xf32>
      %squeeze3A_367 = vector.extract %slice3A_366[0] : f32 from vector<1xf32>
      %convert_element_type3A_368 = arith.fptosi %squeeze3A_367 : f32 to i32
      %slice3A_369 = vector.extract_strided_slice %select_n3A_133 {offsets = [9], sizes = [1], strides = [1]} : vector<16xf32> to vector<1xf32>
      %squeeze3A_370 = vector.extract %slice3A_369[0] : f32 from vector<1xf32>
      %convert_element_type3A_371 = arith.fptosi %squeeze3A_370 : f32 to i32
      %slice3A_372 = vector.extract_strided_slice %gather3A {offsets = [9], sizes = [1], strides = [1]} : vector<16xf32> to vector<1xf32>
      %squeeze3A_373 = vector.extract %slice3A_372[0] : f32 from vector<1xf32>
      %sub3A_374 = arith.subi %convert_element_type3A_371, %convert_element_type3A_368 : i32
      %add3A_375 = arith.constant 16 : i32
      %add3A_376 = arith.addi %sub3A_374, %add3A_375 : i32
      %sub3A_377 = arith.constant 1 : i32
      %sub3A_378 = arith.subi %add3A_376, %sub3A_377 : i32
      %shift_right_arithmetic3A_379 = arith.constant 4 : i32
      %shift_right_arithmetic3A_380 = arith.shrsi %sub3A_378, %shift_right_arithmetic3A_379 : i32
      %while3A_381 = arith.constant 0 : i32
      %while3A_382 = arith.subi %shift_right_arithmetic3A_380, %while3A_381 : i32
      %while3A_383 = arith.addi %while3A_381, %while3A_382 : i32
      %while3A_384 = arith.constant 1 : i32
      %while3A_385 = arith.divsi %while3A_382, %while3A_384 : i32
      %while3A_386 = arith.muli %while3A_385, %while3A_384 : i32
      %while3A_387 = arith.addi %while3A_381, %while3A_386 : i32
      %while3A_388 = arith.constant 1 : i32
      %while3A_389 = scf.for %while3A_548 = %while3A_381 to %while3A_387 step %while3A_388 iter_args(%while3A_549 = %while3A_365) -> (vector<16xf32>)  : i32 {
        %mul3A_550 = arith.constant 16 : i32
        %mul3A_551 = arith.muli %while3A_548, %mul3A_550 : i32
        %add3A_552 = arith.addi %convert_element_type3A_368, %mul3A_551 : i32
        %add3A_553 = vector.broadcast %add3A_552 : i32 to vector<16xi32>
        %add3A_554 = arith.addi %add3A_553, %iota3A : vector<16xi32>
        %lt3A_555 = vector.broadcast %convert_element_type3A_371 : i32 to vector<16xi32>
        %lt3A_556 = arith.cmpi slt, %add3A_554, %lt3A_555 : vector<16xi32>
        %max3A_557 = arith.maxsi %broadcast_in_dim3A_9, %add3A_554 : vector<16xi32>
        %min3A_558 = arith.minsi %broadcast_in_dim3A_13, %max3A_557 : vector<16xi32>
        %gather3A_559 = tpu.vector_load_idx %arg9[%min3A_558] : memref<8192xf32, #tpu.memory_space<vmem>>[vector<16xi32>], vector<16xf32>,
        %sub3A_560 = vector.broadcast %squeeze3A_373 : f32 to vector<16xf32>
        %sub3A_561 = arith.subf %gather3A_559, %sub3A_560 : vector<16xf32>
        %max3A_562 = arith.constant 0.000000e+00 : f32
        %max3A_563 = vector.broadcast %max3A_562 : f32 to vector<16xf32>
        %max3A_564 = arith.maximumf %sub3A_561, %max3A_563 : vector<16xf32>
        %select_n3A_565 = arith.select %lt3A_556, %max3A_564, %broadcast_in_dim3A_1 : vector<16xi1>, vector<16xf32>
        %add3A_566 = arith.addf %while3A_549, %select_n3A_565 : vector<16xf32>
        scf.yield %add3A_566 : vector<16xf32>
      }
      %while3A_390 = arith.constant 1 : i32
      %while3A_391 = scf.for %while3A_548 = %while3A_387 to %while3A_383 step %while3A_390 iter_args(%while3A_549 = %while3A_389) -> (vector<16xf32>)  : i32 {
        %mul3A_550 = arith.constant 16 : i32
        %mul3A_551 = arith.muli %while3A_548, %mul3A_550 : i32
        %add3A_552 = arith.addi %convert_element_type3A_368, %mul3A_551 : i32
        %add3A_553 = vector.broadcast %add3A_552 : i32 to vector<16xi32>
        %add3A_554 = arith.addi %add3A_553, %iota3A : vector<16xi32>
        %lt3A_555 = vector.broadcast %convert_element_type3A_371 : i32 to vector<16xi32>
        %lt3A_556 = arith.cmpi slt, %add3A_554, %lt3A_555 : vector<16xi32>
        %max3A_557 = arith.maxsi %broadcast_in_dim3A_9, %add3A_554 : vector<16xi32>
        %min3A_558 = arith.minsi %broadcast_in_dim3A_13, %max3A_557 : vector<16xi32>
        %gather3A_559 = tpu.vector_load_idx %arg9[%min3A_558] : memref<8192xf32, #tpu.memory_space<vmem>>[vector<16xi32>], vector<16xf32>,
        %sub3A_560 = vector.broadcast %squeeze3A_373 : f32 to vector<16xf32>
        %sub3A_561 = arith.subf %gather3A_559, %sub3A_560 : vector<16xf32>
        %max3A_562 = arith.constant 0.000000e+00 : f32
        %max3A_563 = vector.broadcast %max3A_562 : f32 to vector<16xf32>
        %max3A_564 = arith.maximumf %sub3A_561, %max3A_563 : vector<16xf32>
        %select_n3A_565 = arith.select %lt3A_556, %max3A_564, %broadcast_in_dim3A_1 : vector<16xi1>, vector<16xf32>
        %add3A_566 = arith.addf %while3A_549, %select_n3A_565 : vector<16xf32>
        scf.yield %add3A_566 : vector<16xf32>
      }
      %slice3A_392 = vector.extract_strided_slice %gather3A_132 {offsets = [10], sizes = [1], strides = [1]} : vector<16xf32> to vector<1xf32>
      %squeeze3A_393 = vector.extract %slice3A_392[0] : f32 from vector<1xf32>
      %convert_element_type3A_394 = arith.fptosi %squeeze3A_393 : f32 to i32
      %slice3A_395 = vector.extract_strided_slice %select_n3A_133 {offsets = [10], sizes = [1], strides = [1]} : vector<16xf32> to vector<1xf32>
      %squeeze3A_396 = vector.extract %slice3A_395[0] : f32 from vector<1xf32>
      %convert_element_type3A_397 = arith.fptosi %squeeze3A_396 : f32 to i32
      %slice3A_398 = vector.extract_strided_slice %gather3A {offsets = [10], sizes = [1], strides = [1]} : vector<16xf32> to vector<1xf32>
      %squeeze3A_399 = vector.extract %slice3A_398[0] : f32 from vector<1xf32>
      %sub3A_400 = arith.subi %convert_element_type3A_397, %convert_element_type3A_394 : i32
      %add3A_401 = arith.constant 16 : i32
      %add3A_402 = arith.addi %sub3A_400, %add3A_401 : i32
      %sub3A_403 = arith.constant 1 : i32
      %sub3A_404 = arith.subi %add3A_402, %sub3A_403 : i32
      %shift_right_arithmetic3A_405 = arith.constant 4 : i32
      %shift_right_arithmetic3A_406 = arith.shrsi %sub3A_404, %shift_right_arithmetic3A_405 : i32
      %while3A_407 = arith.constant 0 : i32
      %while3A_408 = arith.subi %shift_right_arithmetic3A_406, %while3A_407 : i32
      %while3A_409 = arith.addi %while3A_407, %while3A_408 : i32
      %while3A_410 = arith.constant 1 : i32
      %while3A_411 = arith.divsi %while3A_408, %while3A_410 : i32
      %while3A_412 = arith.muli %while3A_411, %while3A_410 : i32
      %while3A_413 = arith.addi %while3A_407, %while3A_412 : i32
      %while3A_414 = arith.constant 1 : i32
      %while3A_415 = scf.for %while3A_548 = %while3A_407 to %while3A_413 step %while3A_414 iter_args(%while3A_549 = %while3A_391) -> (vector<16xf32>)  : i32 {
        %mul3A_550 = arith.constant 16 : i32
        %mul3A_551 = arith.muli %while3A_548, %mul3A_550 : i32
        %add3A_552 = arith.addi %convert_element_type3A_394, %mul3A_551 : i32
        %add3A_553 = vector.broadcast %add3A_552 : i32 to vector<16xi32>
        %add3A_554 = arith.addi %add3A_553, %iota3A : vector<16xi32>
        %lt3A_555 = vector.broadcast %convert_element_type3A_397 : i32 to vector<16xi32>
        %lt3A_556 = arith.cmpi slt, %add3A_554, %lt3A_555 : vector<16xi32>
        %max3A_557 = arith.maxsi %broadcast_in_dim3A_9, %add3A_554 : vector<16xi32>
        %min3A_558 = arith.minsi %broadcast_in_dim3A_13, %max3A_557 : vector<16xi32>
        %gather3A_559 = tpu.vector_load_idx %arg9[%min3A_558] : memref<8192xf32, #tpu.memory_space<vmem>>[vector<16xi32>], vector<16xf32>,
        %sub3A_560 = vector.broadcast %squeeze3A_399 : f32 to vector<16xf32>
        %sub3A_561 = arith.subf %gather3A_559, %sub3A_560 : vector<16xf32>
        %max3A_562 = arith.constant 0.000000e+00 : f32
        %max3A_563 = vector.broadcast %max3A_562 : f32 to vector<16xf32>
        %max3A_564 = arith.maximumf %sub3A_561, %max3A_563 : vector<16xf32>
        %select_n3A_565 = arith.select %lt3A_556, %max3A_564, %broadcast_in_dim3A_1 : vector<16xi1>, vector<16xf32>
        %add3A_566 = arith.addf %while3A_549, %select_n3A_565 : vector<16xf32>
        scf.yield %add3A_566 : vector<16xf32>
      }
      %while3A_416 = arith.constant 1 : i32
      %while3A_417 = scf.for %while3A_548 = %while3A_413 to %while3A_409 step %while3A_416 iter_args(%while3A_549 = %while3A_415) -> (vector<16xf32>)  : i32 {
        %mul3A_550 = arith.constant 16 : i32
        %mul3A_551 = arith.muli %while3A_548, %mul3A_550 : i32
        %add3A_552 = arith.addi %convert_element_type3A_394, %mul3A_551 : i32
        %add3A_553 = vector.broadcast %add3A_552 : i32 to vector<16xi32>
        %add3A_554 = arith.addi %add3A_553, %iota3A : vector<16xi32>
        %lt3A_555 = vector.broadcast %convert_element_type3A_397 : i32 to vector<16xi32>
        %lt3A_556 = arith.cmpi slt, %add3A_554, %lt3A_555 : vector<16xi32>
        %max3A_557 = arith.maxsi %broadcast_in_dim3A_9, %add3A_554 : vector<16xi32>
        %min3A_558 = arith.minsi %broadcast_in_dim3A_13, %max3A_557 : vector<16xi32>
        %gather3A_559 = tpu.vector_load_idx %arg9[%min3A_558] : memref<8192xf32, #tpu.memory_space<vmem>>[vector<16xi32>], vector<16xf32>,
        %sub3A_560 = vector.broadcast %squeeze3A_399 : f32 to vector<16xf32>
        %sub3A_561 = arith.subf %gather3A_559, %sub3A_560 : vector<16xf32>
        %max3A_562 = arith.constant 0.000000e+00 : f32
        %max3A_563 = vector.broadcast %max3A_562 : f32 to vector<16xf32>
        %max3A_564 = arith.maximumf %sub3A_561, %max3A_563 : vector<16xf32>
        %select_n3A_565 = arith.select %lt3A_556, %max3A_564, %broadcast_in_dim3A_1 : vector<16xi1>, vector<16xf32>
        %add3A_566 = arith.addf %while3A_549, %select_n3A_565 : vector<16xf32>
        scf.yield %add3A_566 : vector<16xf32>
      }
      %slice3A_418 = vector.extract_strided_slice %gather3A_132 {offsets = [11], sizes = [1], strides = [1]} : vector<16xf32> to vector<1xf32>
      %squeeze3A_419 = vector.extract %slice3A_418[0] : f32 from vector<1xf32>
      %convert_element_type3A_420 = arith.fptosi %squeeze3A_419 : f32 to i32
      %slice3A_421 = vector.extract_strided_slice %select_n3A_133 {offsets = [11], sizes = [1], strides = [1]} : vector<16xf32> to vector<1xf32>
      %squeeze3A_422 = vector.extract %slice3A_421[0] : f32 from vector<1xf32>
      %convert_element_type3A_423 = arith.fptosi %squeeze3A_422 : f32 to i32
      %slice3A_424 = vector.extract_strided_slice %gather3A {offsets = [11], sizes = [1], strides = [1]} : vector<16xf32> to vector<1xf32>
      %squeeze3A_425 = vector.extract %slice3A_424[0] : f32 from vector<1xf32>
      %sub3A_426 = arith.subi %convert_element_type3A_423, %convert_element_type3A_420 : i32
      %add3A_427 = arith.constant 16 : i32
      %add3A_428 = arith.addi %sub3A_426, %add3A_427 : i32
      %sub3A_429 = arith.constant 1 : i32
      %sub3A_430 = arith.subi %add3A_428, %sub3A_429 : i32
      %shift_right_arithmetic3A_431 = arith.constant 4 : i32
      %shift_right_arithmetic3A_432 = arith.shrsi %sub3A_430, %shift_right_arithmetic3A_431 : i32
      %while3A_433 = arith.constant 0 : i32
      %while3A_434 = arith.subi %shift_right_arithmetic3A_432, %while3A_433 : i32
      %while3A_435 = arith.addi %while3A_433, %while3A_434 : i32
      %while3A_436 = arith.constant 1 : i32
      %while3A_437 = arith.divsi %while3A_434, %while3A_436 : i32
      %while3A_438 = arith.muli %while3A_437, %while3A_436 : i32
      %while3A_439 = arith.addi %while3A_433, %while3A_438 : i32
      %while3A_440 = arith.constant 1 : i32
      %while3A_441 = scf.for %while3A_548 = %while3A_433 to %while3A_439 step %while3A_440 iter_args(%while3A_549 = %while3A_417) -> (vector<16xf32>)  : i32 {
        %mul3A_550 = arith.constant 16 : i32
        %mul3A_551 = arith.muli %while3A_548, %mul3A_550 : i32
        %add3A_552 = arith.addi %convert_element_type3A_420, %mul3A_551 : i32
        %add3A_553 = vector.broadcast %add3A_552 : i32 to vector<16xi32>
        %add3A_554 = arith.addi %add3A_553, %iota3A : vector<16xi32>
        %lt3A_555 = vector.broadcast %convert_element_type3A_423 : i32 to vector<16xi32>
        %lt3A_556 = arith.cmpi slt, %add3A_554, %lt3A_555 : vector<16xi32>
        %max3A_557 = arith.maxsi %broadcast_in_dim3A_9, %add3A_554 : vector<16xi32>
        %min3A_558 = arith.minsi %broadcast_in_dim3A_13, %max3A_557 : vector<16xi32>
        %gather3A_559 = tpu.vector_load_idx %arg9[%min3A_558] : memref<8192xf32, #tpu.memory_space<vmem>>[vector<16xi32>], vector<16xf32>,
        %sub3A_560 = vector.broadcast %squeeze3A_425 : f32 to vector<16xf32>
        %sub3A_561 = arith.subf %gather3A_559, %sub3A_560 : vector<16xf32>
        %max3A_562 = arith.constant 0.000000e+00 : f32
        %max3A_563 = vector.broadcast %max3A_562 : f32 to vector<16xf32>
        %max3A_564 = arith.maximumf %sub3A_561, %max3A_563 : vector<16xf32>
        %select_n3A_565 = arith.select %lt3A_556, %max3A_564, %broadcast_in_dim3A_1 : vector<16xi1>, vector<16xf32>
        %add3A_566 = arith.addf %while3A_549, %select_n3A_565 : vector<16xf32>
        scf.yield %add3A_566 : vector<16xf32>
      }
      %while3A_442 = arith.constant 1 : i32
      %while3A_443 = scf.for %while3A_548 = %while3A_439 to %while3A_435 step %while3A_442 iter_args(%while3A_549 = %while3A_441) -> (vector<16xf32>)  : i32 {
        %mul3A_550 = arith.constant 16 : i32
        %mul3A_551 = arith.muli %while3A_548, %mul3A_550 : i32
        %add3A_552 = arith.addi %convert_element_type3A_420, %mul3A_551 : i32
        %add3A_553 = vector.broadcast %add3A_552 : i32 to vector<16xi32>
        %add3A_554 = arith.addi %add3A_553, %iota3A : vector<16xi32>
        %lt3A_555 = vector.broadcast %convert_element_type3A_423 : i32 to vector<16xi32>
        %lt3A_556 = arith.cmpi slt, %add3A_554, %lt3A_555 : vector<16xi32>
        %max3A_557 = arith.maxsi %broadcast_in_dim3A_9, %add3A_554 : vector<16xi32>
        %min3A_558 = arith.minsi %broadcast_in_dim3A_13, %max3A_557 : vector<16xi32>
        %gather3A_559 = tpu.vector_load_idx %arg9[%min3A_558] : memref<8192xf32, #tpu.memory_space<vmem>>[vector<16xi32>], vector<16xf32>,
        %sub3A_560 = vector.broadcast %squeeze3A_425 : f32 to vector<16xf32>
        %sub3A_561 = arith.subf %gather3A_559, %sub3A_560 : vector<16xf32>
        %max3A_562 = arith.constant 0.000000e+00 : f32
        %max3A_563 = vector.broadcast %max3A_562 : f32 to vector<16xf32>
        %max3A_564 = arith.maximumf %sub3A_561, %max3A_563 : vector<16xf32>
        %select_n3A_565 = arith.select %lt3A_556, %max3A_564, %broadcast_in_dim3A_1 : vector<16xi1>, vector<16xf32>
        %add3A_566 = arith.addf %while3A_549, %select_n3A_565 : vector<16xf32>
        scf.yield %add3A_566 : vector<16xf32>
      }
      %slice3A_444 = vector.extract_strided_slice %gather3A_132 {offsets = [12], sizes = [1], strides = [1]} : vector<16xf32> to vector<1xf32>
      %squeeze3A_445 = vector.extract %slice3A_444[0] : f32 from vector<1xf32>
      %convert_element_type3A_446 = arith.fptosi %squeeze3A_445 : f32 to i32
      %slice3A_447 = vector.extract_strided_slice %select_n3A_133 {offsets = [12], sizes = [1], strides = [1]} : vector<16xf32> to vector<1xf32>
      %squeeze3A_448 = vector.extract %slice3A_447[0] : f32 from vector<1xf32>
      %convert_element_type3A_449 = arith.fptosi %squeeze3A_448 : f32 to i32
      %slice3A_450 = vector.extract_strided_slice %gather3A {offsets = [12], sizes = [1], strides = [1]} : vector<16xf32> to vector<1xf32>
      %squeeze3A_451 = vector.extract %slice3A_450[0] : f32 from vector<1xf32>
      %sub3A_452 = arith.subi %convert_element_type3A_449, %convert_element_type3A_446 : i32
      %add3A_453 = arith.constant 16 : i32
      %add3A_454 = arith.addi %sub3A_452, %add3A_453 : i32
      %sub3A_455 = arith.constant 1 : i32
      %sub3A_456 = arith.subi %add3A_454, %sub3A_455 : i32
      %shift_right_arithmetic3A_457 = arith.constant 4 : i32
      %shift_right_arithmetic3A_458 = arith.shrsi %sub3A_456, %shift_right_arithmetic3A_457 : i32
      %while3A_459 = arith.constant 0 : i32
      %while3A_460 = arith.subi %shift_right_arithmetic3A_458, %while3A_459 : i32
      %while3A_461 = arith.addi %while3A_459, %while3A_460 : i32
      %while3A_462 = arith.constant 1 : i32
      %while3A_463 = arith.divsi %while3A_460, %while3A_462 : i32
      %while3A_464 = arith.muli %while3A_463, %while3A_462 : i32
      %while3A_465 = arith.addi %while3A_459, %while3A_464 : i32
      %while3A_466 = arith.constant 1 : i32
      %while3A_467 = scf.for %while3A_548 = %while3A_459 to %while3A_465 step %while3A_466 iter_args(%while3A_549 = %while3A_443) -> (vector<16xf32>)  : i32 {
        %mul3A_550 = arith.constant 16 : i32
        %mul3A_551 = arith.muli %while3A_548, %mul3A_550 : i32
        %add3A_552 = arith.addi %convert_element_type3A_446, %mul3A_551 : i32
        %add3A_553 = vector.broadcast %add3A_552 : i32 to vector<16xi32>
        %add3A_554 = arith.addi %add3A_553, %iota3A : vector<16xi32>
        %lt3A_555 = vector.broadcast %convert_element_type3A_449 : i32 to vector<16xi32>
        %lt3A_556 = arith.cmpi slt, %add3A_554, %lt3A_555 : vector<16xi32>
        %max3A_557 = arith.maxsi %broadcast_in_dim3A_9, %add3A_554 : vector<16xi32>
        %min3A_558 = arith.minsi %broadcast_in_dim3A_13, %max3A_557 : vector<16xi32>
        %gather3A_559 = tpu.vector_load_idx %arg9[%min3A_558] : memref<8192xf32, #tpu.memory_space<vmem>>[vector<16xi32>], vector<16xf32>,
        %sub3A_560 = vector.broadcast %squeeze3A_451 : f32 to vector<16xf32>
        %sub3A_561 = arith.subf %gather3A_559, %sub3A_560 : vector<16xf32>
        %max3A_562 = arith.constant 0.000000e+00 : f32
        %max3A_563 = vector.broadcast %max3A_562 : f32 to vector<16xf32>
        %max3A_564 = arith.maximumf %sub3A_561, %max3A_563 : vector<16xf32>
        %select_n3A_565 = arith.select %lt3A_556, %max3A_564, %broadcast_in_dim3A_1 : vector<16xi1>, vector<16xf32>
        %add3A_566 = arith.addf %while3A_549, %select_n3A_565 : vector<16xf32>
        scf.yield %add3A_566 : vector<16xf32>
      }
      %while3A_468 = arith.constant 1 : i32
      %while3A_469 = scf.for %while3A_548 = %while3A_465 to %while3A_461 step %while3A_468 iter_args(%while3A_549 = %while3A_467) -> (vector<16xf32>)  : i32 {
        %mul3A_550 = arith.constant 16 : i32
        %mul3A_551 = arith.muli %while3A_548, %mul3A_550 : i32
        %add3A_552 = arith.addi %convert_element_type3A_446, %mul3A_551 : i32
        %add3A_553 = vector.broadcast %add3A_552 : i32 to vector<16xi32>
        %add3A_554 = arith.addi %add3A_553, %iota3A : vector<16xi32>
        %lt3A_555 = vector.broadcast %convert_element_type3A_449 : i32 to vector<16xi32>
        %lt3A_556 = arith.cmpi slt, %add3A_554, %lt3A_555 : vector<16xi32>
        %max3A_557 = arith.maxsi %broadcast_in_dim3A_9, %add3A_554 : vector<16xi32>
        %min3A_558 = arith.minsi %broadcast_in_dim3A_13, %max3A_557 : vector<16xi32>
        %gather3A_559 = tpu.vector_load_idx %arg9[%min3A_558] : memref<8192xf32, #tpu.memory_space<vmem>>[vector<16xi32>], vector<16xf32>,
        %sub3A_560 = vector.broadcast %squeeze3A_451 : f32 to vector<16xf32>
        %sub3A_561 = arith.subf %gather3A_559, %sub3A_560 : vector<16xf32>
        %max3A_562 = arith.constant 0.000000e+00 : f32
        %max3A_563 = vector.broadcast %max3A_562 : f32 to vector<16xf32>
        %max3A_564 = arith.maximumf %sub3A_561, %max3A_563 : vector<16xf32>
        %select_n3A_565 = arith.select %lt3A_556, %max3A_564, %broadcast_in_dim3A_1 : vector<16xi1>, vector<16xf32>
        %add3A_566 = arith.addf %while3A_549, %select_n3A_565 : vector<16xf32>
        scf.yield %add3A_566 : vector<16xf32>
      }
      %slice3A_470 = vector.extract_strided_slice %gather3A_132 {offsets = [13], sizes = [1], strides = [1]} : vector<16xf32> to vector<1xf32>
      %squeeze3A_471 = vector.extract %slice3A_470[0] : f32 from vector<1xf32>
      %convert_element_type3A_472 = arith.fptosi %squeeze3A_471 : f32 to i32
      %slice3A_473 = vector.extract_strided_slice %select_n3A_133 {offsets = [13], sizes = [1], strides = [1]} : vector<16xf32> to vector<1xf32>
      %squeeze3A_474 = vector.extract %slice3A_473[0] : f32 from vector<1xf32>
      %convert_element_type3A_475 = arith.fptosi %squeeze3A_474 : f32 to i32
      %slice3A_476 = vector.extract_strided_slice %gather3A {offsets = [13], sizes = [1], strides = [1]} : vector<16xf32> to vector<1xf32>
      %squeeze3A_477 = vector.extract %slice3A_476[0] : f32 from vector<1xf32>
      %sub3A_478 = arith.subi %convert_element_type3A_475, %convert_element_type3A_472 : i32
      %add3A_479 = arith.constant 16 : i32
      %add3A_480 = arith.addi %sub3A_478, %add3A_479 : i32
      %sub3A_481 = arith.constant 1 : i32
      %sub3A_482 = arith.subi %add3A_480, %sub3A_481 : i32
      %shift_right_arithmetic3A_483 = arith.constant 4 : i32
      %shift_right_arithmetic3A_484 = arith.shrsi %sub3A_482, %shift_right_arithmetic3A_483 : i32
      %while3A_485 = arith.constant 0 : i32
      %while3A_486 = arith.subi %shift_right_arithmetic3A_484, %while3A_485 : i32
      %while3A_487 = arith.addi %while3A_485, %while3A_486 : i32
      %while3A_488 = arith.constant 1 : i32
      %while3A_489 = arith.divsi %while3A_486, %while3A_488 : i32
      %while3A_490 = arith.muli %while3A_489, %while3A_488 : i32
      %while3A_491 = arith.addi %while3A_485, %while3A_490 : i32
      %while3A_492 = arith.constant 1 : i32
      %while3A_493 = scf.for %while3A_548 = %while3A_485 to %while3A_491 step %while3A_492 iter_args(%while3A_549 = %while3A_469) -> (vector<16xf32>)  : i32 {
        %mul3A_550 = arith.constant 16 : i32
        %mul3A_551 = arith.muli %while3A_548, %mul3A_550 : i32
        %add3A_552 = arith.addi %convert_element_type3A_472, %mul3A_551 : i32
        %add3A_553 = vector.broadcast %add3A_552 : i32 to vector<16xi32>
        %add3A_554 = arith.addi %add3A_553, %iota3A : vector<16xi32>
        %lt3A_555 = vector.broadcast %convert_element_type3A_475 : i32 to vector<16xi32>
        %lt3A_556 = arith.cmpi slt, %add3A_554, %lt3A_555 : vector<16xi32>
        %max3A_557 = arith.maxsi %broadcast_in_dim3A_9, %add3A_554 : vector<16xi32>
        %min3A_558 = arith.minsi %broadcast_in_dim3A_13, %max3A_557 : vector<16xi32>
        %gather3A_559 = tpu.vector_load_idx %arg9[%min3A_558] : memref<8192xf32, #tpu.memory_space<vmem>>[vector<16xi32>], vector<16xf32>,
        %sub3A_560 = vector.broadcast %squeeze3A_477 : f32 to vector<16xf32>
        %sub3A_561 = arith.subf %gather3A_559, %sub3A_560 : vector<16xf32>
        %max3A_562 = arith.constant 0.000000e+00 : f32
        %max3A_563 = vector.broadcast %max3A_562 : f32 to vector<16xf32>
        %max3A_564 = arith.maximumf %sub3A_561, %max3A_563 : vector<16xf32>
        %select_n3A_565 = arith.select %lt3A_556, %max3A_564, %broadcast_in_dim3A_1 : vector<16xi1>, vector<16xf32>
        %add3A_566 = arith.addf %while3A_549, %select_n3A_565 : vector<16xf32>
        scf.yield %add3A_566 : vector<16xf32>
      }
      %while3A_494 = arith.constant 1 : i32
      %while3A_495 = scf.for %while3A_548 = %while3A_491 to %while3A_487 step %while3A_494 iter_args(%while3A_549 = %while3A_493) -> (vector<16xf32>)  : i32 {
        %mul3A_550 = arith.constant 16 : i32
        %mul3A_551 = arith.muli %while3A_548, %mul3A_550 : i32
        %add3A_552 = arith.addi %convert_element_type3A_472, %mul3A_551 : i32
        %add3A_553 = vector.broadcast %add3A_552 : i32 to vector<16xi32>
        %add3A_554 = arith.addi %add3A_553, %iota3A : vector<16xi32>
        %lt3A_555 = vector.broadcast %convert_element_type3A_475 : i32 to vector<16xi32>
        %lt3A_556 = arith.cmpi slt, %add3A_554, %lt3A_555 : vector<16xi32>
        %max3A_557 = arith.maxsi %broadcast_in_dim3A_9, %add3A_554 : vector<16xi32>
        %min3A_558 = arith.minsi %broadcast_in_dim3A_13, %max3A_557 : vector<16xi32>
        %gather3A_559 = tpu.vector_load_idx %arg9[%min3A_558] : memref<8192xf32, #tpu.memory_space<vmem>>[vector<16xi32>], vector<16xf32>,
        %sub3A_560 = vector.broadcast %squeeze3A_477 : f32 to vector<16xf32>
        %sub3A_561 = arith.subf %gather3A_559, %sub3A_560 : vector<16xf32>
        %max3A_562 = arith.constant 0.000000e+00 : f32
        %max3A_563 = vector.broadcast %max3A_562 : f32 to vector<16xf32>
        %max3A_564 = arith.maximumf %sub3A_561, %max3A_563 : vector<16xf32>
        %select_n3A_565 = arith.select %lt3A_556, %max3A_564, %broadcast_in_dim3A_1 : vector<16xi1>, vector<16xf32>
        %add3A_566 = arith.addf %while3A_549, %select_n3A_565 : vector<16xf32>
        scf.yield %add3A_566 : vector<16xf32>
      }
      %slice3A_496 = vector.extract_strided_slice %gather3A_132 {offsets = [14], sizes = [1], strides = [1]} : vector<16xf32> to vector<1xf32>
      %squeeze3A_497 = vector.extract %slice3A_496[0] : f32 from vector<1xf32>
      %convert_element_type3A_498 = arith.fptosi %squeeze3A_497 : f32 to i32
      %slice3A_499 = vector.extract_strided_slice %select_n3A_133 {offsets = [14], sizes = [1], strides = [1]} : vector<16xf32> to vector<1xf32>
      %squeeze3A_500 = vector.extract %slice3A_499[0] : f32 from vector<1xf32>
      %convert_element_type3A_501 = arith.fptosi %squeeze3A_500 : f32 to i32
      %slice3A_502 = vector.extract_strided_slice %gather3A {offsets = [14], sizes = [1], strides = [1]} : vector<16xf32> to vector<1xf32>
      %squeeze3A_503 = vector.extract %slice3A_502[0] : f32 from vector<1xf32>
      %sub3A_504 = arith.subi %convert_element_type3A_501, %convert_element_type3A_498 : i32
      %add3A_505 = arith.constant 16 : i32
      %add3A_506 = arith.addi %sub3A_504, %add3A_505 : i32
      %sub3A_507 = arith.constant 1 : i32
      %sub3A_508 = arith.subi %add3A_506, %sub3A_507 : i32
      %shift_right_arithmetic3A_509 = arith.constant 4 : i32
      %shift_right_arithmetic3A_510 = arith.shrsi %sub3A_508, %shift_right_arithmetic3A_509 : i32
      %while3A_511 = arith.constant 0 : i32
      %while3A_512 = arith.subi %shift_right_arithmetic3A_510, %while3A_511 : i32
      %while3A_513 = arith.addi %while3A_511, %while3A_512 : i32
      %while3A_514 = arith.constant 1 : i32
      %while3A_515 = arith.divsi %while3A_512, %while3A_514 : i32
      %while3A_516 = arith.muli %while3A_515, %while3A_514 : i32
      %while3A_517 = arith.addi %while3A_511, %while3A_516 : i32
      %while3A_518 = arith.constant 1 : i32
      %while3A_519 = scf.for %while3A_548 = %while3A_511 to %while3A_517 step %while3A_518 iter_args(%while3A_549 = %while3A_495) -> (vector<16xf32>)  : i32 {
        %mul3A_550 = arith.constant 16 : i32
        %mul3A_551 = arith.muli %while3A_548, %mul3A_550 : i32
        %add3A_552 = arith.addi %convert_element_type3A_498, %mul3A_551 : i32
        %add3A_553 = vector.broadcast %add3A_552 : i32 to vector<16xi32>
        %add3A_554 = arith.addi %add3A_553, %iota3A : vector<16xi32>
        %lt3A_555 = vector.broadcast %convert_element_type3A_501 : i32 to vector<16xi32>
        %lt3A_556 = arith.cmpi slt, %add3A_554, %lt3A_555 : vector<16xi32>
        %max3A_557 = arith.maxsi %broadcast_in_dim3A_9, %add3A_554 : vector<16xi32>
        %min3A_558 = arith.minsi %broadcast_in_dim3A_13, %max3A_557 : vector<16xi32>
        %gather3A_559 = tpu.vector_load_idx %arg9[%min3A_558] : memref<8192xf32, #tpu.memory_space<vmem>>[vector<16xi32>], vector<16xf32>,
        %sub3A_560 = vector.broadcast %squeeze3A_503 : f32 to vector<16xf32>
        %sub3A_561 = arith.subf %gather3A_559, %sub3A_560 : vector<16xf32>
        %max3A_562 = arith.constant 0.000000e+00 : f32
        %max3A_563 = vector.broadcast %max3A_562 : f32 to vector<16xf32>
        %max3A_564 = arith.maximumf %sub3A_561, %max3A_563 : vector<16xf32>
        %select_n3A_565 = arith.select %lt3A_556, %max3A_564, %broadcast_in_dim3A_1 : vector<16xi1>, vector<16xf32>
        %add3A_566 = arith.addf %while3A_549, %select_n3A_565 : vector<16xf32>
        scf.yield %add3A_566 : vector<16xf32>
      }
      %while3A_520 = arith.constant 1 : i32
      %while3A_521 = scf.for %while3A_548 = %while3A_517 to %while3A_513 step %while3A_520 iter_args(%while3A_549 = %while3A_519) -> (vector<16xf32>)  : i32 {
        %mul3A_550 = arith.constant 16 : i32
        %mul3A_551 = arith.muli %while3A_548, %mul3A_550 : i32
        %add3A_552 = arith.addi %convert_element_type3A_498, %mul3A_551 : i32
        %add3A_553 = vector.broadcast %add3A_552 : i32 to vector<16xi32>
        %add3A_554 = arith.addi %add3A_553, %iota3A : vector<16xi32>
        %lt3A_555 = vector.broadcast %convert_element_type3A_501 : i32 to vector<16xi32>
        %lt3A_556 = arith.cmpi slt, %add3A_554, %lt3A_555 : vector<16xi32>
        %max3A_557 = arith.maxsi %broadcast_in_dim3A_9, %add3A_554 : vector<16xi32>
        %min3A_558 = arith.minsi %broadcast_in_dim3A_13, %max3A_557 : vector<16xi32>
        %gather3A_559 = tpu.vector_load_idx %arg9[%min3A_558] : memref<8192xf32, #tpu.memory_space<vmem>>[vector<16xi32>], vector<16xf32>,
        %sub3A_560 = vector.broadcast %squeeze3A_503 : f32 to vector<16xf32>
        %sub3A_561 = arith.subf %gather3A_559, %sub3A_560 : vector<16xf32>
        %max3A_562 = arith.constant 0.000000e+00 : f32
        %max3A_563 = vector.broadcast %max3A_562 : f32 to vector<16xf32>
        %max3A_564 = arith.maximumf %sub3A_561, %max3A_563 : vector<16xf32>
        %select_n3A_565 = arith.select %lt3A_556, %max3A_564, %broadcast_in_dim3A_1 : vector<16xi1>, vector<16xf32>
        %add3A_566 = arith.addf %while3A_549, %select_n3A_565 : vector<16xf32>
        scf.yield %add3A_566 : vector<16xf32>
      }
      %slice3A_522 = vector.extract_strided_slice %gather3A_132 {offsets = [15], sizes = [1], strides = [1]} : vector<16xf32> to vector<1xf32>
      %squeeze3A_523 = vector.extract %slice3A_522[0] : f32 from vector<1xf32>
      %convert_element_type3A_524 = arith.fptosi %squeeze3A_523 : f32 to i32
      %slice3A_525 = vector.extract_strided_slice %select_n3A_133 {offsets = [15], sizes = [1], strides = [1]} : vector<16xf32> to vector<1xf32>
      %squeeze3A_526 = vector.extract %slice3A_525[0] : f32 from vector<1xf32>
      %convert_element_type3A_527 = arith.fptosi %squeeze3A_526 : f32 to i32
      %slice3A_528 = vector.extract_strided_slice %gather3A {offsets = [15], sizes = [1], strides = [1]} : vector<16xf32> to vector<1xf32>
      %squeeze3A_529 = vector.extract %slice3A_528[0] : f32 from vector<1xf32>
      %sub3A_530 = arith.subi %convert_element_type3A_527, %convert_element_type3A_524 : i32
      %add3A_531 = arith.constant 16 : i32
      %add3A_532 = arith.addi %sub3A_530, %add3A_531 : i32
      %sub3A_533 = arith.constant 1 : i32
      %sub3A_534 = arith.subi %add3A_532, %sub3A_533 : i32
      %shift_right_arithmetic3A_535 = arith.constant 4 : i32
      %shift_right_arithmetic3A_536 = arith.shrsi %sub3A_534, %shift_right_arithmetic3A_535 : i32
      %while3A_537 = arith.constant 0 : i32
      %while3A_538 = arith.subi %shift_right_arithmetic3A_536, %while3A_537 : i32
      %while3A_539 = arith.addi %while3A_537, %while3A_538 : i32
      %while3A_540 = arith.constant 1 : i32
      %while3A_541 = arith.divsi %while3A_538, %while3A_540 : i32
      %while3A_542 = arith.muli %while3A_541, %while3A_540 : i32
      %while3A_543 = arith.addi %while3A_537, %while3A_542 : i32
      %while3A_544 = arith.constant 1 : i32
      %while3A_545 = scf.for %while3A_548 = %while3A_537 to %while3A_543 step %while3A_544 iter_args(%while3A_549 = %while3A_521) -> (vector<16xf32>)  : i32 {
        %mul3A_550 = arith.constant 16 : i32
        %mul3A_551 = arith.muli %while3A_548, %mul3A_550 : i32
        %add3A_552 = arith.addi %convert_element_type3A_524, %mul3A_551 : i32
        %add3A_553 = vector.broadcast %add3A_552 : i32 to vector<16xi32>
        %add3A_554 = arith.addi %add3A_553, %iota3A : vector<16xi32>
        %lt3A_555 = vector.broadcast %convert_element_type3A_527 : i32 to vector<16xi32>
        %lt3A_556 = arith.cmpi slt, %add3A_554, %lt3A_555 : vector<16xi32>
        %max3A_557 = arith.maxsi %broadcast_in_dim3A_9, %add3A_554 : vector<16xi32>
        %min3A_558 = arith.minsi %broadcast_in_dim3A_13, %max3A_557 : vector<16xi32>
        %gather3A_559 = tpu.vector_load_idx %arg9[%min3A_558] : memref<8192xf32, #tpu.memory_space<vmem>>[vector<16xi32>], vector<16xf32>,
        %sub3A_560 = vector.broadcast %squeeze3A_529 : f32 to vector<16xf32>
        %sub3A_561 = arith.subf %gather3A_559, %sub3A_560 : vector<16xf32>
        %max3A_562 = arith.constant 0.000000e+00 : f32
        %max3A_563 = vector.broadcast %max3A_562 : f32 to vector<16xf32>
        %max3A_564 = arith.maximumf %sub3A_561, %max3A_563 : vector<16xf32>
        %select_n3A_565 = arith.select %lt3A_556, %max3A_564, %broadcast_in_dim3A_1 : vector<16xi1>, vector<16xf32>
        %add3A_566 = arith.addf %while3A_549, %select_n3A_565 : vector<16xf32>
        scf.yield %add3A_566 : vector<16xf32>
      }
      %while3A_546 = arith.constant 1 : i32
      %while3A_547 = scf.for %while3A_548 = %while3A_543 to %while3A_539 step %while3A_546 iter_args(%while3A_549 = %while3A_545) -> (vector<16xf32>)  : i32 {
        %mul3A_550 = arith.constant 16 : i32
        %mul3A_551 = arith.muli %while3A_548, %mul3A_550 : i32
        %add3A_552 = arith.addi %convert_element_type3A_524, %mul3A_551 : i32
        %add3A_553 = vector.broadcast %add3A_552 : i32 to vector<16xi32>
        %add3A_554 = arith.addi %add3A_553, %iota3A : vector<16xi32>
        %lt3A_555 = vector.broadcast %convert_element_type3A_527 : i32 to vector<16xi32>
        %lt3A_556 = arith.cmpi slt, %add3A_554, %lt3A_555 : vector<16xi32>
        %max3A_557 = arith.maxsi %broadcast_in_dim3A_9, %add3A_554 : vector<16xi32>
        %min3A_558 = arith.minsi %broadcast_in_dim3A_13, %max3A_557 : vector<16xi32>
        %gather3A_559 = tpu.vector_load_idx %arg9[%min3A_558] : memref<8192xf32, #tpu.memory_space<vmem>>[vector<16xi32>], vector<16xf32>,
        %sub3A_560 = vector.broadcast %squeeze3A_529 : f32 to vector<16xf32>
        %sub3A_561 = arith.subf %gather3A_559, %sub3A_560 : vector<16xf32>
        %max3A_562 = arith.constant 0.000000e+00 : f32
        %max3A_563 = vector.broadcast %max3A_562 : f32 to vector<16xf32>
        %max3A_564 = arith.maximumf %sub3A_561, %max3A_563 : vector<16xf32>
        %select_n3A_565 = arith.select %lt3A_556, %max3A_564, %broadcast_in_dim3A_1 : vector<16xi1>, vector<16xf32>
        %add3A_566 = arith.addf %while3A_549, %select_n3A_565 : vector<16xf32>
        scf.yield %add3A_566 : vector<16xf32>
      }
      scf.yield %while3A_547 : vector<16xf32>
    }
    %while3A_98 = arith.constant 1 : i32
    %while3A_99 = scf.for %while3A_102 = %while3A_95 to %while3A_91 step %while3A_98 iter_args(%while3A_103 = %while3A_97) -> (vector<16xf32>)  : i32 {
      %mul3A_104 = arith.constant 16 : i32
      %mul3A_105 = arith.muli %while3A_102, %mul3A_104 : i32
      %add3A_106 = arith.addi %shift_right_arithmetic3A_76, %mul3A_105 : i32
      %add3A_107 = vector.broadcast %add3A_106 : i32 to vector<16xi32>
      %add3A_108 = arith.addi %add3A_107, %iota3A : vector<16xi32>
      %lt3A = vector.broadcast %shift_right_arithmetic3A_81 : i32 to vector<16xi32>
      %lt3A_109 = arith.cmpi slt, %add3A_108, %lt3A : vector<16xi32>
      %add3A_110 = vector.broadcast %add3A_106 : i32 to vector<16xi32>
      %add3A_111 = arith.addi %add3A_110, %iota3A : vector<16xi32>
      %max3A = arith.maxsi %broadcast_in_dim3A_9, %add3A_111 : vector<16xi32>
      %min3A = arith.minsi %broadcast_in_dim3A_13, %max3A : vector<16xi32>
      %gather3A = tpu.vector_load_idx %arg7[%min3A] : memref<8192xf32, #tpu.memory_space<vmem>>[vector<16xi32>], vector<16xf32>,
      %sub3A_112 = arith.subf %gather3A, %broadcast_in_dim3A_33 : vector<16xf32>
      %mul3A_113 = arith.mulf %sub3A_112, %select_n3A : vector<16xf32>
      %convert_element_type3A = arith.fptosi %mul3A_113 : vector<16xf32> to vector<16xi32>
      %max3A_114 = arith.maxsi %broadcast_in_dim3A_9, %convert_element_type3A : vector<16xi32>
      %min3A_115 = arith.minsi %broadcast_in_dim3A_11, %max3A_114 : vector<16xi32>
      %add3A_116 = arith.constant 1 : i32
      %add3A_117 = vector.broadcast %add3A_116 : i32 to vector<16xi32>
      %add3A_118 = arith.addi %min3A_115, %add3A_117 : vector<16xi32>
      %gather3A_119 = tpu.vector_load_idx %arg13[%add3A_118] : memref<528xf32, #tpu.memory_space<vmem>>[vector<16xi32>], vector<16xf32>,
      %add3A_120 = arith.constant 1 : i32
      %add3A_121 = vector.broadcast %add3A_120 : i32 to vector<16xi32>
      %add3A_122 = arith.addi %min3A_115, %add3A_121 : vector<16xi32>
      %gather3A_123 = tpu.vector_load_idx %arg14[%add3A_122] : memref<528xf32, #tpu.memory_space<vmem>>[vector<16xi32>], vector<16xf32>,
      %sub3A_124 = vector.broadcast %scan3A_62#1 : f32 to vector<16xf32>
      %sub3A_125 = arith.subf %sub3A_124, %gather3A_123 : vector<16xf32>
      %sub3A_126 = vector.broadcast %scan3A_62#0 : f32 to vector<16xf32>
      %sub3A_127 = arith.subf %sub3A_126, %gather3A_119 : vector<16xf32>
      %mul3A_128 = arith.mulf %gather3A, %sub3A_127 : vector<16xf32>
      %sub3A_129 = arith.subf %sub3A_125, %mul3A_128 : vector<16xf32>
      %select_n3A_130 = arith.select %lt3A_109, %sub3A_129, %broadcast_in_dim3A_1 : vector<16xi1>, vector<16xf32>
      %add3A_131 = arith.addf %while3A_103, %select_n3A_130 : vector<16xf32>
      %gather3A_132 = tpu.vector_load_idx %arg13[%min3A_115] : memref<528xf32, #tpu.memory_space<vmem>>[vector<16xi32>], vector<16xf32>,
      %select_n3A_133 = arith.select %lt3A_109, %gather3A_119, %gather3A_132 : vector<16xi1>, vector<16xf32>
      %slice3A = vector.extract_strided_slice %gather3A_132 {offsets = [0], sizes = [1], strides = [1]} : vector<16xf32> to vector<1xf32>
      %squeeze3A = vector.extract %slice3A[0] : f32 from vector<1xf32>
      %convert_element_type3A_134 = arith.fptosi %squeeze3A : f32 to i32
      %slice3A_135 = vector.extract_strided_slice %select_n3A_133 {offsets = [0], sizes = [1], strides = [1]} : vector<16xf32> to vector<1xf32>
      %squeeze3A_136 = vector.extract %slice3A_135[0] : f32 from vector<1xf32>
      %convert_element_type3A_137 = arith.fptosi %squeeze3A_136 : f32 to i32
      %slice3A_138 = vector.extract_strided_slice %gather3A {offsets = [0], sizes = [1], strides = [1]} : vector<16xf32> to vector<1xf32>
      %squeeze3A_139 = vector.extract %slice3A_138[0] : f32 from vector<1xf32>
      %sub3A_140 = arith.subi %convert_element_type3A_137, %convert_element_type3A_134 : i32
      %add3A_141 = arith.constant 16 : i32
      %add3A_142 = arith.addi %sub3A_140, %add3A_141 : i32
      %sub3A_143 = arith.constant 1 : i32
      %sub3A_144 = arith.subi %add3A_142, %sub3A_143 : i32
      %shift_right_arithmetic3A_145 = arith.constant 4 : i32
      %shift_right_arithmetic3A_146 = arith.shrsi %sub3A_144, %shift_right_arithmetic3A_145 : i32
      %while3A_147 = arith.constant 0 : i32
      %while3A_148 = arith.subi %shift_right_arithmetic3A_146, %while3A_147 : i32
      %while3A_149 = arith.addi %while3A_147, %while3A_148 : i32
      %while3A_150 = arith.constant 1 : i32
      %while3A_151 = arith.divsi %while3A_148, %while3A_150 : i32
      %while3A_152 = arith.muli %while3A_151, %while3A_150 : i32
      %while3A_153 = arith.addi %while3A_147, %while3A_152 : i32
      %while3A_154 = arith.constant 1 : i32
      %while3A_155 = scf.for %while3A_548 = %while3A_147 to %while3A_153 step %while3A_154 iter_args(%while3A_549 = %add3A_131) -> (vector<16xf32>)  : i32 {
        %mul3A_550 = arith.constant 16 : i32
        %mul3A_551 = arith.muli %while3A_548, %mul3A_550 : i32
        %add3A_552 = arith.addi %convert_element_type3A_134, %mul3A_551 : i32
        %add3A_553 = vector.broadcast %add3A_552 : i32 to vector<16xi32>
        %add3A_554 = arith.addi %add3A_553, %iota3A : vector<16xi32>
        %lt3A_555 = vector.broadcast %convert_element_type3A_137 : i32 to vector<16xi32>
        %lt3A_556 = arith.cmpi slt, %add3A_554, %lt3A_555 : vector<16xi32>
        %max3A_557 = arith.maxsi %broadcast_in_dim3A_9, %add3A_554 : vector<16xi32>
        %min3A_558 = arith.minsi %broadcast_in_dim3A_13, %max3A_557 : vector<16xi32>
        %gather3A_559 = tpu.vector_load_idx %arg9[%min3A_558] : memref<8192xf32, #tpu.memory_space<vmem>>[vector<16xi32>], vector<16xf32>,
        %sub3A_560 = vector.broadcast %squeeze3A_139 : f32 to vector<16xf32>
        %sub3A_561 = arith.subf %gather3A_559, %sub3A_560 : vector<16xf32>
        %max3A_562 = arith.constant 0.000000e+00 : f32
        %max3A_563 = vector.broadcast %max3A_562 : f32 to vector<16xf32>
        %max3A_564 = arith.maximumf %sub3A_561, %max3A_563 : vector<16xf32>
        %select_n3A_565 = arith.select %lt3A_556, %max3A_564, %broadcast_in_dim3A_1 : vector<16xi1>, vector<16xf32>
        %add3A_566 = arith.addf %while3A_549, %select_n3A_565 : vector<16xf32>
        scf.yield %add3A_566 : vector<16xf32>
      }
      %while3A_156 = arith.constant 1 : i32
      %while3A_157 = scf.for %while3A_548 = %while3A_153 to %while3A_149 step %while3A_156 iter_args(%while3A_549 = %while3A_155) -> (vector<16xf32>)  : i32 {
        %mul3A_550 = arith.constant 16 : i32
        %mul3A_551 = arith.muli %while3A_548, %mul3A_550 : i32
        %add3A_552 = arith.addi %convert_element_type3A_134, %mul3A_551 : i32
        %add3A_553 = vector.broadcast %add3A_552 : i32 to vector<16xi32>
        %add3A_554 = arith.addi %add3A_553, %iota3A : vector<16xi32>
        %lt3A_555 = vector.broadcast %convert_element_type3A_137 : i32 to vector<16xi32>
        %lt3A_556 = arith.cmpi slt, %add3A_554, %lt3A_555 : vector<16xi32>
        %max3A_557 = arith.maxsi %broadcast_in_dim3A_9, %add3A_554 : vector<16xi32>
        %min3A_558 = arith.minsi %broadcast_in_dim3A_13, %max3A_557 : vector<16xi32>
        %gather3A_559 = tpu.vector_load_idx %arg9[%min3A_558] : memref<8192xf32, #tpu.memory_space<vmem>>[vector<16xi32>], vector<16xf32>,
        %sub3A_560 = vector.broadcast %squeeze3A_139 : f32 to vector<16xf32>
        %sub3A_561 = arith.subf %gather3A_559, %sub3A_560 : vector<16xf32>
        %max3A_562 = arith.constant 0.000000e+00 : f32
        %max3A_563 = vector.broadcast %max3A_562 : f32 to vector<16xf32>
        %max3A_564 = arith.maximumf %sub3A_561, %max3A_563 : vector<16xf32>
        %select_n3A_565 = arith.select %lt3A_556, %max3A_564, %broadcast_in_dim3A_1 : vector<16xi1>, vector<16xf32>
        %add3A_566 = arith.addf %while3A_549, %select_n3A_565 : vector<16xf32>
        scf.yield %add3A_566 : vector<16xf32>
      }
      %slice3A_158 = vector.extract_strided_slice %gather3A_132 {offsets = [1], sizes = [1], strides = [1]} : vector<16xf32> to vector<1xf32>
      %squeeze3A_159 = vector.extract %slice3A_158[0] : f32 from vector<1xf32>
      %convert_element_type3A_160 = arith.fptosi %squeeze3A_159 : f32 to i32
      %slice3A_161 = vector.extract_strided_slice %select_n3A_133 {offsets = [1], sizes = [1], strides = [1]} : vector<16xf32> to vector<1xf32>
      %squeeze3A_162 = vector.extract %slice3A_161[0] : f32 from vector<1xf32>
      %convert_element_type3A_163 = arith.fptosi %squeeze3A_162 : f32 to i32
      %slice3A_164 = vector.extract_strided_slice %gather3A {offsets = [1], sizes = [1], strides = [1]} : vector<16xf32> to vector<1xf32>
      %squeeze3A_165 = vector.extract %slice3A_164[0] : f32 from vector<1xf32>
      %sub3A_166 = arith.subi %convert_element_type3A_163, %convert_element_type3A_160 : i32
      %add3A_167 = arith.constant 16 : i32
      %add3A_168 = arith.addi %sub3A_166, %add3A_167 : i32
      %sub3A_169 = arith.constant 1 : i32
      %sub3A_170 = arith.subi %add3A_168, %sub3A_169 : i32
      %shift_right_arithmetic3A_171 = arith.constant 4 : i32
      %shift_right_arithmetic3A_172 = arith.shrsi %sub3A_170, %shift_right_arithmetic3A_171 : i32
      %while3A_173 = arith.constant 0 : i32
      %while3A_174 = arith.subi %shift_right_arithmetic3A_172, %while3A_173 : i32
      %while3A_175 = arith.addi %while3A_173, %while3A_174 : i32
      %while3A_176 = arith.constant 1 : i32
      %while3A_177 = arith.divsi %while3A_174, %while3A_176 : i32
      %while3A_178 = arith.muli %while3A_177, %while3A_176 : i32
      %while3A_179 = arith.addi %while3A_173, %while3A_178 : i32
      %while3A_180 = arith.constant 1 : i32
      %while3A_181 = scf.for %while3A_548 = %while3A_173 to %while3A_179 step %while3A_180 iter_args(%while3A_549 = %while3A_157) -> (vector<16xf32>)  : i32 {
        %mul3A_550 = arith.constant 16 : i32
        %mul3A_551 = arith.muli %while3A_548, %mul3A_550 : i32
        %add3A_552 = arith.addi %convert_element_type3A_160, %mul3A_551 : i32
        %add3A_553 = vector.broadcast %add3A_552 : i32 to vector<16xi32>
        %add3A_554 = arith.addi %add3A_553, %iota3A : vector<16xi32>
        %lt3A_555 = vector.broadcast %convert_element_type3A_163 : i32 to vector<16xi32>
        %lt3A_556 = arith.cmpi slt, %add3A_554, %lt3A_555 : vector<16xi32>
        %max3A_557 = arith.maxsi %broadcast_in_dim3A_9, %add3A_554 : vector<16xi32>
        %min3A_558 = arith.minsi %broadcast_in_dim3A_13, %max3A_557 : vector<16xi32>
        %gather3A_559 = tpu.vector_load_idx %arg9[%min3A_558] : memref<8192xf32, #tpu.memory_space<vmem>>[vector<16xi32>], vector<16xf32>,
        %sub3A_560 = vector.broadcast %squeeze3A_165 : f32 to vector<16xf32>
        %sub3A_561 = arith.subf %gather3A_559, %sub3A_560 : vector<16xf32>
        %max3A_562 = arith.constant 0.000000e+00 : f32
        %max3A_563 = vector.broadcast %max3A_562 : f32 to vector<16xf32>
        %max3A_564 = arith.maximumf %sub3A_561, %max3A_563 : vector<16xf32>
        %select_n3A_565 = arith.select %lt3A_556, %max3A_564, %broadcast_in_dim3A_1 : vector<16xi1>, vector<16xf32>
        %add3A_566 = arith.addf %while3A_549, %select_n3A_565 : vector<16xf32>
        scf.yield %add3A_566 : vector<16xf32>
      }
      %while3A_182 = arith.constant 1 : i32
      %while3A_183 = scf.for %while3A_548 = %while3A_179 to %while3A_175 step %while3A_182 iter_args(%while3A_549 = %while3A_181) -> (vector<16xf32>)  : i32 {
        %mul3A_550 = arith.constant 16 : i32
        %mul3A_551 = arith.muli %while3A_548, %mul3A_550 : i32
        %add3A_552 = arith.addi %convert_element_type3A_160, %mul3A_551 : i32
        %add3A_553 = vector.broadcast %add3A_552 : i32 to vector<16xi32>
        %add3A_554 = arith.addi %add3A_553, %iota3A : vector<16xi32>
        %lt3A_555 = vector.broadcast %convert_element_type3A_163 : i32 to vector<16xi32>
        %lt3A_556 = arith.cmpi slt, %add3A_554, %lt3A_555 : vector<16xi32>
        %max3A_557 = arith.maxsi %broadcast_in_dim3A_9, %add3A_554 : vector<16xi32>
        %min3A_558 = arith.minsi %broadcast_in_dim3A_13, %max3A_557 : vector<16xi32>
        %gather3A_559 = tpu.vector_load_idx %arg9[%min3A_558] : memref<8192xf32, #tpu.memory_space<vmem>>[vector<16xi32>], vector<16xf32>,
        %sub3A_560 = vector.broadcast %squeeze3A_165 : f32 to vector<16xf32>
        %sub3A_561 = arith.subf %gather3A_559, %sub3A_560 : vector<16xf32>
        %max3A_562 = arith.constant 0.000000e+00 : f32
        %max3A_563 = vector.broadcast %max3A_562 : f32 to vector<16xf32>
        %max3A_564 = arith.maximumf %sub3A_561, %max3A_563 : vector<16xf32>
        %select_n3A_565 = arith.select %lt3A_556, %max3A_564, %broadcast_in_dim3A_1 : vector<16xi1>, vector<16xf32>
        %add3A_566 = arith.addf %while3A_549, %select_n3A_565 : vector<16xf32>
        scf.yield %add3A_566 : vector<16xf32>
      }
      %slice3A_184 = vector.extract_strided_slice %gather3A_132 {offsets = [2], sizes = [1], strides = [1]} : vector<16xf32> to vector<1xf32>
      %squeeze3A_185 = vector.extract %slice3A_184[0] : f32 from vector<1xf32>
      %convert_element_type3A_186 = arith.fptosi %squeeze3A_185 : f32 to i32
      %slice3A_187 = vector.extract_strided_slice %select_n3A_133 {offsets = [2], sizes = [1], strides = [1]} : vector<16xf32> to vector<1xf32>
      %squeeze3A_188 = vector.extract %slice3A_187[0] : f32 from vector<1xf32>
      %convert_element_type3A_189 = arith.fptosi %squeeze3A_188 : f32 to i32
      %slice3A_190 = vector.extract_strided_slice %gather3A {offsets = [2], sizes = [1], strides = [1]} : vector<16xf32> to vector<1xf32>
      %squeeze3A_191 = vector.extract %slice3A_190[0] : f32 from vector<1xf32>
      %sub3A_192 = arith.subi %convert_element_type3A_189, %convert_element_type3A_186 : i32
      %add3A_193 = arith.constant 16 : i32
      %add3A_194 = arith.addi %sub3A_192, %add3A_193 : i32
      %sub3A_195 = arith.constant 1 : i32
      %sub3A_196 = arith.subi %add3A_194, %sub3A_195 : i32
      %shift_right_arithmetic3A_197 = arith.constant 4 : i32
      %shift_right_arithmetic3A_198 = arith.shrsi %sub3A_196, %shift_right_arithmetic3A_197 : i32
      %while3A_199 = arith.constant 0 : i32
      %while3A_200 = arith.subi %shift_right_arithmetic3A_198, %while3A_199 : i32
      %while3A_201 = arith.addi %while3A_199, %while3A_200 : i32
      %while3A_202 = arith.constant 1 : i32
      %while3A_203 = arith.divsi %while3A_200, %while3A_202 : i32
      %while3A_204 = arith.muli %while3A_203, %while3A_202 : i32
      %while3A_205 = arith.addi %while3A_199, %while3A_204 : i32
      %while3A_206 = arith.constant 1 : i32
      %while3A_207 = scf.for %while3A_548 = %while3A_199 to %while3A_205 step %while3A_206 iter_args(%while3A_549 = %while3A_183) -> (vector<16xf32>)  : i32 {
        %mul3A_550 = arith.constant 16 : i32
        %mul3A_551 = arith.muli %while3A_548, %mul3A_550 : i32
        %add3A_552 = arith.addi %convert_element_type3A_186, %mul3A_551 : i32
        %add3A_553 = vector.broadcast %add3A_552 : i32 to vector<16xi32>
        %add3A_554 = arith.addi %add3A_553, %iota3A : vector<16xi32>
        %lt3A_555 = vector.broadcast %convert_element_type3A_189 : i32 to vector<16xi32>
        %lt3A_556 = arith.cmpi slt, %add3A_554, %lt3A_555 : vector<16xi32>
        %max3A_557 = arith.maxsi %broadcast_in_dim3A_9, %add3A_554 : vector<16xi32>
        %min3A_558 = arith.minsi %broadcast_in_dim3A_13, %max3A_557 : vector<16xi32>
        %gather3A_559 = tpu.vector_load_idx %arg9[%min3A_558] : memref<8192xf32, #tpu.memory_space<vmem>>[vector<16xi32>], vector<16xf32>,
        %sub3A_560 = vector.broadcast %squeeze3A_191 : f32 to vector<16xf32>
        %sub3A_561 = arith.subf %gather3A_559, %sub3A_560 : vector<16xf32>
        %max3A_562 = arith.constant 0.000000e+00 : f32
        %max3A_563 = vector.broadcast %max3A_562 : f32 to vector<16xf32>
        %max3A_564 = arith.maximumf %sub3A_561, %max3A_563 : vector<16xf32>
        %select_n3A_565 = arith.select %lt3A_556, %max3A_564, %broadcast_in_dim3A_1 : vector<16xi1>, vector<16xf32>
        %add3A_566 = arith.addf %while3A_549, %select_n3A_565 : vector<16xf32>
        scf.yield %add3A_566 : vector<16xf32>
      }
      %while3A_208 = arith.constant 1 : i32
      %while3A_209 = scf.for %while3A_548 = %while3A_205 to %while3A_201 step %while3A_208 iter_args(%while3A_549 = %while3A_207) -> (vector<16xf32>)  : i32 {
        %mul3A_550 = arith.constant 16 : i32
        %mul3A_551 = arith.muli %while3A_548, %mul3A_550 : i32
        %add3A_552 = arith.addi %convert_element_type3A_186, %mul3A_551 : i32
        %add3A_553 = vector.broadcast %add3A_552 : i32 to vector<16xi32>
        %add3A_554 = arith.addi %add3A_553, %iota3A : vector<16xi32>
        %lt3A_555 = vector.broadcast %convert_element_type3A_189 : i32 to vector<16xi32>
        %lt3A_556 = arith.cmpi slt, %add3A_554, %lt3A_555 : vector<16xi32>
        %max3A_557 = arith.maxsi %broadcast_in_dim3A_9, %add3A_554 : vector<16xi32>
        %min3A_558 = arith.minsi %broadcast_in_dim3A_13, %max3A_557 : vector<16xi32>
        %gather3A_559 = tpu.vector_load_idx %arg9[%min3A_558] : memref<8192xf32, #tpu.memory_space<vmem>>[vector<16xi32>], vector<16xf32>,
        %sub3A_560 = vector.broadcast %squeeze3A_191 : f32 to vector<16xf32>
        %sub3A_561 = arith.subf %gather3A_559, %sub3A_560 : vector<16xf32>
        %max3A_562 = arith.constant 0.000000e+00 : f32
        %max3A_563 = vector.broadcast %max3A_562 : f32 to vector<16xf32>
        %max3A_564 = arith.maximumf %sub3A_561, %max3A_563 : vector<16xf32>
        %select_n3A_565 = arith.select %lt3A_556, %max3A_564, %broadcast_in_dim3A_1 : vector<16xi1>, vector<16xf32>
        %add3A_566 = arith.addf %while3A_549, %select_n3A_565 : vector<16xf32>
        scf.yield %add3A_566 : vector<16xf32>
      }
      %slice3A_210 = vector.extract_strided_slice %gather3A_132 {offsets = [3], sizes = [1], strides = [1]} : vector<16xf32> to vector<1xf32>
      %squeeze3A_211 = vector.extract %slice3A_210[0] : f32 from vector<1xf32>
      %convert_element_type3A_212 = arith.fptosi %squeeze3A_211 : f32 to i32
      %slice3A_213 = vector.extract_strided_slice %select_n3A_133 {offsets = [3], sizes = [1], strides = [1]} : vector<16xf32> to vector<1xf32>
      %squeeze3A_214 = vector.extract %slice3A_213[0] : f32 from vector<1xf32>
      %convert_element_type3A_215 = arith.fptosi %squeeze3A_214 : f32 to i32
      %slice3A_216 = vector.extract_strided_slice %gather3A {offsets = [3], sizes = [1], strides = [1]} : vector<16xf32> to vector<1xf32>
      %squeeze3A_217 = vector.extract %slice3A_216[0] : f32 from vector<1xf32>
      %sub3A_218 = arith.subi %convert_element_type3A_215, %convert_element_type3A_212 : i32
      %add3A_219 = arith.constant 16 : i32
      %add3A_220 = arith.addi %sub3A_218, %add3A_219 : i32
      %sub3A_221 = arith.constant 1 : i32
      %sub3A_222 = arith.subi %add3A_220, %sub3A_221 : i32
      %shift_right_arithmetic3A_223 = arith.constant 4 : i32
      %shift_right_arithmetic3A_224 = arith.shrsi %sub3A_222, %shift_right_arithmetic3A_223 : i32
      %while3A_225 = arith.constant 0 : i32
      %while3A_226 = arith.subi %shift_right_arithmetic3A_224, %while3A_225 : i32
      %while3A_227 = arith.addi %while3A_225, %while3A_226 : i32
      %while3A_228 = arith.constant 1 : i32
      %while3A_229 = arith.divsi %while3A_226, %while3A_228 : i32
      %while3A_230 = arith.muli %while3A_229, %while3A_228 : i32
      %while3A_231 = arith.addi %while3A_225, %while3A_230 : i32
      %while3A_232 = arith.constant 1 : i32
      %while3A_233 = scf.for %while3A_548 = %while3A_225 to %while3A_231 step %while3A_232 iter_args(%while3A_549 = %while3A_209) -> (vector<16xf32>)  : i32 {
        %mul3A_550 = arith.constant 16 : i32
        %mul3A_551 = arith.muli %while3A_548, %mul3A_550 : i32
        %add3A_552 = arith.addi %convert_element_type3A_212, %mul3A_551 : i32
        %add3A_553 = vector.broadcast %add3A_552 : i32 to vector<16xi32>
        %add3A_554 = arith.addi %add3A_553, %iota3A : vector<16xi32>
        %lt3A_555 = vector.broadcast %convert_element_type3A_215 : i32 to vector<16xi32>
        %lt3A_556 = arith.cmpi slt, %add3A_554, %lt3A_555 : vector<16xi32>
        %max3A_557 = arith.maxsi %broadcast_in_dim3A_9, %add3A_554 : vector<16xi32>
        %min3A_558 = arith.minsi %broadcast_in_dim3A_13, %max3A_557 : vector<16xi32>
        %gather3A_559 = tpu.vector_load_idx %arg9[%min3A_558] : memref<8192xf32, #tpu.memory_space<vmem>>[vector<16xi32>], vector<16xf32>,
        %sub3A_560 = vector.broadcast %squeeze3A_217 : f32 to vector<16xf32>
        %sub3A_561 = arith.subf %gather3A_559, %sub3A_560 : vector<16xf32>
        %max3A_562 = arith.constant 0.000000e+00 : f32
        %max3A_563 = vector.broadcast %max3A_562 : f32 to vector<16xf32>
        %max3A_564 = arith.maximumf %sub3A_561, %max3A_563 : vector<16xf32>
        %select_n3A_565 = arith.select %lt3A_556, %max3A_564, %broadcast_in_dim3A_1 : vector<16xi1>, vector<16xf32>
        %add3A_566 = arith.addf %while3A_549, %select_n3A_565 : vector<16xf32>
        scf.yield %add3A_566 : vector<16xf32>
      }
      %while3A_234 = arith.constant 1 : i32
      %while3A_235 = scf.for %while3A_548 = %while3A_231 to %while3A_227 step %while3A_234 iter_args(%while3A_549 = %while3A_233) -> (vector<16xf32>)  : i32 {
        %mul3A_550 = arith.constant 16 : i32
        %mul3A_551 = arith.muli %while3A_548, %mul3A_550 : i32
        %add3A_552 = arith.addi %convert_element_type3A_212, %mul3A_551 : i32
        %add3A_553 = vector.broadcast %add3A_552 : i32 to vector<16xi32>
        %add3A_554 = arith.addi %add3A_553, %iota3A : vector<16xi32>
        %lt3A_555 = vector.broadcast %convert_element_type3A_215 : i32 to vector<16xi32>
        %lt3A_556 = arith.cmpi slt, %add3A_554, %lt3A_555 : vector<16xi32>
        %max3A_557 = arith.maxsi %broadcast_in_dim3A_9, %add3A_554 : vector<16xi32>
        %min3A_558 = arith.minsi %broadcast_in_dim3A_13, %max3A_557 : vector<16xi32>
        %gather3A_559 = tpu.vector_load_idx %arg9[%min3A_558] : memref<8192xf32, #tpu.memory_space<vmem>>[vector<16xi32>], vector<16xf32>,
        %sub3A_560 = vector.broadcast %squeeze3A_217 : f32 to vector<16xf32>
        %sub3A_561 = arith.subf %gather3A_559, %sub3A_560 : vector<16xf32>
        %max3A_562 = arith.constant 0.000000e+00 : f32
        %max3A_563 = vector.broadcast %max3A_562 : f32 to vector<16xf32>
        %max3A_564 = arith.maximumf %sub3A_561, %max3A_563 : vector<16xf32>
        %select_n3A_565 = arith.select %lt3A_556, %max3A_564, %broadcast_in_dim3A_1 : vector<16xi1>, vector<16xf32>
        %add3A_566 = arith.addf %while3A_549, %select_n3A_565 : vector<16xf32>
        scf.yield %add3A_566 : vector<16xf32>
      }
      %slice3A_236 = vector.extract_strided_slice %gather3A_132 {offsets = [4], sizes = [1], strides = [1]} : vector<16xf32> to vector<1xf32>
      %squeeze3A_237 = vector.extract %slice3A_236[0] : f32 from vector<1xf32>
      %convert_element_type3A_238 = arith.fptosi %squeeze3A_237 : f32 to i32
      %slice3A_239 = vector.extract_strided_slice %select_n3A_133 {offsets = [4], sizes = [1], strides = [1]} : vector<16xf32> to vector<1xf32>
      %squeeze3A_240 = vector.extract %slice3A_239[0] : f32 from vector<1xf32>
      %convert_element_type3A_241 = arith.fptosi %squeeze3A_240 : f32 to i32
      %slice3A_242 = vector.extract_strided_slice %gather3A {offsets = [4], sizes = [1], strides = [1]} : vector<16xf32> to vector<1xf32>
      %squeeze3A_243 = vector.extract %slice3A_242[0] : f32 from vector<1xf32>
      %sub3A_244 = arith.subi %convert_element_type3A_241, %convert_element_type3A_238 : i32
      %add3A_245 = arith.constant 16 : i32
      %add3A_246 = arith.addi %sub3A_244, %add3A_245 : i32
      %sub3A_247 = arith.constant 1 : i32
      %sub3A_248 = arith.subi %add3A_246, %sub3A_247 : i32
      %shift_right_arithmetic3A_249 = arith.constant 4 : i32
      %shift_right_arithmetic3A_250 = arith.shrsi %sub3A_248, %shift_right_arithmetic3A_249 : i32
      %while3A_251 = arith.constant 0 : i32
      %while3A_252 = arith.subi %shift_right_arithmetic3A_250, %while3A_251 : i32
      %while3A_253 = arith.addi %while3A_251, %while3A_252 : i32
      %while3A_254 = arith.constant 1 : i32
      %while3A_255 = arith.divsi %while3A_252, %while3A_254 : i32
      %while3A_256 = arith.muli %while3A_255, %while3A_254 : i32
      %while3A_257 = arith.addi %while3A_251, %while3A_256 : i32
      %while3A_258 = arith.constant 1 : i32
      %while3A_259 = scf.for %while3A_548 = %while3A_251 to %while3A_257 step %while3A_258 iter_args(%while3A_549 = %while3A_235) -> (vector<16xf32>)  : i32 {
        %mul3A_550 = arith.constant 16 : i32
        %mul3A_551 = arith.muli %while3A_548, %mul3A_550 : i32
        %add3A_552 = arith.addi %convert_element_type3A_238, %mul3A_551 : i32
        %add3A_553 = vector.broadcast %add3A_552 : i32 to vector<16xi32>
        %add3A_554 = arith.addi %add3A_553, %iota3A : vector<16xi32>
        %lt3A_555 = vector.broadcast %convert_element_type3A_241 : i32 to vector<16xi32>
        %lt3A_556 = arith.cmpi slt, %add3A_554, %lt3A_555 : vector<16xi32>
        %max3A_557 = arith.maxsi %broadcast_in_dim3A_9, %add3A_554 : vector<16xi32>
        %min3A_558 = arith.minsi %broadcast_in_dim3A_13, %max3A_557 : vector<16xi32>
        %gather3A_559 = tpu.vector_load_idx %arg9[%min3A_558] : memref<8192xf32, #tpu.memory_space<vmem>>[vector<16xi32>], vector<16xf32>,
        %sub3A_560 = vector.broadcast %squeeze3A_243 : f32 to vector<16xf32>
        %sub3A_561 = arith.subf %gather3A_559, %sub3A_560 : vector<16xf32>
        %max3A_562 = arith.constant 0.000000e+00 : f32
        %max3A_563 = vector.broadcast %max3A_562 : f32 to vector<16xf32>
        %max3A_564 = arith.maximumf %sub3A_561, %max3A_563 : vector<16xf32>
        %select_n3A_565 = arith.select %lt3A_556, %max3A_564, %broadcast_in_dim3A_1 : vector<16xi1>, vector<16xf32>
        %add3A_566 = arith.addf %while3A_549, %select_n3A_565 : vector<16xf32>
        scf.yield %add3A_566 : vector<16xf32>
      }
      %while3A_260 = arith.constant 1 : i32
      %while3A_261 = scf.for %while3A_548 = %while3A_257 to %while3A_253 step %while3A_260 iter_args(%while3A_549 = %while3A_259) -> (vector<16xf32>)  : i32 {
        %mul3A_550 = arith.constant 16 : i32
        %mul3A_551 = arith.muli %while3A_548, %mul3A_550 : i32
        %add3A_552 = arith.addi %convert_element_type3A_238, %mul3A_551 : i32
        %add3A_553 = vector.broadcast %add3A_552 : i32 to vector<16xi32>
        %add3A_554 = arith.addi %add3A_553, %iota3A : vector<16xi32>
        %lt3A_555 = vector.broadcast %convert_element_type3A_241 : i32 to vector<16xi32>
        %lt3A_556 = arith.cmpi slt, %add3A_554, %lt3A_555 : vector<16xi32>
        %max3A_557 = arith.maxsi %broadcast_in_dim3A_9, %add3A_554 : vector<16xi32>
        %min3A_558 = arith.minsi %broadcast_in_dim3A_13, %max3A_557 : vector<16xi32>
        %gather3A_559 = tpu.vector_load_idx %arg9[%min3A_558] : memref<8192xf32, #tpu.memory_space<vmem>>[vector<16xi32>], vector<16xf32>,
        %sub3A_560 = vector.broadcast %squeeze3A_243 : f32 to vector<16xf32>
        %sub3A_561 = arith.subf %gather3A_559, %sub3A_560 : vector<16xf32>
        %max3A_562 = arith.constant 0.000000e+00 : f32
        %max3A_563 = vector.broadcast %max3A_562 : f32 to vector<16xf32>
        %max3A_564 = arith.maximumf %sub3A_561, %max3A_563 : vector<16xf32>
        %select_n3A_565 = arith.select %lt3A_556, %max3A_564, %broadcast_in_dim3A_1 : vector<16xi1>, vector<16xf32>
        %add3A_566 = arith.addf %while3A_549, %select_n3A_565 : vector<16xf32>
        scf.yield %add3A_566 : vector<16xf32>
      }
      %slice3A_262 = vector.extract_strided_slice %gather3A_132 {offsets = [5], sizes = [1], strides = [1]} : vector<16xf32> to vector<1xf32>
      %squeeze3A_263 = vector.extract %slice3A_262[0] : f32 from vector<1xf32>
      %convert_element_type3A_264 = arith.fptosi %squeeze3A_263 : f32 to i32
      %slice3A_265 = vector.extract_strided_slice %select_n3A_133 {offsets = [5], sizes = [1], strides = [1]} : vector<16xf32> to vector<1xf32>
      %squeeze3A_266 = vector.extract %slice3A_265[0] : f32 from vector<1xf32>
      %convert_element_type3A_267 = arith.fptosi %squeeze3A_266 : f32 to i32
      %slice3A_268 = vector.extract_strided_slice %gather3A {offsets = [5], sizes = [1], strides = [1]} : vector<16xf32> to vector<1xf32>
      %squeeze3A_269 = vector.extract %slice3A_268[0] : f32 from vector<1xf32>
      %sub3A_270 = arith.subi %convert_element_type3A_267, %convert_element_type3A_264 : i32
      %add3A_271 = arith.constant 16 : i32
      %add3A_272 = arith.addi %sub3A_270, %add3A_271 : i32
      %sub3A_273 = arith.constant 1 : i32
      %sub3A_274 = arith.subi %add3A_272, %sub3A_273 : i32
      %shift_right_arithmetic3A_275 = arith.constant 4 : i32
      %shift_right_arithmetic3A_276 = arith.shrsi %sub3A_274, %shift_right_arithmetic3A_275 : i32
      %while3A_277 = arith.constant 0 : i32
      %while3A_278 = arith.subi %shift_right_arithmetic3A_276, %while3A_277 : i32
      %while3A_279 = arith.addi %while3A_277, %while3A_278 : i32
      %while3A_280 = arith.constant 1 : i32
      %while3A_281 = arith.divsi %while3A_278, %while3A_280 : i32
      %while3A_282 = arith.muli %while3A_281, %while3A_280 : i32
      %while3A_283 = arith.addi %while3A_277, %while3A_282 : i32
      %while3A_284 = arith.constant 1 : i32
      %while3A_285 = scf.for %while3A_548 = %while3A_277 to %while3A_283 step %while3A_284 iter_args(%while3A_549 = %while3A_261) -> (vector<16xf32>)  : i32 {
        %mul3A_550 = arith.constant 16 : i32
        %mul3A_551 = arith.muli %while3A_548, %mul3A_550 : i32
        %add3A_552 = arith.addi %convert_element_type3A_264, %mul3A_551 : i32
        %add3A_553 = vector.broadcast %add3A_552 : i32 to vector<16xi32>
        %add3A_554 = arith.addi %add3A_553, %iota3A : vector<16xi32>
        %lt3A_555 = vector.broadcast %convert_element_type3A_267 : i32 to vector<16xi32>
        %lt3A_556 = arith.cmpi slt, %add3A_554, %lt3A_555 : vector<16xi32>
        %max3A_557 = arith.maxsi %broadcast_in_dim3A_9, %add3A_554 : vector<16xi32>
        %min3A_558 = arith.minsi %broadcast_in_dim3A_13, %max3A_557 : vector<16xi32>
        %gather3A_559 = tpu.vector_load_idx %arg9[%min3A_558] : memref<8192xf32, #tpu.memory_space<vmem>>[vector<16xi32>], vector<16xf32>,
        %sub3A_560 = vector.broadcast %squeeze3A_269 : f32 to vector<16xf32>
        %sub3A_561 = arith.subf %gather3A_559, %sub3A_560 : vector<16xf32>
        %max3A_562 = arith.constant 0.000000e+00 : f32
        %max3A_563 = vector.broadcast %max3A_562 : f32 to vector<16xf32>
        %max3A_564 = arith.maximumf %sub3A_561, %max3A_563 : vector<16xf32>
        %select_n3A_565 = arith.select %lt3A_556, %max3A_564, %broadcast_in_dim3A_1 : vector<16xi1>, vector<16xf32>
        %add3A_566 = arith.addf %while3A_549, %select_n3A_565 : vector<16xf32>
        scf.yield %add3A_566 : vector<16xf32>
      }
      %while3A_286 = arith.constant 1 : i32
      %while3A_287 = scf.for %while3A_548 = %while3A_283 to %while3A_279 step %while3A_286 iter_args(%while3A_549 = %while3A_285) -> (vector<16xf32>)  : i32 {
        %mul3A_550 = arith.constant 16 : i32
        %mul3A_551 = arith.muli %while3A_548, %mul3A_550 : i32
        %add3A_552 = arith.addi %convert_element_type3A_264, %mul3A_551 : i32
        %add3A_553 = vector.broadcast %add3A_552 : i32 to vector<16xi32>
        %add3A_554 = arith.addi %add3A_553, %iota3A : vector<16xi32>
        %lt3A_555 = vector.broadcast %convert_element_type3A_267 : i32 to vector<16xi32>
        %lt3A_556 = arith.cmpi slt, %add3A_554, %lt3A_555 : vector<16xi32>
        %max3A_557 = arith.maxsi %broadcast_in_dim3A_9, %add3A_554 : vector<16xi32>
        %min3A_558 = arith.minsi %broadcast_in_dim3A_13, %max3A_557 : vector<16xi32>
        %gather3A_559 = tpu.vector_load_idx %arg9[%min3A_558] : memref<8192xf32, #tpu.memory_space<vmem>>[vector<16xi32>], vector<16xf32>,
        %sub3A_560 = vector.broadcast %squeeze3A_269 : f32 to vector<16xf32>
        %sub3A_561 = arith.subf %gather3A_559, %sub3A_560 : vector<16xf32>
        %max3A_562 = arith.constant 0.000000e+00 : f32
        %max3A_563 = vector.broadcast %max3A_562 : f32 to vector<16xf32>
        %max3A_564 = arith.maximumf %sub3A_561, %max3A_563 : vector<16xf32>
        %select_n3A_565 = arith.select %lt3A_556, %max3A_564, %broadcast_in_dim3A_1 : vector<16xi1>, vector<16xf32>
        %add3A_566 = arith.addf %while3A_549, %select_n3A_565 : vector<16xf32>
        scf.yield %add3A_566 : vector<16xf32>
      }
      %slice3A_288 = vector.extract_strided_slice %gather3A_132 {offsets = [6], sizes = [1], strides = [1]} : vector<16xf32> to vector<1xf32>
      %squeeze3A_289 = vector.extract %slice3A_288[0] : f32 from vector<1xf32>
      %convert_element_type3A_290 = arith.fptosi %squeeze3A_289 : f32 to i32
      %slice3A_291 = vector.extract_strided_slice %select_n3A_133 {offsets = [6], sizes = [1], strides = [1]} : vector<16xf32> to vector<1xf32>
      %squeeze3A_292 = vector.extract %slice3A_291[0] : f32 from vector<1xf32>
      %convert_element_type3A_293 = arith.fptosi %squeeze3A_292 : f32 to i32
      %slice3A_294 = vector.extract_strided_slice %gather3A {offsets = [6], sizes = [1], strides = [1]} : vector<16xf32> to vector<1xf32>
      %squeeze3A_295 = vector.extract %slice3A_294[0] : f32 from vector<1xf32>
      %sub3A_296 = arith.subi %convert_element_type3A_293, %convert_element_type3A_290 : i32
      %add3A_297 = arith.constant 16 : i32
      %add3A_298 = arith.addi %sub3A_296, %add3A_297 : i32
      %sub3A_299 = arith.constant 1 : i32
      %sub3A_300 = arith.subi %add3A_298, %sub3A_299 : i32
      %shift_right_arithmetic3A_301 = arith.constant 4 : i32
      %shift_right_arithmetic3A_302 = arith.shrsi %sub3A_300, %shift_right_arithmetic3A_301 : i32
      %while3A_303 = arith.constant 0 : i32
      %while3A_304 = arith.subi %shift_right_arithmetic3A_302, %while3A_303 : i32
      %while3A_305 = arith.addi %while3A_303, %while3A_304 : i32
      %while3A_306 = arith.constant 1 : i32
      %while3A_307 = arith.divsi %while3A_304, %while3A_306 : i32
      %while3A_308 = arith.muli %while3A_307, %while3A_306 : i32
      %while3A_309 = arith.addi %while3A_303, %while3A_308 : i32
      %while3A_310 = arith.constant 1 : i32
      %while3A_311 = scf.for %while3A_548 = %while3A_303 to %while3A_309 step %while3A_310 iter_args(%while3A_549 = %while3A_287) -> (vector<16xf32>)  : i32 {
        %mul3A_550 = arith.constant 16 : i32
        %mul3A_551 = arith.muli %while3A_548, %mul3A_550 : i32
        %add3A_552 = arith.addi %convert_element_type3A_290, %mul3A_551 : i32
        %add3A_553 = vector.broadcast %add3A_552 : i32 to vector<16xi32>
        %add3A_554 = arith.addi %add3A_553, %iota3A : vector<16xi32>
        %lt3A_555 = vector.broadcast %convert_element_type3A_293 : i32 to vector<16xi32>
        %lt3A_556 = arith.cmpi slt, %add3A_554, %lt3A_555 : vector<16xi32>
        %max3A_557 = arith.maxsi %broadcast_in_dim3A_9, %add3A_554 : vector<16xi32>
        %min3A_558 = arith.minsi %broadcast_in_dim3A_13, %max3A_557 : vector<16xi32>
        %gather3A_559 = tpu.vector_load_idx %arg9[%min3A_558] : memref<8192xf32, #tpu.memory_space<vmem>>[vector<16xi32>], vector<16xf32>,
        %sub3A_560 = vector.broadcast %squeeze3A_295 : f32 to vector<16xf32>
        %sub3A_561 = arith.subf %gather3A_559, %sub3A_560 : vector<16xf32>
        %max3A_562 = arith.constant 0.000000e+00 : f32
        %max3A_563 = vector.broadcast %max3A_562 : f32 to vector<16xf32>
        %max3A_564 = arith.maximumf %sub3A_561, %max3A_563 : vector<16xf32>
        %select_n3A_565 = arith.select %lt3A_556, %max3A_564, %broadcast_in_dim3A_1 : vector<16xi1>, vector<16xf32>
        %add3A_566 = arith.addf %while3A_549, %select_n3A_565 : vector<16xf32>
        scf.yield %add3A_566 : vector<16xf32>
      }
      %while3A_312 = arith.constant 1 : i32
      %while3A_313 = scf.for %while3A_548 = %while3A_309 to %while3A_305 step %while3A_312 iter_args(%while3A_549 = %while3A_311) -> (vector<16xf32>)  : i32 {
        %mul3A_550 = arith.constant 16 : i32
        %mul3A_551 = arith.muli %while3A_548, %mul3A_550 : i32
        %add3A_552 = arith.addi %convert_element_type3A_290, %mul3A_551 : i32
        %add3A_553 = vector.broadcast %add3A_552 : i32 to vector<16xi32>
        %add3A_554 = arith.addi %add3A_553, %iota3A : vector<16xi32>
        %lt3A_555 = vector.broadcast %convert_element_type3A_293 : i32 to vector<16xi32>
        %lt3A_556 = arith.cmpi slt, %add3A_554, %lt3A_555 : vector<16xi32>
        %max3A_557 = arith.maxsi %broadcast_in_dim3A_9, %add3A_554 : vector<16xi32>
        %min3A_558 = arith.minsi %broadcast_in_dim3A_13, %max3A_557 : vector<16xi32>
        %gather3A_559 = tpu.vector_load_idx %arg9[%min3A_558] : memref<8192xf32, #tpu.memory_space<vmem>>[vector<16xi32>], vector<16xf32>,
        %sub3A_560 = vector.broadcast %squeeze3A_295 : f32 to vector<16xf32>
        %sub3A_561 = arith.subf %gather3A_559, %sub3A_560 : vector<16xf32>
        %max3A_562 = arith.constant 0.000000e+00 : f32
        %max3A_563 = vector.broadcast %max3A_562 : f32 to vector<16xf32>
        %max3A_564 = arith.maximumf %sub3A_561, %max3A_563 : vector<16xf32>
        %select_n3A_565 = arith.select %lt3A_556, %max3A_564, %broadcast_in_dim3A_1 : vector<16xi1>, vector<16xf32>
        %add3A_566 = arith.addf %while3A_549, %select_n3A_565 : vector<16xf32>
        scf.yield %add3A_566 : vector<16xf32>
      }
      %slice3A_314 = vector.extract_strided_slice %gather3A_132 {offsets = [7], sizes = [1], strides = [1]} : vector<16xf32> to vector<1xf32>
      %squeeze3A_315 = vector.extract %slice3A_314[0] : f32 from vector<1xf32>
      %convert_element_type3A_316 = arith.fptosi %squeeze3A_315 : f32 to i32
      %slice3A_317 = vector.extract_strided_slice %select_n3A_133 {offsets = [7], sizes = [1], strides = [1]} : vector<16xf32> to vector<1xf32>
      %squeeze3A_318 = vector.extract %slice3A_317[0] : f32 from vector<1xf32>
      %convert_element_type3A_319 = arith.fptosi %squeeze3A_318 : f32 to i32
      %slice3A_320 = vector.extract_strided_slice %gather3A {offsets = [7], sizes = [1], strides = [1]} : vector<16xf32> to vector<1xf32>
      %squeeze3A_321 = vector.extract %slice3A_320[0] : f32 from vector<1xf32>
      %sub3A_322 = arith.subi %convert_element_type3A_319, %convert_element_type3A_316 : i32
      %add3A_323 = arith.constant 16 : i32
      %add3A_324 = arith.addi %sub3A_322, %add3A_323 : i32
      %sub3A_325 = arith.constant 1 : i32
      %sub3A_326 = arith.subi %add3A_324, %sub3A_325 : i32
      %shift_right_arithmetic3A_327 = arith.constant 4 : i32
      %shift_right_arithmetic3A_328 = arith.shrsi %sub3A_326, %shift_right_arithmetic3A_327 : i32
      %while3A_329 = arith.constant 0 : i32
      %while3A_330 = arith.subi %shift_right_arithmetic3A_328, %while3A_329 : i32
      %while3A_331 = arith.addi %while3A_329, %while3A_330 : i32
      %while3A_332 = arith.constant 1 : i32
      %while3A_333 = arith.divsi %while3A_330, %while3A_332 : i32
      %while3A_334 = arith.muli %while3A_333, %while3A_332 : i32
      %while3A_335 = arith.addi %while3A_329, %while3A_334 : i32
      %while3A_336 = arith.constant 1 : i32
      %while3A_337 = scf.for %while3A_548 = %while3A_329 to %while3A_335 step %while3A_336 iter_args(%while3A_549 = %while3A_313) -> (vector<16xf32>)  : i32 {
        %mul3A_550 = arith.constant 16 : i32
        %mul3A_551 = arith.muli %while3A_548, %mul3A_550 : i32
        %add3A_552 = arith.addi %convert_element_type3A_316, %mul3A_551 : i32
        %add3A_553 = vector.broadcast %add3A_552 : i32 to vector<16xi32>
        %add3A_554 = arith.addi %add3A_553, %iota3A : vector<16xi32>
        %lt3A_555 = vector.broadcast %convert_element_type3A_319 : i32 to vector<16xi32>
        %lt3A_556 = arith.cmpi slt, %add3A_554, %lt3A_555 : vector<16xi32>
        %max3A_557 = arith.maxsi %broadcast_in_dim3A_9, %add3A_554 : vector<16xi32>
        %min3A_558 = arith.minsi %broadcast_in_dim3A_13, %max3A_557 : vector<16xi32>
        %gather3A_559 = tpu.vector_load_idx %arg9[%min3A_558] : memref<8192xf32, #tpu.memory_space<vmem>>[vector<16xi32>], vector<16xf32>,
        %sub3A_560 = vector.broadcast %squeeze3A_321 : f32 to vector<16xf32>
        %sub3A_561 = arith.subf %gather3A_559, %sub3A_560 : vector<16xf32>
        %max3A_562 = arith.constant 0.000000e+00 : f32
        %max3A_563 = vector.broadcast %max3A_562 : f32 to vector<16xf32>
        %max3A_564 = arith.maximumf %sub3A_561, %max3A_563 : vector<16xf32>
        %select_n3A_565 = arith.select %lt3A_556, %max3A_564, %broadcast_in_dim3A_1 : vector<16xi1>, vector<16xf32>
        %add3A_566 = arith.addf %while3A_549, %select_n3A_565 : vector<16xf32>
        scf.yield %add3A_566 : vector<16xf32>
      }
      %while3A_338 = arith.constant 1 : i32
      %while3A_339 = scf.for %while3A_548 = %while3A_335 to %while3A_331 step %while3A_338 iter_args(%while3A_549 = %while3A_337) -> (vector<16xf32>)  : i32 {
        %mul3A_550 = arith.constant 16 : i32
        %mul3A_551 = arith.muli %while3A_548, %mul3A_550 : i32
        %add3A_552 = arith.addi %convert_element_type3A_316, %mul3A_551 : i32
        %add3A_553 = vector.broadcast %add3A_552 : i32 to vector<16xi32>
        %add3A_554 = arith.addi %add3A_553, %iota3A : vector<16xi32>
        %lt3A_555 = vector.broadcast %convert_element_type3A_319 : i32 to vector<16xi32>
        %lt3A_556 = arith.cmpi slt, %add3A_554, %lt3A_555 : vector<16xi32>
        %max3A_557 = arith.maxsi %broadcast_in_dim3A_9, %add3A_554 : vector<16xi32>
        %min3A_558 = arith.minsi %broadcast_in_dim3A_13, %max3A_557 : vector<16xi32>
        %gather3A_559 = tpu.vector_load_idx %arg9[%min3A_558] : memref<8192xf32, #tpu.memory_space<vmem>>[vector<16xi32>], vector<16xf32>,
        %sub3A_560 = vector.broadcast %squeeze3A_321 : f32 to vector<16xf32>
        %sub3A_561 = arith.subf %gather3A_559, %sub3A_560 : vector<16xf32>
        %max3A_562 = arith.constant 0.000000e+00 : f32
        %max3A_563 = vector.broadcast %max3A_562 : f32 to vector<16xf32>
        %max3A_564 = arith.maximumf %sub3A_561, %max3A_563 : vector<16xf32>
        %select_n3A_565 = arith.select %lt3A_556, %max3A_564, %broadcast_in_dim3A_1 : vector<16xi1>, vector<16xf32>
        %add3A_566 = arith.addf %while3A_549, %select_n3A_565 : vector<16xf32>
        scf.yield %add3A_566 : vector<16xf32>
      }
      %slice3A_340 = vector.extract_strided_slice %gather3A_132 {offsets = [8], sizes = [1], strides = [1]} : vector<16xf32> to vector<1xf32>
      %squeeze3A_341 = vector.extract %slice3A_340[0] : f32 from vector<1xf32>
      %convert_element_type3A_342 = arith.fptosi %squeeze3A_341 : f32 to i32
      %slice3A_343 = vector.extract_strided_slice %select_n3A_133 {offsets = [8], sizes = [1], strides = [1]} : vector<16xf32> to vector<1xf32>
      %squeeze3A_344 = vector.extract %slice3A_343[0] : f32 from vector<1xf32>
      %convert_element_type3A_345 = arith.fptosi %squeeze3A_344 : f32 to i32
      %slice3A_346 = vector.extract_strided_slice %gather3A {offsets = [8], sizes = [1], strides = [1]} : vector<16xf32> to vector<1xf32>
      %squeeze3A_347 = vector.extract %slice3A_346[0] : f32 from vector<1xf32>
      %sub3A_348 = arith.subi %convert_element_type3A_345, %convert_element_type3A_342 : i32
      %add3A_349 = arith.constant 16 : i32
      %add3A_350 = arith.addi %sub3A_348, %add3A_349 : i32
      %sub3A_351 = arith.constant 1 : i32
      %sub3A_352 = arith.subi %add3A_350, %sub3A_351 : i32
      %shift_right_arithmetic3A_353 = arith.constant 4 : i32
      %shift_right_arithmetic3A_354 = arith.shrsi %sub3A_352, %shift_right_arithmetic3A_353 : i32
      %while3A_355 = arith.constant 0 : i32
      %while3A_356 = arith.subi %shift_right_arithmetic3A_354, %while3A_355 : i32
      %while3A_357 = arith.addi %while3A_355, %while3A_356 : i32
      %while3A_358 = arith.constant 1 : i32
      %while3A_359 = arith.divsi %while3A_356, %while3A_358 : i32
      %while3A_360 = arith.muli %while3A_359, %while3A_358 : i32
      %while3A_361 = arith.addi %while3A_355, %while3A_360 : i32
      %while3A_362 = arith.constant 1 : i32
      %while3A_363 = scf.for %while3A_548 = %while3A_355 to %while3A_361 step %while3A_362 iter_args(%while3A_549 = %while3A_339) -> (vector<16xf32>)  : i32 {
        %mul3A_550 = arith.constant 16 : i32
        %mul3A_551 = arith.muli %while3A_548, %mul3A_550 : i32
        %add3A_552 = arith.addi %convert_element_type3A_342, %mul3A_551 : i32
        %add3A_553 = vector.broadcast %add3A_552 : i32 to vector<16xi32>
        %add3A_554 = arith.addi %add3A_553, %iota3A : vector<16xi32>
        %lt3A_555 = vector.broadcast %convert_element_type3A_345 : i32 to vector<16xi32>
        %lt3A_556 = arith.cmpi slt, %add3A_554, %lt3A_555 : vector<16xi32>
        %max3A_557 = arith.maxsi %broadcast_in_dim3A_9, %add3A_554 : vector<16xi32>
        %min3A_558 = arith.minsi %broadcast_in_dim3A_13, %max3A_557 : vector<16xi32>
        %gather3A_559 = tpu.vector_load_idx %arg9[%min3A_558] : memref<8192xf32, #tpu.memory_space<vmem>>[vector<16xi32>], vector<16xf32>,
        %sub3A_560 = vector.broadcast %squeeze3A_347 : f32 to vector<16xf32>
        %sub3A_561 = arith.subf %gather3A_559, %sub3A_560 : vector<16xf32>
        %max3A_562 = arith.constant 0.000000e+00 : f32
        %max3A_563 = vector.broadcast %max3A_562 : f32 to vector<16xf32>
        %max3A_564 = arith.maximumf %sub3A_561, %max3A_563 : vector<16xf32>
        %select_n3A_565 = arith.select %lt3A_556, %max3A_564, %broadcast_in_dim3A_1 : vector<16xi1>, vector<16xf32>
        %add3A_566 = arith.addf %while3A_549, %select_n3A_565 : vector<16xf32>
        scf.yield %add3A_566 : vector<16xf32>
      }
      %while3A_364 = arith.constant 1 : i32
      %while3A_365 = scf.for %while3A_548 = %while3A_361 to %while3A_357 step %while3A_364 iter_args(%while3A_549 = %while3A_363) -> (vector<16xf32>)  : i32 {
        %mul3A_550 = arith.constant 16 : i32
        %mul3A_551 = arith.muli %while3A_548, %mul3A_550 : i32
        %add3A_552 = arith.addi %convert_element_type3A_342, %mul3A_551 : i32
        %add3A_553 = vector.broadcast %add3A_552 : i32 to vector<16xi32>
        %add3A_554 = arith.addi %add3A_553, %iota3A : vector<16xi32>
        %lt3A_555 = vector.broadcast %convert_element_type3A_345 : i32 to vector<16xi32>
        %lt3A_556 = arith.cmpi slt, %add3A_554, %lt3A_555 : vector<16xi32>
        %max3A_557 = arith.maxsi %broadcast_in_dim3A_9, %add3A_554 : vector<16xi32>
        %min3A_558 = arith.minsi %broadcast_in_dim3A_13, %max3A_557 : vector<16xi32>
        %gather3A_559 = tpu.vector_load_idx %arg9[%min3A_558] : memref<8192xf32, #tpu.memory_space<vmem>>[vector<16xi32>], vector<16xf32>,
        %sub3A_560 = vector.broadcast %squeeze3A_347 : f32 to vector<16xf32>
        %sub3A_561 = arith.subf %gather3A_559, %sub3A_560 : vector<16xf32>
        %max3A_562 = arith.constant 0.000000e+00 : f32
        %max3A_563 = vector.broadcast %max3A_562 : f32 to vector<16xf32>
        %max3A_564 = arith.maximumf %sub3A_561, %max3A_563 : vector<16xf32>
        %select_n3A_565 = arith.select %lt3A_556, %max3A_564, %broadcast_in_dim3A_1 : vector<16xi1>, vector<16xf32>
        %add3A_566 = arith.addf %while3A_549, %select_n3A_565 : vector<16xf32>
        scf.yield %add3A_566 : vector<16xf32>
      }
      %slice3A_366 = vector.extract_strided_slice %gather3A_132 {offsets = [9], sizes = [1], strides = [1]} : vector<16xf32> to vector<1xf32>
      %squeeze3A_367 = vector.extract %slice3A_366[0] : f32 from vector<1xf32>
      %convert_element_type3A_368 = arith.fptosi %squeeze3A_367 : f32 to i32
      %slice3A_369 = vector.extract_strided_slice %select_n3A_133 {offsets = [9], sizes = [1], strides = [1]} : vector<16xf32> to vector<1xf32>
      %squeeze3A_370 = vector.extract %slice3A_369[0] : f32 from vector<1xf32>
      %convert_element_type3A_371 = arith.fptosi %squeeze3A_370 : f32 to i32
      %slice3A_372 = vector.extract_strided_slice %gather3A {offsets = [9], sizes = [1], strides = [1]} : vector<16xf32> to vector<1xf32>
      %squeeze3A_373 = vector.extract %slice3A_372[0] : f32 from vector<1xf32>
      %sub3A_374 = arith.subi %convert_element_type3A_371, %convert_element_type3A_368 : i32
      %add3A_375 = arith.constant 16 : i32
      %add3A_376 = arith.addi %sub3A_374, %add3A_375 : i32
      %sub3A_377 = arith.constant 1 : i32
      %sub3A_378 = arith.subi %add3A_376, %sub3A_377 : i32
      %shift_right_arithmetic3A_379 = arith.constant 4 : i32
      %shift_right_arithmetic3A_380 = arith.shrsi %sub3A_378, %shift_right_arithmetic3A_379 : i32
      %while3A_381 = arith.constant 0 : i32
      %while3A_382 = arith.subi %shift_right_arithmetic3A_380, %while3A_381 : i32
      %while3A_383 = arith.addi %while3A_381, %while3A_382 : i32
      %while3A_384 = arith.constant 1 : i32
      %while3A_385 = arith.divsi %while3A_382, %while3A_384 : i32
      %while3A_386 = arith.muli %while3A_385, %while3A_384 : i32
      %while3A_387 = arith.addi %while3A_381, %while3A_386 : i32
      %while3A_388 = arith.constant 1 : i32
      %while3A_389 = scf.for %while3A_548 = %while3A_381 to %while3A_387 step %while3A_388 iter_args(%while3A_549 = %while3A_365) -> (vector<16xf32>)  : i32 {
        %mul3A_550 = arith.constant 16 : i32
        %mul3A_551 = arith.muli %while3A_548, %mul3A_550 : i32
        %add3A_552 = arith.addi %convert_element_type3A_368, %mul3A_551 : i32
        %add3A_553 = vector.broadcast %add3A_552 : i32 to vector<16xi32>
        %add3A_554 = arith.addi %add3A_553, %iota3A : vector<16xi32>
        %lt3A_555 = vector.broadcast %convert_element_type3A_371 : i32 to vector<16xi32>
        %lt3A_556 = arith.cmpi slt, %add3A_554, %lt3A_555 : vector<16xi32>
        %max3A_557 = arith.maxsi %broadcast_in_dim3A_9, %add3A_554 : vector<16xi32>
        %min3A_558 = arith.minsi %broadcast_in_dim3A_13, %max3A_557 : vector<16xi32>
        %gather3A_559 = tpu.vector_load_idx %arg9[%min3A_558] : memref<8192xf32, #tpu.memory_space<vmem>>[vector<16xi32>], vector<16xf32>,
        %sub3A_560 = vector.broadcast %squeeze3A_373 : f32 to vector<16xf32>
        %sub3A_561 = arith.subf %gather3A_559, %sub3A_560 : vector<16xf32>
        %max3A_562 = arith.constant 0.000000e+00 : f32
        %max3A_563 = vector.broadcast %max3A_562 : f32 to vector<16xf32>
        %max3A_564 = arith.maximumf %sub3A_561, %max3A_563 : vector<16xf32>
        %select_n3A_565 = arith.select %lt3A_556, %max3A_564, %broadcast_in_dim3A_1 : vector<16xi1>, vector<16xf32>
        %add3A_566 = arith.addf %while3A_549, %select_n3A_565 : vector<16xf32>
        scf.yield %add3A_566 : vector<16xf32>
      }
      %while3A_390 = arith.constant 1 : i32
      %while3A_391 = scf.for %while3A_548 = %while3A_387 to %while3A_383 step %while3A_390 iter_args(%while3A_549 = %while3A_389) -> (vector<16xf32>)  : i32 {
        %mul3A_550 = arith.constant 16 : i32
        %mul3A_551 = arith.muli %while3A_548, %mul3A_550 : i32
        %add3A_552 = arith.addi %convert_element_type3A_368, %mul3A_551 : i32
        %add3A_553 = vector.broadcast %add3A_552 : i32 to vector<16xi32>
        %add3A_554 = arith.addi %add3A_553, %iota3A : vector<16xi32>
        %lt3A_555 = vector.broadcast %convert_element_type3A_371 : i32 to vector<16xi32>
        %lt3A_556 = arith.cmpi slt, %add3A_554, %lt3A_555 : vector<16xi32>
        %max3A_557 = arith.maxsi %broadcast_in_dim3A_9, %add3A_554 : vector<16xi32>
        %min3A_558 = arith.minsi %broadcast_in_dim3A_13, %max3A_557 : vector<16xi32>
        %gather3A_559 = tpu.vector_load_idx %arg9[%min3A_558] : memref<8192xf32, #tpu.memory_space<vmem>>[vector<16xi32>], vector<16xf32>,
        %sub3A_560 = vector.broadcast %squeeze3A_373 : f32 to vector<16xf32>
        %sub3A_561 = arith.subf %gather3A_559, %sub3A_560 : vector<16xf32>
        %max3A_562 = arith.constant 0.000000e+00 : f32
        %max3A_563 = vector.broadcast %max3A_562 : f32 to vector<16xf32>
        %max3A_564 = arith.maximumf %sub3A_561, %max3A_563 : vector<16xf32>
        %select_n3A_565 = arith.select %lt3A_556, %max3A_564, %broadcast_in_dim3A_1 : vector<16xi1>, vector<16xf32>
        %add3A_566 = arith.addf %while3A_549, %select_n3A_565 : vector<16xf32>
        scf.yield %add3A_566 : vector<16xf32>
      }
      %slice3A_392 = vector.extract_strided_slice %gather3A_132 {offsets = [10], sizes = [1], strides = [1]} : vector<16xf32> to vector<1xf32>
      %squeeze3A_393 = vector.extract %slice3A_392[0] : f32 from vector<1xf32>
      %convert_element_type3A_394 = arith.fptosi %squeeze3A_393 : f32 to i32
      %slice3A_395 = vector.extract_strided_slice %select_n3A_133 {offsets = [10], sizes = [1], strides = [1]} : vector<16xf32> to vector<1xf32>
      %squeeze3A_396 = vector.extract %slice3A_395[0] : f32 from vector<1xf32>
      %convert_element_type3A_397 = arith.fptosi %squeeze3A_396 : f32 to i32
      %slice3A_398 = vector.extract_strided_slice %gather3A {offsets = [10], sizes = [1], strides = [1]} : vector<16xf32> to vector<1xf32>
      %squeeze3A_399 = vector.extract %slice3A_398[0] : f32 from vector<1xf32>
      %sub3A_400 = arith.subi %convert_element_type3A_397, %convert_element_type3A_394 : i32
      %add3A_401 = arith.constant 16 : i32
      %add3A_402 = arith.addi %sub3A_400, %add3A_401 : i32
      %sub3A_403 = arith.constant 1 : i32
      %sub3A_404 = arith.subi %add3A_402, %sub3A_403 : i32
      %shift_right_arithmetic3A_405 = arith.constant 4 : i32
      %shift_right_arithmetic3A_406 = arith.shrsi %sub3A_404, %shift_right_arithmetic3A_405 : i32
      %while3A_407 = arith.constant 0 : i32
      %while3A_408 = arith.subi %shift_right_arithmetic3A_406, %while3A_407 : i32
      %while3A_409 = arith.addi %while3A_407, %while3A_408 : i32
      %while3A_410 = arith.constant 1 : i32
      %while3A_411 = arith.divsi %while3A_408, %while3A_410 : i32
      %while3A_412 = arith.muli %while3A_411, %while3A_410 : i32
      %while3A_413 = arith.addi %while3A_407, %while3A_412 : i32
      %while3A_414 = arith.constant 1 : i32
      %while3A_415 = scf.for %while3A_548 = %while3A_407 to %while3A_413 step %while3A_414 iter_args(%while3A_549 = %while3A_391) -> (vector<16xf32>)  : i32 {
        %mul3A_550 = arith.constant 16 : i32
        %mul3A_551 = arith.muli %while3A_548, %mul3A_550 : i32
        %add3A_552 = arith.addi %convert_element_type3A_394, %mul3A_551 : i32
        %add3A_553 = vector.broadcast %add3A_552 : i32 to vector<16xi32>
        %add3A_554 = arith.addi %add3A_553, %iota3A : vector<16xi32>
        %lt3A_555 = vector.broadcast %convert_element_type3A_397 : i32 to vector<16xi32>
        %lt3A_556 = arith.cmpi slt, %add3A_554, %lt3A_555 : vector<16xi32>
        %max3A_557 = arith.maxsi %broadcast_in_dim3A_9, %add3A_554 : vector<16xi32>
        %min3A_558 = arith.minsi %broadcast_in_dim3A_13, %max3A_557 : vector<16xi32>
        %gather3A_559 = tpu.vector_load_idx %arg9[%min3A_558] : memref<8192xf32, #tpu.memory_space<vmem>>[vector<16xi32>], vector<16xf32>,
        %sub3A_560 = vector.broadcast %squeeze3A_399 : f32 to vector<16xf32>
        %sub3A_561 = arith.subf %gather3A_559, %sub3A_560 : vector<16xf32>
        %max3A_562 = arith.constant 0.000000e+00 : f32
        %max3A_563 = vector.broadcast %max3A_562 : f32 to vector<16xf32>
        %max3A_564 = arith.maximumf %sub3A_561, %max3A_563 : vector<16xf32>
        %select_n3A_565 = arith.select %lt3A_556, %max3A_564, %broadcast_in_dim3A_1 : vector<16xi1>, vector<16xf32>
        %add3A_566 = arith.addf %while3A_549, %select_n3A_565 : vector<16xf32>
        scf.yield %add3A_566 : vector<16xf32>
      }
      %while3A_416 = arith.constant 1 : i32
      %while3A_417 = scf.for %while3A_548 = %while3A_413 to %while3A_409 step %while3A_416 iter_args(%while3A_549 = %while3A_415) -> (vector<16xf32>)  : i32 {
        %mul3A_550 = arith.constant 16 : i32
        %mul3A_551 = arith.muli %while3A_548, %mul3A_550 : i32
        %add3A_552 = arith.addi %convert_element_type3A_394, %mul3A_551 : i32
        %add3A_553 = vector.broadcast %add3A_552 : i32 to vector<16xi32>
        %add3A_554 = arith.addi %add3A_553, %iota3A : vector<16xi32>
        %lt3A_555 = vector.broadcast %convert_element_type3A_397 : i32 to vector<16xi32>
        %lt3A_556 = arith.cmpi slt, %add3A_554, %lt3A_555 : vector<16xi32>
        %max3A_557 = arith.maxsi %broadcast_in_dim3A_9, %add3A_554 : vector<16xi32>
        %min3A_558 = arith.minsi %broadcast_in_dim3A_13, %max3A_557 : vector<16xi32>
        %gather3A_559 = tpu.vector_load_idx %arg9[%min3A_558] : memref<8192xf32, #tpu.memory_space<vmem>>[vector<16xi32>], vector<16xf32>,
        %sub3A_560 = vector.broadcast %squeeze3A_399 : f32 to vector<16xf32>
        %sub3A_561 = arith.subf %gather3A_559, %sub3A_560 : vector<16xf32>
        %max3A_562 = arith.constant 0.000000e+00 : f32
        %max3A_563 = vector.broadcast %max3A_562 : f32 to vector<16xf32>
        %max3A_564 = arith.maximumf %sub3A_561, %max3A_563 : vector<16xf32>
        %select_n3A_565 = arith.select %lt3A_556, %max3A_564, %broadcast_in_dim3A_1 : vector<16xi1>, vector<16xf32>
        %add3A_566 = arith.addf %while3A_549, %select_n3A_565 : vector<16xf32>
        scf.yield %add3A_566 : vector<16xf32>
      }
      %slice3A_418 = vector.extract_strided_slice %gather3A_132 {offsets = [11], sizes = [1], strides = [1]} : vector<16xf32> to vector<1xf32>
      %squeeze3A_419 = vector.extract %slice3A_418[0] : f32 from vector<1xf32>
      %convert_element_type3A_420 = arith.fptosi %squeeze3A_419 : f32 to i32
      %slice3A_421 = vector.extract_strided_slice %select_n3A_133 {offsets = [11], sizes = [1], strides = [1]} : vector<16xf32> to vector<1xf32>
      %squeeze3A_422 = vector.extract %slice3A_421[0] : f32 from vector<1xf32>
      %convert_element_type3A_423 = arith.fptosi %squeeze3A_422 : f32 to i32
      %slice3A_424 = vector.extract_strided_slice %gather3A {offsets = [11], sizes = [1], strides = [1]} : vector<16xf32> to vector<1xf32>
      %squeeze3A_425 = vector.extract %slice3A_424[0] : f32 from vector<1xf32>
      %sub3A_426 = arith.subi %convert_element_type3A_423, %convert_element_type3A_420 : i32
      %add3A_427 = arith.constant 16 : i32
      %add3A_428 = arith.addi %sub3A_426, %add3A_427 : i32
      %sub3A_429 = arith.constant 1 : i32
      %sub3A_430 = arith.subi %add3A_428, %sub3A_429 : i32
      %shift_right_arithmetic3A_431 = arith.constant 4 : i32
      %shift_right_arithmetic3A_432 = arith.shrsi %sub3A_430, %shift_right_arithmetic3A_431 : i32
      %while3A_433 = arith.constant 0 : i32
      %while3A_434 = arith.subi %shift_right_arithmetic3A_432, %while3A_433 : i32
      %while3A_435 = arith.addi %while3A_433, %while3A_434 : i32
      %while3A_436 = arith.constant 1 : i32
      %while3A_437 = arith.divsi %while3A_434, %while3A_436 : i32
      %while3A_438 = arith.muli %while3A_437, %while3A_436 : i32
      %while3A_439 = arith.addi %while3A_433, %while3A_438 : i32
      %while3A_440 = arith.constant 1 : i32
      %while3A_441 = scf.for %while3A_548 = %while3A_433 to %while3A_439 step %while3A_440 iter_args(%while3A_549 = %while3A_417) -> (vector<16xf32>)  : i32 {
        %mul3A_550 = arith.constant 16 : i32
        %mul3A_551 = arith.muli %while3A_548, %mul3A_550 : i32
        %add3A_552 = arith.addi %convert_element_type3A_420, %mul3A_551 : i32
        %add3A_553 = vector.broadcast %add3A_552 : i32 to vector<16xi32>
        %add3A_554 = arith.addi %add3A_553, %iota3A : vector<16xi32>
        %lt3A_555 = vector.broadcast %convert_element_type3A_423 : i32 to vector<16xi32>
        %lt3A_556 = arith.cmpi slt, %add3A_554, %lt3A_555 : vector<16xi32>
        %max3A_557 = arith.maxsi %broadcast_in_dim3A_9, %add3A_554 : vector<16xi32>
        %min3A_558 = arith.minsi %broadcast_in_dim3A_13, %max3A_557 : vector<16xi32>
        %gather3A_559 = tpu.vector_load_idx %arg9[%min3A_558] : memref<8192xf32, #tpu.memory_space<vmem>>[vector<16xi32>], vector<16xf32>,
        %sub3A_560 = vector.broadcast %squeeze3A_425 : f32 to vector<16xf32>
        %sub3A_561 = arith.subf %gather3A_559, %sub3A_560 : vector<16xf32>
        %max3A_562 = arith.constant 0.000000e+00 : f32
        %max3A_563 = vector.broadcast %max3A_562 : f32 to vector<16xf32>
        %max3A_564 = arith.maximumf %sub3A_561, %max3A_563 : vector<16xf32>
        %select_n3A_565 = arith.select %lt3A_556, %max3A_564, %broadcast_in_dim3A_1 : vector<16xi1>, vector<16xf32>
        %add3A_566 = arith.addf %while3A_549, %select_n3A_565 : vector<16xf32>
        scf.yield %add3A_566 : vector<16xf32>
      }
      %while3A_442 = arith.constant 1 : i32
      %while3A_443 = scf.for %while3A_548 = %while3A_439 to %while3A_435 step %while3A_442 iter_args(%while3A_549 = %while3A_441) -> (vector<16xf32>)  : i32 {
        %mul3A_550 = arith.constant 16 : i32
        %mul3A_551 = arith.muli %while3A_548, %mul3A_550 : i32
        %add3A_552 = arith.addi %convert_element_type3A_420, %mul3A_551 : i32
        %add3A_553 = vector.broadcast %add3A_552 : i32 to vector<16xi32>
        %add3A_554 = arith.addi %add3A_553, %iota3A : vector<16xi32>
        %lt3A_555 = vector.broadcast %convert_element_type3A_423 : i32 to vector<16xi32>
        %lt3A_556 = arith.cmpi slt, %add3A_554, %lt3A_555 : vector<16xi32>
        %max3A_557 = arith.maxsi %broadcast_in_dim3A_9, %add3A_554 : vector<16xi32>
        %min3A_558 = arith.minsi %broadcast_in_dim3A_13, %max3A_557 : vector<16xi32>
        %gather3A_559 = tpu.vector_load_idx %arg9[%min3A_558] : memref<8192xf32, #tpu.memory_space<vmem>>[vector<16xi32>], vector<16xf32>,
        %sub3A_560 = vector.broadcast %squeeze3A_425 : f32 to vector<16xf32>
        %sub3A_561 = arith.subf %gather3A_559, %sub3A_560 : vector<16xf32>
        %max3A_562 = arith.constant 0.000000e+00 : f32
        %max3A_563 = vector.broadcast %max3A_562 : f32 to vector<16xf32>
        %max3A_564 = arith.maximumf %sub3A_561, %max3A_563 : vector<16xf32>
        %select_n3A_565 = arith.select %lt3A_556, %max3A_564, %broadcast_in_dim3A_1 : vector<16xi1>, vector<16xf32>
        %add3A_566 = arith.addf %while3A_549, %select_n3A_565 : vector<16xf32>
        scf.yield %add3A_566 : vector<16xf32>
      }
      %slice3A_444 = vector.extract_strided_slice %gather3A_132 {offsets = [12], sizes = [1], strides = [1]} : vector<16xf32> to vector<1xf32>
      %squeeze3A_445 = vector.extract %slice3A_444[0] : f32 from vector<1xf32>
      %convert_element_type3A_446 = arith.fptosi %squeeze3A_445 : f32 to i32
      %slice3A_447 = vector.extract_strided_slice %select_n3A_133 {offsets = [12], sizes = [1], strides = [1]} : vector<16xf32> to vector<1xf32>
      %squeeze3A_448 = vector.extract %slice3A_447[0] : f32 from vector<1xf32>
      %convert_element_type3A_449 = arith.fptosi %squeeze3A_448 : f32 to i32
      %slice3A_450 = vector.extract_strided_slice %gather3A {offsets = [12], sizes = [1], strides = [1]} : vector<16xf32> to vector<1xf32>
      %squeeze3A_451 = vector.extract %slice3A_450[0] : f32 from vector<1xf32>
      %sub3A_452 = arith.subi %convert_element_type3A_449, %convert_element_type3A_446 : i32
      %add3A_453 = arith.constant 16 : i32
      %add3A_454 = arith.addi %sub3A_452, %add3A_453 : i32
      %sub3A_455 = arith.constant 1 : i32
      %sub3A_456 = arith.subi %add3A_454, %sub3A_455 : i32
      %shift_right_arithmetic3A_457 = arith.constant 4 : i32
      %shift_right_arithmetic3A_458 = arith.shrsi %sub3A_456, %shift_right_arithmetic3A_457 : i32
      %while3A_459 = arith.constant 0 : i32
      %while3A_460 = arith.subi %shift_right_arithmetic3A_458, %while3A_459 : i32
      %while3A_461 = arith.addi %while3A_459, %while3A_460 : i32
      %while3A_462 = arith.constant 1 : i32
      %while3A_463 = arith.divsi %while3A_460, %while3A_462 : i32
      %while3A_464 = arith.muli %while3A_463, %while3A_462 : i32
      %while3A_465 = arith.addi %while3A_459, %while3A_464 : i32
      %while3A_466 = arith.constant 1 : i32
      %while3A_467 = scf.for %while3A_548 = %while3A_459 to %while3A_465 step %while3A_466 iter_args(%while3A_549 = %while3A_443) -> (vector<16xf32>)  : i32 {
        %mul3A_550 = arith.constant 16 : i32
        %mul3A_551 = arith.muli %while3A_548, %mul3A_550 : i32
        %add3A_552 = arith.addi %convert_element_type3A_446, %mul3A_551 : i32
        %add3A_553 = vector.broadcast %add3A_552 : i32 to vector<16xi32>
        %add3A_554 = arith.addi %add3A_553, %iota3A : vector<16xi32>
        %lt3A_555 = vector.broadcast %convert_element_type3A_449 : i32 to vector<16xi32>
        %lt3A_556 = arith.cmpi slt, %add3A_554, %lt3A_555 : vector<16xi32>
        %max3A_557 = arith.maxsi %broadcast_in_dim3A_9, %add3A_554 : vector<16xi32>
        %min3A_558 = arith.minsi %broadcast_in_dim3A_13, %max3A_557 : vector<16xi32>
        %gather3A_559 = tpu.vector_load_idx %arg9[%min3A_558] : memref<8192xf32, #tpu.memory_space<vmem>>[vector<16xi32>], vector<16xf32>,
        %sub3A_560 = vector.broadcast %squeeze3A_451 : f32 to vector<16xf32>
        %sub3A_561 = arith.subf %gather3A_559, %sub3A_560 : vector<16xf32>
        %max3A_562 = arith.constant 0.000000e+00 : f32
        %max3A_563 = vector.broadcast %max3A_562 : f32 to vector<16xf32>
        %max3A_564 = arith.maximumf %sub3A_561, %max3A_563 : vector<16xf32>
        %select_n3A_565 = arith.select %lt3A_556, %max3A_564, %broadcast_in_dim3A_1 : vector<16xi1>, vector<16xf32>
        %add3A_566 = arith.addf %while3A_549, %select_n3A_565 : vector<16xf32>
        scf.yield %add3A_566 : vector<16xf32>
      }
      %while3A_468 = arith.constant 1 : i32
      %while3A_469 = scf.for %while3A_548 = %while3A_465 to %while3A_461 step %while3A_468 iter_args(%while3A_549 = %while3A_467) -> (vector<16xf32>)  : i32 {
        %mul3A_550 = arith.constant 16 : i32
        %mul3A_551 = arith.muli %while3A_548, %mul3A_550 : i32
        %add3A_552 = arith.addi %convert_element_type3A_446, %mul3A_551 : i32
        %add3A_553 = vector.broadcast %add3A_552 : i32 to vector<16xi32>
        %add3A_554 = arith.addi %add3A_553, %iota3A : vector<16xi32>
        %lt3A_555 = vector.broadcast %convert_element_type3A_449 : i32 to vector<16xi32>
        %lt3A_556 = arith.cmpi slt, %add3A_554, %lt3A_555 : vector<16xi32>
        %max3A_557 = arith.maxsi %broadcast_in_dim3A_9, %add3A_554 : vector<16xi32>
        %min3A_558 = arith.minsi %broadcast_in_dim3A_13, %max3A_557 : vector<16xi32>
        %gather3A_559 = tpu.vector_load_idx %arg9[%min3A_558] : memref<8192xf32, #tpu.memory_space<vmem>>[vector<16xi32>], vector<16xf32>,
        %sub3A_560 = vector.broadcast %squeeze3A_451 : f32 to vector<16xf32>
        %sub3A_561 = arith.subf %gather3A_559, %sub3A_560 : vector<16xf32>
        %max3A_562 = arith.constant 0.000000e+00 : f32
        %max3A_563 = vector.broadcast %max3A_562 : f32 to vector<16xf32>
        %max3A_564 = arith.maximumf %sub3A_561, %max3A_563 : vector<16xf32>
        %select_n3A_565 = arith.select %lt3A_556, %max3A_564, %broadcast_in_dim3A_1 : vector<16xi1>, vector<16xf32>
        %add3A_566 = arith.addf %while3A_549, %select_n3A_565 : vector<16xf32>
        scf.yield %add3A_566 : vector<16xf32>
      }
      %slice3A_470 = vector.extract_strided_slice %gather3A_132 {offsets = [13], sizes = [1], strides = [1]} : vector<16xf32> to vector<1xf32>
      %squeeze3A_471 = vector.extract %slice3A_470[0] : f32 from vector<1xf32>
      %convert_element_type3A_472 = arith.fptosi %squeeze3A_471 : f32 to i32
      %slice3A_473 = vector.extract_strided_slice %select_n3A_133 {offsets = [13], sizes = [1], strides = [1]} : vector<16xf32> to vector<1xf32>
      %squeeze3A_474 = vector.extract %slice3A_473[0] : f32 from vector<1xf32>
      %convert_element_type3A_475 = arith.fptosi %squeeze3A_474 : f32 to i32
      %slice3A_476 = vector.extract_strided_slice %gather3A {offsets = [13], sizes = [1], strides = [1]} : vector<16xf32> to vector<1xf32>
      %squeeze3A_477 = vector.extract %slice3A_476[0] : f32 from vector<1xf32>
      %sub3A_478 = arith.subi %convert_element_type3A_475, %convert_element_type3A_472 : i32
      %add3A_479 = arith.constant 16 : i32
      %add3A_480 = arith.addi %sub3A_478, %add3A_479 : i32
      %sub3A_481 = arith.constant 1 : i32
      %sub3A_482 = arith.subi %add3A_480, %sub3A_481 : i32
      %shift_right_arithmetic3A_483 = arith.constant 4 : i32
      %shift_right_arithmetic3A_484 = arith.shrsi %sub3A_482, %shift_right_arithmetic3A_483 : i32
      %while3A_485 = arith.constant 0 : i32
      %while3A_486 = arith.subi %shift_right_arithmetic3A_484, %while3A_485 : i32
      %while3A_487 = arith.addi %while3A_485, %while3A_486 : i32
      %while3A_488 = arith.constant 1 : i32
      %while3A_489 = arith.divsi %while3A_486, %while3A_488 : i32
      %while3A_490 = arith.muli %while3A_489, %while3A_488 : i32
      %while3A_491 = arith.addi %while3A_485, %while3A_490 : i32
      %while3A_492 = arith.constant 1 : i32
      %while3A_493 = scf.for %while3A_548 = %while3A_485 to %while3A_491 step %while3A_492 iter_args(%while3A_549 = %while3A_469) -> (vector<16xf32>)  : i32 {
        %mul3A_550 = arith.constant 16 : i32
        %mul3A_551 = arith.muli %while3A_548, %mul3A_550 : i32
        %add3A_552 = arith.addi %convert_element_type3A_472, %mul3A_551 : i32
        %add3A_553 = vector.broadcast %add3A_552 : i32 to vector<16xi32>
        %add3A_554 = arith.addi %add3A_553, %iota3A : vector<16xi32>
        %lt3A_555 = vector.broadcast %convert_element_type3A_475 : i32 to vector<16xi32>
        %lt3A_556 = arith.cmpi slt, %add3A_554, %lt3A_555 : vector<16xi32>
        %max3A_557 = arith.maxsi %broadcast_in_dim3A_9, %add3A_554 : vector<16xi32>
        %min3A_558 = arith.minsi %broadcast_in_dim3A_13, %max3A_557 : vector<16xi32>
        %gather3A_559 = tpu.vector_load_idx %arg9[%min3A_558] : memref<8192xf32, #tpu.memory_space<vmem>>[vector<16xi32>], vector<16xf32>,
        %sub3A_560 = vector.broadcast %squeeze3A_477 : f32 to vector<16xf32>
        %sub3A_561 = arith.subf %gather3A_559, %sub3A_560 : vector<16xf32>
        %max3A_562 = arith.constant 0.000000e+00 : f32
        %max3A_563 = vector.broadcast %max3A_562 : f32 to vector<16xf32>
        %max3A_564 = arith.maximumf %sub3A_561, %max3A_563 : vector<16xf32>
        %select_n3A_565 = arith.select %lt3A_556, %max3A_564, %broadcast_in_dim3A_1 : vector<16xi1>, vector<16xf32>
        %add3A_566 = arith.addf %while3A_549, %select_n3A_565 : vector<16xf32>
        scf.yield %add3A_566 : vector<16xf32>
      }
      %while3A_494 = arith.constant 1 : i32
      %while3A_495 = scf.for %while3A_548 = %while3A_491 to %while3A_487 step %while3A_494 iter_args(%while3A_549 = %while3A_493) -> (vector<16xf32>)  : i32 {
        %mul3A_550 = arith.constant 16 : i32
        %mul3A_551 = arith.muli %while3A_548, %mul3A_550 : i32
        %add3A_552 = arith.addi %convert_element_type3A_472, %mul3A_551 : i32
        %add3A_553 = vector.broadcast %add3A_552 : i32 to vector<16xi32>
        %add3A_554 = arith.addi %add3A_553, %iota3A : vector<16xi32>
        %lt3A_555 = vector.broadcast %convert_element_type3A_475 : i32 to vector<16xi32>
        %lt3A_556 = arith.cmpi slt, %add3A_554, %lt3A_555 : vector<16xi32>
        %max3A_557 = arith.maxsi %broadcast_in_dim3A_9, %add3A_554 : vector<16xi32>
        %min3A_558 = arith.minsi %broadcast_in_dim3A_13, %max3A_557 : vector<16xi32>
        %gather3A_559 = tpu.vector_load_idx %arg9[%min3A_558] : memref<8192xf32, #tpu.memory_space<vmem>>[vector<16xi32>], vector<16xf32>,
        %sub3A_560 = vector.broadcast %squeeze3A_477 : f32 to vector<16xf32>
        %sub3A_561 = arith.subf %gather3A_559, %sub3A_560 : vector<16xf32>
        %max3A_562 = arith.constant 0.000000e+00 : f32
        %max3A_563 = vector.broadcast %max3A_562 : f32 to vector<16xf32>
        %max3A_564 = arith.maximumf %sub3A_561, %max3A_563 : vector<16xf32>
        %select_n3A_565 = arith.select %lt3A_556, %max3A_564, %broadcast_in_dim3A_1 : vector<16xi1>, vector<16xf32>
        %add3A_566 = arith.addf %while3A_549, %select_n3A_565 : vector<16xf32>
        scf.yield %add3A_566 : vector<16xf32>
      }
      %slice3A_496 = vector.extract_strided_slice %gather3A_132 {offsets = [14], sizes = [1], strides = [1]} : vector<16xf32> to vector<1xf32>
      %squeeze3A_497 = vector.extract %slice3A_496[0] : f32 from vector<1xf32>
      %convert_element_type3A_498 = arith.fptosi %squeeze3A_497 : f32 to i32
      %slice3A_499 = vector.extract_strided_slice %select_n3A_133 {offsets = [14], sizes = [1], strides = [1]} : vector<16xf32> to vector<1xf32>
      %squeeze3A_500 = vector.extract %slice3A_499[0] : f32 from vector<1xf32>
      %convert_element_type3A_501 = arith.fptosi %squeeze3A_500 : f32 to i32
      %slice3A_502 = vector.extract_strided_slice %gather3A {offsets = [14], sizes = [1], strides = [1]} : vector<16xf32> to vector<1xf32>
      %squeeze3A_503 = vector.extract %slice3A_502[0] : f32 from vector<1xf32>
      %sub3A_504 = arith.subi %convert_element_type3A_501, %convert_element_type3A_498 : i32
      %add3A_505 = arith.constant 16 : i32
      %add3A_506 = arith.addi %sub3A_504, %add3A_505 : i32
      %sub3A_507 = arith.constant 1 : i32
      %sub3A_508 = arith.subi %add3A_506, %sub3A_507 : i32
      %shift_right_arithmetic3A_509 = arith.constant 4 : i32
      %shift_right_arithmetic3A_510 = arith.shrsi %sub3A_508, %shift_right_arithmetic3A_509 : i32
      %while3A_511 = arith.constant 0 : i32
      %while3A_512 = arith.subi %shift_right_arithmetic3A_510, %while3A_511 : i32
      %while3A_513 = arith.addi %while3A_511, %while3A_512 : i32
      %while3A_514 = arith.constant 1 : i32
      %while3A_515 = arith.divsi %while3A_512, %while3A_514 : i32
      %while3A_516 = arith.muli %while3A_515, %while3A_514 : i32
      %while3A_517 = arith.addi %while3A_511, %while3A_516 : i32
      %while3A_518 = arith.constant 1 : i32
      %while3A_519 = scf.for %while3A_548 = %while3A_511 to %while3A_517 step %while3A_518 iter_args(%while3A_549 = %while3A_495) -> (vector<16xf32>)  : i32 {
        %mul3A_550 = arith.constant 16 : i32
        %mul3A_551 = arith.muli %while3A_548, %mul3A_550 : i32
        %add3A_552 = arith.addi %convert_element_type3A_498, %mul3A_551 : i32
        %add3A_553 = vector.broadcast %add3A_552 : i32 to vector<16xi32>
        %add3A_554 = arith.addi %add3A_553, %iota3A : vector<16xi32>
        %lt3A_555 = vector.broadcast %convert_element_type3A_501 : i32 to vector<16xi32>
        %lt3A_556 = arith.cmpi slt, %add3A_554, %lt3A_555 : vector<16xi32>
        %max3A_557 = arith.maxsi %broadcast_in_dim3A_9, %add3A_554 : vector<16xi32>
        %min3A_558 = arith.minsi %broadcast_in_dim3A_13, %max3A_557 : vector<16xi32>
        %gather3A_559 = tpu.vector_load_idx %arg9[%min3A_558] : memref<8192xf32, #tpu.memory_space<vmem>>[vector<16xi32>], vector<16xf32>,
        %sub3A_560 = vector.broadcast %squeeze3A_503 : f32 to vector<16xf32>
        %sub3A_561 = arith.subf %gather3A_559, %sub3A_560 : vector<16xf32>
        %max3A_562 = arith.constant 0.000000e+00 : f32
        %max3A_563 = vector.broadcast %max3A_562 : f32 to vector<16xf32>
        %max3A_564 = arith.maximumf %sub3A_561, %max3A_563 : vector<16xf32>
        %select_n3A_565 = arith.select %lt3A_556, %max3A_564, %broadcast_in_dim3A_1 : vector<16xi1>, vector<16xf32>
        %add3A_566 = arith.addf %while3A_549, %select_n3A_565 : vector<16xf32>
        scf.yield %add3A_566 : vector<16xf32>
      }
      %while3A_520 = arith.constant 1 : i32
      %while3A_521 = scf.for %while3A_548 = %while3A_517 to %while3A_513 step %while3A_520 iter_args(%while3A_549 = %while3A_519) -> (vector<16xf32>)  : i32 {
        %mul3A_550 = arith.constant 16 : i32
        %mul3A_551 = arith.muli %while3A_548, %mul3A_550 : i32
        %add3A_552 = arith.addi %convert_element_type3A_498, %mul3A_551 : i32
        %add3A_553 = vector.broadcast %add3A_552 : i32 to vector<16xi32>
        %add3A_554 = arith.addi %add3A_553, %iota3A : vector<16xi32>
        %lt3A_555 = vector.broadcast %convert_element_type3A_501 : i32 to vector<16xi32>
        %lt3A_556 = arith.cmpi slt, %add3A_554, %lt3A_555 : vector<16xi32>
        %max3A_557 = arith.maxsi %broadcast_in_dim3A_9, %add3A_554 : vector<16xi32>
        %min3A_558 = arith.minsi %broadcast_in_dim3A_13, %max3A_557 : vector<16xi32>
        %gather3A_559 = tpu.vector_load_idx %arg9[%min3A_558] : memref<8192xf32, #tpu.memory_space<vmem>>[vector<16xi32>], vector<16xf32>,
        %sub3A_560 = vector.broadcast %squeeze3A_503 : f32 to vector<16xf32>
        %sub3A_561 = arith.subf %gather3A_559, %sub3A_560 : vector<16xf32>
        %max3A_562 = arith.constant 0.000000e+00 : f32
        %max3A_563 = vector.broadcast %max3A_562 : f32 to vector<16xf32>
        %max3A_564 = arith.maximumf %sub3A_561, %max3A_563 : vector<16xf32>
        %select_n3A_565 = arith.select %lt3A_556, %max3A_564, %broadcast_in_dim3A_1 : vector<16xi1>, vector<16xf32>
        %add3A_566 = arith.addf %while3A_549, %select_n3A_565 : vector<16xf32>
        scf.yield %add3A_566 : vector<16xf32>
      }
      %slice3A_522 = vector.extract_strided_slice %gather3A_132 {offsets = [15], sizes = [1], strides = [1]} : vector<16xf32> to vector<1xf32>
      %squeeze3A_523 = vector.extract %slice3A_522[0] : f32 from vector<1xf32>
      %convert_element_type3A_524 = arith.fptosi %squeeze3A_523 : f32 to i32
      %slice3A_525 = vector.extract_strided_slice %select_n3A_133 {offsets = [15], sizes = [1], strides = [1]} : vector<16xf32> to vector<1xf32>
      %squeeze3A_526 = vector.extract %slice3A_525[0] : f32 from vector<1xf32>
      %convert_element_type3A_527 = arith.fptosi %squeeze3A_526 : f32 to i32
      %slice3A_528 = vector.extract_strided_slice %gather3A {offsets = [15], sizes = [1], strides = [1]} : vector<16xf32> to vector<1xf32>
      %squeeze3A_529 = vector.extract %slice3A_528[0] : f32 from vector<1xf32>
      %sub3A_530 = arith.subi %convert_element_type3A_527, %convert_element_type3A_524 : i32
      %add3A_531 = arith.constant 16 : i32
      %add3A_532 = arith.addi %sub3A_530, %add3A_531 : i32
      %sub3A_533 = arith.constant 1 : i32
      %sub3A_534 = arith.subi %add3A_532, %sub3A_533 : i32
      %shift_right_arithmetic3A_535 = arith.constant 4 : i32
      %shift_right_arithmetic3A_536 = arith.shrsi %sub3A_534, %shift_right_arithmetic3A_535 : i32
      %while3A_537 = arith.constant 0 : i32
      %while3A_538 = arith.subi %shift_right_arithmetic3A_536, %while3A_537 : i32
      %while3A_539 = arith.addi %while3A_537, %while3A_538 : i32
      %while3A_540 = arith.constant 1 : i32
      %while3A_541 = arith.divsi %while3A_538, %while3A_540 : i32
      %while3A_542 = arith.muli %while3A_541, %while3A_540 : i32
      %while3A_543 = arith.addi %while3A_537, %while3A_542 : i32
      %while3A_544 = arith.constant 1 : i32
      %while3A_545 = scf.for %while3A_548 = %while3A_537 to %while3A_543 step %while3A_544 iter_args(%while3A_549 = %while3A_521) -> (vector<16xf32>)  : i32 {
        %mul3A_550 = arith.constant 16 : i32
        %mul3A_551 = arith.muli %while3A_548, %mul3A_550 : i32
        %add3A_552 = arith.addi %convert_element_type3A_524, %mul3A_551 : i32
        %add3A_553 = vector.broadcast %add3A_552 : i32 to vector<16xi32>
        %add3A_554 = arith.addi %add3A_553, %iota3A : vector<16xi32>
        %lt3A_555 = vector.broadcast %convert_element_type3A_527 : i32 to vector<16xi32>
        %lt3A_556 = arith.cmpi slt, %add3A_554, %lt3A_555 : vector<16xi32>
        %max3A_557 = arith.maxsi %broadcast_in_dim3A_9, %add3A_554 : vector<16xi32>
        %min3A_558 = arith.minsi %broadcast_in_dim3A_13, %max3A_557 : vector<16xi32>
        %gather3A_559 = tpu.vector_load_idx %arg9[%min3A_558] : memref<8192xf32, #tpu.memory_space<vmem>>[vector<16xi32>], vector<16xf32>,
        %sub3A_560 = vector.broadcast %squeeze3A_529 : f32 to vector<16xf32>
        %sub3A_561 = arith.subf %gather3A_559, %sub3A_560 : vector<16xf32>
        %max3A_562 = arith.constant 0.000000e+00 : f32
        %max3A_563 = vector.broadcast %max3A_562 : f32 to vector<16xf32>
        %max3A_564 = arith.maximumf %sub3A_561, %max3A_563 : vector<16xf32>
        %select_n3A_565 = arith.select %lt3A_556, %max3A_564, %broadcast_in_dim3A_1 : vector<16xi1>, vector<16xf32>
        %add3A_566 = arith.addf %while3A_549, %select_n3A_565 : vector<16xf32>
        scf.yield %add3A_566 : vector<16xf32>
      }
      %while3A_546 = arith.constant 1 : i32
      %while3A_547 = scf.for %while3A_548 = %while3A_543 to %while3A_539 step %while3A_546 iter_args(%while3A_549 = %while3A_545) -> (vector<16xf32>)  : i32 {
        %mul3A_550 = arith.constant 16 : i32
        %mul3A_551 = arith.muli %while3A_548, %mul3A_550 : i32
        %add3A_552 = arith.addi %convert_element_type3A_524, %mul3A_551 : i32
        %add3A_553 = vector.broadcast %add3A_552 : i32 to vector<16xi32>
        %add3A_554 = arith.addi %add3A_553, %iota3A : vector<16xi32>
        %lt3A_555 = vector.broadcast %convert_element_type3A_527 : i32 to vector<16xi32>
        %lt3A_556 = arith.cmpi slt, %add3A_554, %lt3A_555 : vector<16xi32>
        %max3A_557 = arith.maxsi %broadcast_in_dim3A_9, %add3A_554 : vector<16xi32>
        %min3A_558 = arith.minsi %broadcast_in_dim3A_13, %max3A_557 : vector<16xi32>
        %gather3A_559 = tpu.vector_load_idx %arg9[%min3A_558] : memref<8192xf32, #tpu.memory_space<vmem>>[vector<16xi32>], vector<16xf32>,
        %sub3A_560 = vector.broadcast %squeeze3A_529 : f32 to vector<16xf32>
        %sub3A_561 = arith.subf %gather3A_559, %sub3A_560 : vector<16xf32>
        %max3A_562 = arith.constant 0.000000e+00 : f32
        %max3A_563 = vector.broadcast %max3A_562 : f32 to vector<16xf32>
        %max3A_564 = arith.maximumf %sub3A_561, %max3A_563 : vector<16xf32>
        %select_n3A_565 = arith.select %lt3A_556, %max3A_564, %broadcast_in_dim3A_1 : vector<16xi1>, vector<16xf32>
        %add3A_566 = arith.addf %while3A_549, %select_n3A_565 : vector<16xf32>
        scf.yield %add3A_566 : vector<16xf32>
      }
      scf.yield %while3A_547 : vector<16xf32>
    }
    %swap3A_100 = arith.constant 0 : index
    %swap3A_101 = tpu.vector_load %arg15[%swap3A_100] {strides = array<i32>} : memref<16xf32, #tpu.memory_space<vmem>>, vector<16xf32>,
    tpu.vector_store %arg15[%swap3A_100], %while3A_99 {strides = array<i32>} : memref<16xf32, #tpu.memory_space<vmem>>, vector<16xf32>,
    "tpu.region"() ({
      %run_scoped3A = tpu.sem_alloc : memref<!tpu.dma_semaphore, #tpu.memory_space<semaphore_mem>>
      %dma_start3A = arith.constant 0 : i32
      %dma_start3A_102 = tpu.memref_slice %arg4[%add3A, %dma_start3A] : memref<32x16xf32, #tpu.memory_space<hbm>> -> memref<1x16xf32, #tpu.memory_space<hbm>>
      %dma_start3A_103 = tpu.memref_squeeze %dma_start3A_102 : memref<1x16xf32, #tpu.memory_space<hbm>> -> memref<16xf32, #tpu.memory_space<hbm>>
      %dma_start3A_104 = arith.constant 0 : i32
      %dma_start3A_105 = tpu.memref_slice %arg4[%add3A, %dma_start3A_104] : memref<32x16xf32, #tpu.memory_space<hbm>> -> memref<1x16xf32, #tpu.memory_space<hbm>>
      %dma_start3A_106 = tpu.memref_squeeze %dma_start3A_105 : memref<1x16xf32, #tpu.memory_space<hbm>> -> memref<16xf32, #tpu.memory_space<hbm>>
      tpu.enqueue_dma source(%arg15 : memref<16xf32, #tpu.memory_space<vmem>>) target(%dma_start3A_106 : memref<16xf32, #tpu.memory_space<hbm>>) target_semaphore(%run_scoped3A : memref<!tpu.dma_semaphore, #tpu.memory_space<semaphore_mem>>)
      %dma_wait3A = arith.constant 0 : i32
      %dma_wait3A_107 = tpu.memref_slice %arg4[%add3A, %dma_wait3A] : memref<32x16xf32, #tpu.memory_space<hbm>> -> memref<1x16xf32, #tpu.memory_space<hbm>>
      %dma_wait3A_108 = tpu.memref_squeeze %dma_wait3A_107 : memref<1x16xf32, #tpu.memory_space<hbm>> -> memref<16xf32, #tpu.memory_space<hbm>>
      %dma_wait3A_109 = arith.constant 0 : i32
      %dma_wait3A_110 = tpu.memref_slice %arg4[%add3A, %dma_wait3A_109] : memref<32x16xf32, #tpu.memory_space<hbm>> -> memref<1x16xf32, #tpu.memory_space<hbm>>
      %dma_wait3A_111 = tpu.memref_squeeze %dma_wait3A_110 : memref<1x16xf32, #tpu.memory_space<hbm>> -> memref<16xf32, #tpu.memory_space<hbm>>
      tpu.wait_dma2 semaphore(%run_scoped3A : memref<!tpu.dma_semaphore, #tpu.memory_space<semaphore_mem>>) src(%arg15 : memref<16xf32, #tpu.memory_space<vmem>>) dst(%dma_wait3A_111 : memref<16xf32, #tpu.memory_space<hbm>>)
      tpu.yield
    }) : () -> ()
    return
  }
}

module attributes {stable_mosaic.version = 14 : i64} {
  func.func @_scores_body(%arg0: memref<8192x128xf32, #tpu.memory_space<vmem>>, %arg1: memref<128x1xf32, #tpu.memory_space<vmem>>, %arg2: memref<8192x1xi32, #tpu.memory_space<vmem>>, %arg3: memref<8192x1xf32, #tpu.memory_space<vmem>>, %arg4: memref<8192x1xf32, #tpu.memory_space<vmem>>, %arg5: memref<1x1xf32, #tpu.memory_space<vmem>>) attributes {dimension_semantics = [], scalar_prefetch = 0 : i64, scratch_operands = 0 : i64, tpu.core_type = #tpu.core_type<tc>} {
    %get3A = arith.constant 0 : index
    %get3A_0 = arith.constant 0 : index
    %get3A_1 = vector.load %arg0[%get3A, %get3A_0] : memref<8192x128xf32, #tpu.memory_space<vmem>>, vector<8192x128xf32>
    %get3A_2 = arith.constant 0 : index
    %get3A_3 = arith.constant 0 : index
    %get3A_4 = vector.load %arg1[%get3A_2, %get3A_3] : memref<128x1xf32, #tpu.memory_space<vmem>>, vector<128x1xf32>
    %dot_general3A = arith.constant dense<0.000000e+00> : vector<8192x1xf32>
    %dot_general3A_5 = tpu.matmul %get3A_1, %get3A_4, %dot_general3A {dimension_numbers = #tpu.dot_dimension_numbers<[1], [0], [0], [1], [0, 0, 1, 1], [], []>, precision = #tpu.contract_precision<fp32>, transpose_lhs_hint = false} : vector<8192x128xf32>, vector<128x1xf32>, vector<8192x1xf32> -> vector<8192x1xf32>
    %get3A_6 = arith.constant 0 : index
    %get3A_7 = arith.constant 0 : index
    %get3A_8 = vector.load %arg2[%get3A_6, %get3A_7] : memref<8192x1xi32, #tpu.memory_space<vmem>>, vector<8192x1xi32>
    %eq3A = arith.constant 1 : i32
    %eq3A_9 = vector.broadcast %eq3A : i32 to vector<8192x1xi32>
    %eq3A_10 = arith.cmpi eq, %get3A_8, %eq3A_9 : vector<8192x1xi32>
    %sub3A = arith.constant 2.000000e-01 : f32
    %sub3A_11 = vector.broadcast %sub3A : f32 to vector<8192x1xf32>
    %sub3A_12 = arith.subf %dot_general3A_5, %sub3A_11 : vector<8192x1xf32>
    %select_n3A = arith.select %eq3A_10, %sub3A_12, %dot_general3A_5 : vector<8192x1xi1>, vector<8192x1xf32>
    %jit3A = arith.constant 0x7F800000 : f32
    %broadcast_in_dim3A = vector.broadcast %jit3A : f32 to vector<8192x1xf32>
    %select_n3A_13 = arith.select %eq3A_10, %select_n3A, %broadcast_in_dim3A : vector<8192x1xi1>, vector<8192x1xf32>
    %swap3A = arith.constant 0 : index
    %swap3A_14 = arith.constant 0 : index
    %swap3A_15 = vector.load %arg3[%swap3A, %swap3A_14] : memref<8192x1xf32, #tpu.memory_space<vmem>>, vector<8192x1xf32>
    tpu.vector_store %arg3[%swap3A, %swap3A_14], %select_n3A_13 {strides = array<i32>} : memref<8192x1xf32, #tpu.memory_space<vmem>>, vector<8192x1xf32>,
    %jit3A_16 = arith.constant 0xFF800000 : f32
    %broadcast_in_dim3A_17 = vector.broadcast %jit3A_16 : f32 to vector<8192x1xf32>
    %select_n3A_18 = arith.select %eq3A_10, %broadcast_in_dim3A_17, %select_n3A : vector<8192x1xi1>, vector<8192x1xf32>
    %swap3A_19 = arith.constant 0 : index
    %swap3A_20 = arith.constant 0 : index
    %swap3A_21 = vector.load %arg4[%swap3A_19, %swap3A_20] : memref<8192x1xf32, #tpu.memory_space<vmem>>, vector<8192x1xf32>
    tpu.vector_store %arg4[%swap3A_19, %swap3A_20], %select_n3A_18 {strides = array<i32>} : memref<8192x1xf32, #tpu.memory_space<vmem>>, vector<8192x1xf32>,
    %convert_element_type3A = arith.extui %eq3A_10 : vector<8192x1xi1> to vector<8192x1xi32>
    %convert_element_type3A_22 = arith.sitofp %convert_element_type3A : vector<8192x1xi32> to vector<8192x1xf32>
    %reduce_sum3A = vector.shape_cast %convert_element_type3A_22 : vector<8192x1xf32> to vector<1x8192x1xf32>
    %reduce_sum3A_23 = arith.constant dense<0.000000e+00> : vector<1xf32>
    %reduce_sum3A_24 = vector.multi_reduction <add>, %reduce_sum3A, %reduce_sum3A_23 [1, 2] : vector<1x8192x1xf32> to vector<1xf32>
    %reduce_sum3A_25 = vector.shape_cast %reduce_sum3A_24 : vector<1xf32> to vector<1x1x1xf32>
    %reduce_sum3A_26 = vector.extract %reduce_sum3A_25[0, 0, 0] : f32 from vector<1x1x1xf32>
    %broadcast_in_dim3A_27 = vector.broadcast %reduce_sum3A_26 : f32 to vector<1x1xf32>
    %swap3A_28 = arith.constant 0 : index
    %swap3A_29 = arith.constant 0 : index
    %swap3A_30 = vector.load %arg5[%swap3A_28, %swap3A_29] : memref<1x1xf32, #tpu.memory_space<vmem>>, vector<1x1xf32>
    tpu.vector_store %arg5[%swap3A_28, %swap3A_29], %broadcast_in_dim3A_27 {strides = array<i32>} : memref<1x1xf32, #tpu.memory_space<vmem>>, vector<1x1xf32>,
    return
  }
}

</mosaic_0001>

<sc_bundles>
// kernel: kernel.4.cloned.1.call-start
scs
__scs_entry_jumppad:
0x0: {  	(pc) =	sbr.rel $0x88, $3  }
0x1: {  	(tag) =	ssettag $0x0;
	lr =	simm.s32 $0x1  }
0x2: {  	[smem:$0x3F9E] =	sst lr;
	_ =	strace $0xD0000000  }
0x3: {  	_ = 	snop  }
0x4: {  	_ = 	snop  }
0x5: {  	_ = 	snop  }
0x6: {  	_ = 	snop  }
0x7: {  	_ = 	snop  }
__scs_overlays_trampoline_lowered:
0x8: {  	[smem:$0x3FAD] =	sst s0  }
0x9: {  	[smem:$0x3FAE] =	sst s1  }
0xa: {  	[smem:$0x3FAF] =	sst s2  }
0xb: {  	[smem:$0x3FB0] =	sst s3  }
0xc: {  	[smem:$0x3FB1] =	sst s4  }
0xd: {  	[smem:$0x3FB2] =	sst s5  }
0xe: {  	[smem:$0x3FB3] =	sst s6  }
0xf: {  	[smem:$0x3FB4] =	sst s7  }
0x10: {  	[smem:$0x3FB5] =	sst s8  }
0x11: {  	[smem:$0x3FB6] =	sst s9;
	s0 =	simm.s32 @!p0 $0x0  }
0x12: {  	s1 =	sld [smem:$0x3F9C];
	s0 =	simm.s32 @p0 $0x1  }
0x13: {  	[smem:$0x3FB7] =	sst s0;
	s0 =	simm.s32 @!p1 $0x0  }
0x14: {  	s2 =	sld [smem:$0x3F9B];
	s0 =	simm.s32 @p1 $0x1  }
0x15: {  	[smem:$0x3FB8] =	sst s0;
	s0 =	simm.s32 @!p2 $0x0  }
0x16: {  	s3 =	sld [smem:$0x3FDB];
	s0 =	simm.s32 @p2 $0x1  }
0x17: {  	s4 =	simm.s32 $0x1BF5;
	[smem:$0x3FBA] =	sst s0  }
0x18: {  	s0 =	sld [smem:$0x3F9D];
	_ =	swait.ge [sflag:s4], $0x0  }
0x19: {  	s7 =	sld [smem:$0x3F9E]  }
0x1a: {  	s8 =	sadd.s32 $0xFFFFE003, lr  }
0x1b: {  	s9 =	sadd.s32 $0xFFFFFEF7, lr;
	s5 =	simm.s32 $0xFFFFFFFF;
	p2 =	slt.u32 s8, $0xFFFFF086  }
0x1c: {  	p1 =	slt.u32 s9, $0xF7A;
	s5 =	simm.s32 @!p2 $0x0  }
0x1d: {  	s5 =	simm.s32 @p1 $0x1;
	p0 =	seq.s32 s7, s2  }
0x1e: {  	s7 =	smul.u32 @!p0 $0xF7A, s2;
	p2 =	seq.s32 @!p0 s5, $0x0  }
0x1f: {  	s9 =	smul.u32 $0xF7A, s1;
	s8 =	simm.s32 @!p0 $0x1BF5;
	p2 =	por !p2, p0  }
0x20: {  	[sflag:s8] =	ssyncset.s32 @!p0 $0xFFFFF086;
	s6 =	sadd.s32 @!p0 s3, s7;
	s7 =	simm.s32 @!p0 $0x108  }
0x21: {  	s3 =	sadd.s32 s3, s9;
	s6 =	sadd.s32 @!p0 $0x88, s6;
	s7 =	simm.s32 @p2 $0x1082  }
0x22: {  	[simem:s7], [sflag:s8] =	dma.local @!p0 [hbm:s6], $0xF7A  }
0x23: {  	s9 =	sor.u32 $0xD0000000, s2;
	s6 =	simm.s32 $0x108;
	_ =	swait.ge @!p0 [sflag:s8], $0x0  }
0x24: {  	s3 =	sadd.s32 $0x88, s3;
	s6 =	simm.s32 @!p1 $0x1082;
	[sflag:s4] =	ssyncset.s32 $0xFFFFF086  }
0x25: {  	[simem:s6], [sflag:s4] =	dma.local [hbm:s3], $0xF7A  }
0x26: {  	[smem:$0x3F9E] =	sst s1;
	(tag) =	ssettag s2;
	_ =	strace s9  }
0x27: {  	s1 =	sld [smem:$0x3FAE]  }
0x28: {  	s2 =	sld [smem:$0x3FAF]  }
0x29: {  	s4 =	sld [smem:$0x3FB1]  }
0x2a: {  	p0 =	seq.s32 s5, $0x0;
	s5 =	sld [smem:$0x3FB2]  }
0x2b: {  	s6 =	sld [smem:$0x3FB3]  }
0x2c: {  	s7 =	sld [smem:$0x3FB4]  }
0x2d: {  	s3 =	simm.s32 $0x108;
	s8 =	sld [smem:$0x3FB5]  }
0x2e: {  	s3 =	simm.s32 @!p0 $0x1082;
	s9 =	sld [smem:$0x3FB6]  }
0x2f: {  	lr =	sadd.s32 s0, s3;
	s0 =	sld [smem:$0x3FAD]  }
0x30: {  	s3 =	sld [smem:$0x3FB0]  }
0x31: {  	[smem:$0x3FB9] =	sst s10  }
0x32: {  	s10 =	sld [smem:$0x3FB7];
	_ =	sdelay $0x3  }
0x33: {  	p0 =	seq.s32 s10, $0x1;
	s10 =	sld [smem:$0x3FB9];
	_ =	sdelay $0x3  }
0x34: {  	[smem:$0x3FB9] =	sst s10  }
0x35: {  	s10 =	sld [smem:$0x3FB8];
	_ =	sdelay $0x3  }
0x36: {  	p1 =	seq.s32 s10, $0x1;
	s10 =	sld [smem:$0x3FB9];
	_ =	sdelay $0x3  }
0x37: {  	[smem:$0x3FB9] =	sst s10  }
0x38: {  	s10 =	sld [smem:$0x3FBA]  }
0x39: {  	_ = 	snop;
	(pc) =	sbr.ind lr, $3  }
0x3a: {  	_ = 	snop  }
0x3b: {  	_ = 	snop  }
0x3c: {  	p2 =	seq.s32 s10, $0x1;
	s10 =	sld [smem:$0x3FB9]  }
0x3d: {  	_ =	shalt  }
0x3e: {  	_ =	shalt  }
0x3f: {  	_ =	shalt  }
0x40: {  	_ =	shalt  }
0x41: {  	_ =	shalt  }
0x42: {  	_ =	shalt  }
0x43: {  	_ =	shalt  }
0x44: {  	_ =	shalt  }
0x45: {  	_ =	shalt  }
0x46: {  	_ =	shalt  }
0x47: {  	_ =	shalt  }
0x48: {  	_ =	shalt  }
0x49: {  	_ =	shalt  }
0x4a: {  	_ =	shalt  }
0x4b: {  	_ =	shalt  }
0x4c: {  	_ =	shalt  }
0x4d: {  	_ =	shalt  }
0x4e: {  	_ =	shalt  }
0x4f: {  	_ =	shalt  }
0x50: {  	_ =	shalt  }
0x51: {  	_ =	shalt  }
0x52: {  	_ =	shalt  }
0x53: {  	_ =	shalt  }
0x54: {  	_ =	shalt  }
0x55: {  	_ =	shalt  }
0x56: {  	_ =	shalt  }
0x57: {  	_ =	shalt  }
0x58: {  	_ =	shalt  }
0x59: {  	_ =	shalt  }
0x5a: {  	_ =	shalt  }
0x5b: {  	_ =	shalt  }
0x5c: {  	_ =	shalt  }
0x5d: {  	_ =	shalt  }
0x5e: {  	_ =	shalt  }
0x5f: {  	_ =	shalt  }
0x60: {  	_ =	shalt  }
0x61: {  	_ =	shalt  }
0x62: {  	_ =	shalt  }
0x63: {  	_ =	shalt  }
0x64: {  	_ =	shalt  }
0x65: {  	_ =	shalt  }
0x66: {  	_ =	shalt  }
0x67: {  	_ =	shalt  }
0x68: {  	_ =	shalt  }
0x69: {  	_ =	shalt  }
0x6a: {  	_ =	shalt  }
0x6b: {  	_ =	shalt  }
0x6c: {  	_ =	shalt  }
0x6d: {  	_ =	shalt  }
0x6e: {  	_ =	shalt  }
0x6f: {  	_ =	shalt  }
0x70: {  	_ =	shalt  }
0x71: {  	_ =	shalt  }
0x72: {  	_ =	shalt  }
0x73: {  	_ =	shalt  }
0x74: {  	_ =	shalt  }
0x75: {  	_ =	shalt  }
0x76: {  	_ =	shalt  }
0x77: {  	_ =	shalt  }
0x78: {  	_ =	shalt  }
0x79: {  	_ =	shalt  }
0x7a: {  	_ =	shalt  }
0x7b: {  	_ =	shalt  }
0x7c: {  	_ =	shalt  }
0x7d: {  	_ =	shalt  }
0x7e: {  	_ =	shalt  }
0x7f: {  	_ =	shalt  }
0x80: {  	_ =	shalt  }
0x81: {  	_ =	shalt  }
0x82: {  	_ =	shalt  }
0x83: {  	_ =	shalt  }
0x84: {  	_ =	shalt  }
0x85: {  	_ =	shalt  }
0x86: {  	_ =	shalt  }
0x87: {  	_ =	shalt  }
.Lfunc_end0:
.L_simem_size_0:
called_computation_lowered:
.L_overlay_start_0:
0x88: {  	s2 =	sld [smem:$0x3FD9]  }
0x89: {  	s3 =	sld [smem:$0x3FFE];
	_ =	sdelay $0x1  }
0x8a: {  	s1 =	srdreg.scid  }
0x8b: {  	s0 =	sand.u32 $0x1, s1  }
0x8c: {  	s16 =	sshll.u32 s0, $0xA;
	s2 =	sadd.s32 s3, s2  }
0x8d: {  	s2 =	sadd.s32 s2, s16  }
0x8e: {  	[smem:$0x3FC5] =	sst s2  }
0x8f: {  	_ = 	snop  }
0x90: {  	(tm) =	ssettm $0x1  }
0x91: {  	s17 =	sld [smem:$0x3FFB];
	_ =	sdelay $0x3  }
0x92: {  	_ =	strace s17  }
0x93: {  	s2 =	sld [smem:$0x3FFC];
	_ =	sdelay $0x3  }
0x94: {  	_ =	strace s2  }
0x95: {  	s2 =	sld [smem:$0x3FFD];
	_ =	sdelay $0x3  }
0x96: {  	_ =	strace s2  }
0x97: {  	_ =	strace $0x8FFFFFFF  }
0x98: {  	s18 =	sld [smem:$0x3FDB];
	_ =	sdelay $0x1  }
0x99: {  	s19 =	simm.s32 $_scs_section_size  }
0x9a: {  	s4 =	simm.s32 $_size__tile_overlayer_lowered;
	s5 =	simm.s32 $_tile_overlayer_lowered  }
0x9b: {  	s22 =	simm.s32 $0x1BFF;
	s21 =	sshll.u32 s5, $0x1;
	s2 =	sadd.s32 s19, s18  }
0x9c: {  	s6 =	simm.s32 $0x0;
	s20 =	sshll.u32 s4, $0x1;
	s4 =	sadd.s32 s21, s2  }
0x9d: {  	[timem:s6], [sflag:s22] =	dma.local [hbm:s4], s20  }
0x9e: {  	_ =	swait.ge [sflag:s22], s20  }
0x9f: {  	s3 =	ssub.s32 $0x0, s20;
	[sflag:s22] =	ssyncset.done $0x0  }
0xa0: {  	[sflag:s22] =	ssyncadd.s32 s3;
	_ =	sdelay $0x1  }
0xa1: {  	s23 =	simm.s32 $0x1B8B  }
0xa2: {  	_ =	swait.ge [sflag:s23], $0x1  }
0xa3: {  	[sflag:s23] =	ssyncset.done $0x0  }
0xa4: {  	s25 =	simm.s32 $0x1B8E;
	s24 =	sld [smem:$0x3FFE];
	[sflag:s23] =	ssyncadd.s32 $0xFFFFFFFF  }
0xa5: {  	s26 =	simm.s32 $execute0_lowered;
	[smem:$0x3FD2] =	sst s25  }
0xa6: {  	s4 =	sshll.u32 s26, $0x1;
	_ =	strace $0x80000046;
	[dreg:$0x1] =	wrdreg $0xFFFFFFFF  }
0xa7: {  	s28 =	simm.s32 $_size_execute0_lowered;
	s2 =	sadd.s32 s2, s4;
	[dreg:$0x0] =	wrdreg $0x0  }
0xa8: {  	s4 =	sshll.u32 s28, $0x1;
	[dreg:$0x2] =	wrdreg s2  }
0xa9: {  	[dreg:$0x3] =	wrdreg s4  }
0xaa: {  	[dreg:$0x4] =	wrdreg $0xC0  }
0xab: {  	_ =	task [dreg:s6], $0x5FFFF  }
0xac: {  	[dreg:$0x1] =	wrdreg $0xFFFFFFFF  }
0xad: {  	[dreg:$0x0] =	wrdreg $0x60  }
0xae: {  	[dreg:$0x2] =	wrdreg s24  }
0xaf: {  	[dreg:$0x3] =	wrdreg $0x9  }
0xb0: {  	_ =	task.clear_ibuf [dreg:s6], $0x4FFFF;
	_ =	strace $0x90000046  }
0xb1: {  	s29 =	simm.s32 $0x9;
	_ =	strace $0x80000048  }
0xb2: {  	_ =	swait.ge [sflag:s29], $0x1  }
0xb3: {  	[sflag:s29] =	ssyncadd.s32 $0xFFFFFFFF  }
0xb4: {  	_ =	strace $0x90000048  }
0xb5: {  	_ =	sfence  }
0xb6: {  	s30 =	sld [smem:$0x0];
	_ =	sdelay $0x2  }
0xb7: {  	s31 =	sshll.u32 s1, $0xD;
	s1 =	sshrl.u32 s1, $0x2  }
0xb8: {  	s3 =	sand.u32 $0x4000, s31;
	s1 =	sadd.s32 s1, s30  }
0xb9: {  	s0 =	sor.u32 s3, s0;
	s1 =	sshll.u32 s1, $0x11  }
0xba: {  	s0 =	sor.u32 s1, s0  }
0xbb: {  	s0 =	sadd.s32 $0x8F2B, s0  }
0xbc: {  	[sflag:s0] =	ssyncadd.remote.s32 $0x1  }
0xbd: {  	_ =	sfence.sel $0xFFFF  }
0xbe: {  	[dreg:$0x0] =	wrdreg $0xFFFFFFFF;
	(pc) =	sbr.abs _section_cstart, $3  }
0xbf: {  	[dreg:$0x1] =	wrdreg $0xFFFFFFFF  }
0xc0: {  	_ =	task.clear_ibuf [dreg:s6], $0x2FFFF;
	_ =	strace $0x9FFFFFFF  }
0xc1: {  	(tm) =	ssettm $0x7FFFFFFF  }
tec
execute0_lowered:
.L_overlay_start_1:
0x0: {  	(tag) =	ssettag $0x1  }
0x1: {  	s2 =	rddreg [dreg:$0x0]  }
0x2: {  	s0 =	rddreg [dreg:$0x1]  }
0x3: {  	s4 =	srdreg.scid;
	s1 =	stileid.u32;
	s3 =	simm.s32 $0x0  }
0x4: {  	s9 =	simm.s32 $0x1;
	s10 =	simm.s32 $0x2000;
	s11 =	simm.s32 $0x4000  }
0x5: {  	s12 =	simm.s32 $0x6000;
	s13 =	simm.s32 $0xA000;
	s14 =	simm.s32 $0xC000  }
0x6: {  	s15 =	simm.s32 $0x10000;
	s16 =	simm.s32 $0x10280;
	s17 =	simm.s32 $0xE000  }
0x7: {  	s18 =	simm.s32 $0x8000;
	s19 =	simm.s32 $0x10500;
	s20 =	simm.s32 $0x0  }
.Ltmp0:
0x8: {  	s5 =	sand.u32 $0x1, s4;
	s31 =	sshll.u32 s1, $0x1;
	(pc) =	sbr.rel .LBB2_1-.Ltmp0, $4  }
0x9: {  	[smem:$0x7FF] =	sst s3;
	s4 =	sor.u32 s5, s31;
	s6 =	ssub.s32 $0x2, s5  }
0xa: {  	_ =	strace $0x80000047;
	s7 =	sshll.u32 s4, $0x4;
	s8 =	sshrl.u32 s6, $0x1  }
0xb: {  	v0 =	vimm.f32 $0.0e+00;
	v1 =	vlaneseq.u32;
	s5 =	sadd.s32 $0x400, s2;
	s7 =	sadd.s32 s7, s2;
	s8 =	ssub.s32 s6, s8  }
0xc: {  	v2 =	vimm.s32 $0x0;
	v4 =	vimm.f32 $1.000000000e+00;
	v3 =	vmul.u32 $0x200, v1;
	s6 =	sadd.s32 $0x1, s4;
	s7 =	sadd.s32 $0x800, s7;
	s8 =	smax.u32 s8, $0x1  }
.LBB2_18:
0xd: {  	v10 =	vimm.f32 $0.0e+00  }
.LBB2_181:
0xe: {  	s20 =	sadd.s32 $0x1, s20  }
0xf: {  	p0 =	sne.s32 s20, s8  }
.Ltmp1:
0x10: {  	[tilespmem:$0x10500] =	vst v10;
	(pc) =	sbr.rel @!p0 .LBB2_182-.Ltmp1, $4  }
0x11: {  	[hbm4b:s7+s3] =	stream.linear.scatter [tilespmem:s19], [sflag:$0x1], $0x80, $0x38;
	[tilespmem:$0x10580] =	vst v63  }
0x12: {  	_ =	swait.ge [sflag:s9], $0x80  }
0x13: {  	[sflag:s9] =	ssyncset.done $0x0  }
0x14: {  	[sflag:s9] =	ssyncadd.s32 $0xFFFFFF80  }
.LBB2_1:
0x15: {  	[tilespmem:s3], [sflag:$0x1] =	stream.linear.gather [hbm4b:s2+s3], $0x2000, $0x38;
	[tilespmem:$0x10580] =	vst v63  }
0x16: {  	_ =	swait.ge [sflag:s9], $0x2000  }
0x17: {  	[sflag:s9] =	ssyncset.done $0x0  }
0x18: {  	[sflag:s9] =	ssyncadd.s32 $0xFFFFE000  }
0x19: {  	[tilespmem:s10], [sflag:$0x1] =	stream.linear.gather [hbm4b:s5+s3], $0x2000, $0x38;
	[tilespmem:$0x10580] =	vst v63  }
0x1a: {  	_ =	swait.ge [sflag:s9], $0x2000  }
0x1b: {  	[sflag:s9] =	ssyncset.done $0x0  }
0x1c: {  	s21 =	simm.s32 $0x0;
	[sflag:s9] =	ssyncadd.s32 $0xFFFFE000  }
.LBB2_2:
0x1d: {  	p0 =	sne.s32 s21, $0x7FC0  }
.Ltmp2:
0x1e: {  	_ = 	snop;
	(pc) =	sbr.rel @p0 .LBB2_2-.Ltmp2, $4  }
0x1f: {  	_ = 	snop  }
0x20: {  	s22 =	sshra.s32 s21, $0x2  }
0x21: {  	[tilespmem:s22+$0xA000] =	vst v0  }
0x22: {  	s21 =	sadd.s32 $0x40, s21;
	[tilespmem:s22+$0xC000] =	vst v0  }
0x23: {  	s21 =	simm.s32 $0x0  }
0x24: {  	v7 =	vld [tilespmem:s21+$0x0]  }
0x25: {  	v8 =	vld [tilespmem:s21+$0x2000];
	_ =	sdelay $0x2  }
0x26: {  	v6 =	vimm.f32 $+Inf;
	v5 =	vimm.f32 $-Inf;
	s21 =	simm.s32 $0x0  }
0x27: {  	v10 =	vmov s21;
	vm0 =	vlt.f32 v7, $+Inf;
	vm1 =	vgt.f32 v7, $+Inf  }
0x28: {  	vm2 =	vgt.f32 v8, $-Inf;
	vm1 =	vmor vm1, vm0;
	vm0 =	vlt.f32 v8, $-Inf  }
0x29: {  	s24 =	simm.s32 $0x80;
	s23 =	simm.s32 $0x10;
	s22 =	simm.s32 $0x0;
	vm0 =	vmor vm2, vm0;
	v11 =	vsel vm1, $0x1, v2;
	v9 =	vmpcnt.ones.xlane vm1  }
.LBB2_4:
0x2a: {  	p0 =	sne.s32 s24, $0x7FC0;
	v12 =	vsel vm0, $0x1, v2;
	v10 =	vadd.s32 $0xFFFFFFFF, v10;
	v13 =	vmpcnt.ones.xlane vm0;
	(xrf0) =	vadd.scan.msk.s32 $0xffff, v11;
	s25 =	smov.u32 s24;
	s24 =	sadd.s32 $0x40, s24  }
0x2b: {  	(xrf0) =	vadd.scan.msk.s32 $0xffff, v12;
	(v2sf) =	vpush v9, $0x0  }
0x2c: {  	v9 =	vmov s21;
	(v2sf) =	vpush v13, $0x0  }
0x2d: {  	v9 =	vadd.s32 $0xFFFFFFFF, v9  }
0x2e: {  	v9 =	vbroadcast v9, $0x0  }
0x2f: {  	v10 =	vbroadcast v10, $0x0  }
0x30: {  	v11, _, _ =	vpop (xrf0)  }
0x31: {  	v9 =	vadd.s32 v9, v11;
	v11, _, _ =	vpop (xrf0)  }
0x32: {  	v10 =	vadd.s32 v10, v11;
	_ =	sdelay $0x3  }
0x33: {  	[tilespmem:v9+s11+$0x0] =	vst.idx.msk vm1, v7  }
0x34: {  	[tilespmem:v10+s12+$0x0] =	vst.idx.msk vm0, v8  }
0x35: {  	v7 =	vld [tilespmem:s23+$0x0]  }
0x36: {  	v10 =	vmax.f32 v5, v8;
	v9 =	vld [tilespmem:s23+$0x2000]  }
0x37: {  	v8 =	vmin.f32 v6, v8;
	v5 =	vsel vm0, v10, v5;
	s23 =	spop (v2sf)  }
.Ltmp3:
0x38: {  	v6 =	vsel vm0, v8, v6;
	s21 =	sadd.s32 s21, s23;
	s26 =	spop (v2sf);
	(pc) =	sbr.rel @p0 .LBB2_4-.Ltmp3, $4  }
0x39: {  	s23 =	sshra.s32 s25, $0x2;
	s22 =	sadd.s32 s22, s26  }
0x3a: {  	vm0 =	vlt.f32 v7, $+Inf;
	vm1 =	vgt.f32 v7, $+Inf;
	v10 =	vmov s22  }
0x3b: {  	vm1 =	vmor vm1, vm0;
	vm0 =	vlt.f32 v9, $-Inf;
	vm2 =	vgt.f32 v9, $-Inf;
	v8 =	vmovc v9  }
0x3c: {  	vm0 =	vmor vm2, vm0;
	v11 =	vsel vm1, $0x1, v2;
	v9 =	vmpcnt.ones.xlane vm1  }
0x3d: {  	v12 =	vsel vm0, $0x1, v2;
	(xrf0) =	vadd.scan.msk.s32 $0xffff, v11  }
0x3e: {  	(xrf0) =	vadd.scan.msk.s32 $0xffff, v12;
	_ =	sdelay $0x1  }
0x3f: {  	v54 =	vmov s21  }
0x40: {  	v11 =	vadd.s32 $0xFFFFFFFF, v54  }
0x41: {  	v10 =	vadd.s32 $0xFFFFFFFF, v10;
	v11 =	vbroadcast v11, $0x0  }
0x42: {  	v10 =	vbroadcast v10, $0x0;
	v55, _, _ =	vpop (xrf0)  }
0x43: {  	v11 =	vadd.s32 v11, v55;
	v56, _, _ =	vpop (xrf0)  }
0x44: {  	v10 =	vadd.s32 v10, v56;
	_ =	sdelay $0x3  }
0x45: {  	[tilespmem:v11+s11+$0x0] =	vst.idx.msk vm1, v7  }
0x46: {  	[tilespmem:v10+s12+$0x0] =	vst.idx.msk vm0, v8  }
0x47: {  	v7 =	vld [tilespmem:s23+$0x0]  }
0x48: {  	v10 =	vld [tilespmem:s23+$0x2000];
	_ =	sdelay $0x2  }
0x49: {  	v57 =	vmin.f32 v6, v8  }
0x4a: {  	v6 =	vsel vm0, v57, v6;
	vm13 =	vlt.f32 v7, $+Inf;
	vm2 =	vgt.f32 v7, $+Inf  }
0x4b: {  	vm3 =	vlt.f32 v10, $-Inf;
	vm4 =	vgt.f32 v10, $-Inf;
	vm2 =	vmor vm2, vm13  }
0x4c: {  	v8 =	vmax.f32 v5, v8;
	vm14 =	vmor vm4, vm3;
	v58 =	vsel vm2, $0x1, v2  }
0x4d: {  	v5 =	vsel vm0, v8, v5;
	v59 =	vmin.f32 v6, v10;
	v8 =	vsel vm14, $0x1, v2;
	(xrf0) =	vadd.scan.msk.s32 $0xffff, v58  }
0x4e: {  	v6 =	vsel vm14, v59, v6;
	(xrf0) =	vadd.scan.msk.s32 $0xffff, v8;
	v8 =	vmax.f32 v5, v10  }
0x4f: {  	v5 =	vsel vm14, v8, v5;
	(xrf0) =	vmin.scan.msk.f32 $0xffff, v6  }
0x50: {  	(xrf0) =	vmax.scan.msk.f32 $0xffff, v5;
	v5 =	vmpcnt.ones.xlane vm0  }
0x51: {  	(v2sf) =	vpush v9, $0x0  }
0x52: {  	(v2sf) =	vpush v5, $0x0;
	v5 =	vmpcnt.ones.xlane vm14  }
0x53: {  	v6 =	vmpcnt.ones.xlane vm2  }
0x54: {  	v8, _, _ =	vpop (xrf0)  }
0x55: {  	(v2sf) =	vpush v6, $0x0;
	v60, _, _ =	vpop (xrf0)  }
0x56: {  	(v2sf) =	vpush v5, $0x0;
	v5, _, _ =	vpop (xrf0)  }
0x57: {  	(v2sf) =	vpush v5, $0xF;
	v6, _, _ =	vpop (xrf0)  }
0x58: {  	(v2sf) =	vpush v6, $0xF;
	_ =	sdelay $0x9  }
0x59: {  	s30 =	spop (v2sf)  }
0x5a: {  	s24 =	spop (v2sf)  }
0x5b: {  	s25 =	spop (v2sf)  }
0x5c: {  	s26 =	spop (v2sf)  }
0x5d: {  	s28 =	spop (v2sf)  }
0x5e: {  	s29 =	spop (v2sf)  }
0x5f: {  	s28 =	ssub.f32 s29, s28;
	_ =	sdelay $0x1  }
0x60: {  	v6 =	vmov s28  }
0x61: {  	(erf) = vrcp.f32 v6  }
0x62: {  	s23 =	sadd.s32 s21, s30  }
0x63: {  	v61 =	vmov s23;
	s31 =	sadd.s32 s22, s24  }
0x64: {  	v11 =	vadd.s32 $0xFFFFFFFF, v61;
	v62 =	vmov s31  }
0x65: {  	v11 =	vbroadcast v11, $0x0;
	v12 =	vadd.s32 $0xFFFFFFFF, v62;
	s24 =	sadd.s32 s31, s26  }
0x66: {  	v12 =	vbroadcast v12, $0x0;
	s21 =	sadd.s32 $0xF, s24  }
0x67: {  	v8 =	vadd.s32 v11, v8;
	s21 =	sshra.s32 s21, $0x4  }
0x68: {  	v9 =	vadd.s32 v12, v60;
	p0 =	slt.s32 s21, $0x1  }
.Ltmp4:
0x69: {  	_ = 	snop;
	(pc) =	sbr.rel @p0 .LBB2_12-.Ltmp4, $4  }
0x6a: {  	v63 =	vpop (erf)  }
0x6b: {  	v11 =	vmul.f32 $5.120000000e+02, v63  }
0x6c: {  	[tilespmem:v8+s11+$0x0] =	vst.idx.msk vm2, v7;
	vm15 =	vgt.f32 v6, $0.0e+00  }
0x6d: {  	v5 =	vbroadcast v5, $0xF;
	s22 =	sadd.s32 s23, s25;
	v7 =	vmov s24;
	[tilespmem:v9+s12+$0x0] =	vst.idx.msk vm14, v10;
	v6 =	vnsel vm15, $0x0, v11  }
0x6e: {  	p2 =	sne.s32 s21, $0x1  }
.Ltmp5:
0x6f: {  	_ = 	snop;
	(pc) =	sbr.rel @!p2 .LBB2_7-.Ltmp5, $3  }
0x70: {  	_ =	sdelay $0x1  }
0x71: {  	s24 =	simm.s32 $0x6000  }
0x72: {  	s23 =	simm.s32 $0x0;
	p1 =	por $0x0, $0x0;
	v8 =	vld [tilespmem:s24+$0x0];
	s24 =	sadd.s32 $0xFFFFFFFF, s21  }
0x73: {  	_ =	sdelay $0x3  }
0x74: {  	v9 =	vsub.f32 v8, v5;
	_ =	sdelay $0x1  }
0x75: {  	v9 =	vmul.f32 v9, v6;
	_ =	sdelay $0x1  }
0x76: {  	v9 =	vtrunc.f32 v9  }
0x77: {  	v9 =	vcvt.f32.s32 v9;
	_ =	sdelay $0x1  }
0x78: {  	vm0 =	vgt.s32 v9, $0x0  }
0x79: {  	v10 =	vor.u32 s23, v1;
	v9 =	vnsel vm0, $0x0, v9  }
0x7a: {  	vm15 =	vlt.s32 v10, v7;
	v9 =	vmin.u32 v9, $0x1FF  }
0x7b: {  	v9 =	vor.u32 v3, v9;
	_ =	sdelay $0x2  }
0x7c: {  	p2 =	sne.s32 s24, $0x1  }
.Ltmp6:
0x7d: {  	_ = 	snop;
	(pc) =	sbr.rel @!p2 .LBB2_9-.Ltmp6, $4  }
0x7e: {  	v8 =	vnsel vm15, $0x0, v8;
	[tilespmem:v9+s13+$0x0] =	vst.idx.add.f32.msk vm15, v4  }
0x7f: {  	s25 =	simm.s32 $0x6010;
	[tilespmem:v9+s14+$0x0] =	vst.idx.add.f32.msk vm15, v8  }
0x80: {  	v8 =	vld [tilespmem:s25+$0x0]  }
0x81: {  	s26 =	sadd.s32 $0xFFFFFFFF, s24;
	p1 =	por $0x1, $0x1;
	s24 =	simm.s32 $0x0  }
.LBB2_10:
0x82: {  	p2 =	sne.s32 s26, $0x1;
	s24 =	sadd.s32 $0x10, s24  }
0x83: {  	v9 =	vor.u32 s24, v1  }
0x84: {  	vm0 =	vlt.s32 v9, v7  }
0x85: {  	v9 =	vsub.f32 v8, v5;
	v8 =	vnsel vm0, $0x0, v8;
	_ =	sdelay $0x1  }
0x86: {  	v9 =	vmul.f32 v9, v6;
	_ =	sdelay $0x1  }
0x87: {  	v9 =	vtrunc.f32 v9  }
0x88: {  	v9 =	vcvt.f32.s32 v9;
	_ =	sdelay $0x1  }
0x89: {  	vm1 =	vgt.s32 v9, $0x0  }
0x8a: {  	v9 =	vnsel vm1, $0x0, v9  }
0x8b: {  	v9 =	vmin.u32 v9, $0x1FF  }
0x8c: {  	v9 =	vor.u32 v3, v9;
	_ =	sdelay $0x3  }
.Ltmp7:
0x8d: {  	(pc) =	sbr.rel @p2 .LBB2_10-.Ltmp7, $4  }
0x8e: {  	[tilespmem:v9+s13+$0x0] =	vst.idx.add.f32.msk vm0, v4  }
0x8f: {  	s25 =	sadd.s32 $0x10, s25;
	[tilespmem:v9+s14+$0x0] =	vst.idx.add.f32.msk vm0, v8  }
0x90: {  	v8 =	vld [tilespmem:s25+$0x0]  }
0x91: {  	s26 =	sadd.s32 $0xFFFFFFFF, s26  }
.LBB2_11:
0x92: {  	_ =	sdelay $0x2  }
0x93: {  	v9 =	vsub.f32 v8, v5;
	_ =	sdelay $0x1  }
0x94: {  	v9 =	vmul.f32 v9, v6;
	_ =	sdelay $0x1  }
0x95: {  	v9 =	vtrunc.f32 v9  }
0x96: {  	v9 =	vcvt.f32.s32 v9  }
0x97: {  	s24 =	sadd.s32 @p1 $0x10, s24  }
0x98: {  	s23 =	smov.u32 @p1 s24;
	vm0 =	vgt.s32 v9, $0x0  }
0x99: {  	v10 =	vor.u32 s23, v1;
	v9 =	vnsel vm0, $0x0, v9  }
0x9a: {  	vm15 =	vlt.s32 v10, v7;
	v9 =	vmin.u32 v9, $0x1FF  }
0x9b: {  	v9 =	vor.u32 v3, v9;
	_ =	sdelay $0x4  }
0x9c: {  	v8 =	vnsel vm15, $0x0, v8;
	[tilespmem:v9+s13+$0x0] =	vst.idx.add.f32.msk vm15, v4  }
0x9d: {  	[tilespmem:v9+s14+$0x0] =	vst.idx.add.f32.msk vm15, v8  }
.LBB2_12:
0x9e: {  	[tilespmem:$0x10000] =	vst v0  }
0x9f: {  	[tilespmem:$0x10280] =	vst v0;
	s26 =	simm.s32 $0xB000  }
0xa0: {  	v8 =	vld [tilespmem:s26+$0xFFFFF000];
	_ =	sdelay $0x1  }
0xa1: {  	v9 =	vld [tilespmem:s26+$0xFFFFF200];
	_ =	sdelay $0x1  }
0xa2: {  	v10 =	vld [tilespmem:s26+$0xFFFFF400]  }
0xa3: {  	v22 =	vadd.f32 $0.0e+00, v8  }
0xa4: {  	v8 =	vld [tilespmem:s26+$0xFFFFF600]  }
0xa5: {  	v21 =	vadd.f32 v9, v22  }
0xa6: {  	v11 =	vld [tilespmem:s26+$0xFFFFF800]  }
0xa7: {  	v10 =	vadd.f32 v10, v21  }
0xa8: {  	v13 =	vld [tilespmem:s26+$0xFFFFFA00]  }
0xa9: {  	v9 =	vadd.f32 v8, v10  }
0xaa: {  	v14 =	vld [tilespmem:s26+$0xFFFFFC00]  }
0xab: {  	v12 =	vadd.f32 v11, v9  }
0xac: {  	v11 =	vld [tilespmem:s26+$0xFFFFFE00]  }
0xad: {  	v8 =	vadd.f32 v13, v12  }
0xae: {  	v13 =	vld [tilespmem:s26+$0x0]  }
0xaf: {  	v27 =	vadd.f32 v14, v8  }
0xb0: {  	s25 =	simm.s32 $0xD000;
	v14 =	vld [tilespmem:s26+$0x200]  }
0xb1: {  	v17 =	vld [tilespmem:s25+$0xFFFFF000];
	v23 =	vadd.f32 v11, v27  }
0xb2: {  	v16 =	vld [tilespmem:s26+$0x400]  }
0xb3: {  	v19 =	vld [tilespmem:s25+$0xFFFFF200];
	v11 =	vadd.f32 v13, v23  }
0xb4: {  	v18 =	vld [tilespmem:s26+$0x600]  }
0xb5: {  	v20 =	vld [tilespmem:s25+$0xFFFFF400];
	v15 =	vadd.f32 v14, v11  }
0xb6: {  	v17 =	vadd.f32 $0.0e+00, v17;
	v14 =	vld [tilespmem:s26+$0x800]  }
0xb7: {  	v24 =	vld [tilespmem:s25+$0xFFFFF600];
	v13 =	vadd.f32 v16, v15  }
0xb8: {  	v25 =	vld [tilespmem:s26+$0xA00];
	v16 =	vadd.f32 v19, v17  }
0xb9: {  	v26 =	vld [tilespmem:s25+$0xFFFFF800];
	v17 =	vadd.f32 v18, v13  }
0xba: {  	v19 =	vld [tilespmem:s26+$0xC00];
	v18 =	vadd.f32 v20, v16  }
0xbb: {  	v28 =	vld [tilespmem:s25+$0xFFFFFA00];
	v16 =	vadd.f32 v14, v17  }
0xbc: {  	v14 =	vld [tilespmem:s26+$0xE00];
	v20 =	vadd.f32 v24, v18  }
0xbd: {  	v24 =	vld [tilespmem:s25+$0xFFFFFC00];
	v18 =	vadd.f32 v25, v16  }
0xbe: {  	v20 =	vadd.f32 v26, v20  }
0xbf: {  	v25 =	vld [tilespmem:s25+$0xFFFFFE00];
	v19 =	vadd.f32 v19, v18  }
0xc0: {  	v20 =	vadd.f32 v28, v20  }
0xc1: {  	v26 =	vld [tilespmem:s25+$0x0];
	v14 =	vadd.f32 v14, v19  }
0xc2: {  	v20 =	vadd.f32 v24, v20  }
0xc3: {  	v24 =	vld [tilespmem:s25+$0x200];
	(xrf2) =	vadd.scan.msk.f32 $0xffff, v14  }
0xc4: {  	v20 =	vadd.f32 v25, v20  }
0xc5: {  	v25 =	vld [tilespmem:s25+$0x400]  }
0xc6: {  	v20 =	vadd.f32 v26, v20  }
0xc7: {  	v26 =	vld [tilespmem:s25+$0x600]  }
0xc8: {  	v20 =	vadd.f32 v24, v20  }
0xc9: {  	v24 =	vld [tilespmem:s25+$0x800]  }
0xca: {  	v20 =	vadd.f32 v25, v20  }
0xcb: {  	v25 =	vld [tilespmem:s25+$0xA00]  }
0xcc: {  	v20 =	vadd.f32 v26, v20  }
0xcd: {  	v63 =	vld [tilespmem:s25+$0xC00];
	v26, _, _ =	vpop (xrf2)  }
0xce: {  	v24 =	vadd.f32 v24, v20;
	v26 =	vsub.f32 v26, v14  }
0xcf: {  	s28 =	simm.f32 $0.0e+00  }
0xd0: {  	v24 =	vadd.f32 v25, v24;
	v20 =	vadd.f32 s28, v26;
	_ =	sdelay $0x1  }
0xd1: {  	v24 =	vadd.f32 v63, v24;
	v26 =	vadd.f32 v20, v21;
	v21 =	vld [tilespmem:s25+$0xE00]  }
0xd2: {  	v29 =	vadd.f32 $0.0e+00, v20;
	v14 =	vadd.f32 v20, v14  }
0xd3: {  	s23 =	simm.s32 $0xF000;
	v25 =	vadd.f32 v20, v22;
	v23 =	vadd.f32 v20, v23  }
0xd4: {  	s24 =	simm.s32 $0x1;
	s29 =	simm.s32 $0x11;
	s30 =	simm.s32 $0xF000;
	v22 =	vadd.f32 v20, v27;
	[tilespmem:s23+$0xFFFFF000] =	vst v29;
	(v2sf) =	vpush v14, $0xF  }
.LBB2_13:
0xd5: {  	[tilespmem:s23+$0xFFFFF400] =	vst v26;
	v10 =	vadd.f32 v20, v10;
	v12 =	vadd.f32 v20, v12;
	s25 =	sadd.s32 $0x10, s25;
	s26 =	sadd.s32 $0x10, s26;
	s30 =	sadd.s32 $0x10, s30  }
0xd6: {  	p1 =	seq.s32 s29, $0x1F1;
	v9 =	vadd.f32 v20, v9;
	s31 =	smov.u32 s29;
	s29 =	sadd.s32 $0x10, s29;
	v21 =	vadd.f32 v21, v24;
	[tilespmem:s23+$0xFFFFF200] =	vst v25  }
0xd7: {  	v11 =	vadd.f32 v20, v11;
	[tilespmem:s23+$0xFFFFFA00] =	vst v12;
	v12 =	vadd.f32 v20, v15  }
0xd8: {  	v13 =	vadd.f32 v20, v13;
	v15 =	vadd.f32 v20, v17;
	[tilespmem:s23+$0x0] =	vst v23;
	(xrf2) =	vadd.scan.msk.f32 $0xffff, v21  }
0xd9: {  	[tilespmem:s23+$0x400] =	vst v12;
	v12 =	vadd.f32 v20, v16;
	v16 =	vadd.f32 v20, v18  }
0xda: {  	v8 =	vadd.f32 v20, v8;
	v17 =	vadd.f32 v20, v19;
	[tilespmem:s23+$0xFFFFFE00] =	vst v22  }
0xdb: {  	[tilespmem:s23+$0xC00] =	vst v16  }
0xdc: {  	[tilespmem:s23+$0xE00] =	vst v17  }
0xdd: {  	[tilespmem:s23+$0x800] =	vst v15  }
0xde: {  	[tilespmem:s23+$0xFFFFF800] =	vst v9  }
0xdf: {  	v9 =	vadd.s32 s24, v1;
	s24 =	smov.u32 s31;
	[tilespmem:s23+$0xFFFFF600] =	vst v10  }
0xe0: {  	[tilespmem:s23+$0xFFFFFC00] =	vst v8  }
0xe1: {  	[tilespmem:s23+$0x600] =	vst v13  }
0xe2: {  	[tilespmem:s23+$0xA00] =	vst v12;
	v8, _, _ =	vpop (xrf2)  }
0xe3: {  	[tilespmem:s23+$0x200] =	vst v11;
	v8 =	vadd.f32 s28, v8;
	s31 =	spop (v2sf);
	s23 =	smov.u32 s30  }
0xe4: {  	[tilespmem:v9+s15+$0x0] =	vst.idx.msk $0xffff, v14  }
0xe5: {  	[tilespmem:v9+s16+$0x0] =	vst.idx.msk $0xffff, v8;
	(v2sf) =	vpush v8, $0xF  }
0xe6: {  	v8 =	vld [tilespmem:s26+$0xFFFFF000]  }
0xe7: {  	v14 =	vld [tilespmem:s25+$0xFFFFF400]  }
0xe8: {  	v9 =	vld [tilespmem:s26+$0xFFFFF200]  }
0xe9: {  	v18 =	vld [tilespmem:s25+$0xFFFFF600]  }
0xea: {  	v10 =	vld [tilespmem:s26+$0xFFFFF400]  }
0xeb: {  	v22 =	vadd.f32 $0.0e+00, v8;
	v19 =	vld [tilespmem:s25+$0xFFFFF800]  }
0xec: {  	v8 =	vld [tilespmem:s26+$0xFFFFF600]  }
0xed: {  	v23 =	vadd.f32 v9, v22;
	v20 =	vld [tilespmem:s25+$0xFFFFFA00]  }
0xee: {  	v11 =	vld [tilespmem:s26+$0xFFFFF800]  }
0xef: {  	v10 =	vadd.f32 v10, v23  }
0xf0: {  	v13 =	vld [tilespmem:s26+$0xFFFFFA00]  }
0xf1: {  	v9 =	vadd.f32 v8, v10  }
0xf2: {  	v15 =	vld [tilespmem:s26+$0xFFFFFC00]  }
0xf3: {  	v12 =	vadd.f32 v11, v9  }
0xf4: {  	v11 =	vld [tilespmem:s26+$0xFFFFFE00];
	s28 =	spop (v2sf)  }
0xf5: {  	v8 =	vadd.f32 v13, v12  }
0xf6: {  	v13 =	vld [tilespmem:s26+$0x0]  }
0xf7: {  	v27 =	vadd.f32 v15, v8  }
0xf8: {  	v15 =	vld [tilespmem:s26+$0x200]  }
0xf9: {  	v28 =	vadd.f32 v11, v27;
	v16 =	vld [tilespmem:s26+$0x400]  }
0xfa: {  	v17 =	vld [tilespmem:s25+$0xFFFFF000]  }
0xfb: {  	v11 =	vadd.f32 v13, v28;
	v21 =	vld [tilespmem:s26+$0x600]  }
0xfc: {  	v24 =	vld [tilespmem:s25+$0xFFFFF200]  }
0xfd: {  	v15 =	vadd.f32 v15, v11  }
0xfe: {  	v25 =	vld [tilespmem:s26+$0x800]  }
0xff: {  	v17 =	vadd.f32 $0.0e+00, v17;
	v13 =	vadd.f32 v16, v15  }
0x100: {  	v26 =	vld [tilespmem:s26+$0xA00]  }
0x101: {  	v16 =	vadd.f32 v24, v17;
	v17 =	vadd.f32 v21, v13  }
0x102: {  	v21 =	vld [tilespmem:s26+$0xC00]  }
0x103: {  	v14 =	vadd.f32 v14, v16;
	v16 =	vadd.f32 v25, v17  }
0x104: {  	v24 =	vld [tilespmem:s26+$0xE00]  }
0x105: {  	v14 =	vadd.f32 v18, v14;
	v18 =	vadd.f32 v26, v16  }
0x106: {  	v25 =	vld [tilespmem:s25+$0xFFFFFC00]  }
0x107: {  	v14 =	vadd.f32 v19, v14;
	v19 =	vadd.f32 v21, v18  }
0x108: {  	v21 =	vld [tilespmem:s25+$0xFFFFFE00]  }
0x109: {  	v14 =	vadd.f32 v20, v14;
	v24 =	vadd.f32 v24, v19  }
0x10a: {  	v20 =	vld [tilespmem:s25+$0x0]  }
0x10b: {  	v14 =	vadd.f32 v25, v14;
	(xrf2) =	vadd.scan.msk.f32 $0xffff, v24  }
0x10c: {  	v25 =	vld [tilespmem:s25+$0x200]  }
0x10d: {  	v14 =	vadd.f32 v21, v14  }
0x10e: {  	v21 =	vld [tilespmem:s25+$0x400]  }
0x10f: {  	v14 =	vadd.f32 v20, v14  }
0x110: {  	v20 =	vld [tilespmem:s25+$0x600]  }
0x111: {  	v14 =	vadd.f32 v25, v14  }
0x112: {  	v25 =	vld [tilespmem:s25+$0x800]  }
0x113: {  	v14 =	vadd.f32 v21, v14  }
0x114: {  	v21 =	vld [tilespmem:s25+$0xA00]  }
0x115: {  	v14 =	vadd.f32 v20, v14;
	v20, _, _ =	vpop (xrf2)  }
0x116: {  	v26 =	vld [tilespmem:s25+$0xC00];
	v20 =	vsub.f32 v20, v24  }
0x117: {  	v14 =	vadd.f32 v25, v14  }
0x118: {  	v20 =	vadd.f32 s31, v20  }
.Ltmp8:
0x119: {  	v25 =	vadd.f32 v21, v14;
	(pc) =	sbr.rel @!p1 .LBB2_13-.Ltmp8, $4  }
0x11a: {  	v21 =	vld [tilespmem:s25+$0xE00];
	v29 =	vadd.f32 $0.0e+00, v20;
	v14 =	vadd.f32 v20, v24  }
0x11b: {  	v24 =	vadd.f32 v26, v25;
	v26 =	vadd.f32 v20, v23  }
0x11c: {  	v25 =	vadd.f32 v20, v22;
	v23 =	vadd.f32 v20, v28;
	[tilespmem:s30+$0xFFFFF000] =	vst v29  }
0x11d: {  	v22 =	vadd.f32 v20, v27;
	(v2sf) =	vpush v14, $0xF  }
0x11e: {  	_ = 	snop  }
0x11f: {  	v21 =	vadd.f32 v21, v24;
	_ =	sdelay $0x1  }
0x120: {  	(xrf2) =	vadd.scan.msk.f32 $0xffff, v21;
	_ =	sdelay $0x9  }
0x121: {  	v21, _, _ =	vpop (xrf2)  }
0x122: {  	v21 =	vadd.f32 s28, v21  }
0x123: {  	[tilespmem:s23+$0xFFFFF400] =	vst v26  }
0x124: {  	[tilespmem:s23+$0xFFFFF200] =	vst v25;
	(v2sf) =	vpush v21, $0xF  }
0x125: {  	v12 =	vadd.f32 v20, v12;
	[tilespmem:s23+$0x0] =	vst v23  }
0x126: {  	v17 =	vadd.f32 v20, v17;
	[tilespmem:s23+$0xFFFFFE00] =	vst v22  }
0x127: {  	v9 =	vadd.f32 v20, v9;
	[tilespmem:s23+$0xFFFFFA00] =	vst v12  }
0x128: {  	v10 =	vadd.f32 v20, v10;
	[tilespmem:s23+$0x800] =	vst v17  }
0x129: {  	v8 =	vadd.f32 v20, v8;
	[tilespmem:s23+$0xFFFFF800] =	vst v9  }
0x12a: {  	v62 =	vadd.f32 v20, v13;
	[tilespmem:s23+$0xFFFFF600] =	vst v10  }
0x12b: {  	v12 =	vadd.f32 v20, v15;
	[tilespmem:s23+$0xFFFFFC00] =	vst v8  }
0x12c: {  	v15 =	vadd.f32 v20, v19;
	[tilespmem:s23+$0x600] =	vst v62  }
0x12d: {  	v63 =	vadd.s32 s24, v1;
	[tilespmem:s23+$0x400] =	vst v12;
	v12 =	vadd.f32 v20, v18  }
0x12e: {  	v8 =	vadd.f32 v20, v11;
	[tilespmem:s23+$0xE00] =	vst v15  }
.Ltmp9:
0x12f: {  	[tilespmem:s23+$0xC00] =	vst v12;
	v12 =	vadd.f32 v20, v16;
	(pc) =	sbr.rel @p0 .LBB2_17-.Ltmp9, $4  }
0x130: {  	[tilespmem:s23+$0x200] =	vst v8  }
0x131: {  	[tilespmem:s23+$0xA00] =	vst v12  }
0x132: {  	[tilespmem:v63+s15+$0x0] =	vst.idx.msk $0xffff, v14;
	s30 =	spop (v2sf)  }
0x133: {  	[tilespmem:v63+s16+$0x0] =	vst.idx.msk $0xffff, v21;
	s31 =	spop (v2sf)  }
0x134: {  	s23 =	simm.s32 $0x6000;
	s24 =	simm.s32 $0x0  }
.LBB2_16:
0x135: {  	v8 =	vld [tilespmem:s23+$0x0];
	_ =	sdelay $0x4  }
0x136: {  	v9 =	vsub.f32 v8, v5;
	_ =	sdelay $0x1  }
0x137: {  	v9 =	vmul.f32 v9, v6;
	_ =	sdelay $0x1  }
0x138: {  	v9 =	vtrunc.f32 v9  }
0x139: {  	v9 =	vcvt.f32.s32 v9;
	_ =	sdelay $0x1  }
0x13a: {  	vm0 =	vgt.s32 v9, $0x0  }
0x13b: {  	v9 =	vnsel vm0, $0x0, v9  }
0x13c: {  	v9 =	vmin.u32 v9, $0x1FF  }
0x13d: {  	v9 =	vor.u32 v3, v9;
	_ =	sdelay $0x4  }
0x13e: {  	v10 =	vld.idx.msk [tilespmem:v9+s17+$0x0], $0xffff;
	_ =	sdelay $0x4  }
0x13f: {  	v10 =	vtrunc.f32 v10  }
0x140: {  	v10 =	vcvt.f32.s32 v10;
	_ =	sdelay $0x1  }
0x141: {  	v11 =	vor.u32 s24, v1;
	vm15 =	vgt.s32 v10, $0x0  }
0x142: {  	vm1 =	vlt.s32 v11, v7;
	v10 =	vnsel vm15, $0x0, v10  }
0x143: {  	v10 =	vmin.u32 v10, $0x1FFF  }
0x144: {  	p0 =	sne.s32 s21, $0x1  }
.Ltmp10:
0x145: {  	_ = 	snop;
	(pc) =	sbr.rel @p0 .LBB2_16-.Ltmp10, $3  }
0x146: {  	_ =	sdelay $0x1  }
0x147: {  	[tilespmem:v10+s18+$0x0] =	vst.idx.msk vm1, v8  }
0x148: {  	s23 =	sadd.s32 $0x10, s23;
	s24 =	sadd.s32 $0x10, s24;
	s21 =	sadd.s32 $0xFFFFFFFF, s21;
	[tilespmem:v9+s17+$0x0] =	vst.idx.add.f32.msk vm1, v4  }
.LBB2_17:
0x149: {  	s21 =	smul.u32 s4, s22  }
0x14a: {  	s31 =	smul.u32 s6, s22;
	_ =	sdelay $0x1  }
0x14b: {  	s21 =	sshra.s32 s21, $0x5;
	s23 =	sshra.s32 s31, $0x5  }
0x14c: {  	s22 =	ssub.s32 s23, s21  }
0x14d: {  	s22 =	sadd.s32 $0xF, s22  }
0x14e: {  	s22 =	sshra.s32 s22, $0x4  }
0x14f: {  	p0 =	slt.s32 s22, $0x1  }
.Ltmp11:
0x150: {  	_ = 	snop;
	(pc) =	sbr.rel @p0 .LBB2_18-.Ltmp11, $1  }
0x151: {  	_ =	sdelay $0x3  }
.Ltmp12:
0x152: {  	(pc) =	sbr.rel .LBB2_20-.Ltmp12, $3  }
0x153: {  	_ =	sdelay $0x1  }
0x154: {  	v7 =	vmov s23  }
0x155: {  	v8 =	vbroadcast v21, $0xF;
	v9 =	vbroadcast v14, $0xF;
	s23 =	simm.s32 $0x0;
	v10 =	vimm.f32 $0.0e+00  }
.LBB2_172:
0x156: {  	v16 =	vmov v10  }
.LBB2_179:
0x157: {  	_ =	sdelay $0x3  }
0x158: {  	v13 =	vld.idx.msk [tilespmem:v13+s18+$0x0], $0xffff  }
0x159: {  	v14 =	vsub.f32 @p0 v18, v11;
	_ =	sdelay $0x1  }
0x15a: {  	v16 =	vadd.f32 @p1 v19, v16;
	vm0 =	vlt.s32 @p0 v20, v12;
	v14 =	vmax.f32 @p0 v14, $0.0e+00  }
0x15b: {  	v14 =	vnsel @p0 vm0, $0x0, v14  }
0x15c: {  	v16 =	vpsel p1, v16, v10;
	v14 =	vpsel p0, v14, v0;
	v11 =	vsub.f32 v13, v11  }
0x15d: {  	v13 =	vadd.f32 @p0 v14, v16  }
0x15e: {  	vm15 =	vlt.s32 v15, v12;
	v11 =	vmax.f32 v11, $0.0e+00  }
0x15f: {  	v10 =	vpsel p0, v13, v10;
	v11 =	vnsel vm15, $0x0, v11  }
0x160: {  	v10 =	vadd.f32 v11, v10  }
.LBB2_180:
0x161: {  	s23 =	sadd.s32 $0x1, s23  }
0x162: {  	p0 =	sne.s32 s23, s22  }
.Ltmp13:
0x163: {  	_ = 	snop;
	(pc) =	sbr.rel @!p0 .LBB2_181-.Ltmp13, $1  }
0x164: {  	_ =	sdelay $0x3  }
.LBB2_20:
0x165: {  	s24 =	sshll.u32 s23, $0x4  }
0x166: {  	s24 =	sadd.s32 s21, s24  }
0x167: {  	v13 =	vadd.s32 s24, v1  }
0x168: {  	vm0 =	vgt.s32 v13, $0x0  }
0x169: {  	v11 =	vnsel vm0, $0x0, v13  }
0x16a: {  	v11 =	vmin.u32 v11, $0x1FFF;
	_ =	sdelay $0x4  }
0x16b: {  	v11 =	vld.idx.msk [tilespmem:v11+s11+$0x0], $0xffff;
	_ =	sdelay $0x4  }
0x16c: {  	v12 =	vsub.f32 v11, v5;
	_ =	sdelay $0x1  }
0x16d: {  	v12 =	vmul.f32 v12, v6;
	_ =	sdelay $0x1  }
0x16e: {  	v12 =	vtrunc.f32 v12  }
0x16f: {  	v12 =	vcvt.f32.s32 v12;
	_ =	sdelay $0x1  }
0x170: {  	vm14 =	vgt.s32 v12, $0x0  }
0x171: {  	v12 =	vnsel vm14, $0x0, v12  }
0x172: {  	v12 =	vmin.u32 v12, $0x1FF  }
0x173: {  	v14 =	vadd.s32 $0x1, v12;
	_ =	sdelay $0x3  }
0x174: {  	v12 =	vld.idx.msk [tilespmem:v12+s15+$0x0], $0xffff  }
0x175: {  	v15 =	vld.idx.msk [tilespmem:v14+s15+$0x0], $0xffff;
	_ =	sdelay $0x3  }
0x176: {  	vm15 =	vlt.s32 v13, v7  }
0x177: {  	(v2sf) =	vpush v12, $0x0;
	v13 =	vsel vm15, v15, v12  }
0x178: {  	(v2sf) =	vpush v13, $0x0;
	_ =	sdelay $0xd  }
0x179: {  	s31 =	spop (v2sf)  }
0x17a: {  	v14 =	vld.idx.msk [tilespmem:v14+s16+$0x0], $0xffff;
	s25 =	spop (v2sf)  }
0x17b: {  	s24 =	scvt.f32.s32 s31;
	s25 =	scvt.f32.s32 s25  }
0x17c: {  	_ = 	snop  }
0x17d: {  	v15 =	vsub.f32 v9, v15;
	s26 =	ssub.s32 s25, s24  }
0x17e: {  	s26 =	sadd.s32 $0xF, s26  }
0x17f: {  	v14 =	vsub.f32 v8, v14;
	v15 =	vmul.f32 v15, v11;
	s26 =	sshra.s32 s26, $0x4  }
0x180: {  	p0 =	slt.s32 s26, $0x1  }
.Ltmp14:
0x181: {  	v14 =	vsub.f32 v14, v15;
	(pc) =	sbr.rel @p0 .LBB2_30-.Ltmp14, $3  }
0x182: {  	_ = 	snop  }
0x183: {  	v14 =	vnsel vm15, $0x0, v14  }
0x184: {  	v10 =	vadd.f32 v14, v10;
	_ =	sdelay $0x1  }
0x185: {  	p2 =	sne.s32 s26, $0x1  }
.Ltmp15:
0x186: {  	_ = 	snop;
	(pc) =	sbr.rel @!p2 .LBB2_22-.Ltmp15, $4  }
0x187: {  	v18 =	vadd.s32 s24, v1  }
0x188: {  	vm0 =	vgt.s32 v18, $0x0  }
0x189: {  	s26 =	sadd.s32 $0xFFFFFFFF, s26;
	v16 =	vnsel vm0, $0x0, v18  }
0x18a: {  	v14 =	vmov s25;
	v15 =	vbroadcast v11, $0x0;
	s25 =	sadd.s32 $0x10, s24;
	p0 =	por $0x0, $0x0;
	p1 =	por $0x0, $0x0;
	v16 =	vmin.u32 v16, $0x1FFF  }
0x18b: {  	p2 =	sne.s32 s26, $0x1  }
.Ltmp16:
0x18c: {  	_ = 	snop;
	(pc) =	sbr.rel @!p2 .LBB2_24-.Ltmp16, $4  }
0x18d: {  	v17 =	vadd.s32 s25, v1  }
0x18e: {  	vm0 =	vgt.s32 v17, $0x0  }
0x18f: {  	v19 =	vnsel vm0, $0x0, v17  }
0x190: {  	v21 =	vld.idx.msk [tilespmem:v16+s18+$0x0], $0xffff;
	s24 =	sadd.s32 $0xFFFFFFFF, s26;
	s25 =	sadd.s32 $0x10, s25;
	p0 =	por $0x1, $0x1;
	v16 =	vmin.u32 v19, $0x1FFF  }
0x191: {  	_ =	sdelay $0x2  }
0x192: {  	v20 =	vadd.s32 s25, v1;
	p2 =	sne.s32 s24, $0x1  }
.Ltmp17:
0x193: {  	vm0 =	vgt.s32 v20, $0x0;
	v19 =	vsub.f32 v21, v15;
	(pc) =	sbr.rel @!p2 .LBB2_26-.Ltmp17, $4  }
0x194: {  	v22 =	vnsel vm0, $0x0, v20  }
0x195: {  	v21 =	vld.idx.msk [tilespmem:v16+s18+$0x0], $0xffff;
	v16 =	vmin.u32 v22, $0x1FFF  }
0x196: {  	vm15 =	vlt.s32 v18, v14;
	v18 =	vmax.f32 v19, $0.0e+00  }
0x197: {  	s24 =	sadd.s32 $0xFFFFFFFF, s24;
	s25 =	sadd.s32 $0x10, s25;
	p1 =	por $0x1, $0x1;
	v22 =	vnsel vm15, $0x0, v18;
	v19 =	vmov v10  }
.LBB2_27:
0x198: {  	v18 =	vadd.s32 s25, v1;
	p2 =	sne.s32 s24, $0x1;
	s24 =	sadd.s32 $0xFFFFFFFF, s24;
	v19 =	vadd.f32 v22, v19  }
.Ltmp18:
0x199: {  	vm0 =	vgt.s32 v18, $0x0;
	(pc) =	sbr.rel @p2 .LBB2_27-.Ltmp18, $4  }
0x19a: {  	v23 =	vsub.f32 v21, v15;
	v22 =	vnsel vm0, $0x0, v18;
	v21 =	vld.idx.msk [tilespmem:v16+s18+$0x0], $0xffff  }
0x19b: {  	v16 =	vmin.u32 v22, $0x1FFF  }
0x19c: {  	vm0 =	vlt.s32 v17, v14;
	v17 =	vmovc v20;
	v20 =	vmov v18;
	v22 =	vmax.f32 v23, $0.0e+00  }
0x19d: {  	s25 =	sadd.s32 $0x10, s25;
	v22 =	vnsel vm0, $0x0, v22  }
0x19e: {  	v23 =	vmov v17;
	v18 =	vmov v20  }
.LBB2_29:
0x19f: {  	_ =	sdelay $0x3  }
0x1a0: {  	v16 =	vld.idx.msk [tilespmem:v16+s18+$0x0], $0xffff  }
0x1a1: {  	v17 =	vsub.f32 @p0 v21, v15;
	_ =	sdelay $0x1  }
0x1a2: {  	v19 =	vadd.f32 @p1 v22, v19;
	vm0 =	vlt.s32 @p0 v23, v14;
	v17 =	vmax.f32 @p0 v17, $0.0e+00  }
0x1a3: {  	v17 =	vnsel @p0 vm0, $0x0, v17  }
0x1a4: {  	v19 =	vpsel p1, v19, v10;
	v17 =	vpsel p0, v17, v0;
	v15 =	vsub.f32 v16, v15  }
0x1a5: {  	v16 =	vadd.f32 @p0 v17, v19  }
0x1a6: {  	vm15 =	vlt.s32 v18, v14;
	v14 =	vmax.f32 v15, $0.0e+00  }
0x1a7: {  	v10 =	vpsel p0, v16, v10;
	v14 =	vnsel vm15, $0x0, v14  }
0x1a8: {  	v10 =	vadd.f32 v14, v10  }
.LBB2_30:
0x1a9: {  	(v2sf) =	vpush v12, $0x1  }
0x1aa: {  	(v2sf) =	vpush v13, $0x1;
	_ =	sdelay $0xd  }
0x1ab: {  	s24 =	spop (v2sf)  }
0x1ac: {  	s25 =	spop (v2sf)  }
0x1ad: {  	s24 =	scvt.f32.s32 s24;
	s26 =	scvt.f32.s32 s25  }
0x1ae: {  	_ = 	snop  }
0x1af: {  	s25 =	ssub.s32 s26, s24  }
0x1b0: {  	s25 =	sadd.s32 $0xF, s25  }
0x1b1: {  	s25 =	sshra.s32 s25, $0x4  }
0x1b2: {  	p0 =	slt.s32 s25, $0x1  }
.Ltmp19:
0x1b3: {  	_ = 	snop;
	(pc) =	sbr.rel @p0 .LBB2_40-.Ltmp19, $1  }
0x1b4: {  	_ =	sdelay $0x3  }
0x1b5: {  	p2 =	sne.s32 s25, $0x1  }
.Ltmp20:
0x1b6: {  	_ = 	snop;
	(pc) =	sbr.rel @!p2 .LBB2_32-.Ltmp20, $4  }
0x1b7: {  	v18 =	vadd.s32 s24, v1  }
0x1b8: {  	vm0 =	vgt.s32 v18, $0x0  }
0x1b9: {  	s25 =	sadd.s32 $0xFFFFFFFF, s25;
	v16 =	vnsel vm0, $0x0, v18  }
0x1ba: {  	v14 =	vmov s26;
	v15 =	vbroadcast v11, $0x1;
	s26 =	sadd.s32 $0x10, s24;
	p0 =	por $0x0, $0x0;
	p1 =	por $0x0, $0x0;
	v16 =	vmin.u32 v16, $0x1FFF  }
0x1bb: {  	p2 =	sne.s32 s25, $0x1  }
.Ltmp21:
0x1bc: {  	_ = 	snop;
	(pc) =	sbr.rel @!p2 .LBB2_34-.Ltmp21, $4  }
0x1bd: {  	v17 =	vadd.s32 s26, v1  }
0x1be: {  	vm0 =	vgt.s32 v17, $0x0  }
0x1bf: {  	v19 =	vnsel vm0, $0x0, v17  }
0x1c0: {  	v21 =	vld.idx.msk [tilespmem:v16+s18+$0x0], $0xffff;
	s24 =	sadd.s32 $0xFFFFFFFF, s25;
	s25 =	sadd.s32 $0x10, s26;
	p0 =	por $0x1, $0x1;
	v16 =	vmin.u32 v19, $0x1FFF  }
0x1c1: {  	_ =	sdelay $0x2  }
0x1c2: {  	v20 =	vadd.s32 s25, v1;
	p2 =	sne.s32 s24, $0x1  }
.Ltmp22:
0x1c3: {  	vm0 =	vgt.s32 v20, $0x0;
	v19 =	vsub.f32 v21, v15;
	(pc) =	sbr.rel @!p2 .LBB2_36-.Ltmp22, $4  }
0x1c4: {  	v22 =	vnsel vm0, $0x0, v20  }
0x1c5: {  	v21 =	vld.idx.msk [tilespmem:v16+s18+$0x0], $0xffff;
	v16 =	vmin.u32 v22, $0x1FFF  }
0x1c6: {  	vm15 =	vlt.s32 v18, v14;
	v18 =	vmax.f32 v19, $0.0e+00  }
0x1c7: {  	s24 =	sadd.s32 $0xFFFFFFFF, s24;
	s25 =	sadd.s32 $0x10, s25;
	p1 =	por $0x1, $0x1;
	v22 =	vnsel vm15, $0x0, v18;
	v19 =	vmov v10  }
.LBB2_37:
0x1c8: {  	v18 =	vadd.s32 s25, v1;
	p2 =	sne.s32 s24, $0x1;
	s24 =	sadd.s32 $0xFFFFFFFF, s24;
	v19 =	vadd.f32 v22, v19  }
.Ltmp23:
0x1c9: {  	vm0 =	vgt.s32 v18, $0x0;
	(pc) =	sbr.rel @p2 .LBB2_37-.Ltmp23, $4  }
0x1ca: {  	v23 =	vsub.f32 v21, v15;
	v22 =	vnsel vm0, $0x0, v18;
	v21 =	vld.idx.msk [tilespmem:v16+s18+$0x0], $0xffff  }
0x1cb: {  	v16 =	vmin.u32 v22, $0x1FFF  }
0x1cc: {  	vm0 =	vlt.s32 v17, v14;
	v17 =	vmovc v20;
	v20 =	vmov v18;
	v22 =	vmax.f32 v23, $0.0e+00  }
0x1cd: {  	s25 =	sadd.s32 $0x10, s25;
	v22 =	vnsel vm0, $0x0, v22  }
0x1ce: {  	v23 =	vmov v17;
	v18 =	vmov v20  }
.LBB2_39:
0x1cf: {  	_ =	sdelay $0x3  }
0x1d0: {  	v16 =	vld.idx.msk [tilespmem:v16+s18+$0x0], $0xffff  }
0x1d1: {  	v17 =	vsub.f32 @p0 v21, v15;
	_ =	sdelay $0x1  }
0x1d2: {  	v19 =	vadd.f32 @p1 v22, v19;
	vm0 =	vlt.s32 @p0 v23, v14;
	v17 =	vmax.f32 @p0 v17, $0.0e+00  }
0x1d3: {  	v17 =	vnsel @p0 vm0, $0x0, v17  }
0x1d4: {  	v19 =	vpsel p1, v19, v10;
	v17 =	vpsel p0, v17, v0;
	v15 =	vsub.f32 v16, v15  }
0x1d5: {  	v16 =	vadd.f32 @p0 v17, v19  }
0x1d6: {  	vm15 =	vlt.s32 v18, v14;
	v14 =	vmax.f32 v15, $0.0e+00  }
0x1d7: {  	v10 =	vpsel p0, v16, v10;
	v14 =	vnsel vm15, $0x0, v14  }
0x1d8: {  	v10 =	vadd.f32 v14, v10  }
.LBB2_40:
0x1d9: {  	(v2sf) =	vpush v12, $0x2  }
0x1da: {  	(v2sf) =	vpush v13, $0x2;
	_ =	sdelay $0xd  }
0x1db: {  	s24 =	spop (v2sf)  }
0x1dc: {  	s25 =	spop (v2sf)  }
0x1dd: {  	s24 =	scvt.f32.s32 s24;
	s26 =	scvt.f32.s32 s25  }
0x1de: {  	_ = 	snop  }
0x1df: {  	s25 =	ssub.s32 s26, s24  }
0x1e0: {  	s25 =	sadd.s32 $0xF, s25  }
0x1e1: {  	s25 =	sshra.s32 s25, $0x4  }
0x1e2: {  	p0 =	slt.s32 s25, $0x1  }
.Ltmp24:
0x1e3: {  	_ = 	snop;
	(pc) =	sbr.rel @p0 .LBB2_50-.Ltmp24, $1  }
0x1e4: {  	_ =	sdelay $0x3  }
0x1e5: {  	p2 =	sne.s32 s25, $0x1  }
.Ltmp25:
0x1e6: {  	_ = 	snop;
	(pc) =	sbr.rel @!p2 .LBB2_42-.Ltmp25, $4  }
0x1e7: {  	v18 =	vadd.s32 s24, v1  }
0x1e8: {  	vm0 =	vgt.s32 v18, $0x0  }
0x1e9: {  	s25 =	sadd.s32 $0xFFFFFFFF, s25;
	v16 =	vnsel vm0, $0x0, v18  }
0x1ea: {  	v14 =	vmov s26;
	v15 =	vbroadcast v11, $0x2;
	s26 =	sadd.s32 $0x10, s24;
	p0 =	por $0x0, $0x0;
	p1 =	por $0x0, $0x0;
	v16 =	vmin.u32 v16, $0x1FFF  }
0x1eb: {  	p2 =	sne.s32 s25, $0x1  }
.Ltmp26:
0x1ec: {  	_ = 	snop;
	(pc) =	sbr.rel @!p2 .LBB2_44-.Ltmp26, $4  }
0x1ed: {  	v17 =	vadd.s32 s26, v1  }
0x1ee: {  	vm0 =	vgt.s32 v17, $0x0  }
0x1ef: {  	v19 =	vnsel vm0, $0x0, v17  }
0x1f0: {  	v21 =	vld.idx.msk [tilespmem:v16+s18+$0x0], $0xffff;
	s24 =	sadd.s32 $0xFFFFFFFF, s25;
	s25 =	sadd.s32 $0x10, s26;
	p0 =	por $0x1, $0x1;
	v16 =	vmin.u32 v19, $0x1FFF  }
0x1f1: {  	_ =	sdelay $0x2  }
0x1f2: {  	v20 =	vadd.s32 s25, v1;
	p2 =	sne.s32 s24, $0x1  }
.Ltmp27:
0x1f3: {  	vm0 =	vgt.s32 v20, $0x0;
	v19 =	vsub.f32 v21, v15;
	(pc) =	sbr.rel @!p2 .LBB2_46-.Ltmp27, $4  }
0x1f4: {  	v22 =	vnsel vm0, $0x0, v20  }
0x1f5: {  	v21 =	vld.idx.msk [tilespmem:v16+s18+$0x0], $0xffff;
	v16 =	vmin.u32 v22, $0x1FFF  }
0x1f6: {  	vm15 =	vlt.s32 v18, v14;
	v18 =	vmax.f32 v19, $0.0e+00  }
0x1f7: {  	s24 =	sadd.s32 $0xFFFFFFFF, s24;
	s25 =	sadd.s32 $0x10, s25;
	p1 =	por $0x1, $0x1;
	v22 =	vnsel vm15, $0x0, v18;
	v19 =	vmov v10  }
.LBB2_47:
0x1f8: {  	v18 =	vadd.s32 s25, v1;
	p2 =	sne.s32 s24, $0x1;
	s24 =	sadd.s32 $0xFFFFFFFF, s24;
	v19 =	vadd.f32 v22, v19  }
.Ltmp28:
0x1f9: {  	vm0 =	vgt.s32 v18, $0x0;
	(pc) =	sbr.rel @p2 .LBB2_47-.Ltmp28, $4  }
0x1fa: {  	v23 =	vsub.f32 v21, v15;
	v22 =	vnsel vm0, $0x0, v18;
	v21 =	vld.idx.msk [tilespmem:v16+s18+$0x0], $0xffff  }
0x1fb: {  	v16 =	vmin.u32 v22, $0x1FFF  }
0x1fc: {  	vm0 =	vlt.s32 v17, v14;
	v17 =	vmovc v20;
	v20 =	vmov v18;
	v22 =	vmax.f32 v23, $0.0e+00  }
0x1fd: {  	s25 =	sadd.s32 $0x10, s25;
	v22 =	vnsel vm0, $0x0, v22  }
0x1fe: {  	v23 =	vmov v17;
	v18 =	vmov v20  }
.LBB2_49:
0x1ff: {  	_ =	sdelay $0x3  }
0x200: {  	v16 =	vld.idx.msk [tilespmem:v16+s18+$0x0], $0xffff  }
0x201: {  	v17 =	vsub.f32 @p0 v21, v15;
	_ =	sdelay $0x1  }
0x202: {  	v19 =	vadd.f32 @p1 v22, v19;
	vm0 =	vlt.s32 @p0 v23, v14;
	v17 =	vmax.f32 @p0 v17, $0.0e+00  }
0x203: {  	v17 =	vnsel @p0 vm0, $0x0, v17  }
0x204: {  	v19 =	vpsel p1, v19, v10;
	v17 =	vpsel p0, v17, v0;
	v15 =	vsub.f32 v16, v15  }
0x205: {  	v16 =	vadd.f32 @p0 v17, v19  }
0x206: {  	vm15 =	vlt.s32 v18, v14;
	v14 =	vmax.f32 v15, $0.0e+00  }
0x207: {  	v10 =	vpsel p0, v16, v10;
	v14 =	vnsel vm15, $0x0, v14  }
0x208: {  	v10 =	vadd.f32 v14, v10  }
.LBB2_50:
0x209: {  	(v2sf) =	vpush v12, $0x3  }
0x20a: {  	(v2sf) =	vpush v13, $0x3;
	_ =	sdelay $0xd  }
0x20b: {  	s24 =	spop (v2sf)  }
0x20c: {  	s25 =	spop (v2sf)  }
0x20d: {  	s24 =	scvt.f32.s32 s24;
	s26 =	scvt.f32.s32 s25  }
0x20e: {  	_ = 	snop  }
0x20f: {  	s25 =	ssub.s32 s26, s24  }
0x210: {  	s25 =	sadd.s32 $0xF, s25  }
0x211: {  	s25 =	sshra.s32 s25, $0x4  }
0x212: {  	p0 =	slt.s32 s25, $0x1  }
.Ltmp29:
0x213: {  	_ = 	snop;
	(pc) =	sbr.rel @p0 .LBB2_60-.Ltmp29, $1  }
0x214: {  	_ =	sdelay $0x3  }
0x215: {  	p2 =	sne.s32 s25, $0x1  }
.Ltmp30:
0x216: {  	_ = 	snop;
	(pc) =	sbr.rel @!p2 .LBB2_52-.Ltmp30, $4  }
0x217: {  	v18 =	vadd.s32 s24, v1  }
0x218: {  	vm0 =	vgt.s32 v18, $0x0  }
0x219: {  	s25 =	sadd.s32 $0xFFFFFFFF, s25;
	v16 =	vnsel vm0, $0x0, v18  }
0x21a: {  	v14 =	vmov s26;
	v15 =	vbroadcast v11, $0x3;
	s26 =	sadd.s32 $0x10, s24;
	p0 =	por $0x0, $0x0;
	p1 =	por $0x0, $0x0;
	v16 =	vmin.u32 v16, $0x1FFF  }
0x21b: {  	p2 =	sne.s32 s25, $0x1  }
.Ltmp31:
0x21c: {  	_ = 	snop;
	(pc) =	sbr.rel @!p2 .LBB2_54-.Ltmp31, $4  }
0x21d: {  	v17 =	vadd.s32 s26, v1  }
0x21e: {  	vm0 =	vgt.s32 v17, $0x0  }
0x21f: {  	v19 =	vnsel vm0, $0x0, v17  }
0x220: {  	v21 =	vld.idx.msk [tilespmem:v16+s18+$0x0], $0xffff;
	s24 =	sadd.s32 $0xFFFFFFFF, s25;
	s25 =	sadd.s32 $0x10, s26;
	p0 =	por $0x1, $0x1;
	v16 =	vmin.u32 v19, $0x1FFF  }
0x221: {  	_ =	sdelay $0x2  }
0x222: {  	v20 =	vadd.s32 s25, v1;
	p2 =	sne.s32 s24, $0x1  }
.Ltmp32:
0x223: {  	vm0 =	vgt.s32 v20, $0x0;
	v19 =	vsub.f32 v21, v15;
	(pc) =	sbr.rel @!p2 .LBB2_56-.Ltmp32, $4  }
0x224: {  	v22 =	vnsel vm0, $0x0, v20  }
0x225: {  	v21 =	vld.idx.msk [tilespmem:v16+s18+$0x0], $0xffff;
	v16 =	vmin.u32 v22, $0x1FFF  }
0x226: {  	vm15 =	vlt.s32 v18, v14;
	v18 =	vmax.f32 v19, $0.0e+00  }
0x227: {  	s24 =	sadd.s32 $0xFFFFFFFF, s24;
	s25 =	sadd.s32 $0x10, s25;
	p1 =	por $0x1, $0x1;
	v22 =	vnsel vm15, $0x0, v18;
	v19 =	vmov v10  }
.LBB2_57:
0x228: {  	v18 =	vadd.s32 s25, v1;
	p2 =	sne.s32 s24, $0x1;
	s24 =	sadd.s32 $0xFFFFFFFF, s24;
	v19 =	vadd.f32 v22, v19  }
.Ltmp33:
0x229: {  	vm0 =	vgt.s32 v18, $0x0;
	(pc) =	sbr.rel @p2 .LBB2_57-.Ltmp33, $4  }
0x22a: {  	v23 =	vsub.f32 v21, v15;
	v22 =	vnsel vm0, $0x0, v18;
	v21 =	vld.idx.msk [tilespmem:v16+s18+$0x0], $0xffff  }
0x22b: {  	v16 =	vmin.u32 v22, $0x1FFF  }
0x22c: {  	vm0 =	vlt.s32 v17, v14;
	v17 =	vmovc v20;
	v20 =	vmov v18;
	v22 =	vmax.f32 v23, $0.0e+00  }
0x22d: {  	s25 =	sadd.s32 $0x10, s25;
	v22 =	vnsel vm0, $0x0, v22  }
0x22e: {  	v23 =	vmov v17;
	v18 =	vmov v20  }
.LBB2_59:
0x22f: {  	_ =	sdelay $0x3  }
0x230: {  	v16 =	vld.idx.msk [tilespmem:v16+s18+$0x0], $0xffff  }
0x231: {  	v17 =	vsub.f32 @p0 v21, v15;
	_ =	sdelay $0x1  }
0x232: {  	v19 =	vadd.f32 @p1 v22, v19;
	vm0 =	vlt.s32 @p0 v23, v14;
	v17 =	vmax.f32 @p0 v17, $0.0e+00  }
0x233: {  	v17 =	vnsel @p0 vm0, $0x0, v17  }
0x234: {  	v19 =	vpsel p1, v19, v10;
	v17 =	vpsel p0, v17, v0;
	v15 =	vsub.f32 v16, v15  }
0x235: {  	v16 =	vadd.f32 @p0 v17, v19  }
0x236: {  	vm15 =	vlt.s32 v18, v14;
	v14 =	vmax.f32 v15, $0.0e+00  }
0x237: {  	v10 =	vpsel p0, v16, v10;
	v14 =	vnsel vm15, $0x0, v14  }
0x238: {  	v10 =	vadd.f32 v14, v10  }
.LBB2_60:
0x239: {  	(v2sf) =	vpush v12, $0x4  }
0x23a: {  	(v2sf) =	vpush v13, $0x4;
	_ =	sdelay $0xd  }
0x23b: {  	s24 =	spop (v2sf)  }
0x23c: {  	s25 =	spop (v2sf)  }
0x23d: {  	s24 =	scvt.f32.s32 s24;
	s26 =	scvt.f32.s32 s25  }
0x23e: {  	_ = 	snop  }
0x23f: {  	s25 =	ssub.s32 s26, s24  }
0x240: {  	s25 =	sadd.s32 $0xF, s25  }
0x241: {  	s25 =	sshra.s32 s25, $0x4  }
0x242: {  	p0 =	slt.s32 s25, $0x1  }
.Ltmp34:
0x243: {  	_ = 	snop;
	(pc) =	sbr.rel @p0 .LBB2_70-.Ltmp34, $1  }
0x244: {  	_ =	sdelay $0x3  }
0x245: {  	p2 =	sne.s32 s25, $0x1  }
.Ltmp35:
0x246: {  	_ = 	snop;
	(pc) =	sbr.rel @!p2 .LBB2_62-.Ltmp35, $4  }
0x247: {  	v18 =	vadd.s32 s24, v1  }
0x248: {  	vm0 =	vgt.s32 v18, $0x0  }
0x249: {  	s25 =	sadd.s32 $0xFFFFFFFF, s25;
	v16 =	vnsel vm0, $0x0, v18  }
0x24a: {  	v14 =	vmov s26;
	v15 =	vbroadcast v11, $0x4;
	s26 =	sadd.s32 $0x10, s24;
	p0 =	por $0x0, $0x0;
	p1 =	por $0x0, $0x0;
	v16 =	vmin.u32 v16, $0x1FFF  }
0x24b: {  	p2 =	sne.s32 s25, $0x1  }
.Ltmp36:
0x24c: {  	_ = 	snop;
	(pc) =	sbr.rel @!p2 .LBB2_64-.Ltmp36, $4  }
0x24d: {  	v17 =	vadd.s32 s26, v1  }
0x24e: {  	vm0 =	vgt.s32 v17, $0x0  }
0x24f: {  	v19 =	vnsel vm0, $0x0, v17  }
0x250: {  	v21 =	vld.idx.msk [tilespmem:v16+s18+$0x0], $0xffff;
	s24 =	sadd.s32 $0xFFFFFFFF, s25;
	s25 =	sadd.s32 $0x10, s26;
	p0 =	por $0x1, $0x1;
	v16 =	vmin.u32 v19, $0x1FFF  }
0x251: {  	_ =	sdelay $0x2  }
0x252: {  	v20 =	vadd.s32 s25, v1;
	p2 =	sne.s32 s24, $0x1  }
.Ltmp37:
0x253: {  	vm0 =	vgt.s32 v20, $0x0;
	v19 =	vsub.f32 v21, v15;
	(pc) =	sbr.rel @!p2 .LBB2_66-.Ltmp37, $4  }
0x254: {  	v22 =	vnsel vm0, $0x0, v20  }
0x255: {  	v21 =	vld.idx.msk [tilespmem:v16+s18+$0x0], $0xffff;
	v16 =	vmin.u32 v22, $0x1FFF  }
0x256: {  	vm15 =	vlt.s32 v18, v14;
	v18 =	vmax.f32 v19, $0.0e+00  }
0x257: {  	s24 =	sadd.s32 $0xFFFFFFFF, s24;
	s25 =	sadd.s32 $0x10, s25;
	p1 =	por $0x1, $0x1;
	v22 =	vnsel vm15, $0x0, v18;
	v19 =	vmov v10  }
.LBB2_67:
0x258: {  	v18 =	vadd.s32 s25, v1;
	p2 =	sne.s32 s24, $0x1;
	s24 =	sadd.s32 $0xFFFFFFFF, s24;
	v19 =	vadd.f32 v22, v19  }
.Ltmp38:
0x259: {  	vm0 =	vgt.s32 v18, $0x0;
	(pc) =	sbr.rel @p2 .LBB2_67-.Ltmp38, $4  }
0x25a: {  	v23 =	vsub.f32 v21, v15;
	v22 =	vnsel vm0, $0x0, v18;
	v21 =	vld.idx.msk [tilespmem:v16+s18+$0x0], $0xffff  }
0x25b: {  	v16 =	vmin.u32 v22, $0x1FFF  }
0x25c: {  	vm0 =	vlt.s32 v17, v14;
	v17 =	vmovc v20;
	v20 =	vmov v18;
	v22 =	vmax.f32 v23, $0.0e+00  }
0x25d: {  	s25 =	sadd.s32 $0x10, s25;
	v22 =	vnsel vm0, $0x0, v22  }
0x25e: {  	v23 =	vmov v17;
	v18 =	vmov v20  }
.LBB2_69:
0x25f: {  	_ =	sdelay $0x3  }
0x260: {  	v16 =	vld.idx.msk [tilespmem:v16+s18+$0x0], $0xffff  }
0x261: {  	v17 =	vsub.f32 @p0 v21, v15;
	_ =	sdelay $0x1  }
0x262: {  	v19 =	vadd.f32 @p1 v22, v19;
	vm0 =	vlt.s32 @p0 v23, v14;
	v17 =	vmax.f32 @p0 v17, $0.0e+00  }
0x263: {  	v17 =	vnsel @p0 vm0, $0x0, v17  }
0x264: {  	v19 =	vpsel p1, v19, v10;
	v17 =	vpsel p0, v17, v0;
	v15 =	vsub.f32 v16, v15  }
0x265: {  	v16 =	vadd.f32 @p0 v17, v19  }
0x266: {  	vm15 =	vlt.s32 v18, v14;
	v14 =	vmax.f32 v15, $0.0e+00  }
0x267: {  	v10 =	vpsel p0, v16, v10;
	v14 =	vnsel vm15, $0x0, v14  }
0x268: {  	v10 =	vadd.f32 v14, v10  }
.LBB2_70:
0x269: {  	(v2sf) =	vpush v12, $0x5  }
0x26a: {  	(v2sf) =	vpush v13, $0x5;
	_ =	sdelay $0xd  }
0x26b: {  	s24 =	spop (v2sf)  }
0x26c: {  	s25 =	spop (v2sf)  }
0x26d: {  	s24 =	scvt.f32.s32 s24;
	s26 =	scvt.f32.s32 s25  }
0x26e: {  	_ = 	snop  }
0x26f: {  	s25 =	ssub.s32 s26, s24  }
0x270: {  	s25 =	sadd.s32 $0xF, s25  }
0x271: {  	s25 =	sshra.s32 s25, $0x4  }
0x272: {  	p0 =	slt.s32 s25, $0x1  }
.Ltmp39:
0x273: {  	_ = 	snop;
	(pc) =	sbr.rel @p0 .LBB2_80-.Ltmp39, $1  }
0x274: {  	_ =	sdelay $0x3  }
0x275: {  	p2 =	sne.s32 s25, $0x1  }
.Ltmp40:
0x276: {  	_ = 	snop;
	(pc) =	sbr.rel @!p2 .LBB2_72-.Ltmp40, $4  }
0x277: {  	v18 =	vadd.s32 s24, v1  }
0x278: {  	vm0 =	vgt.s32 v18, $0x0  }
0x279: {  	s25 =	sadd.s32 $0xFFFFFFFF, s25;
	v16 =	vnsel vm0, $0x0, v18  }
0x27a: {  	v14 =	vmov s26;
	v15 =	vbroadcast v11, $0x5;
	s26 =	sadd.s32 $0x10, s24;
	p0 =	por $0x0, $0x0;
	p1 =	por $0x0, $0x0;
	v16 =	vmin.u32 v16, $0x1FFF  }
0x27b: {  	p2 =	sne.s32 s25, $0x1  }
.Ltmp41:
0x27c: {  	_ = 	snop;
	(pc) =	sbr.rel @!p2 .LBB2_74-.Ltmp41, $4  }
0x27d: {  	v17 =	vadd.s32 s26, v1  }
0x27e: {  	vm0 =	vgt.s32 v17, $0x0  }
0x27f: {  	v19 =	vnsel vm0, $0x0, v17  }
0x280: {  	v21 =	vld.idx.msk [tilespmem:v16+s18+$0x0], $0xffff;
	s24 =	sadd.s32 $0xFFFFFFFF, s25;
	s25 =	sadd.s32 $0x10, s26;
	p0 =	por $0x1, $0x1;
	v16 =	vmin.u32 v19, $0x1FFF  }
0x281: {  	_ =	sdelay $0x2  }
0x282: {  	v20 =	vadd.s32 s25, v1;
	p2 =	sne.s32 s24, $0x1  }
.Ltmp42:
0x283: {  	vm0 =	vgt.s32 v20, $0x0;
	v19 =	vsub.f32 v21, v15;
	(pc) =	sbr.rel @!p2 .LBB2_76-.Ltmp42, $4  }
0x284: {  	v22 =	vnsel vm0, $0x0, v20  }
0x285: {  	v21 =	vld.idx.msk [tilespmem:v16+s18+$0x0], $0xffff;
	v16 =	vmin.u32 v22, $0x1FFF  }
0x286: {  	vm15 =	vlt.s32 v18, v14;
	v18 =	vmax.f32 v19, $0.0e+00  }
0x287: {  	s24 =	sadd.s32 $0xFFFFFFFF, s24;
	s25 =	sadd.s32 $0x10, s25;
	p1 =	por $0x1, $0x1;
	v22 =	vnsel vm15, $0x0, v18;
	v19 =	vmov v10  }
.LBB2_77:
0x288: {  	v18 =	vadd.s32 s25, v1;
	p2 =	sne.s32 s24, $0x1;
	s24 =	sadd.s32 $0xFFFFFFFF, s24;
	v19 =	vadd.f32 v22, v19  }
.Ltmp43:
0x289: {  	vm0 =	vgt.s32 v18, $0x0;
	(pc) =	sbr.rel @p2 .LBB2_77-.Ltmp43, $4  }
0x28a: {  	v23 =	vsub.f32 v21, v15;
	v22 =	vnsel vm0, $0x0, v18;
	v21 =	vld.idx.msk [tilespmem:v16+s18+$0x0], $0xffff  }
0x28b: {  	v16 =	vmin.u32 v22, $0x1FFF  }
0x28c: {  	vm0 =	vlt.s32 v17, v14;
	v17 =	vmovc v20;
	v20 =	vmov v18;
	v22 =	vmax.f32 v23, $0.0e+00  }
0x28d: {  	s25 =	sadd.s32 $0x10, s25;
	v22 =	vnsel vm0, $0x0, v22  }
0x28e: {  	v23 =	vmov v17;
	v18 =	vmov v20  }
.LBB2_79:
0x28f: {  	_ =	sdelay $0x3  }
0x290: {  	v16 =	vld.idx.msk [tilespmem:v16+s18+$0x0], $0xffff  }
0x291: {  	v17 =	vsub.f32 @p0 v21, v15;
	_ =	sdelay $0x1  }
0x292: {  	v19 =	vadd.f32 @p1 v22, v19;
	vm0 =	vlt.s32 @p0 v23, v14;
	v17 =	vmax.f32 @p0 v17, $0.0e+00  }
0x293: {  	v17 =	vnsel @p0 vm0, $0x0, v17  }
0x294: {  	v19 =	vpsel p1, v19, v10;
	v17 =	vpsel p0, v17, v0;
	v15 =	vsub.f32 v16, v15  }
0x295: {  	v16 =	vadd.f32 @p0 v17, v19  }
0x296: {  	vm15 =	vlt.s32 v18, v14;
	v14 =	vmax.f32 v15, $0.0e+00  }
0x297: {  	v10 =	vpsel p0, v16, v10;
	v14 =	vnsel vm15, $0x0, v14  }
0x298: {  	v10 =	vadd.f32 v14, v10  }
.LBB2_80:
0x299: {  	(v2sf) =	vpush v12, $0x6  }
0x29a: {  	(v2sf) =	vpush v13, $0x6;
	_ =	sdelay $0xd  }
0x29b: {  	s24 =	spop (v2sf)  }
0x29c: {  	s25 =	spop (v2sf)  }
0x29d: {  	s24 =	scvt.f32.s32 s24;
	s26 =	scvt.f32.s32 s25  }
0x29e: {  	_ = 	snop  }
0x29f: {  	s25 =	ssub.s32 s26, s24  }
0x2a0: {  	s25 =	sadd.s32 $0xF, s25  }
0x2a1: {  	s25 =	sshra.s32 s25, $0x4  }
0x2a2: {  	p0 =	slt.s32 s25, $0x1  }
.Ltmp44:
0x2a3: {  	_ = 	snop;
	(pc) =	sbr.rel @p0 .LBB2_90-.Ltmp44, $1  }
0x2a4: {  	_ =	sdelay $0x3  }
0x2a5: {  	p2 =	sne.s32 s25, $0x1  }
.Ltmp45:
0x2a6: {  	_ = 	snop;
	(pc) =	sbr.rel @!p2 .LBB2_82-.Ltmp45, $4  }
0x2a7: {  	v18 =	vadd.s32 s24, v1  }
0x2a8: {  	vm0 =	vgt.s32 v18, $0x0  }
0x2a9: {  	s25 =	sadd.s32 $0xFFFFFFFF, s25;
	v16 =	vnsel vm0, $0x0, v18  }
0x2aa: {  	v14 =	vmov s26;
	v15 =	vbroadcast v11, $0x6;
	s26 =	sadd.s32 $0x10, s24;
	p0 =	por $0x0, $0x0;
	p1 =	por $0x0, $0x0;
	v16 =	vmin.u32 v16, $0x1FFF  }
0x2ab: {  	p2 =	sne.s32 s25, $0x1  }
.Ltmp46:
0x2ac: {  	_ = 	snop;
	(pc) =	sbr.rel @!p2 .LBB2_84-.Ltmp46, $4  }
0x2ad: {  	v17 =	vadd.s32 s26, v1  }
0x2ae: {  	vm0 =	vgt.s32 v17, $0x0  }
0x2af: {  	v19 =	vnsel vm0, $0x0, v17  }
0x2b0: {  	v21 =	vld.idx.msk [tilespmem:v16+s18+$0x0], $0xffff;
	s24 =	sadd.s32 $0xFFFFFFFF, s25;
	s25 =	sadd.s32 $0x10, s26;
	p0 =	por $0x1, $0x1;
	v16 =	vmin.u32 v19, $0x1FFF  }
0x2b1: {  	_ =	sdelay $0x2  }
0x2b2: {  	v20 =	vadd.s32 s25, v1;
	p2 =	sne.s32 s24, $0x1  }
.Ltmp47:
0x2b3: {  	vm0 =	vgt.s32 v20, $0x0;
	v19 =	vsub.f32 v21, v15;
	(pc) =	sbr.rel @!p2 .LBB2_86-.Ltmp47, $4  }
0x2b4: {  	v22 =	vnsel vm0, $0x0, v20  }
0x2b5: {  	v21 =	vld.idx.msk [tilespmem:v16+s18+$0x0], $0xffff;
	v16 =	vmin.u32 v22, $0x1FFF  }
0x2b6: {  	vm15 =	vlt.s32 v18, v14;
	v18 =	vmax.f32 v19, $0.0e+00  }
0x2b7: {  	s24 =	sadd.s32 $0xFFFFFFFF, s24;
	s25 =	sadd.s32 $0x10, s25;
	p1 =	por $0x1, $0x1;
	v22 =	vnsel vm15, $0x0, v18;
	v19 =	vmov v10  }
.LBB2_87:
0x2b8: {  	v18 =	vadd.s32 s25, v1;
	p2 =	sne.s32 s24, $0x1;
	s24 =	sadd.s32 $0xFFFFFFFF, s24;
	v19 =	vadd.f32 v22, v19  }
.Ltmp48:
0x2b9: {  	vm0 =	vgt.s32 v18, $0x0;
	(pc) =	sbr.rel @p2 .LBB2_87-.Ltmp48, $4  }
0x2ba: {  	v23 =	vsub.f32 v21, v15;
	v22 =	vnsel vm0, $0x0, v18;
	v21 =	vld.idx.msk [tilespmem:v16+s18+$0x0], $0xffff  }
0x2bb: {  	v16 =	vmin.u32 v22, $0x1FFF  }
0x2bc: {  	vm0 =	vlt.s32 v17, v14;
	v17 =	vmovc v20;
	v20 =	vmov v18;
	v22 =	vmax.f32 v23, $0.0e+00  }
0x2bd: {  	s25 =	sadd.s32 $0x10, s25;
	v22 =	vnsel vm0, $0x0, v22  }
0x2be: {  	v23 =	vmov v17;
	v18 =	vmov v20  }
.LBB2_89:
0x2bf: {  	_ =	sdelay $0x3  }
0x2c0: {  	v16 =	vld.idx.msk [tilespmem:v16+s18+$0x0], $0xffff  }
0x2c1: {  	v17 =	vsub.f32 @p0 v21, v15;
	_ =	sdelay $0x1  }
0x2c2: {  	v19 =	vadd.f32 @p1 v22, v19;
	vm0 =	vlt.s32 @p0 v23, v14;
	v17 =	vmax.f32 @p0 v17, $0.0e+00  }
0x2c3: {  	v17 =	vnsel @p0 vm0, $0x0, v17  }
0x2c4: {  	v19 =	vpsel p1, v19, v10;
	v17 =	vpsel p0, v17, v0;
	v15 =	vsub.f32 v16, v15  }
0x2c5: {  	v16 =	vadd.f32 @p0 v17, v19  }
0x2c6: {  	vm15 =	vlt.s32 v18, v14;
	v14 =	vmax.f32 v15, $0.0e+00  }
0x2c7: {  	v10 =	vpsel p0, v16, v10;
	v14 =	vnsel vm15, $0x0, v14  }
0x2c8: {  	v10 =	vadd.f32 v14, v10  }
.LBB2_90:
0x2c9: {  	(v2sf) =	vpush v12, $0x7  }
0x2ca: {  	(v2sf) =	vpush v13, $0x7;
	_ =	sdelay $0xd  }
0x2cb: {  	s24 =	spop (v2sf)  }
0x2cc: {  	s25 =	spop (v2sf)  }
0x2cd: {  	s24 =	scvt.f32.s32 s24;
	s26 =	scvt.f32.s32 s25  }
0x2ce: {  	_ = 	snop  }
0x2cf: {  	s25 =	ssub.s32 s26, s24  }
0x2d0: {  	s25 =	sadd.s32 $0xF, s25  }
0x2d1: {  	s25 =	sshra.s32 s25, $0x4  }
0x2d2: {  	p0 =	slt.s32 s25, $0x1  }
.Ltmp49:
0x2d3: {  	_ = 	snop;
	(pc) =	sbr.rel @p0 .LBB2_100-.Ltmp49, $1  }
0x2d4: {  	_ =	sdelay $0x3  }
0x2d5: {  	p2 =	sne.s32 s25, $0x1  }
.Ltmp50:
0x2d6: {  	_ = 	snop;
	(pc) =	sbr.rel @!p2 .LBB2_92-.Ltmp50, $4  }
0x2d7: {  	v18 =	vadd.s32 s24, v1  }
0x2d8: {  	vm0 =	vgt.s32 v18, $0x0  }
0x2d9: {  	s25 =	sadd.s32 $0xFFFFFFFF, s25;
	v16 =	vnsel vm0, $0x0, v18  }
0x2da: {  	v14 =	vmov s26;
	v15 =	vbroadcast v11, $0x7;
	s26 =	sadd.s32 $0x10, s24;
	p0 =	por $0x0, $0x0;
	p1 =	por $0x0, $0x0;
	v16 =	vmin.u32 v16, $0x1FFF  }
0x2db: {  	p2 =	sne.s32 s25, $0x1  }
.Ltmp51:
0x2dc: {  	_ = 	snop;
	(pc) =	sbr.rel @!p2 .LBB2_94-.Ltmp51, $4  }
0x2dd: {  	v17 =	vadd.s32 s26, v1  }
0x2de: {  	vm0 =	vgt.s32 v17, $0x0  }
0x2df: {  	v19 =	vnsel vm0, $0x0, v17  }
0x2e0: {  	v21 =	vld.idx.msk [tilespmem:v16+s18+$0x0], $0xffff;
	s24 =	sadd.s32 $0xFFFFFFFF, s25;
	s25 =	sadd.s32 $0x10, s26;
	p0 =	por $0x1, $0x1;
	v16 =	vmin.u32 v19, $0x1FFF  }
0x2e1: {  	_ =	sdelay $0x2  }
0x2e2: {  	v20 =	vadd.s32 s25, v1;
	p2 =	sne.s32 s24, $0x1  }
.Ltmp52:
0x2e3: {  	vm0 =	vgt.s32 v20, $0x0;
	v19 =	vsub.f32 v21, v15;
	(pc) =	sbr.rel @!p2 .LBB2_96-.Ltmp52, $4  }
0x2e4: {  	v22 =	vnsel vm0, $0x0, v20  }
0x2e5: {  	v21 =	vld.idx.msk [tilespmem:v16+s18+$0x0], $0xffff;
	v16 =	vmin.u32 v22, $0x1FFF  }
0x2e6: {  	vm15 =	vlt.s32 v18, v14;
	v18 =	vmax.f32 v19, $0.0e+00  }
0x2e7: {  	s24 =	sadd.s32 $0xFFFFFFFF, s24;
	s25 =	sadd.s32 $0x10, s25;
	p1 =	por $0x1, $0x1;
	v22 =	vnsel vm15, $0x0, v18;
	v19 =	vmov v10  }
.LBB2_97:
0x2e8: {  	v18 =	vadd.s32 s25, v1;
	p2 =	sne.s32 s24, $0x1;
	s24 =	sadd.s32 $0xFFFFFFFF, s24;
	v19 =	vadd.f32 v22, v19  }
.Ltmp53:
0x2e9: {  	vm0 =	vgt.s32 v18, $0x0;
	(pc) =	sbr.rel @p2 .LBB2_97-.Ltmp53, $4  }
0x2ea: {  	v23 =	vsub.f32 v21, v15;
	v22 =	vnsel vm0, $0x0, v18;
	v21 =	vld.idx.msk [tilespmem:v16+s18+$0x0], $0xffff  }
0x2eb: {  	v16 =	vmin.u32 v22, $0x1FFF  }
0x2ec: {  	vm0 =	vlt.s32 v17, v14;
	v17 =	vmovc v20;
	v20 =	vmov v18;
	v22 =	vmax.f32 v23, $0.0e+00  }
0x2ed: {  	s25 =	sadd.s32 $0x10, s25;
	v22 =	vnsel vm0, $0x0, v22  }
0x2ee: {  	v23 =	vmov v17;
	v18 =	vmov v20  }
.LBB2_99:
0x2ef: {  	_ =	sdelay $0x3  }
0x2f0: {  	v16 =	vld.idx.msk [tilespmem:v16+s18+$0x0], $0xffff  }
0x2f1: {  	v17 =	vsub.f32 @p0 v21, v15;
	_ =	sdelay $0x1  }
0x2f2: {  	v19 =	vadd.f32 @p1 v22, v19;
	vm0 =	vlt.s32 @p0 v23, v14;
	v17 =	vmax.f32 @p0 v17, $0.0e+00  }
0x2f3: {  	v17 =	vnsel @p0 vm0, $0x0, v17  }
0x2f4: {  	v19 =	vpsel p1, v19, v10;
	v17 =	vpsel p0, v17, v0;
	v15 =	vsub.f32 v16, v15  }
0x2f5: {  	v16 =	vadd.f32 @p0 v17, v19  }
0x2f6: {  	vm15 =	vlt.s32 v18, v14;
	v14 =	vmax.f32 v15, $0.0e+00  }
0x2f7: {  	v10 =	vpsel p0, v16, v10;
	v14 =	vnsel vm15, $0x0, v14  }
0x2f8: {  	v10 =	vadd.f32 v14, v10  }
.LBB2_100:
0x2f9: {  	(v2sf) =	vpush v12, $0x8  }
0x2fa: {  	(v2sf) =	vpush v13, $0x8;
	_ =	sdelay $0xd  }
0x2fb: {  	s24 =	spop (v2sf)  }
0x2fc: {  	s25 =	spop (v2sf)  }
0x2fd: {  	s24 =	scvt.f32.s32 s24;
	s26 =	scvt.f32.s32 s25  }
0x2fe: {  	_ = 	snop  }
0x2ff: {  	s25 =	ssub.s32 s26, s24  }
0x300: {  	s25 =	sadd.s32 $0xF, s25  }
0x301: {  	s25 =	sshra.s32 s25, $0x4  }
0x302: {  	p0 =	slt.s32 s25, $0x1  }
.Ltmp54:
0x303: {  	_ = 	snop;
	(pc) =	sbr.rel @p0 .LBB2_110-.Ltmp54, $1  }
0x304: {  	_ =	sdelay $0x3  }
0x305: {  	p2 =	sne.s32 s25, $0x1  }
.Ltmp55:
0x306: {  	_ = 	snop;
	(pc) =	sbr.rel @!p2 .LBB2_102-.Ltmp55, $4  }
0x307: {  	v18 =	vadd.s32 s24, v1  }
0x308: {  	vm0 =	vgt.s32 v18, $0x0  }
0x309: {  	s25 =	sadd.s32 $0xFFFFFFFF, s25;
	v16 =	vnsel vm0, $0x0, v18  }
0x30a: {  	v14 =	vmov s26;
	v15 =	vbroadcast v11, $0x8;
	s26 =	sadd.s32 $0x10, s24;
	p0 =	por $0x0, $0x0;
	p1 =	por $0x0, $0x0;
	v16 =	vmin.u32 v16, $0x1FFF  }
0x30b: {  	p2 =	sne.s32 s25, $0x1  }
.Ltmp56:
0x30c: {  	_ = 	snop;
	(pc) =	sbr.rel @!p2 .LBB2_104-.Ltmp56, $4  }
0x30d: {  	v17 =	vadd.s32 s26, v1  }
0x30e: {  	vm0 =	vgt.s32 v17, $0x0  }
0x30f: {  	v19 =	vnsel vm0, $0x0, v17  }
0x310: {  	v21 =	vld.idx.msk [tilespmem:v16+s18+$0x0], $0xffff;
	s24 =	sadd.s32 $0xFFFFFFFF, s25;
	s25 =	sadd.s32 $0x10, s26;
	p0 =	por $0x1, $0x1;
	v16 =	vmin.u32 v19, $0x1FFF  }
0x311: {  	_ =	sdelay $0x2  }
0x312: {  	v20 =	vadd.s32 s25, v1;
	p2 =	sne.s32 s24, $0x1  }
.Ltmp57:
0x313: {  	vm0 =	vgt.s32 v20, $0x0;
	v19 =	vsub.f32 v21, v15;
	(pc) =	sbr.rel @!p2 .LBB2_106-.Ltmp57, $4  }
0x314: {  	v22 =	vnsel vm0, $0x0, v20  }
0x315: {  	v21 =	vld.idx.msk [tilespmem:v16+s18+$0x0], $0xffff;
	v16 =	vmin.u32 v22, $0x1FFF  }
0x316: {  	vm15 =	vlt.s32 v18, v14;
	v18 =	vmax.f32 v19, $0.0e+00  }
0x317: {  	s24 =	sadd.s32 $0xFFFFFFFF, s24;
	s25 =	sadd.s32 $0x10, s25;
	p1 =	por $0x1, $0x1;
	v22 =	vnsel vm15, $0x0, v18;
	v19 =	vmov v10  }
.LBB2_107:
0x318: {  	v18 =	vadd.s32 s25, v1;
	p2 =	sne.s32 s24, $0x1;
	s24 =	sadd.s32 $0xFFFFFFFF, s24;
	v19 =	vadd.f32 v22, v19  }
.Ltmp58:
0x319: {  	vm0 =	vgt.s32 v18, $0x0;
	(pc) =	sbr.rel @p2 .LBB2_107-.Ltmp58, $4  }
0x31a: {  	v23 =	vsub.f32 v21, v15;
	v22 =	vnsel vm0, $0x0, v18;
	v21 =	vld.idx.msk [tilespmem:v16+s18+$0x0], $0xffff  }
0x31b: {  	v16 =	vmin.u32 v22, $0x1FFF  }
0x31c: {  	vm0 =	vlt.s32 v17, v14;
	v17 =	vmovc v20;
	v20 =	vmov v18;
	v22 =	vmax.f32 v23, $0.0e+00  }
0x31d: {  	s25 =	sadd.s32 $0x10, s25;
	v22 =	vnsel vm0, $0x0, v22  }
0x31e: {  	v23 =	vmov v17;
	v18 =	vmov v20  }
.LBB2_109:
0x31f: {  	_ =	sdelay $0x3  }
0x320: {  	v16 =	vld.idx.msk [tilespmem:v16+s18+$0x0], $0xffff  }
0x321: {  	v17 =	vsub.f32 @p0 v21, v15;
	_ =	sdelay $0x1  }
0x322: {  	v19 =	vadd.f32 @p1 v22, v19;
	vm0 =	vlt.s32 @p0 v23, v14;
	v17 =	vmax.f32 @p0 v17, $0.0e+00  }
0x323: {  	v17 =	vnsel @p0 vm0, $0x0, v17  }
0x324: {  	v19 =	vpsel p1, v19, v10;
	v17 =	vpsel p0, v17, v0;
	v15 =	vsub.f32 v16, v15  }
0x325: {  	v16 =	vadd.f32 @p0 v17, v19  }
0x326: {  	vm15 =	vlt.s32 v18, v14;
	v14 =	vmax.f32 v15, $0.0e+00  }
0x327: {  	v10 =	vpsel p0, v16, v10;
	v14 =	vnsel vm15, $0x0, v14  }
0x328: {  	v10 =	vadd.f32 v14, v10  }
.LBB2_110:
0x329: {  	(v2sf) =	vpush v12, $0x9  }
0x32a: {  	(v2sf) =	vpush v13, $0x9;
	_ =	sdelay $0xd  }
0x32b: {  	s24 =	spop (v2sf)  }
0x32c: {  	s25 =	spop (v2sf)  }
0x32d: {  	s24 =	scvt.f32.s32 s24;
	s26 =	scvt.f32.s32 s25  }
0x32e: {  	_ = 	snop  }
0x32f: {  	s25 =	ssub.s32 s26, s24  }
0x330: {  	s25 =	sadd.s32 $0xF, s25  }
0x331: {  	s25 =	sshra.s32 s25, $0x4  }
0x332: {  	p0 =	slt.s32 s25, $0x1  }
.Ltmp59:
0x333: {  	_ = 	snop;
	(pc) =	sbr.rel @p0 .LBB2_120-.Ltmp59, $1  }
0x334: {  	_ =	sdelay $0x3  }
0x335: {  	p2 =	sne.s32 s25, $0x1  }
.Ltmp60:
0x336: {  	_ = 	snop;
	(pc) =	sbr.rel @!p2 .LBB2_112-.Ltmp60, $4  }
0x337: {  	v18 =	vadd.s32 s24, v1  }
0x338: {  	vm0 =	vgt.s32 v18, $0x0  }
0x339: {  	s25 =	sadd.s32 $0xFFFFFFFF, s25;
	v16 =	vnsel vm0, $0x0, v18  }
0x33a: {  	v14 =	vmov s26;
	v15 =	vbroadcast v11, $0x9;
	s26 =	sadd.s32 $0x10, s24;
	p0 =	por $0x0, $0x0;
	p1 =	por $0x0, $0x0;
	v16 =	vmin.u32 v16, $0x1FFF  }
0x33b: {  	p2 =	sne.s32 s25, $0x1  }
.Ltmp61:
0x33c: {  	_ = 	snop;
	(pc) =	sbr.rel @!p2 .LBB2_114-.Ltmp61, $4  }
0x33d: {  	v17 =	vadd.s32 s26, v1  }
0x33e: {  	vm0 =	vgt.s32 v17, $0x0  }
0x33f: {  	v19 =	vnsel vm0, $0x0, v17  }
0x340: {  	v21 =	vld.idx.msk [tilespmem:v16+s18+$0x0], $0xffff;
	s24 =	sadd.s32 $0xFFFFFFFF, s25;
	s25 =	sadd.s32 $0x10, s26;
	p0 =	por $0x1, $0x1;
	v16 =	vmin.u32 v19, $0x1FFF  }
0x341: {  	_ =	sdelay $0x2  }
0x342: {  	v20 =	vadd.s32 s25, v1;
	p2 =	sne.s32 s24, $0x1  }
.Ltmp62:
0x343: {  	vm0 =	vgt.s32 v20, $0x0;
	v19 =	vsub.f32 v21, v15;
	(pc) =	sbr.rel @!p2 .LBB2_116-.Ltmp62, $4  }
0x344: {  	v22 =	vnsel vm0, $0x0, v20  }
0x345: {  	v21 =	vld.idx.msk [tilespmem:v16+s18+$0x0], $0xffff;
	v16 =	vmin.u32 v22, $0x1FFF  }
0x346: {  	vm15 =	vlt.s32 v18, v14;
	v18 =	vmax.f32 v19, $0.0e+00  }
0x347: {  	s24 =	sadd.s32 $0xFFFFFFFF, s24;
	s25 =	sadd.s32 $0x10, s25;
	p1 =	por $0x1, $0x1;
	v22 =	vnsel vm15, $0x0, v18;
	v19 =	vmov v10  }
.LBB2_117:
0x348: {  	v18 =	vadd.s32 s25, v1;
	p2 =	sne.s32 s24, $0x1;
	s24 =	sadd.s32 $0xFFFFFFFF, s24;
	v19 =	vadd.f32 v22, v19  }
.Ltmp63:
0x349: {  	vm0 =	vgt.s32 v18, $0x0;
	(pc) =	sbr.rel @p2 .LBB2_117-.Ltmp63, $4  }
0x34a: {  	v23 =	vsub.f32 v21, v15;
	v22 =	vnsel vm0, $0x0, v18;
	v21 =	vld.idx.msk [tilespmem:v16+s18+$0x0], $0xffff  }
0x34b: {  	v16 =	vmin.u32 v22, $0x1FFF  }
0x34c: {  	vm0 =	vlt.s32 v17, v14;
	v17 =	vmovc v20;
	v20 =	vmov v18;
	v22 =	vmax.f32 v23, $0.0e+00  }
0x34d: {  	s25 =	sadd.s32 $0x10, s25;
	v22 =	vnsel vm0, $0x0, v22  }
0x34e: {  	v23 =	vmov v17;
	v18 =	vmov v20  }
.LBB2_119:
0x34f: {  	_ =	sdelay $0x3  }
0x350: {  	v16 =	vld.idx.msk [tilespmem:v16+s18+$0x0], $0xffff  }
0x351: {  	v17 =	vsub.f32 @p0 v21, v15;
	_ =	sdelay $0x1  }
0x352: {  	v19 =	vadd.f32 @p1 v22, v19;
	vm0 =	vlt.s32 @p0 v23, v14;
	v17 =	vmax.f32 @p0 v17, $0.0e+00  }
0x353: {  	v17 =	vnsel @p0 vm0, $0x0, v17  }
0x354: {  	v19 =	vpsel p1, v19, v10;
	v17 =	vpsel p0, v17, v0;
	v15 =	vsub.f32 v16, v15  }
0x355: {  	v16 =	vadd.f32 @p0 v17, v19  }
0x356: {  	vm15 =	vlt.s32 v18, v14;
	v14 =	vmax.f32 v15, $0.0e+00  }
0x357: {  	v10 =	vpsel p0, v16, v10;
	v14 =	vnsel vm15, $0x0, v14  }
0x358: {  	v10 =	vadd.f32 v14, v10  }
.LBB2_120:
0x359: {  	(v2sf) =	vpush v12, $0xA  }
0x35a: {  	(v2sf) =	vpush v13, $0xA;
	_ =	sdelay $0xd  }
0x35b: {  	s24 =	spop (v2sf)  }
0x35c: {  	s25 =	spop (v2sf)  }
0x35d: {  	s24 =	scvt.f32.s32 s24;
	s26 =	scvt.f32.s32 s25  }
0x35e: {  	_ = 	snop  }
0x35f: {  	s25 =	ssub.s32 s26, s24  }
0x360: {  	s25 =	sadd.s32 $0xF, s25  }
0x361: {  	s25 =	sshra.s32 s25, $0x4  }
0x362: {  	p0 =	slt.s32 s25, $0x1  }
.Ltmp64:
0x363: {  	_ = 	snop;
	(pc) =	sbr.rel @p0 .LBB2_130-.Ltmp64, $1  }
0x364: {  	_ =	sdelay $0x3  }
0x365: {  	p2 =	sne.s32 s25, $0x1  }
.Ltmp65:
0x366: {  	_ = 	snop;
	(pc) =	sbr.rel @!p2 .LBB2_122-.Ltmp65, $4  }
0x367: {  	v18 =	vadd.s32 s24, v1  }
0x368: {  	vm0 =	vgt.s32 v18, $0x0  }
0x369: {  	s25 =	sadd.s32 $0xFFFFFFFF, s25;
	v16 =	vnsel vm0, $0x0, v18  }
0x36a: {  	v14 =	vmov s26;
	v15 =	vbroadcast v11, $0xA;
	s26 =	sadd.s32 $0x10, s24;
	p0 =	por $0x0, $0x0;
	p1 =	por $0x0, $0x0;
	v16 =	vmin.u32 v16, $0x1FFF  }
0x36b: {  	p2 =	sne.s32 s25, $0x1  }
.Ltmp66:
0x36c: {  	_ = 	snop;
	(pc) =	sbr.rel @!p2 .LBB2_124-.Ltmp66, $4  }
0x36d: {  	v17 =	vadd.s32 s26, v1  }
0x36e: {  	vm0 =	vgt.s32 v17, $0x0  }
0x36f: {  	v19 =	vnsel vm0, $0x0, v17  }
0x370: {  	v21 =	vld.idx.msk [tilespmem:v16+s18+$0x0], $0xffff;
	s24 =	sadd.s32 $0xFFFFFFFF, s25;
	s25 =	sadd.s32 $0x10, s26;
	p0 =	por $0x1, $0x1;
	v16 =	vmin.u32 v19, $0x1FFF  }
0x371: {  	_ =	sdelay $0x2  }
0x372: {  	v20 =	vadd.s32 s25, v1;
	p2 =	sne.s32 s24, $0x1  }
.Ltmp67:
0x373: {  	vm0 =	vgt.s32 v20, $0x0;
	v19 =	vsub.f32 v21, v15;
	(pc) =	sbr.rel @!p2 .LBB2_126-.Ltmp67, $4  }
0x374: {  	v22 =	vnsel vm0, $0x0, v20  }
0x375: {  	v21 =	vld.idx.msk [tilespmem:v16+s18+$0x0], $0xffff;
	v16 =	vmin.u32 v22, $0x1FFF  }
0x376: {  	vm15 =	vlt.s32 v18, v14;
	v18 =	vmax.f32 v19, $0.0e+00  }
0x377: {  	s24 =	sadd.s32 $0xFFFFFFFF, s24;
	s25 =	sadd.s32 $0x10, s25;
	p1 =	por $0x1, $0x1;
	v22 =	vnsel vm15, $0x0, v18;
	v19 =	vmov v10  }
.LBB2_127:
0x378: {  	v18 =	vadd.s32 s25, v1;
	p2 =	sne.s32 s24, $0x1;
	s24 =	sadd.s32 $0xFFFFFFFF, s24;
	v19 =	vadd.f32 v22, v19  }
.Ltmp68:
0x379: {  	vm0 =	vgt.s32 v18, $0x0;
	(pc) =	sbr.rel @p2 .LBB2_127-.Ltmp68, $4  }
0x37a: {  	v23 =	vsub.f32 v21, v15;
	v22 =	vnsel vm0, $0x0, v18;
	v21 =	vld.idx.msk [tilespmem:v16+s18+$0x0], $0xffff  }
0x37b: {  	v16 =	vmin.u32 v22, $0x1FFF  }
0x37c: {  	vm0 =	vlt.s32 v17, v14;
	v17 =	vmovc v20;
	v20 =	vmov v18;
	v22 =	vmax.f32 v23, $0.0e+00  }
0x37d: {  	s25 =	sadd.s32 $0x10, s25;
	v22 =	vnsel vm0, $0x0, v22  }
0x37e: {  	v23 =	vmov v17;
	v18 =	vmov v20  }
.LBB2_129:
0x37f: {  	_ =	sdelay $0x3  }
0x380: {  	v16 =	vld.idx.msk [tilespmem:v16+s18+$0x0], $0xffff  }
0x381: {  	v17 =	vsub.f32 @p0 v21, v15;
	_ =	sdelay $0x1  }
0x382: {  	v19 =	vadd.f32 @p1 v22, v19;
	vm0 =	vlt.s32 @p0 v23, v14;
	v17 =	vmax.f32 @p0 v17, $0.0e+00  }
0x383: {  	v17 =	vnsel @p0 vm0, $0x0, v17  }
0x384: {  	v19 =	vpsel p1, v19, v10;
	v17 =	vpsel p0, v17, v0;
	v15 =	vsub.f32 v16, v15  }
0x385: {  	v16 =	vadd.f32 @p0 v17, v19  }
0x386: {  	vm15 =	vlt.s32 v18, v14;
	v14 =	vmax.f32 v15, $0.0e+00  }
0x387: {  	v10 =	vpsel p0, v16, v10;
	v14 =	vnsel vm15, $0x0, v14  }
0x388: {  	v10 =	vadd.f32 v14, v10  }
.LBB2_130:
0x389: {  	(v2sf) =	vpush v12, $0xB  }
0x38a: {  	(v2sf) =	vpush v13, $0xB;
	_ =	sdelay $0xd  }
0x38b: {  	s24 =	spop (v2sf)  }
0x38c: {  	s25 =	spop (v2sf)  }
0x38d: {  	s24 =	scvt.f32.s32 s24;
	s26 =	scvt.f32.s32 s25  }
0x38e: {  	_ = 	snop  }
0x38f: {  	s25 =	ssub.s32 s26, s24  }
0x390: {  	s25 =	sadd.s32 $0xF, s25  }
0x391: {  	s25 =	sshra.s32 s25, $0x4  }
0x392: {  	p0 =	slt.s32 s25, $0x1  }
.Ltmp69:
0x393: {  	_ = 	snop;
	(pc) =	sbr.rel @p0 .LBB2_140-.Ltmp69, $1  }
0x394: {  	_ =	sdelay $0x3  }
0x395: {  	p2 =	sne.s32 s25, $0x1  }
.Ltmp70:
0x396: {  	_ = 	snop;
	(pc) =	sbr.rel @!p2 .LBB2_132-.Ltmp70, $4  }
0x397: {  	v18 =	vadd.s32 s24, v1  }
0x398: {  	vm0 =	vgt.s32 v18, $0x0  }
0x399: {  	s25 =	sadd.s32 $0xFFFFFFFF, s25;
	v16 =	vnsel vm0, $0x0, v18  }
0x39a: {  	v14 =	vmov s26;
	v15 =	vbroadcast v11, $0xB;
	s26 =	sadd.s32 $0x10, s24;
	p0 =	por $0x0, $0x0;
	p1 =	por $0x0, $0x0;
	v16 =	vmin.u32 v16, $0x1FFF  }
0x39b: {  	p2 =	sne.s32 s25, $0x1  }
.Ltmp71:
0x39c: {  	_ = 	snop;
	(pc) =	sbr.rel @!p2 .LBB2_134-.Ltmp71, $4  }
0x39d: {  	v17 =	vadd.s32 s26, v1  }
0x39e: {  	vm0 =	vgt.s32 v17, $0x0  }
0x39f: {  	v19 =	vnsel vm0, $0x0, v17  }
0x3a0: {  	v21 =	vld.idx.msk [tilespmem:v16+s18+$0x0], $0xffff;
	s24 =	sadd.s32 $0xFFFFFFFF, s25;
	s25 =	sadd.s32 $0x10, s26;
	p0 =	por $0x1, $0x1;
	v16 =	vmin.u32 v19, $0x1FFF  }
0x3a1: {  	_ =	sdelay $0x2  }
0x3a2: {  	v20 =	vadd.s32 s25, v1;
	p2 =	sne.s32 s24, $0x1  }
.Ltmp72:
0x3a3: {  	vm0 =	vgt.s32 v20, $0x0;
	v19 =	vsub.f32 v21, v15;
	(pc) =	sbr.rel @!p2 .LBB2_136-.Ltmp72, $4  }
0x3a4: {  	v22 =	vnsel vm0, $0x0, v20  }
0x3a5: {  	v21 =	vld.idx.msk [tilespmem:v16+s18+$0x0], $0xffff;
	v16 =	vmin.u32 v22, $0x1FFF  }
0x3a6: {  	vm15 =	vlt.s32 v18, v14;
	v18 =	vmax.f32 v19, $0.0e+00  }
0x3a7: {  	s24 =	sadd.s32 $0xFFFFFFFF, s24;
	s25 =	sadd.s32 $0x10, s25;
	p1 =	por $0x1, $0x1;
	v22 =	vnsel vm15, $0x0, v18;
	v19 =	vmov v10  }
.LBB2_137:
0x3a8: {  	v18 =	vadd.s32 s25, v1;
	p2 =	sne.s32 s24, $0x1;
	s24 =	sadd.s32 $0xFFFFFFFF, s24;
	v19 =	vadd.f32 v22, v19  }
.Ltmp73:
0x3a9: {  	vm0 =	vgt.s32 v18, $0x0;
	(pc) =	sbr.rel @p2 .LBB2_137-.Ltmp73, $4  }
0x3aa: {  	v23 =	vsub.f32 v21, v15;
	v22 =	vnsel vm0, $0x0, v18;
	v21 =	vld.idx.msk [tilespmem:v16+s18+$0x0], $0xffff  }
0x3ab: {  	v16 =	vmin.u32 v22, $0x1FFF  }
0x3ac: {  	vm0 =	vlt.s32 v17, v14;
	v17 =	vmovc v20;
	v20 =	vmov v18;
	v22 =	vmax.f32 v23, $0.0e+00  }
0x3ad: {  	s25 =	sadd.s32 $0x10, s25;
	v22 =	vnsel vm0, $0x0, v22  }
0x3ae: {  	v23 =	vmov v17;
	v18 =	vmov v20  }
.LBB2_139:
0x3af: {  	_ =	sdelay $0x3  }
0x3b0: {  	v16 =	vld.idx.msk [tilespmem:v16+s18+$0x0], $0xffff  }
0x3b1: {  	v17 =	vsub.f32 @p0 v21, v15;
	_ =	sdelay $0x1  }
0x3b2: {  	v19 =	vadd.f32 @p1 v22, v19;
	vm0 =	vlt.s32 @p0 v23, v14;
	v17 =	vmax.f32 @p0 v17, $0.0e+00  }
0x3b3: {  	v17 =	vnsel @p0 vm0, $0x0, v17  }
0x3b4: {  	v19 =	vpsel p1, v19, v10;
	v17 =	vpsel p0, v17, v0;
	v15 =	vsub.f32 v16, v15  }
0x3b5: {  	v16 =	vadd.f32 @p0 v17, v19  }
0x3b6: {  	vm15 =	vlt.s32 v18, v14;
	v14 =	vmax.f32 v15, $0.0e+00  }
0x3b7: {  	v10 =	vpsel p0, v16, v10;
	v14 =	vnsel vm15, $0x0, v14  }
0x3b8: {  	v10 =	vadd.f32 v14, v10  }
.LBB2_140:
0x3b9: {  	(v2sf) =	vpush v12, $0xC  }
0x3ba: {  	(v2sf) =	vpush v13, $0xC;
	_ =	sdelay $0xd  }
0x3bb: {  	s24 =	spop (v2sf)  }
0x3bc: {  	s25 =	spop (v2sf)  }
0x3bd: {  	s24 =	scvt.f32.s32 s24;
	s26 =	scvt.f32.s32 s25  }
0x3be: {  	_ = 	snop  }
0x3bf: {  	s25 =	ssub.s32 s26, s24  }
0x3c0: {  	s25 =	sadd.s32 $0xF, s25  }
0x3c1: {  	s25 =	sshra.s32 s25, $0x4  }
0x3c2: {  	p0 =	slt.s32 s25, $0x1  }
.Ltmp74:
0x3c3: {  	_ = 	snop;
	(pc) =	sbr.rel @p0 .LBB2_150-.Ltmp74, $1  }
0x3c4: {  	_ =	sdelay $0x3  }
0x3c5: {  	p2 =	sne.s32 s25, $0x1  }
.Ltmp75:
0x3c6: {  	_ = 	snop;
	(pc) =	sbr.rel @!p2 .LBB2_142-.Ltmp75, $4  }
0x3c7: {  	v18 =	vadd.s32 s24, v1  }
0x3c8: {  	vm0 =	vgt.s32 v18, $0x0  }
0x3c9: {  	s25 =	sadd.s32 $0xFFFFFFFF, s25;
	v16 =	vnsel vm0, $0x0, v18  }
0x3ca: {  	v14 =	vmov s26;
	v15 =	vbroadcast v11, $0xC;
	s26 =	sadd.s32 $0x10, s24;
	p0 =	por $0x0, $0x0;
	p1 =	por $0x0, $0x0;
	v16 =	vmin.u32 v16, $0x1FFF  }
0x3cb: {  	p2 =	sne.s32 s25, $0x1  }
.Ltmp76:
0x3cc: {  	_ = 	snop;
	(pc) =	sbr.rel @!p2 .LBB2_144-.Ltmp76, $4  }
0x3cd: {  	v17 =	vadd.s32 s26, v1  }
0x3ce: {  	vm0 =	vgt.s32 v17, $0x0  }
0x3cf: {  	v19 =	vnsel vm0, $0x0, v17  }
0x3d0: {  	v21 =	vld.idx.msk [tilespmem:v16+s18+$0x0], $0xffff;
	s24 =	sadd.s32 $0xFFFFFFFF, s25;
	s25 =	sadd.s32 $0x10, s26;
	p0 =	por $0x1, $0x1;
	v16 =	vmin.u32 v19, $0x1FFF  }
0x3d1: {  	_ =	sdelay $0x2  }
0x3d2: {  	v20 =	vadd.s32 s25, v1;
	p2 =	sne.s32 s24, $0x1  }
.Ltmp77:
0x3d3: {  	vm0 =	vgt.s32 v20, $0x0;
	v19 =	vsub.f32 v21, v15;
	(pc) =	sbr.rel @!p2 .LBB2_146-.Ltmp77, $4  }
0x3d4: {  	v22 =	vnsel vm0, $0x0, v20  }
0x3d5: {  	v21 =	vld.idx.msk [tilespmem:v16+s18+$0x0], $0xffff;
	v16 =	vmin.u32 v22, $0x1FFF  }
0x3d6: {  	vm15 =	vlt.s32 v18, v14;
	v18 =	vmax.f32 v19, $0.0e+00  }
0x3d7: {  	s24 =	sadd.s32 $0xFFFFFFFF, s24;
	s25 =	sadd.s32 $0x10, s25;
	p1 =	por $0x1, $0x1;
	v22 =	vnsel vm15, $0x0, v18;
	v19 =	vmov v10  }
.LBB2_147:
0x3d8: {  	v18 =	vadd.s32 s25, v1;
	p2 =	sne.s32 s24, $0x1;
	s24 =	sadd.s32 $0xFFFFFFFF, s24;
	v19 =	vadd.f32 v22, v19  }
.Ltmp78:
0x3d9: {  	vm0 =	vgt.s32 v18, $0x0;
	(pc) =	sbr.rel @p2 .LBB2_147-.Ltmp78, $4  }
0x3da: {  	v23 =	vsub.f32 v21, v15;
	v22 =	vnsel vm0, $0x0, v18;
	v21 =	vld.idx.msk [tilespmem:v16+s18+$0x0], $0xffff  }
0x3db: {  	v16 =	vmin.u32 v22, $0x1FFF  }
0x3dc: {  	vm0 =	vlt.s32 v17, v14;
	v17 =	vmovc v20;
	v20 =	vmov v18;
	v22 =	vmax.f32 v23, $0.0e+00  }
0x3dd: {  	s25 =	sadd.s32 $0x10, s25;
	v22 =	vnsel vm0, $0x0, v22  }
0x3de: {  	v23 =	vmov v17;
	v18 =	vmov v20  }
.LBB2_149:
0x3df: {  	_ =	sdelay $0x3  }
0x3e0: {  	v16 =	vld.idx.msk [tilespmem:v16+s18+$0x0], $0xffff  }
0x3e1: {  	v17 =	vsub.f32 @p0 v21, v15;
	_ =	sdelay $0x1  }
0x3e2: {  	v19 =	vadd.f32 @p1 v22, v19;
	vm0 =	vlt.s32 @p0 v23, v14;
	v17 =	vmax.f32 @p0 v17, $0.0e+00  }
0x3e3: {  	v17 =	vnsel @p0 vm0, $0x0, v17  }
0x3e4: {  	v19 =	vpsel p1, v19, v10;
	v17 =	vpsel p0, v17, v0;
	v15 =	vsub.f32 v16, v15  }
0x3e5: {  	v16 =	vadd.f32 @p0 v17, v19  }
0x3e6: {  	vm15 =	vlt.s32 v18, v14;
	v14 =	vmax.f32 v15, $0.0e+00  }
0x3e7: {  	v10 =	vpsel p0, v16, v10;
	v14 =	vnsel vm15, $0x0, v14  }
0x3e8: {  	v10 =	vadd.f32 v14, v10  }
.LBB2_150:
0x3e9: {  	(v2sf) =	vpush v12, $0xD  }
0x3ea: {  	(v2sf) =	vpush v13, $0xD;
	_ =	sdelay $0xd  }
0x3eb: {  	s24 =	spop (v2sf)  }
0x3ec: {  	s25 =	spop (v2sf)  }
0x3ed: {  	s24 =	scvt.f32.s32 s24;
	s26 =	scvt.f32.s32 s25  }
0x3ee: {  	_ = 	snop  }
0x3ef: {  	s25 =	ssub.s32 s26, s24  }
0x3f0: {  	s25 =	sadd.s32 $0xF, s25  }
0x3f1: {  	s25 =	sshra.s32 s25, $0x4  }
0x3f2: {  	p0 =	slt.s32 s25, $0x1  }
.Ltmp79:
0x3f3: {  	_ = 	snop;
	(pc) =	sbr.rel @p0 .LBB2_160-.Ltmp79, $1  }
0x3f4: {  	_ =	sdelay $0x3  }
0x3f5: {  	p2 =	sne.s32 s25, $0x1  }
.Ltmp80:
0x3f6: {  	_ = 	snop;
	(pc) =	sbr.rel @!p2 .LBB2_152-.Ltmp80, $4  }
0x3f7: {  	v18 =	vadd.s32 s24, v1  }
0x3f8: {  	vm0 =	vgt.s32 v18, $0x0  }
0x3f9: {  	s25 =	sadd.s32 $0xFFFFFFFF, s25;
	v16 =	vnsel vm0, $0x0, v18  }
0x3fa: {  	v14 =	vmov s26;
	v15 =	vbroadcast v11, $0xD;
	s26 =	sadd.s32 $0x10, s24;
	p0 =	por $0x0, $0x0;
	p1 =	por $0x0, $0x0;
	v16 =	vmin.u32 v16, $0x1FFF  }
0x3fb: {  	p2 =	sne.s32 s25, $0x1  }
.Ltmp81:
0x3fc: {  	_ = 	snop;
	(pc) =	sbr.rel @!p2 .LBB2_154-.Ltmp81, $4  }
0x3fd: {  	v17 =	vadd.s32 s26, v1  }
0x3fe: {  	vm0 =	vgt.s32 v17, $0x0  }
0x3ff: {  	v19 =	vnsel vm0, $0x0, v17  }
0x400: {  	v21 =	vld.idx.msk [tilespmem:v16+s18+$0x0], $0xffff;
	s24 =	sadd.s32 $0xFFFFFFFF, s25;
	s25 =	sadd.s32 $0x10, s26;
	p0 =	por $0x1, $0x1;
	v16 =	vmin.u32 v19, $0x1FFF  }
0x401: {  	_ =	sdelay $0x2  }
0x402: {  	v20 =	vadd.s32 s25, v1;
	p2 =	sne.s32 s24, $0x1  }
.Ltmp82:
0x403: {  	vm0 =	vgt.s32 v20, $0x0;
	v19 =	vsub.f32 v21, v15;
	(pc) =	sbr.rel @!p2 .LBB2_156-.Ltmp82, $4  }
0x404: {  	v22 =	vnsel vm0, $0x0, v20  }
0x405: {  	v21 =	vld.idx.msk [tilespmem:v16+s18+$0x0], $0xffff;
	v16 =	vmin.u32 v22, $0x1FFF  }
0x406: {  	vm15 =	vlt.s32 v18, v14;
	v18 =	vmax.f32 v19, $0.0e+00  }
0x407: {  	s24 =	sadd.s32 $0xFFFFFFFF, s24;
	s25 =	sadd.s32 $0x10, s25;
	p1 =	por $0x1, $0x1;
	v22 =	vnsel vm15, $0x0, v18;
	v19 =	vmov v10  }
.LBB2_157:
0x408: {  	v18 =	vadd.s32 s25, v1;
	p2 =	sne.s32 s24, $0x1;
	s24 =	sadd.s32 $0xFFFFFFFF, s24;
	v19 =	vadd.f32 v22, v19  }
.Ltmp83:
0x409: {  	vm0 =	vgt.s32 v18, $0x0;
	(pc) =	sbr.rel @p2 .LBB2_157-.Ltmp83, $4  }
0x40a: {  	v23 =	vsub.f32 v21, v15;
	v22 =	vnsel vm0, $0x0, v18;
	v21 =	vld.idx.msk [tilespmem:v16+s18+$0x0], $0xffff  }
0x40b: {  	v16 =	vmin.u32 v22, $0x1FFF  }
0x40c: {  	vm0 =	vlt.s32 v17, v14;
	v17 =	vmovc v20;
	v20 =	vmov v18;
	v22 =	vmax.f32 v23, $0.0e+00  }
0x40d: {  	s25 =	sadd.s32 $0x10, s25;
	v22 =	vnsel vm0, $0x0, v22  }
0x40e: {  	v23 =	vmov v17;
	v18 =	vmov v20  }
.LBB2_159:
0x40f: {  	_ =	sdelay $0x3  }
0x410: {  	v16 =	vld.idx.msk [tilespmem:v16+s18+$0x0], $0xffff  }
0x411: {  	v17 =	vsub.f32 @p0 v21, v15;
	_ =	sdelay $0x1  }
0x412: {  	v19 =	vadd.f32 @p1 v22, v19;
	vm0 =	vlt.s32 @p0 v23, v14;
	v17 =	vmax.f32 @p0 v17, $0.0e+00  }
0x413: {  	v17 =	vnsel @p0 vm0, $0x0, v17  }
0x414: {  	v19 =	vpsel p1, v19, v10;
	v17 =	vpsel p0, v17, v0;
	v15 =	vsub.f32 v16, v15  }
0x415: {  	v16 =	vadd.f32 @p0 v17, v19  }
0x416: {  	vm15 =	vlt.s32 v18, v14;
	v14 =	vmax.f32 v15, $0.0e+00  }
0x417: {  	v10 =	vpsel p0, v16, v10;
	v14 =	vnsel vm15, $0x0, v14  }
0x418: {  	v10 =	vadd.f32 v14, v10  }
.LBB2_160:
0x419: {  	(v2sf) =	vpush v12, $0xE  }
0x41a: {  	(v2sf) =	vpush v13, $0xE;
	_ =	sdelay $0xd  }
0x41b: {  	s24 =	spop (v2sf)  }
0x41c: {  	s25 =	spop (v2sf)  }
0x41d: {  	s24 =	scvt.f32.s32 s24;
	s26 =	scvt.f32.s32 s25  }
0x41e: {  	_ = 	snop  }
0x41f: {  	s25 =	ssub.s32 s26, s24  }
0x420: {  	s25 =	sadd.s32 $0xF, s25  }
0x421: {  	s25 =	sshra.s32 s25, $0x4  }
0x422: {  	p0 =	slt.s32 s25, $0x1  }
.Ltmp84:
0x423: {  	_ = 	snop;
	(pc) =	sbr.rel @p0 .LBB2_170-.Ltmp84, $1  }
0x424: {  	_ =	sdelay $0x3  }
0x425: {  	p2 =	sne.s32 s25, $0x1  }
.Ltmp85:
0x426: {  	_ = 	snop;
	(pc) =	sbr.rel @!p2 .LBB2_162-.Ltmp85, $4  }
0x427: {  	v18 =	vadd.s32 s24, v1  }
0x428: {  	vm0 =	vgt.s32 v18, $0x0  }
0x429: {  	s25 =	sadd.s32 $0xFFFFFFFF, s25;
	v16 =	vnsel vm0, $0x0, v18  }
0x42a: {  	v14 =	vmov s26;
	v15 =	vbroadcast v11, $0xE;
	s26 =	sadd.s32 $0x10, s24;
	p0 =	por $0x0, $0x0;
	p1 =	por $0x0, $0x0;
	v16 =	vmin.u32 v16, $0x1FFF  }
0x42b: {  	p2 =	sne.s32 s25, $0x1  }
.Ltmp86:
0x42c: {  	_ = 	snop;
	(pc) =	sbr.rel @!p2 .LBB2_164-.Ltmp86, $4  }
0x42d: {  	v17 =	vadd.s32 s26, v1  }
0x42e: {  	vm0 =	vgt.s32 v17, $0x0  }
0x42f: {  	v19 =	vnsel vm0, $0x0, v17  }
0x430: {  	v21 =	vld.idx.msk [tilespmem:v16+s18+$0x0], $0xffff;
	s24 =	sadd.s32 $0xFFFFFFFF, s25;
	s25 =	sadd.s32 $0x10, s26;
	p0 =	por $0x1, $0x1;
	v16 =	vmin.u32 v19, $0x1FFF  }
0x431: {  	_ =	sdelay $0x2  }
0x432: {  	v20 =	vadd.s32 s25, v1;
	p2 =	sne.s32 s24, $0x1  }
.Ltmp87:
0x433: {  	vm0 =	vgt.s32 v20, $0x0;
	v19 =	vsub.f32 v21, v15;
	(pc) =	sbr.rel @!p2 .LBB2_166-.Ltmp87, $4  }
0x434: {  	v22 =	vnsel vm0, $0x0, v20  }
0x435: {  	v21 =	vld.idx.msk [tilespmem:v16+s18+$0x0], $0xffff;
	v16 =	vmin.u32 v22, $0x1FFF  }
0x436: {  	vm15 =	vlt.s32 v18, v14;
	v18 =	vmax.f32 v19, $0.0e+00  }
0x437: {  	s24 =	sadd.s32 $0xFFFFFFFF, s24;
	s25 =	sadd.s32 $0x10, s25;
	p1 =	por $0x1, $0x1;
	v22 =	vnsel vm15, $0x0, v18;
	v19 =	vmov v10  }
.LBB2_167:
0x438: {  	v18 =	vadd.s32 s25, v1;
	p2 =	sne.s32 s24, $0x1;
	s24 =	sadd.s32 $0xFFFFFFFF, s24;
	v19 =	vadd.f32 v22, v19  }
.Ltmp88:
0x439: {  	vm0 =	vgt.s32 v18, $0x0;
	(pc) =	sbr.rel @p2 .LBB2_167-.Ltmp88, $4  }
0x43a: {  	v23 =	vsub.f32 v21, v15;
	v22 =	vnsel vm0, $0x0, v18;
	v21 =	vld.idx.msk [tilespmem:v16+s18+$0x0], $0xffff  }
0x43b: {  	v16 =	vmin.u32 v22, $0x1FFF  }
0x43c: {  	vm0 =	vlt.s32 v17, v14;
	v17 =	vmovc v20;
	v20 =	vmov v18;
	v22 =	vmax.f32 v23, $0.0e+00  }
0x43d: {  	s25 =	sadd.s32 $0x10, s25;
	v22 =	vnsel vm0, $0x0, v22  }
0x43e: {  	v23 =	vmov v17;
	v18 =	vmov v20  }
.LBB2_169:
0x43f: {  	_ =	sdelay $0x3  }
0x440: {  	v16 =	vld.idx.msk [tilespmem:v16+s18+$0x0], $0xffff  }
0x441: {  	v17 =	vsub.f32 @p0 v21, v15;
	_ =	sdelay $0x1  }
0x442: {  	v19 =	vadd.f32 @p1 v22, v19;
	vm0 =	vlt.s32 @p0 v23, v14;
	v17 =	vmax.f32 @p0 v17, $0.0e+00  }
0x443: {  	v17 =	vnsel @p0 vm0, $0x0, v17  }
0x444: {  	v19 =	vpsel p1, v19, v10;
	v17 =	vpsel p0, v17, v0;
	v15 =	vsub.f32 v16, v15  }
0x445: {  	v16 =	vadd.f32 @p0 v17, v19  }
0x446: {  	vm15 =	vlt.s32 v18, v14;
	v14 =	vmax.f32 v15, $0.0e+00  }
0x447: {  	v10 =	vpsel p0, v16, v10;
	v14 =	vnsel vm15, $0x0, v14  }
0x448: {  	v10 =	vadd.f32 v14, v10  }
.LBB2_170:
0x449: {  	(v2sf) =	vpush v12, $0xF  }
0x44a: {  	(v2sf) =	vpush v13, $0xF;
	_ =	sdelay $0xd  }
0x44b: {  	s24 =	spop (v2sf)  }
0x44c: {  	s25 =	spop (v2sf)  }
0x44d: {  	s24 =	scvt.f32.s32 s24;
	s26 =	scvt.f32.s32 s25  }
0x44e: {  	_ = 	snop  }
0x44f: {  	s25 =	ssub.s32 s26, s24  }
0x450: {  	s25 =	sadd.s32 $0xF, s25  }
0x451: {  	s25 =	sshra.s32 s25, $0x4  }
0x452: {  	p0 =	slt.s32 s25, $0x1  }
.Ltmp89:
0x453: {  	_ = 	snop;
	(pc) =	sbr.rel @p0 .LBB2_180-.Ltmp89, $1  }
0x454: {  	_ =	sdelay $0x3  }
0x455: {  	p2 =	sne.s32 s25, $0x1  }
.Ltmp90:
0x456: {  	_ = 	snop;
	(pc) =	sbr.rel @!p2 .LBB2_172-.Ltmp90, $4  }
0x457: {  	v15 =	vadd.s32 s24, v1  }
0x458: {  	vm0 =	vgt.s32 v15, $0x0  }
0x459: {  	s25 =	sadd.s32 $0xFFFFFFFF, s25;
	v13 =	vnsel vm0, $0x0, v15  }
0x45a: {  	v12 =	vmov s26;
	v11 =	vbroadcast v11, $0xF;
	s26 =	sadd.s32 $0x10, s24;
	p0 =	por $0x0, $0x0;
	p1 =	por $0x0, $0x0;
	v13 =	vmin.u32 v13, $0x1FFF  }
0x45b: {  	p2 =	sne.s32 s25, $0x1  }
.Ltmp91:
0x45c: {  	_ = 	snop;
	(pc) =	sbr.rel @!p2 .LBB2_174-.Ltmp91, $4  }
0x45d: {  	v14 =	vadd.s32 s26, v1  }
0x45e: {  	vm0 =	vgt.s32 v14, $0x0  }
0x45f: {  	v16 =	vnsel vm0, $0x0, v14  }
0x460: {  	v18 =	vld.idx.msk [tilespmem:v13+s18+$0x0], $0xffff;
	s24 =	sadd.s32 $0xFFFFFFFF, s25;
	s25 =	sadd.s32 $0x10, s26;
	p0 =	por $0x1, $0x1;
	v13 =	vmin.u32 v16, $0x1FFF  }
0x461: {  	_ =	sdelay $0x2  }
0x462: {  	v17 =	vadd.s32 s25, v1;
	p2 =	sne.s32 s24, $0x1  }
.Ltmp92:
0x463: {  	vm0 =	vgt.s32 v17, $0x0;
	v16 =	vsub.f32 v18, v11;
	(pc) =	sbr.rel @!p2 .LBB2_176-.Ltmp92, $4  }
0x464: {  	v19 =	vnsel vm0, $0x0, v17  }
0x465: {  	v18 =	vld.idx.msk [tilespmem:v13+s18+$0x0], $0xffff;
	v13 =	vmin.u32 v19, $0x1FFF  }
0x466: {  	vm15 =	vlt.s32 v15, v12;
	v15 =	vmax.f32 v16, $0.0e+00  }
0x467: {  	s24 =	sadd.s32 $0xFFFFFFFF, s24;
	s25 =	sadd.s32 $0x10, s25;
	p1 =	por $0x1, $0x1;
	v19 =	vnsel vm15, $0x0, v15;
	v16 =	vmov v10  }
.LBB2_177:
0x468: {  	v15 =	vadd.s32 s25, v1;
	p2 =	sne.s32 s24, $0x1;
	s24 =	sadd.s32 $0xFFFFFFFF, s24;
	v16 =	vadd.f32 v19, v16  }
.Ltmp93:
0x469: {  	vm0 =	vgt.s32 v15, $0x0;
	(pc) =	sbr.rel @p2 .LBB2_177-.Ltmp93, $4  }
0x46a: {  	v20 =	vsub.f32 v18, v11;
	v19 =	vnsel vm0, $0x0, v15;
	v18 =	vld.idx.msk [tilespmem:v13+s18+$0x0], $0xffff  }
0x46b: {  	v13 =	vmin.u32 v19, $0x1FFF  }
0x46c: {  	vm0 =	vlt.s32 v14, v12;
	v14 =	vmovc v17;
	v17 =	vmov v15;
	v19 =	vmax.f32 v20, $0.0e+00  }
0x46d: {  	s25 =	sadd.s32 $0x10, s25;
	v19 =	vnsel vm0, $0x0, v19  }
.Ltmp94:
0x46e: {  	(pc) =	sbr.rel .LBB2_179-.Ltmp94, $2  }
0x46f: {  	_ =	sdelay $0x2  }
0x470: {  	v20 =	vmov v14;
	v15 =	vmov v17  }
.LBB2_22:
.Ltmp95:
0x471: {  	(pc) =	sbr.rel .LBB2_29-.Ltmp95, $2  }
0x472: {  	_ =	sdelay $0x2  }
0x473: {  	v19 =	vmov v10  }
.LBB2_32:
.Ltmp96:
0x474: {  	(pc) =	sbr.rel .LBB2_39-.Ltmp96, $2  }
0x475: {  	_ =	sdelay $0x2  }
0x476: {  	v19 =	vmov v10  }
.LBB2_42:
.Ltmp97:
0x477: {  	(pc) =	sbr.rel .LBB2_49-.Ltmp97, $2  }
0x478: {  	_ =	sdelay $0x2  }
0x479: {  	v19 =	vmov v10  }
.LBB2_52:
.Ltmp98:
0x47a: {  	(pc) =	sbr.rel .LBB2_59-.Ltmp98, $2  }
0x47b: {  	_ =	sdelay $0x2  }
0x47c: {  	v19 =	vmov v10  }
.LBB2_62:
.Ltmp99:
0x47d: {  	(pc) =	sbr.rel .LBB2_69-.Ltmp99, $2  }
0x47e: {  	_ =	sdelay $0x2  }
0x47f: {  	v19 =	vmov v10  }
.LBB2_72:
.Ltmp100:
0x480: {  	(pc) =	sbr.rel .LBB2_79-.Ltmp100, $2  }
0x481: {  	_ =	sdelay $0x2  }
0x482: {  	v19 =	vmov v10  }
.LBB2_82:
.Ltmp101:
0x483: {  	(pc) =	sbr.rel .LBB2_89-.Ltmp101, $2  }
0x484: {  	_ =	sdelay $0x2  }
0x485: {  	v19 =	vmov v10  }
.LBB2_92:
.Ltmp102:
0x486: {  	(pc) =	sbr.rel .LBB2_99-.Ltmp102, $2  }
0x487: {  	_ =	sdelay $0x2  }
0x488: {  	v19 =	vmov v10  }
.LBB2_102:
.Ltmp103:
0x489: {  	(pc) =	sbr.rel .LBB2_109-.Ltmp103, $2  }
0x48a: {  	_ =	sdelay $0x2  }
0x48b: {  	v19 =	vmov v10  }
.LBB2_112:
.Ltmp104:
0x48c: {  	(pc) =	sbr.rel .LBB2_119-.Ltmp104, $2  }
0x48d: {  	_ =	sdelay $0x2  }
0x48e: {  	v19 =	vmov v10  }
.LBB2_122:
.Ltmp105:
0x48f: {  	(pc) =	sbr.rel .LBB2_129-.Ltmp105, $2  }
0x490: {  	_ =	sdelay $0x2  }
0x491: {  	v19 =	vmov v10  }
.LBB2_132:
.Ltmp106:
0x492: {  	(pc) =	sbr.rel .LBB2_139-.Ltmp106, $2  }
0x493: {  	_ =	sdelay $0x2  }
0x494: {  	v19 =	vmov v10  }
.LBB2_142:
.Ltmp107:
0x495: {  	(pc) =	sbr.rel .LBB2_149-.Ltmp107, $2  }
0x496: {  	_ =	sdelay $0x2  }
0x497: {  	v19 =	vmov v10  }
.LBB2_152:
.Ltmp108:
0x498: {  	(pc) =	sbr.rel .LBB2_159-.Ltmp108, $2  }
0x499: {  	_ =	sdelay $0x2  }
0x49a: {  	v19 =	vmov v10  }
.LBB2_162:
.Ltmp109:
0x49b: {  	(pc) =	sbr.rel .LBB2_169-.Ltmp109, $2  }
0x49c: {  	_ =	sdelay $0x2  }
0x49d: {  	v19 =	vmov v10  }
.LBB2_24:
.Ltmp110:
0x49e: {  	(pc) =	sbr.rel .LBB2_29-.Ltmp110, $2  }
0x49f: {  	_ =	sdelay $0x2  }
0x4a0: {  	v23 =	vmov v18;
	v19 =	vmov v10;
	v18 =	vmov v17  }
.LBB2_34:
.Ltmp111:
0x4a1: {  	(pc) =	sbr.rel .LBB2_39-.Ltmp111, $2  }
0x4a2: {  	_ =	sdelay $0x2  }
0x4a3: {  	v23 =	vmov v18;
	v19 =	vmov v10;
	v18 =	vmov v17  }
.LBB2_44:
.Ltmp112:
0x4a4: {  	(pc) =	sbr.rel .LBB2_49-.Ltmp112, $2  }
0x4a5: {  	_ =	sdelay $0x2  }
0x4a6: {  	v23 =	vmov v18;
	v19 =	vmov v10;
	v18 =	vmov v17  }
.LBB2_54:
.Ltmp113:
0x4a7: {  	(pc) =	sbr.rel .LBB2_59-.Ltmp113, $2  }
0x4a8: {  	_ =	sdelay $0x2  }
0x4a9: {  	v23 =	vmov v18;
	v19 =	vmov v10;
	v18 =	vmov v17  }
.LBB2_64:
.Ltmp114:
0x4aa: {  	(pc) =	sbr.rel .LBB2_69-.Ltmp114, $2  }
0x4ab: {  	_ =	sdelay $0x2  }
0x4ac: {  	v23 =	vmov v18;
	v19 =	vmov v10;
	v18 =	vmov v17  }
.LBB2_74:
.Ltmp115:
0x4ad: {  	(pc) =	sbr.rel .LBB2_79-.Ltmp115, $2  }
0x4ae: {  	_ =	sdelay $0x2  }
0x4af: {  	v23 =	vmov v18;
	v19 =	vmov v10;
	v18 =	vmov v17  }
.LBB2_84:
.Ltmp116:
0x4b0: {  	(pc) =	sbr.rel .LBB2_89-.Ltmp116, $2  }
0x4b1: {  	_ =	sdelay $0x2  }
0x4b2: {  	v23 =	vmov v18;
	v19 =	vmov v10;
	v18 =	vmov v17  }
.LBB2_94:
.Ltmp117:
0x4b3: {  	(pc) =	sbr.rel .LBB2_99-.Ltmp117, $2  }
0x4b4: {  	_ =	sdelay $0x2  }
0x4b5: {  	v23 =	vmov v18;
	v19 =	vmov v10;
	v18 =	vmov v17  }
.LBB2_104:
.Ltmp118:
0x4b6: {  	(pc) =	sbr.rel .LBB2_109-.Ltmp118, $2  }
0x4b7: {  	_ =	sdelay $0x2  }
0x4b8: {  	v23 =	vmov v18;
	v19 =	vmov v10;
	v18 =	vmov v17  }
.LBB2_114:
.Ltmp119:
0x4b9: {  	(pc) =	sbr.rel .LBB2_119-.Ltmp119, $2  }
0x4ba: {  	_ =	sdelay $0x2  }
0x4bb: {  	v23 =	vmov v18;
	v19 =	vmov v10;
	v18 =	vmov v17  }
.LBB2_124:
.Ltmp120:
0x4bc: {  	(pc) =	sbr.rel .LBB2_129-.Ltmp120, $2  }
0x4bd: {  	_ =	sdelay $0x2  }
0x4be: {  	v23 =	vmov v18;
	v19 =	vmov v10;
	v18 =	vmov v17  }
.LBB2_134:
.Ltmp121:
0x4bf: {  	(pc) =	sbr.rel .LBB2_139-.Ltmp121, $2  }
0x4c0: {  	_ =	sdelay $0x2  }
0x4c1: {  	v23 =	vmov v18;
	v19 =	vmov v10;
	v18 =	vmov v17  }
.LBB2_144:
.Ltmp122:
0x4c2: {  	(pc) =	sbr.rel .LBB2_149-.Ltmp122, $2  }
0x4c3: {  	_ =	sdelay $0x2  }
0x4c4: {  	v23 =	vmov v18;
	v19 =	vmov v10;
	v18 =	vmov v17  }
.LBB2_154:
.Ltmp123:
0x4c5: {  	(pc) =	sbr.rel .LBB2_159-.Ltmp123, $2  }
0x4c6: {  	_ =	sdelay $0x2  }
0x4c7: {  	v23 =	vmov v18;
	v19 =	vmov v10;
	v18 =	vmov v17  }
.LBB2_164:
.Ltmp124:
0x4c8: {  	(pc) =	sbr.rel .LBB2_169-.Ltmp124, $2  }
0x4c9: {  	_ =	sdelay $0x2  }
0x4ca: {  	v23 =	vmov v18;
	v19 =	vmov v10;
	v18 =	vmov v17  }
.LBB2_174:
.Ltmp125:
0x4cb: {  	(pc) =	sbr.rel .LBB2_179-.Ltmp125, $2  }
0x4cc: {  	_ =	sdelay $0x2  }
0x4cd: {  	v20 =	vmov v15;
	v16 =	vmov v10;
	v15 =	vmov v14  }
.LBB2_26:
.Ltmp126:
0x4ce: {  	(pc) =	sbr.rel .LBB2_29-.Ltmp126, $2  }
0x4cf: {  	_ =	sdelay $0x2  }
0x4d0: {  	v19 =	vmov v10;
	v23 =	vmov v17;
	v18 =	vmov v20  }
.LBB2_36:
.Ltmp127:
0x4d1: {  	(pc) =	sbr.rel .LBB2_39-.Ltmp127, $2  }
0x4d2: {  	_ =	sdelay $0x2  }
0x4d3: {  	v19 =	vmov v10;
	v23 =	vmov v17;
	v18 =	vmov v20  }
.LBB2_46:
.Ltmp128:
0x4d4: {  	(pc) =	sbr.rel .LBB2_49-.Ltmp128, $2  }
0x4d5: {  	_ =	sdelay $0x2  }
0x4d6: {  	v19 =	vmov v10;
	v23 =	vmov v17;
	v18 =	vmov v20  }
.LBB2_56:
.Ltmp129:
0x4d7: {  	(pc) =	sbr.rel .LBB2_59-.Ltmp129, $2  }
0x4d8: {  	_ =	sdelay $0x2  }
0x4d9: {  	v19 =	vmov v10;
	v23 =	vmov v17;
	v18 =	vmov v20  }
.LBB2_66:
.Ltmp130:
0x4da: {  	(pc) =	sbr.rel .LBB2_69-.Ltmp130, $2  }
0x4db: {  	_ =	sdelay $0x2  }
0x4dc: {  	v19 =	vmov v10;
	v23 =	vmov v17;
	v18 =	vmov v20  }
.LBB2_76:
.Ltmp131:
0x4dd: {  	(pc) =	sbr.rel .LBB2_79-.Ltmp131, $2  }
0x4de: {  	_ =	sdelay $0x2  }
0x4df: {  	v19 =	vmov v10;
	v23 =	vmov v17;
	v18 =	vmov v20  }
.LBB2_86:
.Ltmp132:
0x4e0: {  	(pc) =	sbr.rel .LBB2_89-.Ltmp132, $2  }
0x4e1: {  	_ =	sdelay $0x2  }
0x4e2: {  	v19 =	vmov v10;
	v23 =	vmov v17;
	v18 =	vmov v20  }
.LBB2_96:
.Ltmp133:
0x4e3: {  	(pc) =	sbr.rel .LBB2_99-.Ltmp133, $2  }
0x4e4: {  	_ =	sdelay $0x2  }
0x4e5: {  	v19 =	vmov v10;
	v23 =	vmov v17;
	v18 =	vmov v20  }
.LBB2_106:
.Ltmp134:
0x4e6: {  	(pc) =	sbr.rel .LBB2_109-.Ltmp134, $2  }
0x4e7: {  	_ =	sdelay $0x2  }
0x4e8: {  	v19 =	vmov v10;
	v23 =	vmov v17;
	v18 =	vmov v20  }
.LBB2_116:
.Ltmp135:
0x4e9: {  	(pc) =	sbr.rel .LBB2_119-.Ltmp135, $2  }
0x4ea: {  	_ =	sdelay $0x2  }
0x4eb: {  	v19 =	vmov v10;
	v23 =	vmov v17;
	v18 =	vmov v20  }
.LBB2_126:
.Ltmp136:
0x4ec: {  	(pc) =	sbr.rel .LBB2_129-.Ltmp136, $2  }
0x4ed: {  	_ =	sdelay $0x2  }
0x4ee: {  	v19 =	vmov v10;
	v23 =	vmov v17;
	v18 =	vmov v20  }
.LBB2_136:
.Ltmp137:
0x4ef: {  	(pc) =	sbr.rel .LBB2_139-.Ltmp137, $2  }
0x4f0: {  	_ =	sdelay $0x2  }
0x4f1: {  	v19 =	vmov v10;
	v23 =	vmov v17;
	v18 =	vmov v20  }
.LBB2_146:
.Ltmp138:
0x4f2: {  	(pc) =	sbr.rel .LBB2_149-.Ltmp138, $2  }
0x4f3: {  	_ =	sdelay $0x2  }
0x4f4: {  	v19 =	vmov v10;
	v23 =	vmov v17;
	v18 =	vmov v20  }
.LBB2_156:
.Ltmp139:
0x4f5: {  	(pc) =	sbr.rel .LBB2_159-.Ltmp139, $2  }
0x4f6: {  	_ =	sdelay $0x2  }
0x4f7: {  	v19 =	vmov v10;
	v23 =	vmov v17;
	v18 =	vmov v20  }
.LBB2_166:
.Ltmp140:
0x4f8: {  	(pc) =	sbr.rel .LBB2_169-.Ltmp140, $2  }
0x4f9: {  	_ =	sdelay $0x2  }
0x4fa: {  	v19 =	vmov v10;
	v23 =	vmov v17;
	v18 =	vmov v20  }
.LBB2_176:
.Ltmp141:
0x4fb: {  	(pc) =	sbr.rel .LBB2_179-.Ltmp141, $2  }
0x4fc: {  	_ =	sdelay $0x2  }
0x4fd: {  	v16 =	vmov v10;
	v20 =	vmov v14;
	v15 =	vmov v17  }
.LBB2_7:
.Ltmp142:
0x4fe: {  	(pc) =	sbr.rel .LBB2_11-.Ltmp142, $2  }
0x4ff: {  	_ =	sdelay $0x2  }
0x500: {  	s24 =	simm.s32 $0x0  }
.LBB2_9:
.Ltmp143:
0x501: {  	(pc) =	sbr.rel .LBB2_11-.Ltmp143, $2  }
0x502: {  	_ =	sdelay $0x2  }
0x503: {  	s24 =	simm.s32 $0x0  }
.LBB2_182:
0x504: {  	_ =	sfence.sel $0x180000  }
0x505: {  	[bflag:$0x0] =	sbarrier.arrive $0xFFFF  }
0x506: {  	p0 =	sne.s32 s1, $0x0;
	_ =	strace $0x90000047  }
0x507: {  	s0 =	sadd.s32 @!p0 $0x100000, s0;
	[bflag:$0x2] =	sbarrier.arrive $0xFFFF  }
0x508: {  	[sflag:s0] =	ssyncadd.tile.s32 @!p0 $0x1;
	_ =	shalt  }
.Lfunc_end2:
_tile_overlayer_lowered:
.L_overlay_start_2:
0x509: {  	(tag) =	ssettag $0x2  }
0x50a: {  	s0 =	rddreg [dreg:$0x0];
	s2 =	stileid.u32  }
0x50b: {  	s1 =	rddreg [dreg:$0x1];
	p0 =	sne.s32 s2, $0x0  }
0x50c: {  	s3 =	rddreg [dreg:$0x2];
	[bflag:$0x3] =	sbarrier.arrive $0xFFFF;
	s2 =	simm.s32 @!p0 $0x1C01  }
0x50d: {  	[timem:s3], [sflag:s2] =	dma.local @!p0 [hbm:s0], s1  }
0x50e: {  	s0 =	simm.s32 @!p0 $0x1  }
0x50f: {  	_ =	swait.ge @!p0 [sflag:s0], s1  }
0x510: {  	s1 =	ssub.s32 @!p0 $0x0, s1;
	[sflag:s0] =	ssyncset.done @!p0 $0x0  }
0x511: {  	[sflag:s0] =	ssyncadd.s32 @!p0 s1  }
0x512: {  	[bflag:$0x3] =	sbarrier.arrive $0xFFFF  }
0x513: {  	_ =	shalt  }

</sc_bundles>
